<compile_context>
chip_gen: v7x
topology: tpu7x:2x2x1
jax: 0.10.2.dev20260603
libtpu: 0.0.44.dev20260713+nightly
codegen_flags: <defaults>
</compile_context>

<pallas_src>
import jax
import jax.numpy as jnp
from jax import lax
from jax.experimental import pallas as pl
from jax.experimental.pallas import tpu as pltpu
from jax.experimental.pallas import tpu_sc as plsc

EMB = 64
NUM = 1024
BN = 8192

_NC = 2
_NS = 16
_NW = _NC * _NS
_B = 16384
_BPW = _B // _NW
_L = 16


def _dist_argmin_body(w_ref, x_ref, idx_ref):
    w = w_ref[...]
    xb = x_ref[...]
    crossN = lax.dot_general(
        -2.0 * w, xb, (((0,), (1,)), ((), ())),
        preferred_element_type=jnp.float32)
    xt = xb.T
    xsq = jnp.sum(xt * xt, axis=0, keepdims=True)
    wsqT = jnp.sum(w * w, axis=0, keepdims=True).T
    dist = (xsq + crossN) + wsqT
    m = jnp.min(dist, axis=0, keepdims=True)
    ids = lax.broadcasted_iota(jnp.int32, dist.shape, 0)
    idx_ref[0, 0, :] = jnp.min(jnp.where(dist == m, ids, NUM), axis=0)


def _gather_body(wt_hbm, idx_hbm, out_hbm, table_v, idx_v, rows_v, sem, wsem):
    wid = lax.axis_index("s") * _NC + lax.axis_index("c")
    base = wid * _BPW
    cp_table = pltpu.async_copy(wt_hbm, table_v, sem)
    pltpu.sync_copy(idx_hbm.at[pl.ds(base, _BPW)], idx_v)
    cp_table.wait()

    half = (_BPW // _L) // 2

    def group(g):
        r0 = g * _L
        c = idx_v[pl.ds(r0, _L)] * EMB
        for j in range(_L):
            src = c[j]
            dst = (r0 + j) * EMB
            for d0 in range(0, EMB, _L):
                rows_v[pl.ds(dst + d0, _L)] = table_v[pl.ds(src + d0, _L)]

    plsc.parallel_loop(0, half, unroll=2)(group)
    nh = half * _L * EMB
    cp1 = pltpu.async_copy(
        rows_v.at[pl.ds(0, nh)], out_hbm.at[pl.ds(base * EMB, nh)], wsem)
    plsc.parallel_loop(half, 2 * half, unroll=2)(group)
    pltpu.sync_copy(
        rows_v.at[pl.ds(nh, nh)], out_hbm.at[pl.ds(base * EMB + nh, nh)])
    cp1.wait()


def _sc_gather(wt, idx):
    mesh = plsc.VectorSubcoreMesh(core_axis_name="c", subcore_axis_name="s")
    return pl.kernel(
        _gather_body,
        mesh=mesh,
        compiler_params=pltpu.CompilerParams(needs_layout_passes=False),
        out_type=jax.ShapeDtypeStruct((_B * EMB,), jnp.float32),
        scratch_types=[
            pltpu.VMEM((EMB * NUM,), jnp.float32),
            pltpu.VMEM((_BPW,), jnp.int32),
            pltpu.VMEM((_BPW * EMB,), jnp.float32),
            pltpu.SemaphoreType.DMA,
            pltpu.SemaphoreType.DMA,
        ],
    )(wt.reshape(EMB * NUM), idx)


def kernel(x, w):
    xf = x.reshape(-1, EMB)
    m = xf.shape[0]
    grid = m // BN
    idx3 = pl.pallas_call(
        _dist_argmin_body,
        grid=(grid,),
        in_specs=[
            pl.BlockSpec((EMB, NUM), lambda i: (0, 0)),
            pl.BlockSpec((BN, EMB), lambda i: (i, 0)),
        ],
        out_specs=pl.BlockSpec((1, 1, BN), lambda i: (i, 0, 0)),
        out_shape=jax.ShapeDtypeStruct((grid, 1, BN), jnp.int32),
    )(w, xf)
    idx = idx3.reshape(m)
    quantized = _sc_gather(w.T, idx)
    return quantized.reshape(x.shape)

# --- scband reference (transcript-rebuilt; emitter-appended) ---
"""Pipeline reference for scband-vqvaelayer-17214228922948 (READ-ONLY COPY).

The authoritative reference and input builder live on the scoring server;
editing this copy changes nothing except your own understanding.
"""

import jax, jax.numpy as jnp
import numpy as np

EMBEDDING_DIM = 64
NUM_EMBEDDINGS = 1024


def setup_inputs(seed: int = 0) -> dict:
    key = jax.random.key(seed)
    kx, kw = jax.random.split(key)
    x = jax.random.normal(kx, (16, 32, 32, EMBEDDING_DIM), dtype=jnp.float32)
    # embedding table, shape (embedding_dim, num_embeddings) as in the keras layer
    w = jax.random.normal(kw, (EMBEDDING_DIM, NUM_EMBEDDINGS), dtype=jnp.float32)
    return {"x": x, "w": w}


def reference(x, w):
    flat_inputs = x.reshape(-1, EMBEDDING_DIM)
    distances = (
        jnp.sum(flat_inputs ** 2, axis=1, keepdims=True)
        - 2.0 * jnp.dot(flat_inputs, w)
        + jnp.sum(w ** 2, axis=0, keepdims=True)
    )
    encoding_indices = jnp.argmax(-distances, axis=1)
    encoding_indices = encoding_indices.reshape(x.shape[:-1])
    # quantize: embedding lookup from transposed table (num_embeddings, embedding_dim)
    quantized = jnp.take(w.T, encoding_indices, axis=0)
    return quantized

if __name__ == "__main__":
    import jax
    _d = setup_inputs()
    print(jax.jit(kernel)(*tuple(_d.values())))

</pallas_src>

<mosaic_0001>
#map = affine_map<(d0, d1) -> (0)>
module attributes {stable_mosaic.version = 14 : i64} {
  func.func @_gather_body(%arg0: i32, %arg1: i32, %arg2: memref<65536xf32, #tpu.memory_space<hbm>>, %arg3: memref<16384xi32, #tpu.memory_space<hbm>>, %arg4: memref<1048576xf32, #tpu.memory_space<hbm>>, %arg5: memref<65536xf32, #tpu.memory_space<vmem>>, %arg6: memref<512xi32, #tpu.memory_space<vmem>>, %arg7: memref<32768xf32, #tpu.memory_space<vmem>>, %arg8: memref<!tpu.dma_semaphore, #tpu.memory_space<semaphore_mem>>, %arg9: memref<!tpu.dma_semaphore, #tpu.memory_space<semaphore_mem>>) attributes {dimension_semantics = [#tpu.dimension_semantics<core_parallel>, #tpu.dimension_semantics<subcore_parallel>], iteration_bounds = array<i64: 2, 16>, scalar_prefetch = 0 : i64, scratch_operands = 5 : i64, tpu.core_type = #tpu.core_type<sc_vector_subcore>, window_params = [{transform_indices = #map}, {transform_indices = #map}, {transform_indices = #map}]} {
    %mul3A = arith.constant 2 : i32
    %mul3A_0 = arith.muli %arg1, %mul3A : i32
    %add3A = arith.addi %mul3A_0, %arg0 : i32
    %mul3A_1 = arith.constant 512 : i32
    %mul3A_2 = arith.muli %add3A, %mul3A_1 : i32
    tpu.enqueue_dma source(%arg2 : memref<65536xf32, #tpu.memory_space<hbm>>) target(%arg5 : memref<65536xf32, #tpu.memory_space<vmem>>) target_semaphore(%arg8 : memref<!tpu.dma_semaphore, #tpu.memory_space<semaphore_mem>>)
    "tpu.region"() ({
      %run_scoped3A = tpu.sem_alloc : memref<!tpu.dma_semaphore, #tpu.memory_space<semaphore_mem>>
      %dma_start3A_24 = tpu.memref_slice %arg3[%mul3A_2] : memref<16384xi32, #tpu.memory_space<hbm>> -> memref<512xi32, #tpu.memory_space<hbm>>
      %dma_start3A_25 = tpu.memref_slice %arg3[%mul3A_2] : memref<16384xi32, #tpu.memory_space<hbm>> -> memref<512xi32, #tpu.memory_space<hbm>>
      tpu.enqueue_dma source(%dma_start3A_25 : memref<512xi32, #tpu.memory_space<hbm>>) target(%arg6 : memref<512xi32, #tpu.memory_space<vmem>>) target_semaphore(%run_scoped3A : memref<!tpu.dma_semaphore, #tpu.memory_space<semaphore_mem>>)
      %dma_wait3A_26 = tpu.memref_slice %arg3[%mul3A_2] : memref<16384xi32, #tpu.memory_space<hbm>> -> memref<512xi32, #tpu.memory_space<hbm>>
      %dma_wait3A_27 = tpu.memref_slice %arg3[%mul3A_2] : memref<16384xi32, #tpu.memory_space<hbm>> -> memref<512xi32, #tpu.memory_space<hbm>>
      tpu.wait_dma2 semaphore(%run_scoped3A : memref<!tpu.dma_semaphore, #tpu.memory_space<semaphore_mem>>) src(%dma_wait3A_27 : memref<512xi32, #tpu.memory_space<hbm>>) dst(%arg6 : memref<512xi32, #tpu.memory_space<vmem>>)
      tpu.yield
    }) : () -> ()
    tpu.wait_dma2 semaphore(%arg8 : memref<!tpu.dma_semaphore, #tpu.memory_space<semaphore_mem>>) src(%arg2 : memref<65536xf32, #tpu.memory_space<hbm>>) dst(%arg5 : memref<65536xf32, #tpu.memory_space<vmem>>)
    %parallel_loop3A = arith.constant 0 : i32
    %parallel_loop3A_3 = arith.constant 16 : i32
    %parallel_loop3A_4 = arith.constant 1 : i32
    scf.for %parallel_loop3A_24 = %parallel_loop3A to %parallel_loop3A_3 step %parallel_loop3A_4  : i32 {
      %parallel_loop3A_25 = arith.constant 16 : i32
      %parallel_loop3A_26 = arith.muli %parallel_loop3A_24, %parallel_loop3A_25 : i32
      %parallel_loop3A_27 = arith.index_cast %parallel_loop3A_26 : i32 to index
      %parallel_loop3A_28 = tpu.vector_load %arg6[%parallel_loop3A_27] {strides = array<i32>} : memref<512xi32, #tpu.memory_space<vmem>>, vector<16xi32>,
      %parallel_loop3A_29 = arith.constant 64 : i32
      %parallel_loop3A_30 = vector.broadcast %parallel_loop3A_29 : i32 to vector<16xi32>
      %parallel_loop3A_31 = arith.muli %parallel_loop3A_28, %parallel_loop3A_30 : vector<16xi32>
      %parallel_loop3A_32 = vector.extract_strided_slice %parallel_loop3A_31 {offsets = [0], sizes = [1], strides = [1]} : vector<16xi32> to vector<1xi32>
      %parallel_loop3A_33 = vector.extract %parallel_loop3A_32[0] : i32 from vector<1xi32>
      %parallel_loop3A_34 = arith.constant 0 : i32
      %parallel_loop3A_35 = arith.addi %parallel_loop3A_26, %parallel_loop3A_34 : i32
      %parallel_loop3A_36 = arith.constant 64 : i32
      %parallel_loop3A_37 = arith.muli %parallel_loop3A_35, %parallel_loop3A_36 : i32
      %parallel_loop3A_38 = arith.constant 0 : i32
      %parallel_loop3A_39 = arith.addi %parallel_loop3A_33, %parallel_loop3A_38 : i32
      %parallel_loop3A_40 = arith.index_cast %parallel_loop3A_39 : i32 to index
      %parallel_loop3A_41 = tpu.vector_load %arg5[%parallel_loop3A_40] {strides = array<i32>} : memref<65536xf32, #tpu.memory_space<vmem>>, vector<16xf32>,
      %parallel_loop3A_42 = arith.constant 0 : i32
      %parallel_loop3A_43 = arith.addi %parallel_loop3A_37, %parallel_loop3A_42 : i32
      %parallel_loop3A_44 = arith.index_cast %parallel_loop3A_43 : i32 to index
      %parallel_loop3A_45 = tpu.vector_load %arg7[%parallel_loop3A_44] {strides = array<i32>} : memref<32768xf32, #tpu.memory_space<vmem>>, vector<16xf32>,
      tpu.vector_store %arg7[%parallel_loop3A_44], %parallel_loop3A_41 {strides = array<i32>} : memref<32768xf32, #tpu.memory_space<vmem>>, vector<16xf32>,
      %parallel_loop3A_46 = arith.constant 16 : i32
      %parallel_loop3A_47 = arith.addi %parallel_loop3A_33, %parallel_loop3A_46 : i32
      %parallel_loop3A_48 = arith.index_cast %parallel_loop3A_47 : i32 to index
      %parallel_loop3A_49 = tpu.vector_load %arg5[%parallel_loop3A_48] {strides = array<i32>} : memref<65536xf32, #tpu.memory_space<vmem>>, vector<16xf32>,
      %parallel_loop3A_50 = arith.constant 16 : i32
      %parallel_loop3A_51 = arith.addi %parallel_loop3A_37, %parallel_loop3A_50 : i32
      %parallel_loop3A_52 = arith.index_cast %parallel_loop3A_51 : i32 to index
      %parallel_loop3A_53 = tpu.vector_load %arg7[%parallel_loop3A_52] {strides = array<i32>} : memref<32768xf32, #tpu.memory_space<vmem>>, vector<16xf32>,
      tpu.vector_store %arg7[%parallel_loop3A_52], %parallel_loop3A_49 {strides = array<i32>} : memref<32768xf32, #tpu.memory_space<vmem>>, vector<16xf32>,
      %parallel_loop3A_54 = arith.constant 32 : i32
      %parallel_loop3A_55 = arith.addi %parallel_loop3A_33, %parallel_loop3A_54 : i32
      %parallel_loop3A_56 = arith.index_cast %parallel_loop3A_55 : i32 to index
      %parallel_loop3A_57 = tpu.vector_load %arg5[%parallel_loop3A_56] {strides = array<i32>} : memref<65536xf32, #tpu.memory_space<vmem>>, vector<16xf32>,
      %parallel_loop3A_58 = arith.constant 32 : i32
      %parallel_loop3A_59 = arith.addi %parallel_loop3A_37, %parallel_loop3A_58 : i32
      %parallel_loop3A_60 = arith.index_cast %parallel_loop3A_59 : i32 to index
      %parallel_loop3A_61 = tpu.vector_load %arg7[%parallel_loop3A_60] {strides = array<i32>} : memref<32768xf32, #tpu.memory_space<vmem>>, vector<16xf32>,
      tpu.vector_store %arg7[%parallel_loop3A_60], %parallel_loop3A_57 {strides = array<i32>} : memref<32768xf32, #tpu.memory_space<vmem>>, vector<16xf32>,
      %parallel_loop3A_62 = arith.constant 48 : i32
      %parallel_loop3A_63 = arith.addi %parallel_loop3A_33, %parallel_loop3A_62 : i32
      %parallel_loop3A_64 = arith.index_cast %parallel_loop3A_63 : i32 to index
      %parallel_loop3A_65 = tpu.vector_load %arg5[%parallel_loop3A_64] {strides = array<i32>} : memref<65536xf32, #tpu.memory_space<vmem>>, vector<16xf32>,
      %parallel_loop3A_66 = arith.constant 48 : i32
      %parallel_loop3A_67 = arith.addi %parallel_loop3A_37, %parallel_loop3A_66 : i32
      %parallel_loop3A_68 = arith.index_cast %parallel_loop3A_67 : i32 to index
      %parallel_loop3A_69 = tpu.vector_load %arg7[%parallel_loop3A_68] {strides = array<i32>} : memref<32768xf32, #tpu.memory_space<vmem>>, vector<16xf32>,
      tpu.vector_store %arg7[%parallel_loop3A_68], %parallel_loop3A_65 {strides = array<i32>} : memref<32768xf32, #tpu.memory_space<vmem>>, vector<16xf32>,
      %parallel_loop3A_70 = vector.extract_strided_slice %parallel_loop3A_31 {offsets = [1], sizes = [1], strides = [1]} : vector<16xi32> to vector<1xi32>
      %parallel_loop3A_71 = vector.extract %parallel_loop3A_70[0] : i32 from vector<1xi32>
      %parallel_loop3A_72 = arith.constant 1 : i32
      %parallel_loop3A_73 = arith.addi %parallel_loop3A_26, %parallel_loop3A_72 : i32
      %parallel_loop3A_74 = arith.constant 64 : i32
      %parallel_loop3A_75 = arith.muli %parallel_loop3A_73, %parallel_loop3A_74 : i32
      %parallel_loop3A_76 = arith.constant 0 : i32
      %parallel_loop3A_77 = arith.addi %parallel_loop3A_71, %parallel_loop3A_76 : i32
      %parallel_loop3A_78 = arith.index_cast %parallel_loop3A_77 : i32 to index
      %parallel_loop3A_79 = tpu.vector_load %arg5[%parallel_loop3A_78] {strides = array<i32>} : memref<65536xf32, #tpu.memory_space<vmem>>, vector<16xf32>,
      %parallel_loop3A_80 = arith.constant 0 : i32
      %parallel_loop3A_81 = arith.addi %parallel_loop3A_75, %parallel_loop3A_80 : i32
      %parallel_loop3A_82 = arith.index_cast %parallel_loop3A_81 : i32 to index
      %parallel_loop3A_83 = tpu.vector_load %arg7[%parallel_loop3A_82] {strides = array<i32>} : memref<32768xf32, #tpu.memory_space<vmem>>, vector<16xf32>,
      tpu.vector_store %arg7[%parallel_loop3A_82], %parallel_loop3A_79 {strides = array<i32>} : memref<32768xf32, #tpu.memory_space<vmem>>, vector<16xf32>,
      %parallel_loop3A_84 = arith.constant 16 : i32
      %parallel_loop3A_85 = arith.addi %parallel_loop3A_71, %parallel_loop3A_84 : i32
      %parallel_loop3A_86 = arith.index_cast %parallel_loop3A_85 : i32 to index
      %parallel_loop3A_87 = tpu.vector_load %arg5[%parallel_loop3A_86] {strides = array<i32>} : memref<65536xf32, #tpu.memory_space<vmem>>, vector<16xf32>,
      %parallel_loop3A_88 = arith.constant 16 : i32
      %parallel_loop3A_89 = arith.addi %parallel_loop3A_75, %parallel_loop3A_88 : i32
      %parallel_loop3A_90 = arith.index_cast %parallel_loop3A_89 : i32 to index
      %parallel_loop3A_91 = tpu.vector_load %arg7[%parallel_loop3A_90] {strides = array<i32>} : memref<32768xf32, #tpu.memory_space<vmem>>, vector<16xf32>,
      tpu.vector_store %arg7[%parallel_loop3A_90], %parallel_loop3A_87 {strides = array<i32>} : memref<32768xf32, #tpu.memory_space<vmem>>, vector<16xf32>,
      %parallel_loop3A_92 = arith.constant 32 : i32
      %parallel_loop3A_93 = arith.addi %parallel_loop3A_71, %parallel_loop3A_92 : i32
      %parallel_loop3A_94 = arith.index_cast %parallel_loop3A_93 : i32 to index
      %parallel_loop3A_95 = tpu.vector_load %arg5[%parallel_loop3A_94] {strides = array<i32>} : memref<65536xf32, #tpu.memory_space<vmem>>, vector<16xf32>,
      %parallel_loop3A_96 = arith.constant 32 : i32
      %parallel_loop3A_97 = arith.addi %parallel_loop3A_75, %parallel_loop3A_96 : i32
      %parallel_loop3A_98 = arith.index_cast %parallel_loop3A_97 : i32 to index
      %parallel_loop3A_99 = tpu.vector_load %arg7[%parallel_loop3A_98] {strides = array<i32>} : memref<32768xf32, #tpu.memory_space<vmem>>, vector<16xf32>,
      tpu.vector_store %arg7[%parallel_loop3A_98], %parallel_loop3A_95 {strides = array<i32>} : memref<32768xf32, #tpu.memory_space<vmem>>, vector<16xf32>,
      %parallel_loop3A_100 = arith.constant 48 : i32
      %parallel_loop3A_101 = arith.addi %parallel_loop3A_71, %parallel_loop3A_100 : i32
      %parallel_loop3A_102 = arith.index_cast %parallel_loop3A_101 : i32 to index
      %parallel_loop3A_103 = tpu.vector_load %arg5[%parallel_loop3A_102] {strides = array<i32>} : memref<65536xf32, #tpu.memory_space<vmem>>, vector<16xf32>,
      %parallel_loop3A_104 = arith.constant 48 : i32
      %parallel_loop3A_105 = arith.addi %parallel_loop3A_75, %parallel_loop3A_104 : i32
      %parallel_loop3A_106 = arith.index_cast %parallel_loop3A_105 : i32 to index
      %parallel_loop3A_107 = tpu.vector_load %arg7[%parallel_loop3A_106] {strides = array<i32>} : memref<32768xf32, #tpu.memory_space<vmem>>, vector<16xf32>,
      tpu.vector_store %arg7[%parallel_loop3A_106], %parallel_loop3A_103 {strides = array<i32>} : memref<32768xf32, #tpu.memory_space<vmem>>, vector<16xf32>,
      %parallel_loop3A_108 = vector.extract_strided_slice %parallel_loop3A_31 {offsets = [2], sizes = [1], strides = [1]} : vector<16xi32> to vector<1xi32>
      %parallel_loop3A_109 = vector.extract %parallel_loop3A_108[0] : i32 from vector<1xi32>
      %parallel_loop3A_110 = arith.constant 2 : i32
      %parallel_loop3A_111 = arith.addi %parallel_loop3A_26, %parallel_loop3A_110 : i32
      %parallel_loop3A_112 = arith.constant 64 : i32
      %parallel_loop3A_113 = arith.muli %parallel_loop3A_111, %parallel_loop3A_112 : i32
      %parallel_loop3A_114 = arith.constant 0 : i32
      %parallel_loop3A_115 = arith.addi %parallel_loop3A_109, %parallel_loop3A_114 : i32
      %parallel_loop3A_116 = arith.index_cast %parallel_loop3A_115 : i32 to index
      %parallel_loop3A_117 = tpu.vector_load %arg5[%parallel_loop3A_116] {strides = array<i32>} : memref<65536xf32, #tpu.memory_space<vmem>>, vector<16xf32>,
      %parallel_loop3A_118 = arith.constant 0 : i32
      %parallel_loop3A_119 = arith.addi %parallel_loop3A_113, %parallel_loop3A_118 : i32
      %parallel_loop3A_120 = arith.index_cast %parallel_loop3A_119 : i32 to index
      %parallel_loop3A_121 = tpu.vector_load %arg7[%parallel_loop3A_120] {strides = array<i32>} : memref<32768xf32, #tpu.memory_space<vmem>>, vector<16xf32>,
      tpu.vector_store %arg7[%parallel_loop3A_120], %parallel_loop3A_117 {strides = array<i32>} : memref<32768xf32, #tpu.memory_space<vmem>>, vector<16xf32>,
      %parallel_loop3A_122 = arith.constant 16 : i32
      %parallel_loop3A_123 = arith.addi %parallel_loop3A_109, %parallel_loop3A_122 : i32
      %parallel_loop3A_124 = arith.index_cast %parallel_loop3A_123 : i32 to index
      %parallel_loop3A_125 = tpu.vector_load %arg5[%parallel_loop3A_124] {strides = array<i32>} : memref<65536xf32, #tpu.memory_space<vmem>>, vector<16xf32>,
      %parallel_loop3A_126 = arith.constant 16 : i32
      %parallel_loop3A_127 = arith.addi %parallel_loop3A_113, %parallel_loop3A_126 : i32
      %parallel_loop3A_128 = arith.index_cast %parallel_loop3A_127 : i32 to index
      %parallel_loop3A_129 = tpu.vector_load %arg7[%parallel_loop3A_128] {strides = array<i32>} : memref<32768xf32, #tpu.memory_space<vmem>>, vector<16xf32>,
      tpu.vector_store %arg7[%parallel_loop3A_128], %parallel_loop3A_125 {strides = array<i32>} : memref<32768xf32, #tpu.memory_space<vmem>>, vector<16xf32>,
      %parallel_loop3A_130 = arith.constant 32 : i32
      %parallel_loop3A_131 = arith.addi %parallel_loop3A_109, %parallel_loop3A_130 : i32
      %parallel_loop3A_132 = arith.index_cast %parallel_loop3A_131 : i32 to index
      %parallel_loop3A_133 = tpu.vector_load %arg5[%parallel_loop3A_132] {strides = array<i32>} : memref<65536xf32, #tpu.memory_space<vmem>>, vector<16xf32>,
      %parallel_loop3A_134 = arith.constant 32 : i32
      %parallel_loop3A_135 = arith.addi %parallel_loop3A_113, %parallel_loop3A_134 : i32
      %parallel_loop3A_136 = arith.index_cast %parallel_loop3A_135 : i32 to index
      %parallel_loop3A_137 = tpu.vector_load %arg7[%parallel_loop3A_136] {strides = array<i32>} : memref<32768xf32, #tpu.memory_space<vmem>>, vector<16xf32>,
      tpu.vector_store %arg7[%parallel_loop3A_136], %parallel_loop3A_133 {strides = array<i32>} : memref<32768xf32, #tpu.memory_space<vmem>>, vector<16xf32>,
      %parallel_loop3A_138 = arith.constant 48 : i32
      %parallel_loop3A_139 = arith.addi %parallel_loop3A_109, %parallel_loop3A_138 : i32
      %parallel_loop3A_140 = arith.index_cast %parallel_loop3A_139 : i32 to index
      %parallel_loop3A_141 = tpu.vector_load %arg5[%parallel_loop3A_140] {strides = array<i32>} : memref<65536xf32, #tpu.memory_space<vmem>>, vector<16xf32>,
      %parallel_loop3A_142 = arith.constant 48 : i32
      %parallel_loop3A_143 = arith.addi %parallel_loop3A_113, %parallel_loop3A_142 : i32
      %parallel_loop3A_144 = arith.index_cast %parallel_loop3A_143 : i32 to index
      %parallel_loop3A_145 = tpu.vector_load %arg7[%parallel_loop3A_144] {strides = array<i32>} : memref<32768xf32, #tpu.memory_space<vmem>>, vector<16xf32>,
      tpu.vector_store %arg7[%parallel_loop3A_144], %parallel_loop3A_141 {strides = array<i32>} : memref<32768xf32, #tpu.memory_space<vmem>>, vector<16xf32>,
      %parallel_loop3A_146 = vector.extract_strided_slice %parallel_loop3A_31 {offsets = [3], sizes = [1], strides = [1]} : vector<16xi32> to vector<1xi32>
      %parallel_loop3A_147 = vector.extract %parallel_loop3A_146[0] : i32 from vector<1xi32>
      %parallel_loop3A_148 = arith.constant 3 : i32
      %parallel_loop3A_149 = arith.addi %parallel_loop3A_26, %parallel_loop3A_148 : i32
      %parallel_loop3A_150 = arith.constant 64 : i32
      %parallel_loop3A_151 = arith.muli %parallel_loop3A_149, %parallel_loop3A_150 : i32
      %parallel_loop3A_152 = arith.constant 0 : i32
      %parallel_loop3A_153 = arith.addi %parallel_loop3A_147, %parallel_loop3A_152 : i32
      %parallel_loop3A_154 = arith.index_cast %parallel_loop3A_153 : i32 to index
      %parallel_loop3A_155 = tpu.vector_load %arg5[%parallel_loop3A_154] {strides = array<i32>} : memref<65536xf32, #tpu.memory_space<vmem>>, vector<16xf32>,
      %parallel_loop3A_156 = arith.constant 0 : i32
      %parallel_loop3A_157 = arith.addi %parallel_loop3A_151, %parallel_loop3A_156 : i32
      %parallel_loop3A_158 = arith.index_cast %parallel_loop3A_157 : i32 to index
      %parallel_loop3A_159 = tpu.vector_load %arg7[%parallel_loop3A_158] {strides = array<i32>} : memref<32768xf32, #tpu.memory_space<vmem>>, vector<16xf32>,
      tpu.vector_store %arg7[%parallel_loop3A_158], %parallel_loop3A_155 {strides = array<i32>} : memref<32768xf32, #tpu.memory_space<vmem>>, vector<16xf32>,
      %parallel_loop3A_160 = arith.constant 16 : i32
      %parallel_loop3A_161 = arith.addi %parallel_loop3A_147, %parallel_loop3A_160 : i32
      %parallel_loop3A_162 = arith.index_cast %parallel_loop3A_161 : i32 to index
      %parallel_loop3A_163 = tpu.vector_load %arg5[%parallel_loop3A_162] {strides = array<i32>} : memref<65536xf32, #tpu.memory_space<vmem>>, vector<16xf32>,
      %parallel_loop3A_164 = arith.constant 16 : i32
      %parallel_loop3A_165 = arith.addi %parallel_loop3A_151, %parallel_loop3A_164 : i32
      %parallel_loop3A_166 = arith.index_cast %parallel_loop3A_165 : i32 to index
      %parallel_loop3A_167 = tpu.vector_load %arg7[%parallel_loop3A_166] {strides = array<i32>} : memref<32768xf32, #tpu.memory_space<vmem>>, vector<16xf32>,
      tpu.vector_store %arg7[%parallel_loop3A_166], %parallel_loop3A_163 {strides = array<i32>} : memref<32768xf32, #tpu.memory_space<vmem>>, vector<16xf32>,
      %parallel_loop3A_168 = arith.constant 32 : i32
      %parallel_loop3A_169 = arith.addi %parallel_loop3A_147, %parallel_loop3A_168 : i32
      %parallel_loop3A_170 = arith.index_cast %parallel_loop3A_169 : i32 to index
      %parallel_loop3A_171 = tpu.vector_load %arg5[%parallel_loop3A_170] {strides = array<i32>} : memref<65536xf32, #tpu.memory_space<vmem>>, vector<16xf32>,
      %parallel_loop3A_172 = arith.constant 32 : i32
      %parallel_loop3A_173 = arith.addi %parallel_loop3A_151, %parallel_loop3A_172 : i32
      %parallel_loop3A_174 = arith.index_cast %parallel_loop3A_173 : i32 to index
      %parallel_loop3A_175 = tpu.vector_load %arg7[%parallel_loop3A_174] {strides = array<i32>} : memref<32768xf32, #tpu.memory_space<vmem>>, vector<16xf32>,
      tpu.vector_store %arg7[%parallel_loop3A_174], %parallel_loop3A_171 {strides = array<i32>} : memref<32768xf32, #tpu.memory_space<vmem>>, vector<16xf32>,
      %parallel_loop3A_176 = arith.constant 48 : i32
      %parallel_loop3A_177 = arith.addi %parallel_loop3A_147, %parallel_loop3A_176 : i32
      %parallel_loop3A_178 = arith.index_cast %parallel_loop3A_177 : i32 to index
      %parallel_loop3A_179 = tpu.vector_load %arg5[%parallel_loop3A_178] {strides = array<i32>} : memref<65536xf32, #tpu.memory_space<vmem>>, vector<16xf32>,
      %parallel_loop3A_180 = arith.constant 48 : i32
      %parallel_loop3A_181 = arith.addi %parallel_loop3A_151, %parallel_loop3A_180 : i32
      %parallel_loop3A_182 = arith.index_cast %parallel_loop3A_181 : i32 to index
      %parallel_loop3A_183 = tpu.vector_load %arg7[%parallel_loop3A_182] {strides = array<i32>} : memref<32768xf32, #tpu.memory_space<vmem>>, vector<16xf32>,
      tpu.vector_store %arg7[%parallel_loop3A_182], %parallel_loop3A_179 {strides = array<i32>} : memref<32768xf32, #tpu.memory_space<vmem>>, vector<16xf32>,
      %parallel_loop3A_184 = vector.extract_strided_slice %parallel_loop3A_31 {offsets = [4], sizes = [1], strides = [1]} : vector<16xi32> to vector<1xi32>
      %parallel_loop3A_185 = vector.extract %parallel_loop3A_184[0] : i32 from vector<1xi32>
      %parallel_loop3A_186 = arith.constant 4 : i32
      %parallel_loop3A_187 = arith.addi %parallel_loop3A_26, %parallel_loop3A_186 : i32
      %parallel_loop3A_188 = arith.constant 64 : i32
      %parallel_loop3A_189 = arith.muli %parallel_loop3A_187, %parallel_loop3A_188 : i32
      %parallel_loop3A_190 = arith.constant 0 : i32
      %parallel_loop3A_191 = arith.addi %parallel_loop3A_185, %parallel_loop3A_190 : i32
      %parallel_loop3A_192 = arith.index_cast %parallel_loop3A_191 : i32 to index
      %parallel_loop3A_193 = tpu.vector_load %arg5[%parallel_loop3A_192] {strides = array<i32>} : memref<65536xf32, #tpu.memory_space<vmem>>, vector<16xf32>,
      %parallel_loop3A_194 = arith.constant 0 : i32
      %parallel_loop3A_195 = arith.addi %parallel_loop3A_189, %parallel_loop3A_194 : i32
      %parallel_loop3A_196 = arith.index_cast %parallel_loop3A_195 : i32 to index
      %parallel_loop3A_197 = tpu.vector_load %arg7[%parallel_loop3A_196] {strides = array<i32>} : memref<32768xf32, #tpu.memory_space<vmem>>, vector<16xf32>,
      tpu.vector_store %arg7[%parallel_loop3A_196], %parallel_loop3A_193 {strides = array<i32>} : memref<32768xf32, #tpu.memory_space<vmem>>, vector<16xf32>,
      %parallel_loop3A_198 = arith.constant 16 : i32
      %parallel_loop3A_199 = arith.addi %parallel_loop3A_185, %parallel_loop3A_198 : i32
      %parallel_loop3A_200 = arith.index_cast %parallel_loop3A_199 : i32 to index
      %parallel_loop3A_201 = tpu.vector_load %arg5[%parallel_loop3A_200] {strides = array<i32>} : memref<65536xf32, #tpu.memory_space<vmem>>, vector<16xf32>,
      %parallel_loop3A_202 = arith.constant 16 : i32
      %parallel_loop3A_203 = arith.addi %parallel_loop3A_189, %parallel_loop3A_202 : i32
      %parallel_loop3A_204 = arith.index_cast %parallel_loop3A_203 : i32 to index
      %parallel_loop3A_205 = tpu.vector_load %arg7[%parallel_loop3A_204] {strides = array<i32>} : memref<32768xf32, #tpu.memory_space<vmem>>, vector<16xf32>,
      tpu.vector_store %arg7[%parallel_loop3A_204], %parallel_loop3A_201 {strides = array<i32>} : memref<32768xf32, #tpu.memory_space<vmem>>, vector<16xf32>,
      %parallel_loop3A_206 = arith.constant 32 : i32
      %parallel_loop3A_207 = arith.addi %parallel_loop3A_185, %parallel_loop3A_206 : i32
      %parallel_loop3A_208 = arith.index_cast %parallel_loop3A_207 : i32 to index
      %parallel_loop3A_209 = tpu.vector_load %arg5[%parallel_loop3A_208] {strides = array<i32>} : memref<65536xf32, #tpu.memory_space<vmem>>, vector<16xf32>,
      %parallel_loop3A_210 = arith.constant 32 : i32
      %parallel_loop3A_211 = arith.addi %parallel_loop3A_189, %parallel_loop3A_210 : i32
      %parallel_loop3A_212 = arith.index_cast %parallel_loop3A_211 : i32 to index
      %parallel_loop3A_213 = tpu.vector_load %arg7[%parallel_loop3A_212] {strides = array<i32>} : memref<32768xf32, #tpu.memory_space<vmem>>, vector<16xf32>,
      tpu.vector_store %arg7[%parallel_loop3A_212], %parallel_loop3A_209 {strides = array<i32>} : memref<32768xf32, #tpu.memory_space<vmem>>, vector<16xf32>,
      %parallel_loop3A_214 = arith.constant 48 : i32
      %parallel_loop3A_215 = arith.addi %parallel_loop3A_185, %parallel_loop3A_214 : i32
      %parallel_loop3A_216 = arith.index_cast %parallel_loop3A_215 : i32 to index
      %parallel_loop3A_217 = tpu.vector_load %arg5[%parallel_loop3A_216] {strides = array<i32>} : memref<65536xf32, #tpu.memory_space<vmem>>, vector<16xf32>,
      %parallel_loop3A_218 = arith.constant 48 : i32
      %parallel_loop3A_219 = arith.addi %parallel_loop3A_189, %parallel_loop3A_218 : i32
      %parallel_loop3A_220 = arith.index_cast %parallel_loop3A_219 : i32 to index
      %parallel_loop3A_221 = tpu.vector_load %arg7[%parallel_loop3A_220] {strides = array<i32>} : memref<32768xf32, #tpu.memory_space<vmem>>, vector<16xf32>,
      tpu.vector_store %arg7[%parallel_loop3A_220], %parallel_loop3A_217 {strides = array<i32>} : memref<32768xf32, #tpu.memory_space<vmem>>, vector<16xf32>,
      %parallel_loop3A_222 = vector.extract_strided_slice %parallel_loop3A_31 {offsets = [5], sizes = [1], strides = [1]} : vector<16xi32> to vector<1xi32>
      %parallel_loop3A_223 = vector.extract %parallel_loop3A_222[0] : i32 from vector<1xi32>
      %parallel_loop3A_224 = arith.constant 5 : i32
      %parallel_loop3A_225 = arith.addi %parallel_loop3A_26, %parallel_loop3A_224 : i32
      %parallel_loop3A_226 = arith.constant 64 : i32
      %parallel_loop3A_227 = arith.muli %parallel_loop3A_225, %parallel_loop3A_226 : i32
      %parallel_loop3A_228 = arith.constant 0 : i32
      %parallel_loop3A_229 = arith.addi %parallel_loop3A_223, %parallel_loop3A_228 : i32
      %parallel_loop3A_230 = arith.index_cast %parallel_loop3A_229 : i32 to index
      %parallel_loop3A_231 = tpu.vector_load %arg5[%parallel_loop3A_230] {strides = array<i32>} : memref<65536xf32, #tpu.memory_space<vmem>>, vector<16xf32>,
      %parallel_loop3A_232 = arith.constant 0 : i32
      %parallel_loop3A_233 = arith.addi %parallel_loop3A_227, %parallel_loop3A_232 : i32
      %parallel_loop3A_234 = arith.index_cast %parallel_loop3A_233 : i32 to index
      %parallel_loop3A_235 = tpu.vector_load %arg7[%parallel_loop3A_234] {strides = array<i32>} : memref<32768xf32, #tpu.memory_space<vmem>>, vector<16xf32>,
      tpu.vector_store %arg7[%parallel_loop3A_234], %parallel_loop3A_231 {strides = array<i32>} : memref<32768xf32, #tpu.memory_space<vmem>>, vector<16xf32>,
      %parallel_loop3A_236 = arith.constant 16 : i32
      %parallel_loop3A_237 = arith.addi %parallel_loop3A_223, %parallel_loop3A_236 : i32
      %parallel_loop3A_238 = arith.index_cast %parallel_loop3A_237 : i32 to index
      %parallel_loop3A_239 = tpu.vector_load %arg5[%parallel_loop3A_238] {strides = array<i32>} : memref<65536xf32, #tpu.memory_space<vmem>>, vector<16xf32>,
      %parallel_loop3A_240 = arith.constant 16 : i32
      %parallel_loop3A_241 = arith.addi %parallel_loop3A_227, %parallel_loop3A_240 : i32
      %parallel_loop3A_242 = arith.index_cast %parallel_loop3A_241 : i32 to index
      %parallel_loop3A_243 = tpu.vector_load %arg7[%parallel_loop3A_242] {strides = array<i32>} : memref<32768xf32, #tpu.memory_space<vmem>>, vector<16xf32>,
      tpu.vector_store %arg7[%parallel_loop3A_242], %parallel_loop3A_239 {strides = array<i32>} : memref<32768xf32, #tpu.memory_space<vmem>>, vector<16xf32>,
      %parallel_loop3A_244 = arith.constant 32 : i32
      %parallel_loop3A_245 = arith.addi %parallel_loop3A_223, %parallel_loop3A_244 : i32
      %parallel_loop3A_246 = arith.index_cast %parallel_loop3A_245 : i32 to index
      %parallel_loop3A_247 = tpu.vector_load %arg5[%parallel_loop3A_246] {strides = array<i32>} : memref<65536xf32, #tpu.memory_space<vmem>>, vector<16xf32>,
      %parallel_loop3A_248 = arith.constant 32 : i32
      %parallel_loop3A_249 = arith.addi %parallel_loop3A_227, %parallel_loop3A_248 : i32
      %parallel_loop3A_250 = arith.index_cast %parallel_loop3A_249 : i32 to index
      %parallel_loop3A_251 = tpu.vector_load %arg7[%parallel_loop3A_250] {strides = array<i32>} : memref<32768xf32, #tpu.memory_space<vmem>>, vector<16xf32>,
      tpu.vector_store %arg7[%parallel_loop3A_250], %parallel_loop3A_247 {strides = array<i32>} : memref<32768xf32, #tpu.memory_space<vmem>>, vector<16xf32>,
      %parallel_loop3A_252 = arith.constant 48 : i32
      %parallel_loop3A_253 = arith.addi %parallel_loop3A_223, %parallel_loop3A_252 : i32
      %parallel_loop3A_254 = arith.index_cast %parallel_loop3A_253 : i32 to index
      %parallel_loop3A_255 = tpu.vector_load %arg5[%parallel_loop3A_254] {strides = array<i32>} : memref<65536xf32, #tpu.memory_space<vmem>>, vector<16xf32>,
      %parallel_loop3A_256 = arith.constant 48 : i32
      %parallel_loop3A_257 = arith.addi %parallel_loop3A_227, %parallel_loop3A_256 : i32
      %parallel_loop3A_258 = arith.index_cast %parallel_loop3A_257 : i32 to index
      %parallel_loop3A_259 = tpu.vector_load %arg7[%parallel_loop3A_258] {strides = array<i32>} : memref<32768xf32, #tpu.memory_space<vmem>>, vector<16xf32>,
      tpu.vector_store %arg7[%parallel_loop3A_258], %parallel_loop3A_255 {strides = array<i32>} : memref<32768xf32, #tpu.memory_space<vmem>>, vector<16xf32>,
      %parallel_loop3A_260 = vector.extract_strided_slice %parallel_loop3A_31 {offsets = [6], sizes = [1], strides = [1]} : vector<16xi32> to vector<1xi32>
      %parallel_loop3A_261 = vector.extract %parallel_loop3A_260[0] : i32 from vector<1xi32>
      %parallel_loop3A_262 = arith.constant 6 : i32
      %parallel_loop3A_263 = arith.addi %parallel_loop3A_26, %parallel_loop3A_262 : i32
      %parallel_loop3A_264 = arith.constant 64 : i32
      %parallel_loop3A_265 = arith.muli %parallel_loop3A_263, %parallel_loop3A_264 : i32
      %parallel_loop3A_266 = arith.constant 0 : i32
      %parallel_loop3A_267 = arith.addi %parallel_loop3A_261, %parallel_loop3A_266 : i32
      %parallel_loop3A_268 = arith.index_cast %parallel_loop3A_267 : i32 to index
      %parallel_loop3A_269 = tpu.vector_load %arg5[%parallel_loop3A_268] {strides = array<i32>} : memref<65536xf32, #tpu.memory_space<vmem>>, vector<16xf32>,
      %parallel_loop3A_270 = arith.constant 0 : i32
      %parallel_loop3A_271 = arith.addi %parallel_loop3A_265, %parallel_loop3A_270 : i32
      %parallel_loop3A_272 = arith.index_cast %parallel_loop3A_271 : i32 to index
      %parallel_loop3A_273 = tpu.vector_load %arg7[%parallel_loop3A_272] {strides = array<i32>} : memref<32768xf32, #tpu.memory_space<vmem>>, vector<16xf32>,
      tpu.vector_store %arg7[%parallel_loop3A_272], %parallel_loop3A_269 {strides = array<i32>} : memref<32768xf32, #tpu.memory_space<vmem>>, vector<16xf32>,
      %parallel_loop3A_274 = arith.constant 16 : i32
      %parallel_loop3A_275 = arith.addi %parallel_loop3A_261, %parallel_loop3A_274 : i32
      %parallel_loop3A_276 = arith.index_cast %parallel_loop3A_275 : i32 to index
      %parallel_loop3A_277 = tpu.vector_load %arg5[%parallel_loop3A_276] {strides = array<i32>} : memref<65536xf32, #tpu.memory_space<vmem>>, vector<16xf32>,
      %parallel_loop3A_278 = arith.constant 16 : i32
      %parallel_loop3A_279 = arith.addi %parallel_loop3A_265, %parallel_loop3A_278 : i32
      %parallel_loop3A_280 = arith.index_cast %parallel_loop3A_279 : i32 to index
      %parallel_loop3A_281 = tpu.vector_load %arg7[%parallel_loop3A_280] {strides = array<i32>} : memref<32768xf32, #tpu.memory_space<vmem>>, vector<16xf32>,
      tpu.vector_store %arg7[%parallel_loop3A_280], %parallel_loop3A_277 {strides = array<i32>} : memref<32768xf32, #tpu.memory_space<vmem>>, vector<16xf32>,
      %parallel_loop3A_282 = arith.constant 32 : i32
      %parallel_loop3A_283 = arith.addi %parallel_loop3A_261, %parallel_loop3A_282 : i32
      %parallel_loop3A_284 = arith.index_cast %parallel_loop3A_283 : i32 to index
      %parallel_loop3A_285 = tpu.vector_load %arg5[%parallel_loop3A_284] {strides = array<i32>} : memref<65536xf32, #tpu.memory_space<vmem>>, vector<16xf32>,
      %parallel_loop3A_286 = arith.constant 32 : i32
      %parallel_loop3A_287 = arith.addi %parallel_loop3A_265, %parallel_loop3A_286 : i32
      %parallel_loop3A_288 = arith.index_cast %parallel_loop3A_287 : i32 to index
      %parallel_loop3A_289 = tpu.vector_load %arg7[%parallel_loop3A_288] {strides = array<i32>} : memref<32768xf32, #tpu.memory_space<vmem>>, vector<16xf32>,
      tpu.vector_store %arg7[%parallel_loop3A_288], %parallel_loop3A_285 {strides = array<i32>} : memref<32768xf32, #tpu.memory_space<vmem>>, vector<16xf32>,
      %parallel_loop3A_290 = arith.constant 48 : i32
      %parallel_loop3A_291 = arith.addi %parallel_loop3A_261, %parallel_loop3A_290 : i32
      %parallel_loop3A_292 = arith.index_cast %parallel_loop3A_291 : i32 to index
      %parallel_loop3A_293 = tpu.vector_load %arg5[%parallel_loop3A_292] {strides = array<i32>} : memref<65536xf32, #tpu.memory_space<vmem>>, vector<16xf32>,
      %parallel_loop3A_294 = arith.constant 48 : i32
      %parallel_loop3A_295 = arith.addi %parallel_loop3A_265, %parallel_loop3A_294 : i32
      %parallel_loop3A_296 = arith.index_cast %parallel_loop3A_295 : i32 to index
      %parallel_loop3A_297 = tpu.vector_load %arg7[%parallel_loop3A_296] {strides = array<i32>} : memref<32768xf32, #tpu.memory_space<vmem>>, vector<16xf32>,
      tpu.vector_store %arg7[%parallel_loop3A_296], %parallel_loop3A_293 {strides = array<i32>} : memref<32768xf32, #tpu.memory_space<vmem>>, vector<16xf32>,
      %parallel_loop3A_298 = vector.extract_strided_slice %parallel_loop3A_31 {offsets = [7], sizes = [1], strides = [1]} : vector<16xi32> to vector<1xi32>
      %parallel_loop3A_299 = vector.extract %parallel_loop3A_298[0] : i32 from vector<1xi32>
      %parallel_loop3A_300 = arith.constant 7 : i32
      %parallel_loop3A_301 = arith.addi %parallel_loop3A_26, %parallel_loop3A_300 : i32
      %parallel_loop3A_302 = arith.constant 64 : i32
      %parallel_loop3A_303 = arith.muli %parallel_loop3A_301, %parallel_loop3A_302 : i32
      %parallel_loop3A_304 = arith.constant 0 : i32
      %parallel_loop3A_305 = arith.addi %parallel_loop3A_299, %parallel_loop3A_304 : i32
      %parallel_loop3A_306 = arith.index_cast %parallel_loop3A_305 : i32 to index
      %parallel_loop3A_307 = tpu.vector_load %arg5[%parallel_loop3A_306] {strides = array<i32>} : memref<65536xf32, #tpu.memory_space<vmem>>, vector<16xf32>,
      %parallel_loop3A_308 = arith.constant 0 : i32
      %parallel_loop3A_309 = arith.addi %parallel_loop3A_303, %parallel_loop3A_308 : i32
      %parallel_loop3A_310 = arith.index_cast %parallel_loop3A_309 : i32 to index
      %parallel_loop3A_311 = tpu.vector_load %arg7[%parallel_loop3A_310] {strides = array<i32>} : memref<32768xf32, #tpu.memory_space<vmem>>, vector<16xf32>,
      tpu.vector_store %arg7[%parallel_loop3A_310], %parallel_loop3A_307 {strides = array<i32>} : memref<32768xf32, #tpu.memory_space<vmem>>, vector<16xf32>,
      %parallel_loop3A_312 = arith.constant 16 : i32
      %parallel_loop3A_313 = arith.addi %parallel_loop3A_299, %parallel_loop3A_312 : i32
      %parallel_loop3A_314 = arith.index_cast %parallel_loop3A_313 : i32 to index
      %parallel_loop3A_315 = tpu.vector_load %arg5[%parallel_loop3A_314] {strides = array<i32>} : memref<65536xf32, #tpu.memory_space<vmem>>, vector<16xf32>,
      %parallel_loop3A_316 = arith.constant 16 : i32
      %parallel_loop3A_317 = arith.addi %parallel_loop3A_303, %parallel_loop3A_316 : i32
      %parallel_loop3A_318 = arith.index_cast %parallel_loop3A_317 : i32 to index
      %parallel_loop3A_319 = tpu.vector_load %arg7[%parallel_loop3A_318] {strides = array<i32>} : memref<32768xf32, #tpu.memory_space<vmem>>, vector<16xf32>,
      tpu.vector_store %arg7[%parallel_loop3A_318], %parallel_loop3A_315 {strides = array<i32>} : memref<32768xf32, #tpu.memory_space<vmem>>, vector<16xf32>,
      %parallel_loop3A_320 = arith.constant 32 : i32
      %parallel_loop3A_321 = arith.addi %parallel_loop3A_299, %parallel_loop3A_320 : i32
      %parallel_loop3A_322 = arith.index_cast %parallel_loop3A_321 : i32 to index
      %parallel_loop3A_323 = tpu.vector_load %arg5[%parallel_loop3A_322] {strides = array<i32>} : memref<65536xf32, #tpu.memory_space<vmem>>, vector<16xf32>,
      %parallel_loop3A_324 = arith.constant 32 : i32
      %parallel_loop3A_325 = arith.addi %parallel_loop3A_303, %parallel_loop3A_324 : i32
      %parallel_loop3A_326 = arith.index_cast %parallel_loop3A_325 : i32 to index
      %parallel_loop3A_327 = tpu.vector_load %arg7[%parallel_loop3A_326] {strides = array<i32>} : memref<32768xf32, #tpu.memory_space<vmem>>, vector<16xf32>,
      tpu.vector_store %arg7[%parallel_loop3A_326], %parallel_loop3A_323 {strides = array<i32>} : memref<32768xf32, #tpu.memory_space<vmem>>, vector<16xf32>,
      %parallel_loop3A_328 = arith.constant 48 : i32
      %parallel_loop3A_329 = arith.addi %parallel_loop3A_299, %parallel_loop3A_328 : i32
      %parallel_loop3A_330 = arith.index_cast %parallel_loop3A_329 : i32 to index
      %parallel_loop3A_331 = tpu.vector_load %arg5[%parallel_loop3A_330] {strides = array<i32>} : memref<65536xf32, #tpu.memory_space<vmem>>, vector<16xf32>,
      %parallel_loop3A_332 = arith.constant 48 : i32
      %parallel_loop3A_333 = arith.addi %parallel_loop3A_303, %parallel_loop3A_332 : i32
      %parallel_loop3A_334 = arith.index_cast %parallel_loop3A_333 : i32 to index
      %parallel_loop3A_335 = tpu.vector_load %arg7[%parallel_loop3A_334] {strides = array<i32>} : memref<32768xf32, #tpu.memory_space<vmem>>, vector<16xf32>,
      tpu.vector_store %arg7[%parallel_loop3A_334], %parallel_loop3A_331 {strides = array<i32>} : memref<32768xf32, #tpu.memory_space<vmem>>, vector<16xf32>,
      %parallel_loop3A_336 = vector.extract_strided_slice %parallel_loop3A_31 {offsets = [8], sizes = [1], strides = [1]} : vector<16xi32> to vector<1xi32>
      %parallel_loop3A_337 = vector.extract %parallel_loop3A_336[0] : i32 from vector<1xi32>
      %parallel_loop3A_338 = arith.constant 8 : i32
      %parallel_loop3A_339 = arith.addi %parallel_loop3A_26, %parallel_loop3A_338 : i32
      %parallel_loop3A_340 = arith.constant 64 : i32
      %parallel_loop3A_341 = arith.muli %parallel_loop3A_339, %parallel_loop3A_340 : i32
      %parallel_loop3A_342 = arith.constant 0 : i32
      %parallel_loop3A_343 = arith.addi %parallel_loop3A_337, %parallel_loop3A_342 : i32
      %parallel_loop3A_344 = arith.index_cast %parallel_loop3A_343 : i32 to index
      %parallel_loop3A_345 = tpu.vector_load %arg5[%parallel_loop3A_344] {strides = array<i32>} : memref<65536xf32, #tpu.memory_space<vmem>>, vector<16xf32>,
      %parallel_loop3A_346 = arith.constant 0 : i32
      %parallel_loop3A_347 = arith.addi %parallel_loop3A_341, %parallel_loop3A_346 : i32
      %parallel_loop3A_348 = arith.index_cast %parallel_loop3A_347 : i32 to index
      %parallel_loop3A_349 = tpu.vector_load %arg7[%parallel_loop3A_348] {strides = array<i32>} : memref<32768xf32, #tpu.memory_space<vmem>>, vector<16xf32>,
      tpu.vector_store %arg7[%parallel_loop3A_348], %parallel_loop3A_345 {strides = array<i32>} : memref<32768xf32, #tpu.memory_space<vmem>>, vector<16xf32>,
      %parallel_loop3A_350 = arith.constant 16 : i32
      %parallel_loop3A_351 = arith.addi %parallel_loop3A_337, %parallel_loop3A_350 : i32
      %parallel_loop3A_352 = arith.index_cast %parallel_loop3A_351 : i32 to index
      %parallel_loop3A_353 = tpu.vector_load %arg5[%parallel_loop3A_352] {strides = array<i32>} : memref<65536xf32, #tpu.memory_space<vmem>>, vector<16xf32>,
      %parallel_loop3A_354 = arith.constant 16 : i32
      %parallel_loop3A_355 = arith.addi %parallel_loop3A_341, %parallel_loop3A_354 : i32
      %parallel_loop3A_356 = arith.index_cast %parallel_loop3A_355 : i32 to index
      %parallel_loop3A_357 = tpu.vector_load %arg7[%parallel_loop3A_356] {strides = array<i32>} : memref<32768xf32, #tpu.memory_space<vmem>>, vector<16xf32>,
      tpu.vector_store %arg7[%parallel_loop3A_356], %parallel_loop3A_353 {strides = array<i32>} : memref<32768xf32, #tpu.memory_space<vmem>>, vector<16xf32>,
      %parallel_loop3A_358 = arith.constant 32 : i32
      %parallel_loop3A_359 = arith.addi %parallel_loop3A_337, %parallel_loop3A_358 : i32
      %parallel_loop3A_360 = arith.index_cast %parallel_loop3A_359 : i32 to index
      %parallel_loop3A_361 = tpu.vector_load %arg5[%parallel_loop3A_360] {strides = array<i32>} : memref<65536xf32, #tpu.memory_space<vmem>>, vector<16xf32>,
      %parallel_loop3A_362 = arith.constant 32 : i32
      %parallel_loop3A_363 = arith.addi %parallel_loop3A_341, %parallel_loop3A_362 : i32
      %parallel_loop3A_364 = arith.index_cast %parallel_loop3A_363 : i32 to index
      %parallel_loop3A_365 = tpu.vector_load %arg7[%parallel_loop3A_364] {strides = array<i32>} : memref<32768xf32, #tpu.memory_space<vmem>>, vector<16xf32>,
      tpu.vector_store %arg7[%parallel_loop3A_364], %parallel_loop3A_361 {strides = array<i32>} : memref<32768xf32, #tpu.memory_space<vmem>>, vector<16xf32>,
      %parallel_loop3A_366 = arith.constant 48 : i32
      %parallel_loop3A_367 = arith.addi %parallel_loop3A_337, %parallel_loop3A_366 : i32
      %parallel_loop3A_368 = arith.index_cast %parallel_loop3A_367 : i32 to index
      %parallel_loop3A_369 = tpu.vector_load %arg5[%parallel_loop3A_368] {strides = array<i32>} : memref<65536xf32, #tpu.memory_space<vmem>>, vector<16xf32>,
      %parallel_loop3A_370 = arith.constant 48 : i32
      %parallel_loop3A_371 = arith.addi %parallel_loop3A_341, %parallel_loop3A_370 : i32
      %parallel_loop3A_372 = arith.index_cast %parallel_loop3A_371 : i32 to index
      %parallel_loop3A_373 = tpu.vector_load %arg7[%parallel_loop3A_372] {strides = array<i32>} : memref<32768xf32, #tpu.memory_space<vmem>>, vector<16xf32>,
      tpu.vector_store %arg7[%parallel_loop3A_372], %parallel_loop3A_369 {strides = array<i32>} : memref<32768xf32, #tpu.memory_space<vmem>>, vector<16xf32>,
      %parallel_loop3A_374 = vector.extract_strided_slice %parallel_loop3A_31 {offsets = [9], sizes = [1], strides = [1]} : vector<16xi32> to vector<1xi32>
      %parallel_loop3A_375 = vector.extract %parallel_loop3A_374[0] : i32 from vector<1xi32>
      %parallel_loop3A_376 = arith.constant 9 : i32
      %parallel_loop3A_377 = arith.addi %parallel_loop3A_26, %parallel_loop3A_376 : i32
      %parallel_loop3A_378 = arith.constant 64 : i32
      %parallel_loop3A_379 = arith.muli %parallel_loop3A_377, %parallel_loop3A_378 : i32
      %parallel_loop3A_380 = arith.constant 0 : i32
      %parallel_loop3A_381 = arith.addi %parallel_loop3A_375, %parallel_loop3A_380 : i32
      %parallel_loop3A_382 = arith.index_cast %parallel_loop3A_381 : i32 to index
      %parallel_loop3A_383 = tpu.vector_load %arg5[%parallel_loop3A_382] {strides = array<i32>} : memref<65536xf32, #tpu.memory_space<vmem>>, vector<16xf32>,
      %parallel_loop3A_384 = arith.constant 0 : i32
      %parallel_loop3A_385 = arith.addi %parallel_loop3A_379, %parallel_loop3A_384 : i32
      %parallel_loop3A_386 = arith.index_cast %parallel_loop3A_385 : i32 to index
      %parallel_loop3A_387 = tpu.vector_load %arg7[%parallel_loop3A_386] {strides = array<i32>} : memref<32768xf32, #tpu.memory_space<vmem>>, vector<16xf32>,
      tpu.vector_store %arg7[%parallel_loop3A_386], %parallel_loop3A_383 {strides = array<i32>} : memref<32768xf32, #tpu.memory_space<vmem>>, vector<16xf32>,
      %parallel_loop3A_388 = arith.constant 16 : i32
      %parallel_loop3A_389 = arith.addi %parallel_loop3A_375, %parallel_loop3A_388 : i32
      %parallel_loop3A_390 = arith.index_cast %parallel_loop3A_389 : i32 to index
      %parallel_loop3A_391 = tpu.vector_load %arg5[%parallel_loop3A_390] {strides = array<i32>} : memref<65536xf32, #tpu.memory_space<vmem>>, vector<16xf32>,
      %parallel_loop3A_392 = arith.constant 16 : i32
      %parallel_loop3A_393 = arith.addi %parallel_loop3A_379, %parallel_loop3A_392 : i32
      %parallel_loop3A_394 = arith.index_cast %parallel_loop3A_393 : i32 to index
      %parallel_loop3A_395 = tpu.vector_load %arg7[%parallel_loop3A_394] {strides = array<i32>} : memref<32768xf32, #tpu.memory_space<vmem>>, vector<16xf32>,
      tpu.vector_store %arg7[%parallel_loop3A_394], %parallel_loop3A_391 {strides = array<i32>} : memref<32768xf32, #tpu.memory_space<vmem>>, vector<16xf32>,
      %parallel_loop3A_396 = arith.constant 32 : i32
      %parallel_loop3A_397 = arith.addi %parallel_loop3A_375, %parallel_loop3A_396 : i32
      %parallel_loop3A_398 = arith.index_cast %parallel_loop3A_397 : i32 to index
      %parallel_loop3A_399 = tpu.vector_load %arg5[%parallel_loop3A_398] {strides = array<i32>} : memref<65536xf32, #tpu.memory_space<vmem>>, vector<16xf32>,
      %parallel_loop3A_400 = arith.constant 32 : i32
      %parallel_loop3A_401 = arith.addi %parallel_loop3A_379, %parallel_loop3A_400 : i32
      %parallel_loop3A_402 = arith.index_cast %parallel_loop3A_401 : i32 to index
      %parallel_loop3A_403 = tpu.vector_load %arg7[%parallel_loop3A_402] {strides = array<i32>} : memref<32768xf32, #tpu.memory_space<vmem>>, vector<16xf32>,
      tpu.vector_store %arg7[%parallel_loop3A_402], %parallel_loop3A_399 {strides = array<i32>} : memref<32768xf32, #tpu.memory_space<vmem>>, vector<16xf32>,
      %parallel_loop3A_404 = arith.constant 48 : i32
      %parallel_loop3A_405 = arith.addi %parallel_loop3A_375, %parallel_loop3A_404 : i32
      %parallel_loop3A_406 = arith.index_cast %parallel_loop3A_405 : i32 to index
      %parallel_loop3A_407 = tpu.vector_load %arg5[%parallel_loop3A_406] {strides = array<i32>} : memref<65536xf32, #tpu.memory_space<vmem>>, vector<16xf32>,
      %parallel_loop3A_408 = arith.constant 48 : i32
      %parallel_loop3A_409 = arith.addi %parallel_loop3A_379, %parallel_loop3A_408 : i32
      %parallel_loop3A_410 = arith.index_cast %parallel_loop3A_409 : i32 to index
      %parallel_loop3A_411 = tpu.vector_load %arg7[%parallel_loop3A_410] {strides = array<i32>} : memref<32768xf32, #tpu.memory_space<vmem>>, vector<16xf32>,
      tpu.vector_store %arg7[%parallel_loop3A_410], %parallel_loop3A_407 {strides = array<i32>} : memref<32768xf32, #tpu.memory_space<vmem>>, vector<16xf32>,
      %parallel_loop3A_412 = vector.extract_strided_slice %parallel_loop3A_31 {offsets = [10], sizes = [1], strides = [1]} : vector<16xi32> to vector<1xi32>
      %parallel_loop3A_413 = vector.extract %parallel_loop3A_412[0] : i32 from vector<1xi32>
      %parallel_loop3A_414 = arith.constant 10 : i32
      %parallel_loop3A_415 = arith.addi %parallel_loop3A_26, %parallel_loop3A_414 : i32
      %parallel_loop3A_416 = arith.constant 64 : i32
      %parallel_loop3A_417 = arith.muli %parallel_loop3A_415, %parallel_loop3A_416 : i32
      %parallel_loop3A_418 = arith.constant 0 : i32
      %parallel_loop3A_419 = arith.addi %parallel_loop3A_413, %parallel_loop3A_418 : i32
      %parallel_loop3A_420 = arith.index_cast %parallel_loop3A_419 : i32 to index
      %parallel_loop3A_421 = tpu.vector_load %arg5[%parallel_loop3A_420] {strides = array<i32>} : memref<65536xf32, #tpu.memory_space<vmem>>, vector<16xf32>,
      %parallel_loop3A_422 = arith.constant 0 : i32
      %parallel_loop3A_423 = arith.addi %parallel_loop3A_417, %parallel_loop3A_422 : i32
      %parallel_loop3A_424 = arith.index_cast %parallel_loop3A_423 : i32 to index
      %parallel_loop3A_425 = tpu.vector_load %arg7[%parallel_loop3A_424] {strides = array<i32>} : memref<32768xf32, #tpu.memory_space<vmem>>, vector<16xf32>,
      tpu.vector_store %arg7[%parallel_loop3A_424], %parallel_loop3A_421 {strides = array<i32>} : memref<32768xf32, #tpu.memory_space<vmem>>, vector<16xf32>,
      %parallel_loop3A_426 = arith.constant 16 : i32
      %parallel_loop3A_427 = arith.addi %parallel_loop3A_413, %parallel_loop3A_426 : i32
      %parallel_loop3A_428 = arith.index_cast %parallel_loop3A_427 : i32 to index
      %parallel_loop3A_429 = tpu.vector_load %arg5[%parallel_loop3A_428] {strides = array<i32>} : memref<65536xf32, #tpu.memory_space<vmem>>, vector<16xf32>,
      %parallel_loop3A_430 = arith.constant 16 : i32
      %parallel_loop3A_431 = arith.addi %parallel_loop3A_417, %parallel_loop3A_430 : i32
      %parallel_loop3A_432 = arith.index_cast %parallel_loop3A_431 : i32 to index
      %parallel_loop3A_433 = tpu.vector_load %arg7[%parallel_loop3A_432] {strides = array<i32>} : memref<32768xf32, #tpu.memory_space<vmem>>, vector<16xf32>,
      tpu.vector_store %arg7[%parallel_loop3A_432], %parallel_loop3A_429 {strides = array<i32>} : memref<32768xf32, #tpu.memory_space<vmem>>, vector<16xf32>,
      %parallel_loop3A_434 = arith.constant 32 : i32
      %parallel_loop3A_435 = arith.addi %parallel_loop3A_413, %parallel_loop3A_434 : i32
      %parallel_loop3A_436 = arith.index_cast %parallel_loop3A_435 : i32 to index
      %parallel_loop3A_437 = tpu.vector_load %arg5[%parallel_loop3A_436] {strides = array<i32>} : memref<65536xf32, #tpu.memory_space<vmem>>, vector<16xf32>,
      %parallel_loop3A_438 = arith.constant 32 : i32
      %parallel_loop3A_439 = arith.addi %parallel_loop3A_417, %parallel_loop3A_438 : i32
      %parallel_loop3A_440 = arith.index_cast %parallel_loop3A_439 : i32 to index
      %parallel_loop3A_441 = tpu.vector_load %arg7[%parallel_loop3A_440] {strides = array<i32>} : memref<32768xf32, #tpu.memory_space<vmem>>, vector<16xf32>,
      tpu.vector_store %arg7[%parallel_loop3A_440], %parallel_loop3A_437 {strides = array<i32>} : memref<32768xf32, #tpu.memory_space<vmem>>, vector<16xf32>,
      %parallel_loop3A_442 = arith.constant 48 : i32
      %parallel_loop3A_443 = arith.addi %parallel_loop3A_413, %parallel_loop3A_442 : i32
      %parallel_loop3A_444 = arith.index_cast %parallel_loop3A_443 : i32 to index
      %parallel_loop3A_445 = tpu.vector_load %arg5[%parallel_loop3A_444] {strides = array<i32>} : memref<65536xf32, #tpu.memory_space<vmem>>, vector<16xf32>,
      %parallel_loop3A_446 = arith.constant 48 : i32
      %parallel_loop3A_447 = arith.addi %parallel_loop3A_417, %parallel_loop3A_446 : i32
      %parallel_loop3A_448 = arith.index_cast %parallel_loop3A_447 : i32 to index
      %parallel_loop3A_449 = tpu.vector_load %arg7[%parallel_loop3A_448] {strides = array<i32>} : memref<32768xf32, #tpu.memory_space<vmem>>, vector<16xf32>,
      tpu.vector_store %arg7[%parallel_loop3A_448], %parallel_loop3A_445 {strides = array<i32>} : memref<32768xf32, #tpu.memory_space<vmem>>, vector<16xf32>,
      %parallel_loop3A_450 = vector.extract_strided_slice %parallel_loop3A_31 {offsets = [11], sizes = [1], strides = [1]} : vector<16xi32> to vector<1xi32>
      %parallel_loop3A_451 = vector.extract %parallel_loop3A_450[0] : i32 from vector<1xi32>
      %parallel_loop3A_452 = arith.constant 11 : i32
      %parallel_loop3A_453 = arith.addi %parallel_loop3A_26, %parallel_loop3A_452 : i32
      %parallel_loop3A_454 = arith.constant 64 : i32
      %parallel_loop3A_455 = arith.muli %parallel_loop3A_453, %parallel_loop3A_454 : i32
      %parallel_loop3A_456 = arith.constant 0 : i32
      %parallel_loop3A_457 = arith.addi %parallel_loop3A_451, %parallel_loop3A_456 : i32
      %parallel_loop3A_458 = arith.index_cast %parallel_loop3A_457 : i32 to index
      %parallel_loop3A_459 = tpu.vector_load %arg5[%parallel_loop3A_458] {strides = array<i32>} : memref<65536xf32, #tpu.memory_space<vmem>>, vector<16xf32>,
      %parallel_loop3A_460 = arith.constant 0 : i32
      %parallel_loop3A_461 = arith.addi %parallel_loop3A_455, %parallel_loop3A_460 : i32
      %parallel_loop3A_462 = arith.index_cast %parallel_loop3A_461 : i32 to index
      %parallel_loop3A_463 = tpu.vector_load %arg7[%parallel_loop3A_462] {strides = array<i32>} : memref<32768xf32, #tpu.memory_space<vmem>>, vector<16xf32>,
      tpu.vector_store %arg7[%parallel_loop3A_462], %parallel_loop3A_459 {strides = array<i32>} : memref<32768xf32, #tpu.memory_space<vmem>>, vector<16xf32>,
      %parallel_loop3A_464 = arith.constant 16 : i32
      %parallel_loop3A_465 = arith.addi %parallel_loop3A_451, %parallel_loop3A_464 : i32
      %parallel_loop3A_466 = arith.index_cast %parallel_loop3A_465 : i32 to index
      %parallel_loop3A_467 = tpu.vector_load %arg5[%parallel_loop3A_466] {strides = array<i32>} : memref<65536xf32, #tpu.memory_space<vmem>>, vector<16xf32>,
      %parallel_loop3A_468 = arith.constant 16 : i32
      %parallel_loop3A_469 = arith.addi %parallel_loop3A_455, %parallel_loop3A_468 : i32
      %parallel_loop3A_470 = arith.index_cast %parallel_loop3A_469 : i32 to index
      %parallel_loop3A_471 = tpu.vector_load %arg7[%parallel_loop3A_470] {strides = array<i32>} : memref<32768xf32, #tpu.memory_space<vmem>>, vector<16xf32>,
      tpu.vector_store %arg7[%parallel_loop3A_470], %parallel_loop3A_467 {strides = array<i32>} : memref<32768xf32, #tpu.memory_space<vmem>>, vector<16xf32>,
      %parallel_loop3A_472 = arith.constant 32 : i32
      %parallel_loop3A_473 = arith.addi %parallel_loop3A_451, %parallel_loop3A_472 : i32
      %parallel_loop3A_474 = arith.index_cast %parallel_loop3A_473 : i32 to index
      %parallel_loop3A_475 = tpu.vector_load %arg5[%parallel_loop3A_474] {strides = array<i32>} : memref<65536xf32, #tpu.memory_space<vmem>>, vector<16xf32>,
      %parallel_loop3A_476 = arith.constant 32 : i32
      %parallel_loop3A_477 = arith.addi %parallel_loop3A_455, %parallel_loop3A_476 : i32
      %parallel_loop3A_478 = arith.index_cast %parallel_loop3A_477 : i32 to index
      %parallel_loop3A_479 = tpu.vector_load %arg7[%parallel_loop3A_478] {strides = array<i32>} : memref<32768xf32, #tpu.memory_space<vmem>>, vector<16xf32>,
      tpu.vector_store %arg7[%parallel_loop3A_478], %parallel_loop3A_475 {strides = array<i32>} : memref<32768xf32, #tpu.memory_space<vmem>>, vector<16xf32>,
      %parallel_loop3A_480 = arith.constant 48 : i32
      %parallel_loop3A_481 = arith.addi %parallel_loop3A_451, %parallel_loop3A_480 : i32
      %parallel_loop3A_482 = arith.index_cast %parallel_loop3A_481 : i32 to index
      %parallel_loop3A_483 = tpu.vector_load %arg5[%parallel_loop3A_482] {strides = array<i32>} : memref<65536xf32, #tpu.memory_space<vmem>>, vector<16xf32>,
      %parallel_loop3A_484 = arith.constant 48 : i32
      %parallel_loop3A_485 = arith.addi %parallel_loop3A_455, %parallel_loop3A_484 : i32
      %parallel_loop3A_486 = arith.index_cast %parallel_loop3A_485 : i32 to index
      %parallel_loop3A_487 = tpu.vector_load %arg7[%parallel_loop3A_486] {strides = array<i32>} : memref<32768xf32, #tpu.memory_space<vmem>>, vector<16xf32>,
      tpu.vector_store %arg7[%parallel_loop3A_486], %parallel_loop3A_483 {strides = array<i32>} : memref<32768xf32, #tpu.memory_space<vmem>>, vector<16xf32>,
      %parallel_loop3A_488 = vector.extract_strided_slice %parallel_loop3A_31 {offsets = [12], sizes = [1], strides = [1]} : vector<16xi32> to vector<1xi32>
      %parallel_loop3A_489 = vector.extract %parallel_loop3A_488[0] : i32 from vector<1xi32>
      %parallel_loop3A_490 = arith.constant 12 : i32
      %parallel_loop3A_491 = arith.addi %parallel_loop3A_26, %parallel_loop3A_490 : i32
      %parallel_loop3A_492 = arith.constant 64 : i32
      %parallel_loop3A_493 = arith.muli %parallel_loop3A_491, %parallel_loop3A_492 : i32
      %parallel_loop3A_494 = arith.constant 0 : i32
      %parallel_loop3A_495 = arith.addi %parallel_loop3A_489, %parallel_loop3A_494 : i32
      %parallel_loop3A_496 = arith.index_cast %parallel_loop3A_495 : i32 to index
      %parallel_loop3A_497 = tpu.vector_load %arg5[%parallel_loop3A_496] {strides = array<i32>} : memref<65536xf32, #tpu.memory_space<vmem>>, vector<16xf32>,
      %parallel_loop3A_498 = arith.constant 0 : i32
      %parallel_loop3A_499 = arith.addi %parallel_loop3A_493, %parallel_loop3A_498 : i32
      %parallel_loop3A_500 = arith.index_cast %parallel_loop3A_499 : i32 to index
      %parallel_loop3A_501 = tpu.vector_load %arg7[%parallel_loop3A_500] {strides = array<i32>} : memref<32768xf32, #tpu.memory_space<vmem>>, vector<16xf32>,
      tpu.vector_store %arg7[%parallel_loop3A_500], %parallel_loop3A_497 {strides = array<i32>} : memref<32768xf32, #tpu.memory_space<vmem>>, vector<16xf32>,
      %parallel_loop3A_502 = arith.constant 16 : i32
      %parallel_loop3A_503 = arith.addi %parallel_loop3A_489, %parallel_loop3A_502 : i32
      %parallel_loop3A_504 = arith.index_cast %parallel_loop3A_503 : i32 to index
      %parallel_loop3A_505 = tpu.vector_load %arg5[%parallel_loop3A_504] {strides = array<i32>} : memref<65536xf32, #tpu.memory_space<vmem>>, vector<16xf32>,
      %parallel_loop3A_506 = arith.constant 16 : i32
      %parallel_loop3A_507 = arith.addi %parallel_loop3A_493, %parallel_loop3A_506 : i32
      %parallel_loop3A_508 = arith.index_cast %parallel_loop3A_507 : i32 to index
      %parallel_loop3A_509 = tpu.vector_load %arg7[%parallel_loop3A_508] {strides = array<i32>} : memref<32768xf32, #tpu.memory_space<vmem>>, vector<16xf32>,
      tpu.vector_store %arg7[%parallel_loop3A_508], %parallel_loop3A_505 {strides = array<i32>} : memref<32768xf32, #tpu.memory_space<vmem>>, vector<16xf32>,
      %parallel_loop3A_510 = arith.constant 32 : i32
      %parallel_loop3A_511 = arith.addi %parallel_loop3A_489, %parallel_loop3A_510 : i32
      %parallel_loop3A_512 = arith.index_cast %parallel_loop3A_511 : i32 to index
      %parallel_loop3A_513 = tpu.vector_load %arg5[%parallel_loop3A_512] {strides = array<i32>} : memref<65536xf32, #tpu.memory_space<vmem>>, vector<16xf32>,
      %parallel_loop3A_514 = arith.constant 32 : i32
      %parallel_loop3A_515 = arith.addi %parallel_loop3A_493, %parallel_loop3A_514 : i32
      %parallel_loop3A_516 = arith.index_cast %parallel_loop3A_515 : i32 to index
      %parallel_loop3A_517 = tpu.vector_load %arg7[%parallel_loop3A_516] {strides = array<i32>} : memref<32768xf32, #tpu.memory_space<vmem>>, vector<16xf32>,
      tpu.vector_store %arg7[%parallel_loop3A_516], %parallel_loop3A_513 {strides = array<i32>} : memref<32768xf32, #tpu.memory_space<vmem>>, vector<16xf32>,
      %parallel_loop3A_518 = arith.constant 48 : i32
      %parallel_loop3A_519 = arith.addi %parallel_loop3A_489, %parallel_loop3A_518 : i32
      %parallel_loop3A_520 = arith.index_cast %parallel_loop3A_519 : i32 to index
      %parallel_loop3A_521 = tpu.vector_load %arg5[%parallel_loop3A_520] {strides = array<i32>} : memref<65536xf32, #tpu.memory_space<vmem>>, vector<16xf32>,
      %parallel_loop3A_522 = arith.constant 48 : i32
      %parallel_loop3A_523 = arith.addi %parallel_loop3A_493, %parallel_loop3A_522 : i32
      %parallel_loop3A_524 = arith.index_cast %parallel_loop3A_523 : i32 to index
      %parallel_loop3A_525 = tpu.vector_load %arg7[%parallel_loop3A_524] {strides = array<i32>} : memref<32768xf32, #tpu.memory_space<vmem>>, vector<16xf32>,
      tpu.vector_store %arg7[%parallel_loop3A_524], %parallel_loop3A_521 {strides = array<i32>} : memref<32768xf32, #tpu.memory_space<vmem>>, vector<16xf32>,
      %parallel_loop3A_526 = vector.extract_strided_slice %parallel_loop3A_31 {offsets = [13], sizes = [1], strides = [1]} : vector<16xi32> to vector<1xi32>
      %parallel_loop3A_527 = vector.extract %parallel_loop3A_526[0] : i32 from vector<1xi32>
      %parallel_loop3A_528 = arith.constant 13 : i32
      %parallel_loop3A_529 = arith.addi %parallel_loop3A_26, %parallel_loop3A_528 : i32
      %parallel_loop3A_530 = arith.constant 64 : i32
      %parallel_loop3A_531 = arith.muli %parallel_loop3A_529, %parallel_loop3A_530 : i32
      %parallel_loop3A_532 = arith.constant 0 : i32
      %parallel_loop3A_533 = arith.addi %parallel_loop3A_527, %parallel_loop3A_532 : i32
      %parallel_loop3A_534 = arith.index_cast %parallel_loop3A_533 : i32 to index
      %parallel_loop3A_535 = tpu.vector_load %arg5[%parallel_loop3A_534] {strides = array<i32>} : memref<65536xf32, #tpu.memory_space<vmem>>, vector<16xf32>,
      %parallel_loop3A_536 = arith.constant 0 : i32
      %parallel_loop3A_537 = arith.addi %parallel_loop3A_531, %parallel_loop3A_536 : i32
      %parallel_loop3A_538 = arith.index_cast %parallel_loop3A_537 : i32 to index
      %parallel_loop3A_539 = tpu.vector_load %arg7[%parallel_loop3A_538] {strides = array<i32>} : memref<32768xf32, #tpu.memory_space<vmem>>, vector<16xf32>,
      tpu.vector_store %arg7[%parallel_loop3A_538], %parallel_loop3A_535 {strides = array<i32>} : memref<32768xf32, #tpu.memory_space<vmem>>, vector<16xf32>,
      %parallel_loop3A_540 = arith.constant 16 : i32
      %parallel_loop3A_541 = arith.addi %parallel_loop3A_527, %parallel_loop3A_540 : i32
      %parallel_loop3A_542 = arith.index_cast %parallel_loop3A_541 : i32 to index
      %parallel_loop3A_543 = tpu.vector_load %arg5[%parallel_loop3A_542] {strides = array<i32>} : memref<65536xf32, #tpu.memory_space<vmem>>, vector<16xf32>,
      %parallel_loop3A_544 = arith.constant 16 : i32
      %parallel_loop3A_545 = arith.addi %parallel_loop3A_531, %parallel_loop3A_544 : i32
      %parallel_loop3A_546 = arith.index_cast %parallel_loop3A_545 : i32 to index
      %parallel_loop3A_547 = tpu.vector_load %arg7[%parallel_loop3A_546] {strides = array<i32>} : memref<32768xf32, #tpu.memory_space<vmem>>, vector<16xf32>,
      tpu.vector_store %arg7[%parallel_loop3A_546], %parallel_loop3A_543 {strides = array<i32>} : memref<32768xf32, #tpu.memory_space<vmem>>, vector<16xf32>,
      %parallel_loop3A_548 = arith.constant 32 : i32
      %parallel_loop3A_549 = arith.addi %parallel_loop3A_527, %parallel_loop3A_548 : i32
      %parallel_loop3A_550 = arith.index_cast %parallel_loop3A_549 : i32 to index
      %parallel_loop3A_551 = tpu.vector_load %arg5[%parallel_loop3A_550] {strides = array<i32>} : memref<65536xf32, #tpu.memory_space<vmem>>, vector<16xf32>,
      %parallel_loop3A_552 = arith.constant 32 : i32
      %parallel_loop3A_553 = arith.addi %parallel_loop3A_531, %parallel_loop3A_552 : i32
      %parallel_loop3A_554 = arith.index_cast %parallel_loop3A_553 : i32 to index
      %parallel_loop3A_555 = tpu.vector_load %arg7[%parallel_loop3A_554] {strides = array<i32>} : memref<32768xf32, #tpu.memory_space<vmem>>, vector<16xf32>,
      tpu.vector_store %arg7[%parallel_loop3A_554], %parallel_loop3A_551 {strides = array<i32>} : memref<32768xf32, #tpu.memory_space<vmem>>, vector<16xf32>,
      %parallel_loop3A_556 = arith.constant 48 : i32
      %parallel_loop3A_557 = arith.addi %parallel_loop3A_527, %parallel_loop3A_556 : i32
      %parallel_loop3A_558 = arith.index_cast %parallel_loop3A_557 : i32 to index
      %parallel_loop3A_559 = tpu.vector_load %arg5[%parallel_loop3A_558] {strides = array<i32>} : memref<65536xf32, #tpu.memory_space<vmem>>, vector<16xf32>,
      %parallel_loop3A_560 = arith.constant 48 : i32
      %parallel_loop3A_561 = arith.addi %parallel_loop3A_531, %parallel_loop3A_560 : i32
      %parallel_loop3A_562 = arith.index_cast %parallel_loop3A_561 : i32 to index
      %parallel_loop3A_563 = tpu.vector_load %arg7[%parallel_loop3A_562] {strides = array<i32>} : memref<32768xf32, #tpu.memory_space<vmem>>, vector<16xf32>,
      tpu.vector_store %arg7[%parallel_loop3A_562], %parallel_loop3A_559 {strides = array<i32>} : memref<32768xf32, #tpu.memory_space<vmem>>, vector<16xf32>,
      %parallel_loop3A_564 = vector.extract_strided_slice %parallel_loop3A_31 {offsets = [14], sizes = [1], strides = [1]} : vector<16xi32> to vector<1xi32>
      %parallel_loop3A_565 = vector.extract %parallel_loop3A_564[0] : i32 from vector<1xi32>
      %parallel_loop3A_566 = arith.constant 14 : i32
      %parallel_loop3A_567 = arith.addi %parallel_loop3A_26, %parallel_loop3A_566 : i32
      %parallel_loop3A_568 = arith.constant 64 : i32
      %parallel_loop3A_569 = arith.muli %parallel_loop3A_567, %parallel_loop3A_568 : i32
      %parallel_loop3A_570 = arith.constant 0 : i32
      %parallel_loop3A_571 = arith.addi %parallel_loop3A_565, %parallel_loop3A_570 : i32
      %parallel_loop3A_572 = arith.index_cast %parallel_loop3A_571 : i32 to index
      %parallel_loop3A_573 = tpu.vector_load %arg5[%parallel_loop3A_572] {strides = array<i32>} : memref<65536xf32, #tpu.memory_space<vmem>>, vector<16xf32>,
      %parallel_loop3A_574 = arith.constant 0 : i32
      %parallel_loop3A_575 = arith.addi %parallel_loop3A_569, %parallel_loop3A_574 : i32
      %parallel_loop3A_576 = arith.index_cast %parallel_loop3A_575 : i32 to index
      %parallel_loop3A_577 = tpu.vector_load %arg7[%parallel_loop3A_576] {strides = array<i32>} : memref<32768xf32, #tpu.memory_space<vmem>>, vector<16xf32>,
      tpu.vector_store %arg7[%parallel_loop3A_576], %parallel_loop3A_573 {strides = array<i32>} : memref<32768xf32, #tpu.memory_space<vmem>>, vector<16xf32>,
      %parallel_loop3A_578 = arith.constant 16 : i32
      %parallel_loop3A_579 = arith.addi %parallel_loop3A_565, %parallel_loop3A_578 : i32
      %parallel_loop3A_580 = arith.index_cast %parallel_loop3A_579 : i32 to index
      %parallel_loop3A_581 = tpu.vector_load %arg5[%parallel_loop3A_580] {strides = array<i32>} : memref<65536xf32, #tpu.memory_space<vmem>>, vector<16xf32>,
      %parallel_loop3A_582 = arith.constant 16 : i32
      %parallel_loop3A_583 = arith.addi %parallel_loop3A_569, %parallel_loop3A_582 : i32
      %parallel_loop3A_584 = arith.index_cast %parallel_loop3A_583 : i32 to index
      %parallel_loop3A_585 = tpu.vector_load %arg7[%parallel_loop3A_584] {strides = array<i32>} : memref<32768xf32, #tpu.memory_space<vmem>>, vector<16xf32>,
      tpu.vector_store %arg7[%parallel_loop3A_584], %parallel_loop3A_581 {strides = array<i32>} : memref<32768xf32, #tpu.memory_space<vmem>>, vector<16xf32>,
      %parallel_loop3A_586 = arith.constant 32 : i32
      %parallel_loop3A_587 = arith.addi %parallel_loop3A_565, %parallel_loop3A_586 : i32
      %parallel_loop3A_588 = arith.index_cast %parallel_loop3A_587 : i32 to index
      %parallel_loop3A_589 = tpu.vector_load %arg5[%parallel_loop3A_588] {strides = array<i32>} : memref<65536xf32, #tpu.memory_space<vmem>>, vector<16xf32>,
      %parallel_loop3A_590 = arith.constant 32 : i32
      %parallel_loop3A_591 = arith.addi %parallel_loop3A_569, %parallel_loop3A_590 : i32
      %parallel_loop3A_592 = arith.index_cast %parallel_loop3A_591 : i32 to index
      %parallel_loop3A_593 = tpu.vector_load %arg7[%parallel_loop3A_592] {strides = array<i32>} : memref<32768xf32, #tpu.memory_space<vmem>>, vector<16xf32>,
      tpu.vector_store %arg7[%parallel_loop3A_592], %parallel_loop3A_589 {strides = array<i32>} : memref<32768xf32, #tpu.memory_space<vmem>>, vector<16xf32>,
      %parallel_loop3A_594 = arith.constant 48 : i32
      %parallel_loop3A_595 = arith.addi %parallel_loop3A_565, %parallel_loop3A_594 : i32
      %parallel_loop3A_596 = arith.index_cast %parallel_loop3A_595 : i32 to index
      %parallel_loop3A_597 = tpu.vector_load %arg5[%parallel_loop3A_596] {strides = array<i32>} : memref<65536xf32, #tpu.memory_space<vmem>>, vector<16xf32>,
      %parallel_loop3A_598 = arith.constant 48 : i32
      %parallel_loop3A_599 = arith.addi %parallel_loop3A_569, %parallel_loop3A_598 : i32
      %parallel_loop3A_600 = arith.index_cast %parallel_loop3A_599 : i32 to index
      %parallel_loop3A_601 = tpu.vector_load %arg7[%parallel_loop3A_600] {strides = array<i32>} : memref<32768xf32, #tpu.memory_space<vmem>>, vector<16xf32>,
      tpu.vector_store %arg7[%parallel_loop3A_600], %parallel_loop3A_597 {strides = array<i32>} : memref<32768xf32, #tpu.memory_space<vmem>>, vector<16xf32>,
      %parallel_loop3A_602 = vector.extract_strided_slice %parallel_loop3A_31 {offsets = [15], sizes = [1], strides = [1]} : vector<16xi32> to vector<1xi32>
      %parallel_loop3A_603 = vector.extract %parallel_loop3A_602[0] : i32 from vector<1xi32>
      %parallel_loop3A_604 = arith.constant 15 : i32
      %parallel_loop3A_605 = arith.addi %parallel_loop3A_26, %parallel_loop3A_604 : i32
      %parallel_loop3A_606 = arith.constant 64 : i32
      %parallel_loop3A_607 = arith.muli %parallel_loop3A_605, %parallel_loop3A_606 : i32
      %parallel_loop3A_608 = arith.constant 0 : i32
      %parallel_loop3A_609 = arith.addi %parallel_loop3A_603, %parallel_loop3A_608 : i32
      %parallel_loop3A_610 = arith.index_cast %parallel_loop3A_609 : i32 to index
      %parallel_loop3A_611 = tpu.vector_load %arg5[%parallel_loop3A_610] {strides = array<i32>} : memref<65536xf32, #tpu.memory_space<vmem>>, vector<16xf32>,
      %parallel_loop3A_612 = arith.constant 0 : i32
      %parallel_loop3A_613 = arith.addi %parallel_loop3A_607, %parallel_loop3A_612 : i32
      %parallel_loop3A_614 = arith.index_cast %parallel_loop3A_613 : i32 to index
      %parallel_loop3A_615 = tpu.vector_load %arg7[%parallel_loop3A_614] {strides = array<i32>} : memref<32768xf32, #tpu.memory_space<vmem>>, vector<16xf32>,
      tpu.vector_store %arg7[%parallel_loop3A_614], %parallel_loop3A_611 {strides = array<i32>} : memref<32768xf32, #tpu.memory_space<vmem>>, vector<16xf32>,
      %parallel_loop3A_616 = arith.constant 16 : i32
      %parallel_loop3A_617 = arith.addi %parallel_loop3A_603, %parallel_loop3A_616 : i32
      %parallel_loop3A_618 = arith.index_cast %parallel_loop3A_617 : i32 to index
      %parallel_loop3A_619 = tpu.vector_load %arg5[%parallel_loop3A_618] {strides = array<i32>} : memref<65536xf32, #tpu.memory_space<vmem>>, vector<16xf32>,
      %parallel_loop3A_620 = arith.constant 16 : i32
      %parallel_loop3A_621 = arith.addi %parallel_loop3A_607, %parallel_loop3A_620 : i32
      %parallel_loop3A_622 = arith.index_cast %parallel_loop3A_621 : i32 to index
      %parallel_loop3A_623 = tpu.vector_load %arg7[%parallel_loop3A_622] {strides = array<i32>} : memref<32768xf32, #tpu.memory_space<vmem>>, vector<16xf32>,
      tpu.vector_store %arg7[%parallel_loop3A_622], %parallel_loop3A_619 {strides = array<i32>} : memref<32768xf32, #tpu.memory_space<vmem>>, vector<16xf32>,
      %parallel_loop3A_624 = arith.constant 32 : i32
      %parallel_loop3A_625 = arith.addi %parallel_loop3A_603, %parallel_loop3A_624 : i32
      %parallel_loop3A_626 = arith.index_cast %parallel_loop3A_625 : i32 to index
      %parallel_loop3A_627 = tpu.vector_load %arg5[%parallel_loop3A_626] {strides = array<i32>} : memref<65536xf32, #tpu.memory_space<vmem>>, vector<16xf32>,
      %parallel_loop3A_628 = arith.constant 32 : i32
      %parallel_loop3A_629 = arith.addi %parallel_loop3A_607, %parallel_loop3A_628 : i32
      %parallel_loop3A_630 = arith.index_cast %parallel_loop3A_629 : i32 to index
      %parallel_loop3A_631 = tpu.vector_load %arg7[%parallel_loop3A_630] {strides = array<i32>} : memref<32768xf32, #tpu.memory_space<vmem>>, vector<16xf32>,
      tpu.vector_store %arg7[%parallel_loop3A_630], %parallel_loop3A_627 {strides = array<i32>} : memref<32768xf32, #tpu.memory_space<vmem>>, vector<16xf32>,
      %parallel_loop3A_632 = arith.constant 48 : i32
      %parallel_loop3A_633 = arith.addi %parallel_loop3A_603, %parallel_loop3A_632 : i32
      %parallel_loop3A_634 = arith.index_cast %parallel_loop3A_633 : i32 to index
      %parallel_loop3A_635 = tpu.vector_load %arg5[%parallel_loop3A_634] {strides = array<i32>} : memref<65536xf32, #tpu.memory_space<vmem>>, vector<16xf32>,
      %parallel_loop3A_636 = arith.constant 48 : i32
      %parallel_loop3A_637 = arith.addi %parallel_loop3A_607, %parallel_loop3A_636 : i32
      %parallel_loop3A_638 = arith.index_cast %parallel_loop3A_637 : i32 to index
      %parallel_loop3A_639 = tpu.vector_load %arg7[%parallel_loop3A_638] {strides = array<i32>} : memref<32768xf32, #tpu.memory_space<vmem>>, vector<16xf32>,
      tpu.vector_store %arg7[%parallel_loop3A_638], %parallel_loop3A_635 {strides = array<i32>} : memref<32768xf32, #tpu.memory_space<vmem>>, vector<16xf32>,
    } {sc.loop_unroll_factor = 2 : i64, sc.parallel_access}
    %mul3A_5 = arith.constant 64 : i32
    %mul3A_6 = arith.muli %mul3A_2, %mul3A_5 : i32
    %dma_start3A = arith.constant 0 : i32
    %dma_start3A_7 = tpu.memref_slice %arg7[%dma_start3A] : memref<32768xf32, #tpu.memory_space<vmem>> -> memref<16384xf32, #tpu.memory_space<vmem>>
    %dma_start3A_8 = tpu.memref_slice %arg4[%mul3A_6] : memref<1048576xf32, #tpu.memory_space<hbm>> -> memref<16384xf32, #tpu.memory_space<hbm>>
    %dma_start3A_9 = tpu.memref_slice %arg4[%mul3A_6] : memref<1048576xf32, #tpu.memory_space<hbm>> -> memref<16384xf32, #tpu.memory_space<hbm>>
    %dma_start3A_10 = arith.constant 0 : i32
    %dma_start3A_11 = tpu.memref_slice %arg7[%dma_start3A_10] : memref<32768xf32, #tpu.memory_space<vmem>> -> memref<16384xf32, #tpu.memory_space<vmem>>
    tpu.enqueue_dma source(%dma_start3A_11 : memref<16384xf32, #tpu.memory_space<vmem>>) target(%dma_start3A_9 : memref<16384xf32, #tpu.memory_space<hbm>>) target_semaphore(%arg9 : memref<!tpu.dma_semaphore, #tpu.memory_space<semaphore_mem>>)
    %parallel_loop3A_12 = arith.constant 16 : i32
    %parallel_loop3A_13 = arith.constant 32 : i32
    %parallel_loop3A_14 = arith.constant 1 : i32
    scf.for %parallel_loop3A_24 = %parallel_loop3A_12 to %parallel_loop3A_13 step %parallel_loop3A_14  : i32 {
      %parallel_loop3A_25 = arith.constant 16 : i32
      %parallel_loop3A_26 = arith.muli %parallel_loop3A_24, %parallel_loop3A_25 : i32
      %parallel_loop3A_27 = arith.index_cast %parallel_loop3A_26 : i32 to index
      %parallel_loop3A_28 = tpu.vector_load %arg6[%parallel_loop3A_27] {strides = array<i32>} : memref<512xi32, #tpu.memory_space<vmem>>, vector<16xi32>,
      %parallel_loop3A_29 = arith.constant 64 : i32
      %parallel_loop3A_30 = vector.broadcast %parallel_loop3A_29 : i32 to vector<16xi32>
      %parallel_loop3A_31 = arith.muli %parallel_loop3A_28, %parallel_loop3A_30 : vector<16xi32>
      %parallel_loop3A_32 = vector.extract_strided_slice %parallel_loop3A_31 {offsets = [0], sizes = [1], strides = [1]} : vector<16xi32> to vector<1xi32>
      %parallel_loop3A_33 = vector.extract %parallel_loop3A_32[0] : i32 from vector<1xi32>
      %parallel_loop3A_34 = arith.constant 0 : i32
      %parallel_loop3A_35 = arith.addi %parallel_loop3A_26, %parallel_loop3A_34 : i32
      %parallel_loop3A_36 = arith.constant 64 : i32
      %parallel_loop3A_37 = arith.muli %parallel_loop3A_35, %parallel_loop3A_36 : i32
      %parallel_loop3A_38 = arith.constant 0 : i32
      %parallel_loop3A_39 = arith.addi %parallel_loop3A_33, %parallel_loop3A_38 : i32
      %parallel_loop3A_40 = arith.index_cast %parallel_loop3A_39 : i32 to index
      %parallel_loop3A_41 = tpu.vector_load %arg5[%parallel_loop3A_40] {strides = array<i32>} : memref<65536xf32, #tpu.memory_space<vmem>>, vector<16xf32>,
      %parallel_loop3A_42 = arith.constant 0 : i32
      %parallel_loop3A_43 = arith.addi %parallel_loop3A_37, %parallel_loop3A_42 : i32
      %parallel_loop3A_44 = arith.index_cast %parallel_loop3A_43 : i32 to index
      %parallel_loop3A_45 = tpu.vector_load %arg7[%parallel_loop3A_44] {strides = array<i32>} : memref<32768xf32, #tpu.memory_space<vmem>>, vector<16xf32>,
      tpu.vector_store %arg7[%parallel_loop3A_44], %parallel_loop3A_41 {strides = array<i32>} : memref<32768xf32, #tpu.memory_space<vmem>>, vector<16xf32>,
      %parallel_loop3A_46 = arith.constant 16 : i32
      %parallel_loop3A_47 = arith.addi %parallel_loop3A_33, %parallel_loop3A_46 : i32
      %parallel_loop3A_48 = arith.index_cast %parallel_loop3A_47 : i32 to index
      %parallel_loop3A_49 = tpu.vector_load %arg5[%parallel_loop3A_48] {strides = array<i32>} : memref<65536xf32, #tpu.memory_space<vmem>>, vector<16xf32>,
      %parallel_loop3A_50 = arith.constant 16 : i32
      %parallel_loop3A_51 = arith.addi %parallel_loop3A_37, %parallel_loop3A_50 : i32
      %parallel_loop3A_52 = arith.index_cast %parallel_loop3A_51 : i32 to index
      %parallel_loop3A_53 = tpu.vector_load %arg7[%parallel_loop3A_52] {strides = array<i32>} : memref<32768xf32, #tpu.memory_space<vmem>>, vector<16xf32>,
      tpu.vector_store %arg7[%parallel_loop3A_52], %parallel_loop3A_49 {strides = array<i32>} : memref<32768xf32, #tpu.memory_space<vmem>>, vector<16xf32>,
      %parallel_loop3A_54 = arith.constant 32 : i32
      %parallel_loop3A_55 = arith.addi %parallel_loop3A_33, %parallel_loop3A_54 : i32
      %parallel_loop3A_56 = arith.index_cast %parallel_loop3A_55 : i32 to index
      %parallel_loop3A_57 = tpu.vector_load %arg5[%parallel_loop3A_56] {strides = array<i32>} : memref<65536xf32, #tpu.memory_space<vmem>>, vector<16xf32>,
      %parallel_loop3A_58 = arith.constant 32 : i32
      %parallel_loop3A_59 = arith.addi %parallel_loop3A_37, %parallel_loop3A_58 : i32
      %parallel_loop3A_60 = arith.index_cast %parallel_loop3A_59 : i32 to index
      %parallel_loop3A_61 = tpu.vector_load %arg7[%parallel_loop3A_60] {strides = array<i32>} : memref<32768xf32, #tpu.memory_space<vmem>>, vector<16xf32>,
      tpu.vector_store %arg7[%parallel_loop3A_60], %parallel_loop3A_57 {strides = array<i32>} : memref<32768xf32, #tpu.memory_space<vmem>>, vector<16xf32>,
      %parallel_loop3A_62 = arith.constant 48 : i32
      %parallel_loop3A_63 = arith.addi %parallel_loop3A_33, %parallel_loop3A_62 : i32
      %parallel_loop3A_64 = arith.index_cast %parallel_loop3A_63 : i32 to index
      %parallel_loop3A_65 = tpu.vector_load %arg5[%parallel_loop3A_64] {strides = array<i32>} : memref<65536xf32, #tpu.memory_space<vmem>>, vector<16xf32>,
      %parallel_loop3A_66 = arith.constant 48 : i32
      %parallel_loop3A_67 = arith.addi %parallel_loop3A_37, %parallel_loop3A_66 : i32
      %parallel_loop3A_68 = arith.index_cast %parallel_loop3A_67 : i32 to index
      %parallel_loop3A_69 = tpu.vector_load %arg7[%parallel_loop3A_68] {strides = array<i32>} : memref<32768xf32, #tpu.memory_space<vmem>>, vector<16xf32>,
      tpu.vector_store %arg7[%parallel_loop3A_68], %parallel_loop3A_65 {strides = array<i32>} : memref<32768xf32, #tpu.memory_space<vmem>>, vector<16xf32>,
      %parallel_loop3A_70 = vector.extract_strided_slice %parallel_loop3A_31 {offsets = [1], sizes = [1], strides = [1]} : vector<16xi32> to vector<1xi32>
      %parallel_loop3A_71 = vector.extract %parallel_loop3A_70[0] : i32 from vector<1xi32>
      %parallel_loop3A_72 = arith.constant 1 : i32
      %parallel_loop3A_73 = arith.addi %parallel_loop3A_26, %parallel_loop3A_72 : i32
      %parallel_loop3A_74 = arith.constant 64 : i32
      %parallel_loop3A_75 = arith.muli %parallel_loop3A_73, %parallel_loop3A_74 : i32
      %parallel_loop3A_76 = arith.constant 0 : i32
      %parallel_loop3A_77 = arith.addi %parallel_loop3A_71, %parallel_loop3A_76 : i32
      %parallel_loop3A_78 = arith.index_cast %parallel_loop3A_77 : i32 to index
      %parallel_loop3A_79 = tpu.vector_load %arg5[%parallel_loop3A_78] {strides = array<i32>} : memref<65536xf32, #tpu.memory_space<vmem>>, vector<16xf32>,
      %parallel_loop3A_80 = arith.constant 0 : i32
      %parallel_loop3A_81 = arith.addi %parallel_loop3A_75, %parallel_loop3A_80 : i32
      %parallel_loop3A_82 = arith.index_cast %parallel_loop3A_81 : i32 to index
      %parallel_loop3A_83 = tpu.vector_load %arg7[%parallel_loop3A_82] {strides = array<i32>} : memref<32768xf32, #tpu.memory_space<vmem>>, vector<16xf32>,
      tpu.vector_store %arg7[%parallel_loop3A_82], %parallel_loop3A_79 {strides = array<i32>} : memref<32768xf32, #tpu.memory_space<vmem>>, vector<16xf32>,
      %parallel_loop3A_84 = arith.constant 16 : i32
      %parallel_loop3A_85 = arith.addi %parallel_loop3A_71, %parallel_loop3A_84 : i32
      %parallel_loop3A_86 = arith.index_cast %parallel_loop3A_85 : i32 to index
      %parallel_loop3A_87 = tpu.vector_load %arg5[%parallel_loop3A_86] {strides = array<i32>} : memref<65536xf32, #tpu.memory_space<vmem>>, vector<16xf32>,
      %parallel_loop3A_88 = arith.constant 16 : i32
      %parallel_loop3A_89 = arith.addi %parallel_loop3A_75, %parallel_loop3A_88 : i32
      %parallel_loop3A_90 = arith.index_cast %parallel_loop3A_89 : i32 to index
      %parallel_loop3A_91 = tpu.vector_load %arg7[%parallel_loop3A_90] {strides = array<i32>} : memref<32768xf32, #tpu.memory_space<vmem>>, vector<16xf32>,
      tpu.vector_store %arg7[%parallel_loop3A_90], %parallel_loop3A_87 {strides = array<i32>} : memref<32768xf32, #tpu.memory_space<vmem>>, vector<16xf32>,
      %parallel_loop3A_92 = arith.constant 32 : i32
      %parallel_loop3A_93 = arith.addi %parallel_loop3A_71, %parallel_loop3A_92 : i32
      %parallel_loop3A_94 = arith.index_cast %parallel_loop3A_93 : i32 to index
      %parallel_loop3A_95 = tpu.vector_load %arg5[%parallel_loop3A_94] {strides = array<i32>} : memref<65536xf32, #tpu.memory_space<vmem>>, vector<16xf32>,
      %parallel_loop3A_96 = arith.constant 32 : i32
      %parallel_loop3A_97 = arith.addi %parallel_loop3A_75, %parallel_loop3A_96 : i32
      %parallel_loop3A_98 = arith.index_cast %parallel_loop3A_97 : i32 to index
      %parallel_loop3A_99 = tpu.vector_load %arg7[%parallel_loop3A_98] {strides = array<i32>} : memref<32768xf32, #tpu.memory_space<vmem>>, vector<16xf32>,
      tpu.vector_store %arg7[%parallel_loop3A_98], %parallel_loop3A_95 {strides = array<i32>} : memref<32768xf32, #tpu.memory_space<vmem>>, vector<16xf32>,
      %parallel_loop3A_100 = arith.constant 48 : i32
      %parallel_loop3A_101 = arith.addi %parallel_loop3A_71, %parallel_loop3A_100 : i32
      %parallel_loop3A_102 = arith.index_cast %parallel_loop3A_101 : i32 to index
      %parallel_loop3A_103 = tpu.vector_load %arg5[%parallel_loop3A_102] {strides = array<i32>} : memref<65536xf32, #tpu.memory_space<vmem>>, vector<16xf32>,
      %parallel_loop3A_104 = arith.constant 48 : i32
      %parallel_loop3A_105 = arith.addi %parallel_loop3A_75, %parallel_loop3A_104 : i32
      %parallel_loop3A_106 = arith.index_cast %parallel_loop3A_105 : i32 to index
      %parallel_loop3A_107 = tpu.vector_load %arg7[%parallel_loop3A_106] {strides = array<i32>} : memref<32768xf32, #tpu.memory_space<vmem>>, vector<16xf32>,
      tpu.vector_store %arg7[%parallel_loop3A_106], %parallel_loop3A_103 {strides = array<i32>} : memref<32768xf32, #tpu.memory_space<vmem>>, vector<16xf32>,
      %parallel_loop3A_108 = vector.extract_strided_slice %parallel_loop3A_31 {offsets = [2], sizes = [1], strides = [1]} : vector<16xi32> to vector<1xi32>
      %parallel_loop3A_109 = vector.extract %parallel_loop3A_108[0] : i32 from vector<1xi32>
      %parallel_loop3A_110 = arith.constant 2 : i32
      %parallel_loop3A_111 = arith.addi %parallel_loop3A_26, %parallel_loop3A_110 : i32
      %parallel_loop3A_112 = arith.constant 64 : i32
      %parallel_loop3A_113 = arith.muli %parallel_loop3A_111, %parallel_loop3A_112 : i32
      %parallel_loop3A_114 = arith.constant 0 : i32
      %parallel_loop3A_115 = arith.addi %parallel_loop3A_109, %parallel_loop3A_114 : i32
      %parallel_loop3A_116 = arith.index_cast %parallel_loop3A_115 : i32 to index
      %parallel_loop3A_117 = tpu.vector_load %arg5[%parallel_loop3A_116] {strides = array<i32>} : memref<65536xf32, #tpu.memory_space<vmem>>, vector<16xf32>,
      %parallel_loop3A_118 = arith.constant 0 : i32
      %parallel_loop3A_119 = arith.addi %parallel_loop3A_113, %parallel_loop3A_118 : i32
      %parallel_loop3A_120 = arith.index_cast %parallel_loop3A_119 : i32 to index
      %parallel_loop3A_121 = tpu.vector_load %arg7[%parallel_loop3A_120] {strides = array<i32>} : memref<32768xf32, #tpu.memory_space<vmem>>, vector<16xf32>,
      tpu.vector_store %arg7[%parallel_loop3A_120], %parallel_loop3A_117 {strides = array<i32>} : memref<32768xf32, #tpu.memory_space<vmem>>, vector<16xf32>,
      %parallel_loop3A_122 = arith.constant 16 : i32
      %parallel_loop3A_123 = arith.addi %parallel_loop3A_109, %parallel_loop3A_122 : i32
      %parallel_loop3A_124 = arith.index_cast %parallel_loop3A_123 : i32 to index
      %parallel_loop3A_125 = tpu.vector_load %arg5[%parallel_loop3A_124] {strides = array<i32>} : memref<65536xf32, #tpu.memory_space<vmem>>, vector<16xf32>,
      %parallel_loop3A_126 = arith.constant 16 : i32
      %parallel_loop3A_127 = arith.addi %parallel_loop3A_113, %parallel_loop3A_126 : i32
      %parallel_loop3A_128 = arith.index_cast %parallel_loop3A_127 : i32 to index
      %parallel_loop3A_129 = tpu.vector_load %arg7[%parallel_loop3A_128] {strides = array<i32>} : memref<32768xf32, #tpu.memory_space<vmem>>, vector<16xf32>,
      tpu.vector_store %arg7[%parallel_loop3A_128], %parallel_loop3A_125 {strides = array<i32>} : memref<32768xf32, #tpu.memory_space<vmem>>, vector<16xf32>,
      %parallel_loop3A_130 = arith.constant 32 : i32
      %parallel_loop3A_131 = arith.addi %parallel_loop3A_109, %parallel_loop3A_130 : i32
      %parallel_loop3A_132 = arith.index_cast %parallel_loop3A_131 : i32 to index
      %parallel_loop3A_133 = tpu.vector_load %arg5[%parallel_loop3A_132] {strides = array<i32>} : memref<65536xf32, #tpu.memory_space<vmem>>, vector<16xf32>,
      %parallel_loop3A_134 = arith.constant 32 : i32
      %parallel_loop3A_135 = arith.addi %parallel_loop3A_113, %parallel_loop3A_134 : i32
      %parallel_loop3A_136 = arith.index_cast %parallel_loop3A_135 : i32 to index
      %parallel_loop3A_137 = tpu.vector_load %arg7[%parallel_loop3A_136] {strides = array<i32>} : memref<32768xf32, #tpu.memory_space<vmem>>, vector<16xf32>,
      tpu.vector_store %arg7[%parallel_loop3A_136], %parallel_loop3A_133 {strides = array<i32>} : memref<32768xf32, #tpu.memory_space<vmem>>, vector<16xf32>,
      %parallel_loop3A_138 = arith.constant 48 : i32
      %parallel_loop3A_139 = arith.addi %parallel_loop3A_109, %parallel_loop3A_138 : i32
      %parallel_loop3A_140 = arith.index_cast %parallel_loop3A_139 : i32 to index
      %parallel_loop3A_141 = tpu.vector_load %arg5[%parallel_loop3A_140] {strides = array<i32>} : memref<65536xf32, #tpu.memory_space<vmem>>, vector<16xf32>,
      %parallel_loop3A_142 = arith.constant 48 : i32
      %parallel_loop3A_143 = arith.addi %parallel_loop3A_113, %parallel_loop3A_142 : i32
      %parallel_loop3A_144 = arith.index_cast %parallel_loop3A_143 : i32 to index
      %parallel_loop3A_145 = tpu.vector_load %arg7[%parallel_loop3A_144] {strides = array<i32>} : memref<32768xf32, #tpu.memory_space<vmem>>, vector<16xf32>,
      tpu.vector_store %arg7[%parallel_loop3A_144], %parallel_loop3A_141 {strides = array<i32>} : memref<32768xf32, #tpu.memory_space<vmem>>, vector<16xf32>,
      %parallel_loop3A_146 = vector.extract_strided_slice %parallel_loop3A_31 {offsets = [3], sizes = [1], strides = [1]} : vector<16xi32> to vector<1xi32>
      %parallel_loop3A_147 = vector.extract %parallel_loop3A_146[0] : i32 from vector<1xi32>
      %parallel_loop3A_148 = arith.constant 3 : i32
      %parallel_loop3A_149 = arith.addi %parallel_loop3A_26, %parallel_loop3A_148 : i32
      %parallel_loop3A_150 = arith.constant 64 : i32
      %parallel_loop3A_151 = arith.muli %parallel_loop3A_149, %parallel_loop3A_150 : i32
      %parallel_loop3A_152 = arith.constant 0 : i32
      %parallel_loop3A_153 = arith.addi %parallel_loop3A_147, %parallel_loop3A_152 : i32
      %parallel_loop3A_154 = arith.index_cast %parallel_loop3A_153 : i32 to index
      %parallel_loop3A_155 = tpu.vector_load %arg5[%parallel_loop3A_154] {strides = array<i32>} : memref<65536xf32, #tpu.memory_space<vmem>>, vector<16xf32>,
      %parallel_loop3A_156 = arith.constant 0 : i32
      %parallel_loop3A_157 = arith.addi %parallel_loop3A_151, %parallel_loop3A_156 : i32
      %parallel_loop3A_158 = arith.index_cast %parallel_loop3A_157 : i32 to index
      %parallel_loop3A_159 = tpu.vector_load %arg7[%parallel_loop3A_158] {strides = array<i32>} : memref<32768xf32, #tpu.memory_space<vmem>>, vector<16xf32>,
      tpu.vector_store %arg7[%parallel_loop3A_158], %parallel_loop3A_155 {strides = array<i32>} : memref<32768xf32, #tpu.memory_space<vmem>>, vector<16xf32>,
      %parallel_loop3A_160 = arith.constant 16 : i32
      %parallel_loop3A_161 = arith.addi %parallel_loop3A_147, %parallel_loop3A_160 : i32
      %parallel_loop3A_162 = arith.index_cast %parallel_loop3A_161 : i32 to index
      %parallel_loop3A_163 = tpu.vector_load %arg5[%parallel_loop3A_162] {strides = array<i32>} : memref<65536xf32, #tpu.memory_space<vmem>>, vector<16xf32>,
      %parallel_loop3A_164 = arith.constant 16 : i32
      %parallel_loop3A_165 = arith.addi %parallel_loop3A_151, %parallel_loop3A_164 : i32
      %parallel_loop3A_166 = arith.index_cast %parallel_loop3A_165 : i32 to index
      %parallel_loop3A_167 = tpu.vector_load %arg7[%parallel_loop3A_166] {strides = array<i32>} : memref<32768xf32, #tpu.memory_space<vmem>>, vector<16xf32>,
      tpu.vector_store %arg7[%parallel_loop3A_166], %parallel_loop3A_163 {strides = array<i32>} : memref<32768xf32, #tpu.memory_space<vmem>>, vector<16xf32>,
      %parallel_loop3A_168 = arith.constant 32 : i32
      %parallel_loop3A_169 = arith.addi %parallel_loop3A_147, %parallel_loop3A_168 : i32
      %parallel_loop3A_170 = arith.index_cast %parallel_loop3A_169 : i32 to index
      %parallel_loop3A_171 = tpu.vector_load %arg5[%parallel_loop3A_170] {strides = array<i32>} : memref<65536xf32, #tpu.memory_space<vmem>>, vector<16xf32>,
      %parallel_loop3A_172 = arith.constant 32 : i32
      %parallel_loop3A_173 = arith.addi %parallel_loop3A_151, %parallel_loop3A_172 : i32
      %parallel_loop3A_174 = arith.index_cast %parallel_loop3A_173 : i32 to index
      %parallel_loop3A_175 = tpu.vector_load %arg7[%parallel_loop3A_174] {strides = array<i32>} : memref<32768xf32, #tpu.memory_space<vmem>>, vector<16xf32>,
      tpu.vector_store %arg7[%parallel_loop3A_174], %parallel_loop3A_171 {strides = array<i32>} : memref<32768xf32, #tpu.memory_space<vmem>>, vector<16xf32>,
      %parallel_loop3A_176 = arith.constant 48 : i32
      %parallel_loop3A_177 = arith.addi %parallel_loop3A_147, %parallel_loop3A_176 : i32
      %parallel_loop3A_178 = arith.index_cast %parallel_loop3A_177 : i32 to index
      %parallel_loop3A_179 = tpu.vector_load %arg5[%parallel_loop3A_178] {strides = array<i32>} : memref<65536xf32, #tpu.memory_space<vmem>>, vector<16xf32>,
      %parallel_loop3A_180 = arith.constant 48 : i32
      %parallel_loop3A_181 = arith.addi %parallel_loop3A_151, %parallel_loop3A_180 : i32
      %parallel_loop3A_182 = arith.index_cast %parallel_loop3A_181 : i32 to index
      %parallel_loop3A_183 = tpu.vector_load %arg7[%parallel_loop3A_182] {strides = array<i32>} : memref<32768xf32, #tpu.memory_space<vmem>>, vector<16xf32>,
      tpu.vector_store %arg7[%parallel_loop3A_182], %parallel_loop3A_179 {strides = array<i32>} : memref<32768xf32, #tpu.memory_space<vmem>>, vector<16xf32>,
      %parallel_loop3A_184 = vector.extract_strided_slice %parallel_loop3A_31 {offsets = [4], sizes = [1], strides = [1]} : vector<16xi32> to vector<1xi32>
      %parallel_loop3A_185 = vector.extract %parallel_loop3A_184[0] : i32 from vector<1xi32>
      %parallel_loop3A_186 = arith.constant 4 : i32
      %parallel_loop3A_187 = arith.addi %parallel_loop3A_26, %parallel_loop3A_186 : i32
      %parallel_loop3A_188 = arith.constant 64 : i32
      %parallel_loop3A_189 = arith.muli %parallel_loop3A_187, %parallel_loop3A_188 : i32
      %parallel_loop3A_190 = arith.constant 0 : i32
      %parallel_loop3A_191 = arith.addi %parallel_loop3A_185, %parallel_loop3A_190 : i32
      %parallel_loop3A_192 = arith.index_cast %parallel_loop3A_191 : i32 to index
      %parallel_loop3A_193 = tpu.vector_load %arg5[%parallel_loop3A_192] {strides = array<i32>} : memref<65536xf32, #tpu.memory_space<vmem>>, vector<16xf32>,
      %parallel_loop3A_194 = arith.constant 0 : i32
      %parallel_loop3A_195 = arith.addi %parallel_loop3A_189, %parallel_loop3A_194 : i32
      %parallel_loop3A_196 = arith.index_cast %parallel_loop3A_195 : i32 to index
      %parallel_loop3A_197 = tpu.vector_load %arg7[%parallel_loop3A_196] {strides = array<i32>} : memref<32768xf32, #tpu.memory_space<vmem>>, vector<16xf32>,
      tpu.vector_store %arg7[%parallel_loop3A_196], %parallel_loop3A_193 {strides = array<i32>} : memref<32768xf32, #tpu.memory_space<vmem>>, vector<16xf32>,
      %parallel_loop3A_198 = arith.constant 16 : i32
      %parallel_loop3A_199 = arith.addi %parallel_loop3A_185, %parallel_loop3A_198 : i32
      %parallel_loop3A_200 = arith.index_cast %parallel_loop3A_199 : i32 to index
      %parallel_loop3A_201 = tpu.vector_load %arg5[%parallel_loop3A_200] {strides = array<i32>} : memref<65536xf32, #tpu.memory_space<vmem>>, vector<16xf32>,
      %parallel_loop3A_202 = arith.constant 16 : i32
      %parallel_loop3A_203 = arith.addi %parallel_loop3A_189, %parallel_loop3A_202 : i32
      %parallel_loop3A_204 = arith.index_cast %parallel_loop3A_203 : i32 to index
      %parallel_loop3A_205 = tpu.vector_load %arg7[%parallel_loop3A_204] {strides = array<i32>} : memref<32768xf32, #tpu.memory_space<vmem>>, vector<16xf32>,
      tpu.vector_store %arg7[%parallel_loop3A_204], %parallel_loop3A_201 {strides = array<i32>} : memref<32768xf32, #tpu.memory_space<vmem>>, vector<16xf32>,
      %parallel_loop3A_206 = arith.constant 32 : i32
      %parallel_loop3A_207 = arith.addi %parallel_loop3A_185, %parallel_loop3A_206 : i32
      %parallel_loop3A_208 = arith.index_cast %parallel_loop3A_207 : i32 to index
      %parallel_loop3A_209 = tpu.vector_load %arg5[%parallel_loop3A_208] {strides = array<i32>} : memref<65536xf32, #tpu.memory_space<vmem>>, vector<16xf32>,
      %parallel_loop3A_210 = arith.constant 32 : i32
      %parallel_loop3A_211 = arith.addi %parallel_loop3A_189, %parallel_loop3A_210 : i32
      %parallel_loop3A_212 = arith.index_cast %parallel_loop3A_211 : i32 to index
      %parallel_loop3A_213 = tpu.vector_load %arg7[%parallel_loop3A_212] {strides = array<i32>} : memref<32768xf32, #tpu.memory_space<vmem>>, vector<16xf32>,
      tpu.vector_store %arg7[%parallel_loop3A_212], %parallel_loop3A_209 {strides = array<i32>} : memref<32768xf32, #tpu.memory_space<vmem>>, vector<16xf32>,
      %parallel_loop3A_214 = arith.constant 48 : i32
      %parallel_loop3A_215 = arith.addi %parallel_loop3A_185, %parallel_loop3A_214 : i32
      %parallel_loop3A_216 = arith.index_cast %parallel_loop3A_215 : i32 to index
      %parallel_loop3A_217 = tpu.vector_load %arg5[%parallel_loop3A_216] {strides = array<i32>} : memref<65536xf32, #tpu.memory_space<vmem>>, vector<16xf32>,
      %parallel_loop3A_218 = arith.constant 48 : i32
      %parallel_loop3A_219 = arith.addi %parallel_loop3A_189, %parallel_loop3A_218 : i32
      %parallel_loop3A_220 = arith.index_cast %parallel_loop3A_219 : i32 to index
      %parallel_loop3A_221 = tpu.vector_load %arg7[%parallel_loop3A_220] {strides = array<i32>} : memref<32768xf32, #tpu.memory_space<vmem>>, vector<16xf32>,
      tpu.vector_store %arg7[%parallel_loop3A_220], %parallel_loop3A_217 {strides = array<i32>} : memref<32768xf32, #tpu.memory_space<vmem>>, vector<16xf32>,
      %parallel_loop3A_222 = vector.extract_strided_slice %parallel_loop3A_31 {offsets = [5], sizes = [1], strides = [1]} : vector<16xi32> to vector<1xi32>
      %parallel_loop3A_223 = vector.extract %parallel_loop3A_222[0] : i32 from vector<1xi32>
      %parallel_loop3A_224 = arith.constant 5 : i32
      %parallel_loop3A_225 = arith.addi %parallel_loop3A_26, %parallel_loop3A_224 : i32
      %parallel_loop3A_226 = arith.constant 64 : i32
      %parallel_loop3A_227 = arith.muli %parallel_loop3A_225, %parallel_loop3A_226 : i32
      %parallel_loop3A_228 = arith.constant 0 : i32
      %parallel_loop3A_229 = arith.addi %parallel_loop3A_223, %parallel_loop3A_228 : i32
      %parallel_loop3A_230 = arith.index_cast %parallel_loop3A_229 : i32 to index
      %parallel_loop3A_231 = tpu.vector_load %arg5[%parallel_loop3A_230] {strides = array<i32>} : memref<65536xf32, #tpu.memory_space<vmem>>, vector<16xf32>,
      %parallel_loop3A_232 = arith.constant 0 : i32
      %parallel_loop3A_233 = arith.addi %parallel_loop3A_227, %parallel_loop3A_232 : i32
      %parallel_loop3A_234 = arith.index_cast %parallel_loop3A_233 : i32 to index
      %parallel_loop3A_235 = tpu.vector_load %arg7[%parallel_loop3A_234] {strides = array<i32>} : memref<32768xf32, #tpu.memory_space<vmem>>, vector<16xf32>,
      tpu.vector_store %arg7[%parallel_loop3A_234], %parallel_loop3A_231 {strides = array<i32>} : memref<32768xf32, #tpu.memory_space<vmem>>, vector<16xf32>,
      %parallel_loop3A_236 = arith.constant 16 : i32
      %parallel_loop3A_237 = arith.addi %parallel_loop3A_223, %parallel_loop3A_236 : i32
      %parallel_loop3A_238 = arith.index_cast %parallel_loop3A_237 : i32 to index
      %parallel_loop3A_239 = tpu.vector_load %arg5[%parallel_loop3A_238] {strides = array<i32>} : memref<65536xf32, #tpu.memory_space<vmem>>, vector<16xf32>,
      %parallel_loop3A_240 = arith.constant 16 : i32
      %parallel_loop3A_241 = arith.addi %parallel_loop3A_227, %parallel_loop3A_240 : i32
      %parallel_loop3A_242 = arith.index_cast %parallel_loop3A_241 : i32 to index
      %parallel_loop3A_243 = tpu.vector_load %arg7[%parallel_loop3A_242] {strides = array<i32>} : memref<32768xf32, #tpu.memory_space<vmem>>, vector<16xf32>,
      tpu.vector_store %arg7[%parallel_loop3A_242], %parallel_loop3A_239 {strides = array<i32>} : memref<32768xf32, #tpu.memory_space<vmem>>, vector<16xf32>,
      %parallel_loop3A_244 = arith.constant 32 : i32
      %parallel_loop3A_245 = arith.addi %parallel_loop3A_223, %parallel_loop3A_244 : i32
      %parallel_loop3A_246 = arith.index_cast %parallel_loop3A_245 : i32 to index
      %parallel_loop3A_247 = tpu.vector_load %arg5[%parallel_loop3A_246] {strides = array<i32>} : memref<65536xf32, #tpu.memory_space<vmem>>, vector<16xf32>,
      %parallel_loop3A_248 = arith.constant 32 : i32
      %parallel_loop3A_249 = arith.addi %parallel_loop3A_227, %parallel_loop3A_248 : i32
      %parallel_loop3A_250 = arith.index_cast %parallel_loop3A_249 : i32 to index
      %parallel_loop3A_251 = tpu.vector_load %arg7[%parallel_loop3A_250] {strides = array<i32>} : memref<32768xf32, #tpu.memory_space<vmem>>, vector<16xf32>,
      tpu.vector_store %arg7[%parallel_loop3A_250], %parallel_loop3A_247 {strides = array<i32>} : memref<32768xf32, #tpu.memory_space<vmem>>, vector<16xf32>,
      %parallel_loop3A_252 = arith.constant 48 : i32
      %parallel_loop3A_253 = arith.addi %parallel_loop3A_223, %parallel_loop3A_252 : i32
      %parallel_loop3A_254 = arith.index_cast %parallel_loop3A_253 : i32 to index
      %parallel_loop3A_255 = tpu.vector_load %arg5[%parallel_loop3A_254] {strides = array<i32>} : memref<65536xf32, #tpu.memory_space<vmem>>, vector<16xf32>,
      %parallel_loop3A_256 = arith.constant 48 : i32
      %parallel_loop3A_257 = arith.addi %parallel_loop3A_227, %parallel_loop3A_256 : i32
      %parallel_loop3A_258 = arith.index_cast %parallel_loop3A_257 : i32 to index
      %parallel_loop3A_259 = tpu.vector_load %arg7[%parallel_loop3A_258] {strides = array<i32>} : memref<32768xf32, #tpu.memory_space<vmem>>, vector<16xf32>,
      tpu.vector_store %arg7[%parallel_loop3A_258], %parallel_loop3A_255 {strides = array<i32>} : memref<32768xf32, #tpu.memory_space<vmem>>, vector<16xf32>,
      %parallel_loop3A_260 = vector.extract_strided_slice %parallel_loop3A_31 {offsets = [6], sizes = [1], strides = [1]} : vector<16xi32> to vector<1xi32>
      %parallel_loop3A_261 = vector.extract %parallel_loop3A_260[0] : i32 from vector<1xi32>
      %parallel_loop3A_262 = arith.constant 6 : i32
      %parallel_loop3A_263 = arith.addi %parallel_loop3A_26, %parallel_loop3A_262 : i32
      %parallel_loop3A_264 = arith.constant 64 : i32
      %parallel_loop3A_265 = arith.muli %parallel_loop3A_263, %parallel_loop3A_264 : i32
      %parallel_loop3A_266 = arith.constant 0 : i32
      %parallel_loop3A_267 = arith.addi %parallel_loop3A_261, %parallel_loop3A_266 : i32
      %parallel_loop3A_268 = arith.index_cast %parallel_loop3A_267 : i32 to index
      %parallel_loop3A_269 = tpu.vector_load %arg5[%parallel_loop3A_268] {strides = array<i32>} : memref<65536xf32, #tpu.memory_space<vmem>>, vector<16xf32>,
      %parallel_loop3A_270 = arith.constant 0 : i32
      %parallel_loop3A_271 = arith.addi %parallel_loop3A_265, %parallel_loop3A_270 : i32
      %parallel_loop3A_272 = arith.index_cast %parallel_loop3A_271 : i32 to index
      %parallel_loop3A_273 = tpu.vector_load %arg7[%parallel_loop3A_272] {strides = array<i32>} : memref<32768xf32, #tpu.memory_space<vmem>>, vector<16xf32>,
      tpu.vector_store %arg7[%parallel_loop3A_272], %parallel_loop3A_269 {strides = array<i32>} : memref<32768xf32, #tpu.memory_space<vmem>>, vector<16xf32>,
      %parallel_loop3A_274 = arith.constant 16 : i32
      %parallel_loop3A_275 = arith.addi %parallel_loop3A_261, %parallel_loop3A_274 : i32
      %parallel_loop3A_276 = arith.index_cast %parallel_loop3A_275 : i32 to index
      %parallel_loop3A_277 = tpu.vector_load %arg5[%parallel_loop3A_276] {strides = array<i32>} : memref<65536xf32, #tpu.memory_space<vmem>>, vector<16xf32>,
      %parallel_loop3A_278 = arith.constant 16 : i32
      %parallel_loop3A_279 = arith.addi %parallel_loop3A_265, %parallel_loop3A_278 : i32
      %parallel_loop3A_280 = arith.index_cast %parallel_loop3A_279 : i32 to index
      %parallel_loop3A_281 = tpu.vector_load %arg7[%parallel_loop3A_280] {strides = array<i32>} : memref<32768xf32, #tpu.memory_space<vmem>>, vector<16xf32>,
      tpu.vector_store %arg7[%parallel_loop3A_280], %parallel_loop3A_277 {strides = array<i32>} : memref<32768xf32, #tpu.memory_space<vmem>>, vector<16xf32>,
      %parallel_loop3A_282 = arith.constant 32 : i32
      %parallel_loop3A_283 = arith.addi %parallel_loop3A_261, %parallel_loop3A_282 : i32
      %parallel_loop3A_284 = arith.index_cast %parallel_loop3A_283 : i32 to index
      %parallel_loop3A_285 = tpu.vector_load %arg5[%parallel_loop3A_284] {strides = array<i32>} : memref<65536xf32, #tpu.memory_space<vmem>>, vector<16xf32>,
      %parallel_loop3A_286 = arith.constant 32 : i32
      %parallel_loop3A_287 = arith.addi %parallel_loop3A_265, %parallel_loop3A_286 : i32
      %parallel_loop3A_288 = arith.index_cast %parallel_loop3A_287 : i32 to index
      %parallel_loop3A_289 = tpu.vector_load %arg7[%parallel_loop3A_288] {strides = array<i32>} : memref<32768xf32, #tpu.memory_space<vmem>>, vector<16xf32>,
      tpu.vector_store %arg7[%parallel_loop3A_288], %parallel_loop3A_285 {strides = array<i32>} : memref<32768xf32, #tpu.memory_space<vmem>>, vector<16xf32>,
      %parallel_loop3A_290 = arith.constant 48 : i32
      %parallel_loop3A_291 = arith.addi %parallel_loop3A_261, %parallel_loop3A_290 : i32
      %parallel_loop3A_292 = arith.index_cast %parallel_loop3A_291 : i32 to index
      %parallel_loop3A_293 = tpu.vector_load %arg5[%parallel_loop3A_292] {strides = array<i32>} : memref<65536xf32, #tpu.memory_space<vmem>>, vector<16xf32>,
      %parallel_loop3A_294 = arith.constant 48 : i32
      %parallel_loop3A_295 = arith.addi %parallel_loop3A_265, %parallel_loop3A_294 : i32
      %parallel_loop3A_296 = arith.index_cast %parallel_loop3A_295 : i32 to index
      %parallel_loop3A_297 = tpu.vector_load %arg7[%parallel_loop3A_296] {strides = array<i32>} : memref<32768xf32, #tpu.memory_space<vmem>>, vector<16xf32>,
      tpu.vector_store %arg7[%parallel_loop3A_296], %parallel_loop3A_293 {strides = array<i32>} : memref<32768xf32, #tpu.memory_space<vmem>>, vector<16xf32>,
      %parallel_loop3A_298 = vector.extract_strided_slice %parallel_loop3A_31 {offsets = [7], sizes = [1], strides = [1]} : vector<16xi32> to vector<1xi32>
      %parallel_loop3A_299 = vector.extract %parallel_loop3A_298[0] : i32 from vector<1xi32>
      %parallel_loop3A_300 = arith.constant 7 : i32
      %parallel_loop3A_301 = arith.addi %parallel_loop3A_26, %parallel_loop3A_300 : i32
      %parallel_loop3A_302 = arith.constant 64 : i32
      %parallel_loop3A_303 = arith.muli %parallel_loop3A_301, %parallel_loop3A_302 : i32
      %parallel_loop3A_304 = arith.constant 0 : i32
      %parallel_loop3A_305 = arith.addi %parallel_loop3A_299, %parallel_loop3A_304 : i32
      %parallel_loop3A_306 = arith.index_cast %parallel_loop3A_305 : i32 to index
      %parallel_loop3A_307 = tpu.vector_load %arg5[%parallel_loop3A_306] {strides = array<i32>} : memref<65536xf32, #tpu.memory_space<vmem>>, vector<16xf32>,
      %parallel_loop3A_308 = arith.constant 0 : i32
      %parallel_loop3A_309 = arith.addi %parallel_loop3A_303, %parallel_loop3A_308 : i32
      %parallel_loop3A_310 = arith.index_cast %parallel_loop3A_309 : i32 to index
      %parallel_loop3A_311 = tpu.vector_load %arg7[%parallel_loop3A_310] {strides = array<i32>} : memref<32768xf32, #tpu.memory_space<vmem>>, vector<16xf32>,
      tpu.vector_store %arg7[%parallel_loop3A_310], %parallel_loop3A_307 {strides = array<i32>} : memref<32768xf32, #tpu.memory_space<vmem>>, vector<16xf32>,
      %parallel_loop3A_312 = arith.constant 16 : i32
      %parallel_loop3A_313 = arith.addi %parallel_loop3A_299, %parallel_loop3A_312 : i32
      %parallel_loop3A_314 = arith.index_cast %parallel_loop3A_313 : i32 to index
      %parallel_loop3A_315 = tpu.vector_load %arg5[%parallel_loop3A_314] {strides = array<i32>} : memref<65536xf32, #tpu.memory_space<vmem>>, vector<16xf32>,
      %parallel_loop3A_316 = arith.constant 16 : i32
      %parallel_loop3A_317 = arith.addi %parallel_loop3A_303, %parallel_loop3A_316 : i32
      %parallel_loop3A_318 = arith.index_cast %parallel_loop3A_317 : i32 to index
      %parallel_loop3A_319 = tpu.vector_load %arg7[%parallel_loop3A_318] {strides = array<i32>} : memref<32768xf32, #tpu.memory_space<vmem>>, vector<16xf32>,
      tpu.vector_store %arg7[%parallel_loop3A_318], %parallel_loop3A_315 {strides = array<i32>} : memref<32768xf32, #tpu.memory_space<vmem>>, vector<16xf32>,
      %parallel_loop3A_320 = arith.constant 32 : i32
      %parallel_loop3A_321 = arith.addi %parallel_loop3A_299, %parallel_loop3A_320 : i32
      %parallel_loop3A_322 = arith.index_cast %parallel_loop3A_321 : i32 to index
      %parallel_loop3A_323 = tpu.vector_load %arg5[%parallel_loop3A_322] {strides = array<i32>} : memref<65536xf32, #tpu.memory_space<vmem>>, vector<16xf32>,
      %parallel_loop3A_324 = arith.constant 32 : i32
      %parallel_loop3A_325 = arith.addi %parallel_loop3A_303, %parallel_loop3A_324 : i32
      %parallel_loop3A_326 = arith.index_cast %parallel_loop3A_325 : i32 to index
      %parallel_loop3A_327 = tpu.vector_load %arg7[%parallel_loop3A_326] {strides = array<i32>} : memref<32768xf32, #tpu.memory_space<vmem>>, vector<16xf32>,
      tpu.vector_store %arg7[%parallel_loop3A_326], %parallel_loop3A_323 {strides = array<i32>} : memref<32768xf32, #tpu.memory_space<vmem>>, vector<16xf32>,
      %parallel_loop3A_328 = arith.constant 48 : i32
      %parallel_loop3A_329 = arith.addi %parallel_loop3A_299, %parallel_loop3A_328 : i32
      %parallel_loop3A_330 = arith.index_cast %parallel_loop3A_329 : i32 to index
      %parallel_loop3A_331 = tpu.vector_load %arg5[%parallel_loop3A_330] {strides = array<i32>} : memref<65536xf32, #tpu.memory_space<vmem>>, vector<16xf32>,
      %parallel_loop3A_332 = arith.constant 48 : i32
      %parallel_loop3A_333 = arith.addi %parallel_loop3A_303, %parallel_loop3A_332 : i32
      %parallel_loop3A_334 = arith.index_cast %parallel_loop3A_333 : i32 to index
      %parallel_loop3A_335 = tpu.vector_load %arg7[%parallel_loop3A_334] {strides = array<i32>} : memref<32768xf32, #tpu.memory_space<vmem>>, vector<16xf32>,
      tpu.vector_store %arg7[%parallel_loop3A_334], %parallel_loop3A_331 {strides = array<i32>} : memref<32768xf32, #tpu.memory_space<vmem>>, vector<16xf32>,
      %parallel_loop3A_336 = vector.extract_strided_slice %parallel_loop3A_31 {offsets = [8], sizes = [1], strides = [1]} : vector<16xi32> to vector<1xi32>
      %parallel_loop3A_337 = vector.extract %parallel_loop3A_336[0] : i32 from vector<1xi32>
      %parallel_loop3A_338 = arith.constant 8 : i32
      %parallel_loop3A_339 = arith.addi %parallel_loop3A_26, %parallel_loop3A_338 : i32
      %parallel_loop3A_340 = arith.constant 64 : i32
      %parallel_loop3A_341 = arith.muli %parallel_loop3A_339, %parallel_loop3A_340 : i32
      %parallel_loop3A_342 = arith.constant 0 : i32
      %parallel_loop3A_343 = arith.addi %parallel_loop3A_337, %parallel_loop3A_342 : i32
      %parallel_loop3A_344 = arith.index_cast %parallel_loop3A_343 : i32 to index
      %parallel_loop3A_345 = tpu.vector_load %arg5[%parallel_loop3A_344] {strides = array<i32>} : memref<65536xf32, #tpu.memory_space<vmem>>, vector<16xf32>,
      %parallel_loop3A_346 = arith.constant 0 : i32
      %parallel_loop3A_347 = arith.addi %parallel_loop3A_341, %parallel_loop3A_346 : i32
      %parallel_loop3A_348 = arith.index_cast %parallel_loop3A_347 : i32 to index
      %parallel_loop3A_349 = tpu.vector_load %arg7[%parallel_loop3A_348] {strides = array<i32>} : memref<32768xf32, #tpu.memory_space<vmem>>, vector<16xf32>,
      tpu.vector_store %arg7[%parallel_loop3A_348], %parallel_loop3A_345 {strides = array<i32>} : memref<32768xf32, #tpu.memory_space<vmem>>, vector<16xf32>,
      %parallel_loop3A_350 = arith.constant 16 : i32
      %parallel_loop3A_351 = arith.addi %parallel_loop3A_337, %parallel_loop3A_350 : i32
      %parallel_loop3A_352 = arith.index_cast %parallel_loop3A_351 : i32 to index
      %parallel_loop3A_353 = tpu.vector_load %arg5[%parallel_loop3A_352] {strides = array<i32>} : memref<65536xf32, #tpu.memory_space<vmem>>, vector<16xf32>,
      %parallel_loop3A_354 = arith.constant 16 : i32
      %parallel_loop3A_355 = arith.addi %parallel_loop3A_341, %parallel_loop3A_354 : i32
      %parallel_loop3A_356 = arith.index_cast %parallel_loop3A_355 : i32 to index
      %parallel_loop3A_357 = tpu.vector_load %arg7[%parallel_loop3A_356] {strides = array<i32>} : memref<32768xf32, #tpu.memory_space<vmem>>, vector<16xf32>,
      tpu.vector_store %arg7[%parallel_loop3A_356], %parallel_loop3A_353 {strides = array<i32>} : memref<32768xf32, #tpu.memory_space<vmem>>, vector<16xf32>,
      %parallel_loop3A_358 = arith.constant 32 : i32
      %parallel_loop3A_359 = arith.addi %parallel_loop3A_337, %parallel_loop3A_358 : i32
      %parallel_loop3A_360 = arith.index_cast %parallel_loop3A_359 : i32 to index
      %parallel_loop3A_361 = tpu.vector_load %arg5[%parallel_loop3A_360] {strides = array<i32>} : memref<65536xf32, #tpu.memory_space<vmem>>, vector<16xf32>,
      %parallel_loop3A_362 = arith.constant 32 : i32
      %parallel_loop3A_363 = arith.addi %parallel_loop3A_341, %parallel_loop3A_362 : i32
      %parallel_loop3A_364 = arith.index_cast %parallel_loop3A_363 : i32 to index
      %parallel_loop3A_365 = tpu.vector_load %arg7[%parallel_loop3A_364] {strides = array<i32>} : memref<32768xf32, #tpu.memory_space<vmem>>, vector<16xf32>,
      tpu.vector_store %arg7[%parallel_loop3A_364], %parallel_loop3A_361 {strides = array<i32>} : memref<32768xf32, #tpu.memory_space<vmem>>, vector<16xf32>,
      %parallel_loop3A_366 = arith.constant 48 : i32
      %parallel_loop3A_367 = arith.addi %parallel_loop3A_337, %parallel_loop3A_366 : i32
      %parallel_loop3A_368 = arith.index_cast %parallel_loop3A_367 : i32 to index
      %parallel_loop3A_369 = tpu.vector_load %arg5[%parallel_loop3A_368] {strides = array<i32>} : memref<65536xf32, #tpu.memory_space<vmem>>, vector<16xf32>,
      %parallel_loop3A_370 = arith.constant 48 : i32
      %parallel_loop3A_371 = arith.addi %parallel_loop3A_341, %parallel_loop3A_370 : i32
      %parallel_loop3A_372 = arith.index_cast %parallel_loop3A_371 : i32 to index
      %parallel_loop3A_373 = tpu.vector_load %arg7[%parallel_loop3A_372] {strides = array<i32>} : memref<32768xf32, #tpu.memory_space<vmem>>, vector<16xf32>,
      tpu.vector_store %arg7[%parallel_loop3A_372], %parallel_loop3A_369 {strides = array<i32>} : memref<32768xf32, #tpu.memory_space<vmem>>, vector<16xf32>,
      %parallel_loop3A_374 = vector.extract_strided_slice %parallel_loop3A_31 {offsets = [9], sizes = [1], strides = [1]} : vector<16xi32> to vector<1xi32>
      %parallel_loop3A_375 = vector.extract %parallel_loop3A_374[0] : i32 from vector<1xi32>
      %parallel_loop3A_376 = arith.constant 9 : i32
      %parallel_loop3A_377 = arith.addi %parallel_loop3A_26, %parallel_loop3A_376 : i32
      %parallel_loop3A_378 = arith.constant 64 : i32
      %parallel_loop3A_379 = arith.muli %parallel_loop3A_377, %parallel_loop3A_378 : i32
      %parallel_loop3A_380 = arith.constant 0 : i32
      %parallel_loop3A_381 = arith.addi %parallel_loop3A_375, %parallel_loop3A_380 : i32
      %parallel_loop3A_382 = arith.index_cast %parallel_loop3A_381 : i32 to index
      %parallel_loop3A_383 = tpu.vector_load %arg5[%parallel_loop3A_382] {strides = array<i32>} : memref<65536xf32, #tpu.memory_space<vmem>>, vector<16xf32>,
      %parallel_loop3A_384 = arith.constant 0 : i32
      %parallel_loop3A_385 = arith.addi %parallel_loop3A_379, %parallel_loop3A_384 : i32
      %parallel_loop3A_386 = arith.index_cast %parallel_loop3A_385 : i32 to index
      %parallel_loop3A_387 = tpu.vector_load %arg7[%parallel_loop3A_386] {strides = array<i32>} : memref<32768xf32, #tpu.memory_space<vmem>>, vector<16xf32>,
      tpu.vector_store %arg7[%parallel_loop3A_386], %parallel_loop3A_383 {strides = array<i32>} : memref<32768xf32, #tpu.memory_space<vmem>>, vector<16xf32>,
      %parallel_loop3A_388 = arith.constant 16 : i32
      %parallel_loop3A_389 = arith.addi %parallel_loop3A_375, %parallel_loop3A_388 : i32
      %parallel_loop3A_390 = arith.index_cast %parallel_loop3A_389 : i32 to index
      %parallel_loop3A_391 = tpu.vector_load %arg5[%parallel_loop3A_390] {strides = array<i32>} : memref<65536xf32, #tpu.memory_space<vmem>>, vector<16xf32>,
      %parallel_loop3A_392 = arith.constant 16 : i32
      %parallel_loop3A_393 = arith.addi %parallel_loop3A_379, %parallel_loop3A_392 : i32
      %parallel_loop3A_394 = arith.index_cast %parallel_loop3A_393 : i32 to index
      %parallel_loop3A_395 = tpu.vector_load %arg7[%parallel_loop3A_394] {strides = array<i32>} : memref<32768xf32, #tpu.memory_space<vmem>>, vector<16xf32>,
      tpu.vector_store %arg7[%parallel_loop3A_394], %parallel_loop3A_391 {strides = array<i32>} : memref<32768xf32, #tpu.memory_space<vmem>>, vector<16xf32>,
      %parallel_loop3A_396 = arith.constant 32 : i32
      %parallel_loop3A_397 = arith.addi %parallel_loop3A_375, %parallel_loop3A_396 : i32
      %parallel_loop3A_398 = arith.index_cast %parallel_loop3A_397 : i32 to index
      %parallel_loop3A_399 = tpu.vector_load %arg5[%parallel_loop3A_398] {strides = array<i32>} : memref<65536xf32, #tpu.memory_space<vmem>>, vector<16xf32>,
      %parallel_loop3A_400 = arith.constant 32 : i32
      %parallel_loop3A_401 = arith.addi %parallel_loop3A_379, %parallel_loop3A_400 : i32
      %parallel_loop3A_402 = arith.index_cast %parallel_loop3A_401 : i32 to index
      %parallel_loop3A_403 = tpu.vector_load %arg7[%parallel_loop3A_402] {strides = array<i32>} : memref<32768xf32, #tpu.memory_space<vmem>>, vector<16xf32>,
      tpu.vector_store %arg7[%parallel_loop3A_402], %parallel_loop3A_399 {strides = array<i32>} : memref<32768xf32, #tpu.memory_space<vmem>>, vector<16xf32>,
      %parallel_loop3A_404 = arith.constant 48 : i32
      %parallel_loop3A_405 = arith.addi %parallel_loop3A_375, %parallel_loop3A_404 : i32
      %parallel_loop3A_406 = arith.index_cast %parallel_loop3A_405 : i32 to index
      %parallel_loop3A_407 = tpu.vector_load %arg5[%parallel_loop3A_406] {strides = array<i32>} : memref<65536xf32, #tpu.memory_space<vmem>>, vector<16xf32>,
      %parallel_loop3A_408 = arith.constant 48 : i32
      %parallel_loop3A_409 = arith.addi %parallel_loop3A_379, %parallel_loop3A_408 : i32
      %parallel_loop3A_410 = arith.index_cast %parallel_loop3A_409 : i32 to index
      %parallel_loop3A_411 = tpu.vector_load %arg7[%parallel_loop3A_410] {strides = array<i32>} : memref<32768xf32, #tpu.memory_space<vmem>>, vector<16xf32>,
      tpu.vector_store %arg7[%parallel_loop3A_410], %parallel_loop3A_407 {strides = array<i32>} : memref<32768xf32, #tpu.memory_space<vmem>>, vector<16xf32>,
      %parallel_loop3A_412 = vector.extract_strided_slice %parallel_loop3A_31 {offsets = [10], sizes = [1], strides = [1]} : vector<16xi32> to vector<1xi32>
      %parallel_loop3A_413 = vector.extract %parallel_loop3A_412[0] : i32 from vector<1xi32>
      %parallel_loop3A_414 = arith.constant 10 : i32
      %parallel_loop3A_415 = arith.addi %parallel_loop3A_26, %parallel_loop3A_414 : i32
      %parallel_loop3A_416 = arith.constant 64 : i32
      %parallel_loop3A_417 = arith.muli %parallel_loop3A_415, %parallel_loop3A_416 : i32
      %parallel_loop3A_418 = arith.constant 0 : i32
      %parallel_loop3A_419 = arith.addi %parallel_loop3A_413, %parallel_loop3A_418 : i32
      %parallel_loop3A_420 = arith.index_cast %parallel_loop3A_419 : i32 to index
      %parallel_loop3A_421 = tpu.vector_load %arg5[%parallel_loop3A_420] {strides = array<i32>} : memref<65536xf32, #tpu.memory_space<vmem>>, vector<16xf32>,
      %parallel_loop3A_422 = arith.constant 0 : i32
      %parallel_loop3A_423 = arith.addi %parallel_loop3A_417, %parallel_loop3A_422 : i32
      %parallel_loop3A_424 = arith.index_cast %parallel_loop3A_423 : i32 to index
      %parallel_loop3A_425 = tpu.vector_load %arg7[%parallel_loop3A_424] {strides = array<i32>} : memref<32768xf32, #tpu.memory_space<vmem>>, vector<16xf32>,
      tpu.vector_store %arg7[%parallel_loop3A_424], %parallel_loop3A_421 {strides = array<i32>} : memref<32768xf32, #tpu.memory_space<vmem>>, vector<16xf32>,
      %parallel_loop3A_426 = arith.constant 16 : i32
      %parallel_loop3A_427 = arith.addi %parallel_loop3A_413, %parallel_loop3A_426 : i32
      %parallel_loop3A_428 = arith.index_cast %parallel_loop3A_427 : i32 to index
      %parallel_loop3A_429 = tpu.vector_load %arg5[%parallel_loop3A_428] {strides = array<i32>} : memref<65536xf32, #tpu.memory_space<vmem>>, vector<16xf32>,
      %parallel_loop3A_430 = arith.constant 16 : i32
      %parallel_loop3A_431 = arith.addi %parallel_loop3A_417, %parallel_loop3A_430 : i32
      %parallel_loop3A_432 = arith.index_cast %parallel_loop3A_431 : i32 to index
      %parallel_loop3A_433 = tpu.vector_load %arg7[%parallel_loop3A_432] {strides = array<i32>} : memref<32768xf32, #tpu.memory_space<vmem>>, vector<16xf32>,
      tpu.vector_store %arg7[%parallel_loop3A_432], %parallel_loop3A_429 {strides = array<i32>} : memref<32768xf32, #tpu.memory_space<vmem>>, vector<16xf32>,
      %parallel_loop3A_434 = arith.constant 32 : i32
      %parallel_loop3A_435 = arith.addi %parallel_loop3A_413, %parallel_loop3A_434 : i32
      %parallel_loop3A_436 = arith.index_cast %parallel_loop3A_435 : i32 to index
      %parallel_loop3A_437 = tpu.vector_load %arg5[%parallel_loop3A_436] {strides = array<i32>} : memref<65536xf32, #tpu.memory_space<vmem>>, vector<16xf32>,
      %parallel_loop3A_438 = arith.constant 32 : i32
      %parallel_loop3A_439 = arith.addi %parallel_loop3A_417, %parallel_loop3A_438 : i32
      %parallel_loop3A_440 = arith.index_cast %parallel_loop3A_439 : i32 to index
      %parallel_loop3A_441 = tpu.vector_load %arg7[%parallel_loop3A_440] {strides = array<i32>} : memref<32768xf32, #tpu.memory_space<vmem>>, vector<16xf32>,
      tpu.vector_store %arg7[%parallel_loop3A_440], %parallel_loop3A_437 {strides = array<i32>} : memref<32768xf32, #tpu.memory_space<vmem>>, vector<16xf32>,
      %parallel_loop3A_442 = arith.constant 48 : i32
      %parallel_loop3A_443 = arith.addi %parallel_loop3A_413, %parallel_loop3A_442 : i32
      %parallel_loop3A_444 = arith.index_cast %parallel_loop3A_443 : i32 to index
      %parallel_loop3A_445 = tpu.vector_load %arg5[%parallel_loop3A_444] {strides = array<i32>} : memref<65536xf32, #tpu.memory_space<vmem>>, vector<16xf32>,
      %parallel_loop3A_446 = arith.constant 48 : i32
      %parallel_loop3A_447 = arith.addi %parallel_loop3A_417, %parallel_loop3A_446 : i32
      %parallel_loop3A_448 = arith.index_cast %parallel_loop3A_447 : i32 to index
      %parallel_loop3A_449 = tpu.vector_load %arg7[%parallel_loop3A_448] {strides = array<i32>} : memref<32768xf32, #tpu.memory_space<vmem>>, vector<16xf32>,
      tpu.vector_store %arg7[%parallel_loop3A_448], %parallel_loop3A_445 {strides = array<i32>} : memref<32768xf32, #tpu.memory_space<vmem>>, vector<16xf32>,
      %parallel_loop3A_450 = vector.extract_strided_slice %parallel_loop3A_31 {offsets = [11], sizes = [1], strides = [1]} : vector<16xi32> to vector<1xi32>
      %parallel_loop3A_451 = vector.extract %parallel_loop3A_450[0] : i32 from vector<1xi32>
      %parallel_loop3A_452 = arith.constant 11 : i32
      %parallel_loop3A_453 = arith.addi %parallel_loop3A_26, %parallel_loop3A_452 : i32
      %parallel_loop3A_454 = arith.constant 64 : i32
      %parallel_loop3A_455 = arith.muli %parallel_loop3A_453, %parallel_loop3A_454 : i32
      %parallel_loop3A_456 = arith.constant 0 : i32
      %parallel_loop3A_457 = arith.addi %parallel_loop3A_451, %parallel_loop3A_456 : i32
      %parallel_loop3A_458 = arith.index_cast %parallel_loop3A_457 : i32 to index
      %parallel_loop3A_459 = tpu.vector_load %arg5[%parallel_loop3A_458] {strides = array<i32>} : memref<65536xf32, #tpu.memory_space<vmem>>, vector<16xf32>,
      %parallel_loop3A_460 = arith.constant 0 : i32
      %parallel_loop3A_461 = arith.addi %parallel_loop3A_455, %parallel_loop3A_460 : i32
      %parallel_loop3A_462 = arith.index_cast %parallel_loop3A_461 : i32 to index
      %parallel_loop3A_463 = tpu.vector_load %arg7[%parallel_loop3A_462] {strides = array<i32>} : memref<32768xf32, #tpu.memory_space<vmem>>, vector<16xf32>,
      tpu.vector_store %arg7[%parallel_loop3A_462], %parallel_loop3A_459 {strides = array<i32>} : memref<32768xf32, #tpu.memory_space<vmem>>, vector<16xf32>,
      %parallel_loop3A_464 = arith.constant 16 : i32
      %parallel_loop3A_465 = arith.addi %parallel_loop3A_451, %parallel_loop3A_464 : i32
      %parallel_loop3A_466 = arith.index_cast %parallel_loop3A_465 : i32 to index
      %parallel_loop3A_467 = tpu.vector_load %arg5[%parallel_loop3A_466] {strides = array<i32>} : memref<65536xf32, #tpu.memory_space<vmem>>, vector<16xf32>,
      %parallel_loop3A_468 = arith.constant 16 : i32
      %parallel_loop3A_469 = arith.addi %parallel_loop3A_455, %parallel_loop3A_468 : i32
      %parallel_loop3A_470 = arith.index_cast %parallel_loop3A_469 : i32 to index
      %parallel_loop3A_471 = tpu.vector_load %arg7[%parallel_loop3A_470] {strides = array<i32>} : memref<32768xf32, #tpu.memory_space<vmem>>, vector<16xf32>,
      tpu.vector_store %arg7[%parallel_loop3A_470], %parallel_loop3A_467 {strides = array<i32>} : memref<32768xf32, #tpu.memory_space<vmem>>, vector<16xf32>,
      %parallel_loop3A_472 = arith.constant 32 : i32
      %parallel_loop3A_473 = arith.addi %parallel_loop3A_451, %parallel_loop3A_472 : i32
      %parallel_loop3A_474 = arith.index_cast %parallel_loop3A_473 : i32 to index
      %parallel_loop3A_475 = tpu.vector_load %arg5[%parallel_loop3A_474] {strides = array<i32>} : memref<65536xf32, #tpu.memory_space<vmem>>, vector<16xf32>,
      %parallel_loop3A_476 = arith.constant 32 : i32
      %parallel_loop3A_477 = arith.addi %parallel_loop3A_455, %parallel_loop3A_476 : i32
      %parallel_loop3A_478 = arith.index_cast %parallel_loop3A_477 : i32 to index
      %parallel_loop3A_479 = tpu.vector_load %arg7[%parallel_loop3A_478] {strides = array<i32>} : memref<32768xf32, #tpu.memory_space<vmem>>, vector<16xf32>,
      tpu.vector_store %arg7[%parallel_loop3A_478], %parallel_loop3A_475 {strides = array<i32>} : memref<32768xf32, #tpu.memory_space<vmem>>, vector<16xf32>,
      %parallel_loop3A_480 = arith.constant 48 : i32
      %parallel_loop3A_481 = arith.addi %parallel_loop3A_451, %parallel_loop3A_480 : i32
      %parallel_loop3A_482 = arith.index_cast %parallel_loop3A_481 : i32 to index
      %parallel_loop3A_483 = tpu.vector_load %arg5[%parallel_loop3A_482] {strides = array<i32>} : memref<65536xf32, #tpu.memory_space<vmem>>, vector<16xf32>,
      %parallel_loop3A_484 = arith.constant 48 : i32
      %parallel_loop3A_485 = arith.addi %parallel_loop3A_455, %parallel_loop3A_484 : i32
      %parallel_loop3A_486 = arith.index_cast %parallel_loop3A_485 : i32 to index
      %parallel_loop3A_487 = tpu.vector_load %arg7[%parallel_loop3A_486] {strides = array<i32>} : memref<32768xf32, #tpu.memory_space<vmem>>, vector<16xf32>,
      tpu.vector_store %arg7[%parallel_loop3A_486], %parallel_loop3A_483 {strides = array<i32>} : memref<32768xf32, #tpu.memory_space<vmem>>, vector<16xf32>,
      %parallel_loop3A_488 = vector.extract_strided_slice %parallel_loop3A_31 {offsets = [12], sizes = [1], strides = [1]} : vector<16xi32> to vector<1xi32>
      %parallel_loop3A_489 = vector.extract %parallel_loop3A_488[0] : i32 from vector<1xi32>
      %parallel_loop3A_490 = arith.constant 12 : i32
      %parallel_loop3A_491 = arith.addi %parallel_loop3A_26, %parallel_loop3A_490 : i32
      %parallel_loop3A_492 = arith.constant 64 : i32
      %parallel_loop3A_493 = arith.muli %parallel_loop3A_491, %parallel_loop3A_492 : i32
      %parallel_loop3A_494 = arith.constant 0 : i32
      %parallel_loop3A_495 = arith.addi %parallel_loop3A_489, %parallel_loop3A_494 : i32
      %parallel_loop3A_496 = arith.index_cast %parallel_loop3A_495 : i32 to index
      %parallel_loop3A_497 = tpu.vector_load %arg5[%parallel_loop3A_496] {strides = array<i32>} : memref<65536xf32, #tpu.memory_space<vmem>>, vector<16xf32>,
      %parallel_loop3A_498 = arith.constant 0 : i32
      %parallel_loop3A_499 = arith.addi %parallel_loop3A_493, %parallel_loop3A_498 : i32
      %parallel_loop3A_500 = arith.index_cast %parallel_loop3A_499 : i32 to index
      %parallel_loop3A_501 = tpu.vector_load %arg7[%parallel_loop3A_500] {strides = array<i32>} : memref<32768xf32, #tpu.memory_space<vmem>>, vector<16xf32>,
      tpu.vector_store %arg7[%parallel_loop3A_500], %parallel_loop3A_497 {strides = array<i32>} : memref<32768xf32, #tpu.memory_space<vmem>>, vector<16xf32>,
      %parallel_loop3A_502 = arith.constant 16 : i32
      %parallel_loop3A_503 = arith.addi %parallel_loop3A_489, %parallel_loop3A_502 : i32
      %parallel_loop3A_504 = arith.index_cast %parallel_loop3A_503 : i32 to index
      %parallel_loop3A_505 = tpu.vector_load %arg5[%parallel_loop3A_504] {strides = array<i32>} : memref<65536xf32, #tpu.memory_space<vmem>>, vector<16xf32>,
      %parallel_loop3A_506 = arith.constant 16 : i32
      %parallel_loop3A_507 = arith.addi %parallel_loop3A_493, %parallel_loop3A_506 : i32
      %parallel_loop3A_508 = arith.index_cast %parallel_loop3A_507 : i32 to index
      %parallel_loop3A_509 = tpu.vector_load %arg7[%parallel_loop3A_508] {strides = array<i32>} : memref<32768xf32, #tpu.memory_space<vmem>>, vector<16xf32>,
      tpu.vector_store %arg7[%parallel_loop3A_508], %parallel_loop3A_505 {strides = array<i32>} : memref<32768xf32, #tpu.memory_space<vmem>>, vector<16xf32>,
      %parallel_loop3A_510 = arith.constant 32 : i32
      %parallel_loop3A_511 = arith.addi %parallel_loop3A_489, %parallel_loop3A_510 : i32
      %parallel_loop3A_512 = arith.index_cast %parallel_loop3A_511 : i32 to index
      %parallel_loop3A_513 = tpu.vector_load %arg5[%parallel_loop3A_512] {strides = array<i32>} : memref<65536xf32, #tpu.memory_space<vmem>>, vector<16xf32>,
      %parallel_loop3A_514 = arith.constant 32 : i32
      %parallel_loop3A_515 = arith.addi %parallel_loop3A_493, %parallel_loop3A_514 : i32
      %parallel_loop3A_516 = arith.index_cast %parallel_loop3A_515 : i32 to index
      %parallel_loop3A_517 = tpu.vector_load %arg7[%parallel_loop3A_516] {strides = array<i32>} : memref<32768xf32, #tpu.memory_space<vmem>>, vector<16xf32>,
      tpu.vector_store %arg7[%parallel_loop3A_516], %parallel_loop3A_513 {strides = array<i32>} : memref<32768xf32, #tpu.memory_space<vmem>>, vector<16xf32>,
      %parallel_loop3A_518 = arith.constant 48 : i32
      %parallel_loop3A_519 = arith.addi %parallel_loop3A_489, %parallel_loop3A_518 : i32
      %parallel_loop3A_520 = arith.index_cast %parallel_loop3A_519 : i32 to index
      %parallel_loop3A_521 = tpu.vector_load %arg5[%parallel_loop3A_520] {strides = array<i32>} : memref<65536xf32, #tpu.memory_space<vmem>>, vector<16xf32>,
      %parallel_loop3A_522 = arith.constant 48 : i32
      %parallel_loop3A_523 = arith.addi %parallel_loop3A_493, %parallel_loop3A_522 : i32
      %parallel_loop3A_524 = arith.index_cast %parallel_loop3A_523 : i32 to index
      %parallel_loop3A_525 = tpu.vector_load %arg7[%parallel_loop3A_524] {strides = array<i32>} : memref<32768xf32, #tpu.memory_space<vmem>>, vector<16xf32>,
      tpu.vector_store %arg7[%parallel_loop3A_524], %parallel_loop3A_521 {strides = array<i32>} : memref<32768xf32, #tpu.memory_space<vmem>>, vector<16xf32>,
      %parallel_loop3A_526 = vector.extract_strided_slice %parallel_loop3A_31 {offsets = [13], sizes = [1], strides = [1]} : vector<16xi32> to vector<1xi32>
      %parallel_loop3A_527 = vector.extract %parallel_loop3A_526[0] : i32 from vector<1xi32>
      %parallel_loop3A_528 = arith.constant 13 : i32
      %parallel_loop3A_529 = arith.addi %parallel_loop3A_26, %parallel_loop3A_528 : i32
      %parallel_loop3A_530 = arith.constant 64 : i32
      %parallel_loop3A_531 = arith.muli %parallel_loop3A_529, %parallel_loop3A_530 : i32
      %parallel_loop3A_532 = arith.constant 0 : i32
      %parallel_loop3A_533 = arith.addi %parallel_loop3A_527, %parallel_loop3A_532 : i32
      %parallel_loop3A_534 = arith.index_cast %parallel_loop3A_533 : i32 to index
      %parallel_loop3A_535 = tpu.vector_load %arg5[%parallel_loop3A_534] {strides = array<i32>} : memref<65536xf32, #tpu.memory_space<vmem>>, vector<16xf32>,
      %parallel_loop3A_536 = arith.constant 0 : i32
      %parallel_loop3A_537 = arith.addi %parallel_loop3A_531, %parallel_loop3A_536 : i32
      %parallel_loop3A_538 = arith.index_cast %parallel_loop3A_537 : i32 to index
      %parallel_loop3A_539 = tpu.vector_load %arg7[%parallel_loop3A_538] {strides = array<i32>} : memref<32768xf32, #tpu.memory_space<vmem>>, vector<16xf32>,
      tpu.vector_store %arg7[%parallel_loop3A_538], %parallel_loop3A_535 {strides = array<i32>} : memref<32768xf32, #tpu.memory_space<vmem>>, vector<16xf32>,
      %parallel_loop3A_540 = arith.constant 16 : i32
      %parallel_loop3A_541 = arith.addi %parallel_loop3A_527, %parallel_loop3A_540 : i32
      %parallel_loop3A_542 = arith.index_cast %parallel_loop3A_541 : i32 to index
      %parallel_loop3A_543 = tpu.vector_load %arg5[%parallel_loop3A_542] {strides = array<i32>} : memref<65536xf32, #tpu.memory_space<vmem>>, vector<16xf32>,
      %parallel_loop3A_544 = arith.constant 16 : i32
      %parallel_loop3A_545 = arith.addi %parallel_loop3A_531, %parallel_loop3A_544 : i32
      %parallel_loop3A_546 = arith.index_cast %parallel_loop3A_545 : i32 to index
      %parallel_loop3A_547 = tpu.vector_load %arg7[%parallel_loop3A_546] {strides = array<i32>} : memref<32768xf32, #tpu.memory_space<vmem>>, vector<16xf32>,
      tpu.vector_store %arg7[%parallel_loop3A_546], %parallel_loop3A_543 {strides = array<i32>} : memref<32768xf32, #tpu.memory_space<vmem>>, vector<16xf32>,
      %parallel_loop3A_548 = arith.constant 32 : i32
      %parallel_loop3A_549 = arith.addi %parallel_loop3A_527, %parallel_loop3A_548 : i32
      %parallel_loop3A_550 = arith.index_cast %parallel_loop3A_549 : i32 to index
      %parallel_loop3A_551 = tpu.vector_load %arg5[%parallel_loop3A_550] {strides = array<i32>} : memref<65536xf32, #tpu.memory_space<vmem>>, vector<16xf32>,
      %parallel_loop3A_552 = arith.constant 32 : i32
      %parallel_loop3A_553 = arith.addi %parallel_loop3A_531, %parallel_loop3A_552 : i32
      %parallel_loop3A_554 = arith.index_cast %parallel_loop3A_553 : i32 to index
      %parallel_loop3A_555 = tpu.vector_load %arg7[%parallel_loop3A_554] {strides = array<i32>} : memref<32768xf32, #tpu.memory_space<vmem>>, vector<16xf32>,
      tpu.vector_store %arg7[%parallel_loop3A_554], %parallel_loop3A_551 {strides = array<i32>} : memref<32768xf32, #tpu.memory_space<vmem>>, vector<16xf32>,
      %parallel_loop3A_556 = arith.constant 48 : i32
      %parallel_loop3A_557 = arith.addi %parallel_loop3A_527, %parallel_loop3A_556 : i32
      %parallel_loop3A_558 = arith.index_cast %parallel_loop3A_557 : i32 to index
      %parallel_loop3A_559 = tpu.vector_load %arg5[%parallel_loop3A_558] {strides = array<i32>} : memref<65536xf32, #tpu.memory_space<vmem>>, vector<16xf32>,
      %parallel_loop3A_560 = arith.constant 48 : i32
      %parallel_loop3A_561 = arith.addi %parallel_loop3A_531, %parallel_loop3A_560 : i32
      %parallel_loop3A_562 = arith.index_cast %parallel_loop3A_561 : i32 to index
      %parallel_loop3A_563 = tpu.vector_load %arg7[%parallel_loop3A_562] {strides = array<i32>} : memref<32768xf32, #tpu.memory_space<vmem>>, vector<16xf32>,
      tpu.vector_store %arg7[%parallel_loop3A_562], %parallel_loop3A_559 {strides = array<i32>} : memref<32768xf32, #tpu.memory_space<vmem>>, vector<16xf32>,
      %parallel_loop3A_564 = vector.extract_strided_slice %parallel_loop3A_31 {offsets = [14], sizes = [1], strides = [1]} : vector<16xi32> to vector<1xi32>
      %parallel_loop3A_565 = vector.extract %parallel_loop3A_564[0] : i32 from vector<1xi32>
      %parallel_loop3A_566 = arith.constant 14 : i32
      %parallel_loop3A_567 = arith.addi %parallel_loop3A_26, %parallel_loop3A_566 : i32
      %parallel_loop3A_568 = arith.constant 64 : i32
      %parallel_loop3A_569 = arith.muli %parallel_loop3A_567, %parallel_loop3A_568 : i32
      %parallel_loop3A_570 = arith.constant 0 : i32
      %parallel_loop3A_571 = arith.addi %parallel_loop3A_565, %parallel_loop3A_570 : i32
      %parallel_loop3A_572 = arith.index_cast %parallel_loop3A_571 : i32 to index
      %parallel_loop3A_573 = tpu.vector_load %arg5[%parallel_loop3A_572] {strides = array<i32>} : memref<65536xf32, #tpu.memory_space<vmem>>, vector<16xf32>,
      %parallel_loop3A_574 = arith.constant 0 : i32
      %parallel_loop3A_575 = arith.addi %parallel_loop3A_569, %parallel_loop3A_574 : i32
      %parallel_loop3A_576 = arith.index_cast %parallel_loop3A_575 : i32 to index
      %parallel_loop3A_577 = tpu.vector_load %arg7[%parallel_loop3A_576] {strides = array<i32>} : memref<32768xf32, #tpu.memory_space<vmem>>, vector<16xf32>,
      tpu.vector_store %arg7[%parallel_loop3A_576], %parallel_loop3A_573 {strides = array<i32>} : memref<32768xf32, #tpu.memory_space<vmem>>, vector<16xf32>,
      %parallel_loop3A_578 = arith.constant 16 : i32
      %parallel_loop3A_579 = arith.addi %parallel_loop3A_565, %parallel_loop3A_578 : i32
      %parallel_loop3A_580 = arith.index_cast %parallel_loop3A_579 : i32 to index
      %parallel_loop3A_581 = tpu.vector_load %arg5[%parallel_loop3A_580] {strides = array<i32>} : memref<65536xf32, #tpu.memory_space<vmem>>, vector<16xf32>,
      %parallel_loop3A_582 = arith.constant 16 : i32
      %parallel_loop3A_583 = arith.addi %parallel_loop3A_569, %parallel_loop3A_582 : i32
      %parallel_loop3A_584 = arith.index_cast %parallel_loop3A_583 : i32 to index
      %parallel_loop3A_585 = tpu.vector_load %arg7[%parallel_loop3A_584] {strides = array<i32>} : memref<32768xf32, #tpu.memory_space<vmem>>, vector<16xf32>,
      tpu.vector_store %arg7[%parallel_loop3A_584], %parallel_loop3A_581 {strides = array<i32>} : memref<32768xf32, #tpu.memory_space<vmem>>, vector<16xf32>,
      %parallel_loop3A_586 = arith.constant 32 : i32
      %parallel_loop3A_587 = arith.addi %parallel_loop3A_565, %parallel_loop3A_586 : i32
      %parallel_loop3A_588 = arith.index_cast %parallel_loop3A_587 : i32 to index
      %parallel_loop3A_589 = tpu.vector_load %arg5[%parallel_loop3A_588] {strides = array<i32>} : memref<65536xf32, #tpu.memory_space<vmem>>, vector<16xf32>,
      %parallel_loop3A_590 = arith.constant 32 : i32
      %parallel_loop3A_591 = arith.addi %parallel_loop3A_569, %parallel_loop3A_590 : i32
      %parallel_loop3A_592 = arith.index_cast %parallel_loop3A_591 : i32 to index
      %parallel_loop3A_593 = tpu.vector_load %arg7[%parallel_loop3A_592] {strides = array<i32>} : memref<32768xf32, #tpu.memory_space<vmem>>, vector<16xf32>,
      tpu.vector_store %arg7[%parallel_loop3A_592], %parallel_loop3A_589 {strides = array<i32>} : memref<32768xf32, #tpu.memory_space<vmem>>, vector<16xf32>,
      %parallel_loop3A_594 = arith.constant 48 : i32
      %parallel_loop3A_595 = arith.addi %parallel_loop3A_565, %parallel_loop3A_594 : i32
      %parallel_loop3A_596 = arith.index_cast %parallel_loop3A_595 : i32 to index
      %parallel_loop3A_597 = tpu.vector_load %arg5[%parallel_loop3A_596] {strides = array<i32>} : memref<65536xf32, #tpu.memory_space<vmem>>, vector<16xf32>,
      %parallel_loop3A_598 = arith.constant 48 : i32
      %parallel_loop3A_599 = arith.addi %parallel_loop3A_569, %parallel_loop3A_598 : i32
      %parallel_loop3A_600 = arith.index_cast %parallel_loop3A_599 : i32 to index
      %parallel_loop3A_601 = tpu.vector_load %arg7[%parallel_loop3A_600] {strides = array<i32>} : memref<32768xf32, #tpu.memory_space<vmem>>, vector<16xf32>,
      tpu.vector_store %arg7[%parallel_loop3A_600], %parallel_loop3A_597 {strides = array<i32>} : memref<32768xf32, #tpu.memory_space<vmem>>, vector<16xf32>,
      %parallel_loop3A_602 = vector.extract_strided_slice %parallel_loop3A_31 {offsets = [15], sizes = [1], strides = [1]} : vector<16xi32> to vector<1xi32>
      %parallel_loop3A_603 = vector.extract %parallel_loop3A_602[0] : i32 from vector<1xi32>
      %parallel_loop3A_604 = arith.constant 15 : i32
      %parallel_loop3A_605 = arith.addi %parallel_loop3A_26, %parallel_loop3A_604 : i32
      %parallel_loop3A_606 = arith.constant 64 : i32
      %parallel_loop3A_607 = arith.muli %parallel_loop3A_605, %parallel_loop3A_606 : i32
      %parallel_loop3A_608 = arith.constant 0 : i32
      %parallel_loop3A_609 = arith.addi %parallel_loop3A_603, %parallel_loop3A_608 : i32
      %parallel_loop3A_610 = arith.index_cast %parallel_loop3A_609 : i32 to index
      %parallel_loop3A_611 = tpu.vector_load %arg5[%parallel_loop3A_610] {strides = array<i32>} : memref<65536xf32, #tpu.memory_space<vmem>>, vector<16xf32>,
      %parallel_loop3A_612 = arith.constant 0 : i32
      %parallel_loop3A_613 = arith.addi %parallel_loop3A_607, %parallel_loop3A_612 : i32
      %parallel_loop3A_614 = arith.index_cast %parallel_loop3A_613 : i32 to index
      %parallel_loop3A_615 = tpu.vector_load %arg7[%parallel_loop3A_614] {strides = array<i32>} : memref<32768xf32, #tpu.memory_space<vmem>>, vector<16xf32>,
      tpu.vector_store %arg7[%parallel_loop3A_614], %parallel_loop3A_611 {strides = array<i32>} : memref<32768xf32, #tpu.memory_space<vmem>>, vector<16xf32>,
      %parallel_loop3A_616 = arith.constant 16 : i32
      %parallel_loop3A_617 = arith.addi %parallel_loop3A_603, %parallel_loop3A_616 : i32
      %parallel_loop3A_618 = arith.index_cast %parallel_loop3A_617 : i32 to index
      %parallel_loop3A_619 = tpu.vector_load %arg5[%parallel_loop3A_618] {strides = array<i32>} : memref<65536xf32, #tpu.memory_space<vmem>>, vector<16xf32>,
      %parallel_loop3A_620 = arith.constant 16 : i32
      %parallel_loop3A_621 = arith.addi %parallel_loop3A_607, %parallel_loop3A_620 : i32
      %parallel_loop3A_622 = arith.index_cast %parallel_loop3A_621 : i32 to index
      %parallel_loop3A_623 = tpu.vector_load %arg7[%parallel_loop3A_622] {strides = array<i32>} : memref<32768xf32, #tpu.memory_space<vmem>>, vector<16xf32>,
      tpu.vector_store %arg7[%parallel_loop3A_622], %parallel_loop3A_619 {strides = array<i32>} : memref<32768xf32, #tpu.memory_space<vmem>>, vector<16xf32>,
      %parallel_loop3A_624 = arith.constant 32 : i32
      %parallel_loop3A_625 = arith.addi %parallel_loop3A_603, %parallel_loop3A_624 : i32
      %parallel_loop3A_626 = arith.index_cast %parallel_loop3A_625 : i32 to index
      %parallel_loop3A_627 = tpu.vector_load %arg5[%parallel_loop3A_626] {strides = array<i32>} : memref<65536xf32, #tpu.memory_space<vmem>>, vector<16xf32>,
      %parallel_loop3A_628 = arith.constant 32 : i32
      %parallel_loop3A_629 = arith.addi %parallel_loop3A_607, %parallel_loop3A_628 : i32
      %parallel_loop3A_630 = arith.index_cast %parallel_loop3A_629 : i32 to index
      %parallel_loop3A_631 = tpu.vector_load %arg7[%parallel_loop3A_630] {strides = array<i32>} : memref<32768xf32, #tpu.memory_space<vmem>>, vector<16xf32>,
      tpu.vector_store %arg7[%parallel_loop3A_630], %parallel_loop3A_627 {strides = array<i32>} : memref<32768xf32, #tpu.memory_space<vmem>>, vector<16xf32>,
      %parallel_loop3A_632 = arith.constant 48 : i32
      %parallel_loop3A_633 = arith.addi %parallel_loop3A_603, %parallel_loop3A_632 : i32
      %parallel_loop3A_634 = arith.index_cast %parallel_loop3A_633 : i32 to index
      %parallel_loop3A_635 = tpu.vector_load %arg5[%parallel_loop3A_634] {strides = array<i32>} : memref<65536xf32, #tpu.memory_space<vmem>>, vector<16xf32>,
      %parallel_loop3A_636 = arith.constant 48 : i32
      %parallel_loop3A_637 = arith.addi %parallel_loop3A_607, %parallel_loop3A_636 : i32
      %parallel_loop3A_638 = arith.index_cast %parallel_loop3A_637 : i32 to index
      %parallel_loop3A_639 = tpu.vector_load %arg7[%parallel_loop3A_638] {strides = array<i32>} : memref<32768xf32, #tpu.memory_space<vmem>>, vector<16xf32>,
      tpu.vector_store %arg7[%parallel_loop3A_638], %parallel_loop3A_635 {strides = array<i32>} : memref<32768xf32, #tpu.memory_space<vmem>>, vector<16xf32>,
    } {sc.loop_unroll_factor = 2 : i64, sc.parallel_access}
    %mul3A_15 = arith.constant 64 : i32
    %mul3A_16 = arith.muli %mul3A_2, %mul3A_15 : i32
    %add3A_17 = arith.constant 16384 : i32
    %add3A_18 = arith.addi %mul3A_16, %add3A_17 : i32
    "tpu.region"() ({
      %run_scoped3A = tpu.sem_alloc : memref<!tpu.dma_semaphore, #tpu.memory_space<semaphore_mem>>
      %dma_start3A_24 = arith.constant 16384 : i32
      %dma_start3A_25 = tpu.memref_slice %arg7[%dma_start3A_24] : memref<32768xf32, #tpu.memory_space<vmem>> -> memref<16384xf32, #tpu.memory_space<vmem>>
      %dma_start3A_26 = tpu.memref_slice %arg4[%add3A_18] : memref<1048576xf32, #tpu.memory_space<hbm>> -> memref<16384xf32, #tpu.memory_space<hbm>>
      %dma_start3A_27 = tpu.memref_slice %arg4[%add3A_18] : memref<1048576xf32, #tpu.memory_space<hbm>> -> memref<16384xf32, #tpu.memory_space<hbm>>
      %dma_start3A_28 = arith.constant 16384 : i32
      %dma_start3A_29 = tpu.memref_slice %arg7[%dma_start3A_28] : memref<32768xf32, #tpu.memory_space<vmem>> -> memref<16384xf32, #tpu.memory_space<vmem>>
      tpu.enqueue_dma source(%dma_start3A_29 : memref<16384xf32, #tpu.memory_space<vmem>>) target(%dma_start3A_27 : memref<16384xf32, #tpu.memory_space<hbm>>) target_semaphore(%run_scoped3A : memref<!tpu.dma_semaphore, #tpu.memory_space<semaphore_mem>>)
      %dma_wait3A_30 = arith.constant 16384 : i32
      %dma_wait3A_31 = tpu.memref_slice %arg7[%dma_wait3A_30] : memref<32768xf32, #tpu.memory_space<vmem>> -> memref<16384xf32, #tpu.memory_space<vmem>>
      %dma_wait3A_32 = tpu.memref_slice %arg4[%add3A_18] : memref<1048576xf32, #tpu.memory_space<hbm>> -> memref<16384xf32, #tpu.memory_space<hbm>>
      %dma_wait3A_33 = tpu.memref_slice %arg4[%add3A_18] : memref<1048576xf32, #tpu.memory_space<hbm>> -> memref<16384xf32, #tpu.memory_space<hbm>>
      %dma_wait3A_34 = arith.constant 16384 : i32
      %dma_wait3A_35 = tpu.memref_slice %arg7[%dma_wait3A_34] : memref<32768xf32, #tpu.memory_space<vmem>> -> memref<16384xf32, #tpu.memory_space<vmem>>
      tpu.wait_dma2 semaphore(%run_scoped3A : memref<!tpu.dma_semaphore, #tpu.memory_space<semaphore_mem>>) src(%dma_wait3A_35 : memref<16384xf32, #tpu.memory_space<vmem>>) dst(%dma_wait3A_33 : memref<16384xf32, #tpu.memory_space<hbm>>)
      tpu.yield
    }) : () -> ()
    %dma_wait3A = arith.constant 0 : i32
    %dma_wait3A_19 = tpu.memref_slice %arg7[%dma_wait3A] : memref<32768xf32, #tpu.memory_space<vmem>> -> memref<16384xf32, #tpu.memory_space<vmem>>
    %dma_wait3A_20 = tpu.memref_slice %arg4[%mul3A_6] : memref<1048576xf32, #tpu.memory_space<hbm>> -> memref<16384xf32, #tpu.memory_space<hbm>>
    %dma_wait3A_21 = tpu.memref_slice %arg4[%mul3A_6] : memref<1048576xf32, #tpu.memory_space<hbm>> -> memref<16384xf32, #tpu.memory_space<hbm>>
    %dma_wait3A_22 = arith.constant 0 : i32
    %dma_wait3A_23 = tpu.memref_slice %arg7[%dma_wait3A_22] : memref<32768xf32, #tpu.memory_space<vmem>> -> memref<16384xf32, #tpu.memory_space<vmem>>
    tpu.wait_dma2 semaphore(%arg9 : memref<!tpu.dma_semaphore, #tpu.memory_space<semaphore_mem>>) src(%dma_wait3A_23 : memref<16384xf32, #tpu.memory_space<vmem>>) dst(%dma_wait3A_21 : memref<16384xf32, #tpu.memory_space<hbm>>)
    return
  }
}

module attributes {stable_mosaic.version = 14 : i64} {
  func.func @_dist_argmin_body(%arg0: i32, %arg1: memref<64x1024xf32, #tpu.memory_space<vmem>>, %arg2: memref<8192x64xf32, #tpu.memory_space<vmem>>, %arg3: memref<1x1x8192xi32, #tpu.memory_space<vmem>>) attributes {dimension_semantics = [#tpu.dimension_semantics<arbitrary>], iteration_bounds = array<i64: 2>, scalar_prefetch = 0 : i64, scratch_operands = 0 : i64, tpu.core_type = #tpu.core_type<tc>, window_params = [{pipeline_mode = #tpu.pipeline_mode<synchronous>, transform_indices = @transform_0, window_bounds = array<i64: 64, 1024>}, {transform_indices = @transform_1, window_bounds = array<i64: 8192, 64>}, {transform_indices = @transform_2, window_bounds = array<i64: 1, 1, 8192>}]} {
    %get3A = arith.constant 0 : index
    %get3A_0 = arith.constant 0 : index
    %get3A_1 = vector.load %arg1[%get3A, %get3A_0] : memref<64x1024xf32, #tpu.memory_space<vmem>>, vector<64x1024xf32>
    %get3A_2 = arith.constant 0 : index
    %get3A_3 = arith.constant 0 : index
    %get3A_4 = vector.load %arg2[%get3A_2, %get3A_3] : memref<8192x64xf32, #tpu.memory_space<vmem>>, vector<8192x64xf32>
    %mul3A = arith.constant -2.000000e+00 : f32
    %mul3A_5 = vector.broadcast %mul3A : f32 to vector<64x1024xf32>
    %mul3A_6 = arith.mulf %mul3A_5, %get3A_1 : vector<64x1024xf32>
    %dot_general3A = arith.constant dense<0.000000e+00> : vector<1024x8192xf32>
    %dot_general3A_7 = tpu.matmul %mul3A_6, %get3A_4, %dot_general3A {dimension_numbers = #tpu.dot_dimension_numbers<[0], [1], [1], [0], [0, 1, 1, 0], [], []>, transpose_lhs_hint = false} : vector<64x1024xf32>, vector<8192x64xf32>, vector<1024x8192xf32> -> vector<1024x8192xf32>
    %transpose3A = tpu.transpose %get3A_4, [1, 0] : vector<8192x64xf32> -> vector<64x8192xf32>
    %mul3A_8 = arith.mulf %transpose3A, %transpose3A : vector<64x8192xf32>
    %reduce_sum3A = arith.constant dense<0.000000e+00> : vector<8192xf32>
    %reduce_sum3A_9 = vector.multi_reduction <add>, %mul3A_8, %reduce_sum3A [0] : vector<64x8192xf32> to vector<8192xf32>
    %broadcast_in_dim3A = vector.shape_cast %reduce_sum3A_9 : vector<8192xf32> to vector<1x8192xf32>
    %mul3A_10 = arith.mulf %get3A_1, %get3A_1 : vector<64x1024xf32>
    %reduce_sum3A_11 = arith.constant dense<0.000000e+00> : vector<1024xf32>
    %reduce_sum3A_12 = vector.multi_reduction <add>, %mul3A_10, %reduce_sum3A_11 [0] : vector<64x1024xf32> to vector<1024xf32>
    %broadcast_in_dim3A_13 = vector.shape_cast %reduce_sum3A_12 : vector<1024xf32> to vector<1x1024xf32>
    %transpose3A_14 = tpu.transpose %broadcast_in_dim3A_13, [1, 0] : vector<1x1024xf32> -> vector<1024x1xf32>
    %add3A = vector.broadcast %broadcast_in_dim3A : vector<1x8192xf32> to vector<1024x8192xf32>
    %add3A_15 = arith.addf %add3A, %dot_general3A_7 : vector<1024x8192xf32>
    %add3A_16 = vector.broadcast %transpose3A_14 : vector<1024x1xf32> to vector<1024x8192xf32>
    %add3A_17 = arith.addf %add3A_15, %add3A_16 : vector<1024x8192xf32>
    %reduce_min3A = arith.constant dense<0x7F800000> : vector<8192xf32>
    %reduce_min3A_18 = vector.multi_reduction <minimumf>, %add3A_17, %reduce_min3A [0] : vector<1024x8192xf32> to vector<8192xf32>
    %broadcast_in_dim3A_19 = vector.shape_cast %reduce_min3A_18 : vector<8192xf32> to vector<1x8192xf32>
    %iota3A = tpu.iota {dimensions = array<i32: 0>} : vector<1024x8192xi32>
    %eq3A = vector.broadcast %broadcast_in_dim3A_19 : vector<1x8192xf32> to vector<1024x8192xf32>
    %eq3A_20 = arith.cmpf oeq, %add3A_17, %eq3A : vector<1024x8192xf32>
    %jit3A = arith.constant 1024 : i32
    %broadcast_in_dim3A_21 = vector.broadcast %jit3A : i32 to vector<1024x8192xi32>
    %select_n3A = arith.select %eq3A_20, %iota3A, %broadcast_in_dim3A_21 : vector<1024x8192xi1>, vector<1024x8192xi32>
    %reduce_min3A_22 = arith.constant dense<2147483647> : vector<8192xi32>
    %reduce_min3A_23 = vector.multi_reduction <minsi>, %select_n3A, %reduce_min3A_22 [0] : vector<1024x8192xi32> to vector<8192xi32>
    %swap3A = arith.constant 0 : index
    %swap3A_24 = arith.constant 0 : index
    %swap3A_25 = arith.constant 0 : index
    %swap3A_26 = vector.load %arg3[%swap3A, %swap3A_24, %swap3A_25] : memref<1x1x8192xi32, #tpu.memory_space<vmem>>, vector<1x1x8192xi32>
    %swap3A_27 = vector.shape_cast %swap3A_26 : vector<1x1x8192xi32> to vector<8192xi32>
    %swap3A_28 = vector.shape_cast %reduce_min3A_23 : vector<8192xi32> to vector<1x1x8192xi32>
    tpu.vector_store %arg3[%swap3A, %swap3A_24, %swap3A_25], %swap3A_28 {strides = array<i32>} : memref<1x1x8192xi32, #tpu.memory_space<vmem>>, vector<1x1x8192xi32>,
    return
  }
  func.func @transform_0(%arg0: i32) -> (i32, i32) {
    %c0_i32 = arith.constant 0 : i32
    %c0_i32_0 = arith.constant 0 : i32
    %c0_i32_1 = arith.constant 0 : i32
    return %c0_i32, %c0_i32_0 : i32, i32
  }
  func.func @transform_1(%arg0: i32) -> (i32, i32) {
    %c0_i32 = arith.constant 0 : i32
    %c0_i32_0 = arith.constant 0 : i32
    return %arg0, %c0_i32 : i32, i32
  }
  func.func @transform_2(%arg0: i32) -> (i32, i32, i32) {
    %c0_i32 = arith.constant 0 : i32
    %c0_i32_0 = arith.constant 0 : i32
    %c0_i32_1 = arith.constant 0 : i32
    return %arg0, %c0_i32, %c0_i32_0 : i32, i32, i32
  }
}

</mosaic_0001>

<sc_bundles>
// kernel: kernel.4.cloned.1.call-start
scs
__scs_entry_jumppad:
0x0: {  	(pc) =	sbr.rel $0x88, $3  }
0x1: {  	(tag) =	ssettag $0x0;
	lr =	simm.s32 $0x1  }
0x2: {  	[smem:$0x3F9F] =	sst lr;
	_ =	strace $0xD0000000  }
0x3: {  	_ = 	snop  }
0x4: {  	_ = 	snop  }
0x5: {  	_ = 	snop  }
0x6: {  	_ = 	snop  }
0x7: {  	_ = 	snop  }
__scs_overlays_trampoline_lowered:
0x8: {  	[smem:$0x3FAE] =	sst s0  }
0x9: {  	[smem:$0x3FAF] =	sst s1  }
0xa: {  	[smem:$0x3FB0] =	sst s2  }
0xb: {  	[smem:$0x3FB1] =	sst s3  }
0xc: {  	[smem:$0x3FB2] =	sst s4  }
0xd: {  	[smem:$0x3FB3] =	sst s5  }
0xe: {  	[smem:$0x3FB4] =	sst s6  }
0xf: {  	[smem:$0x3FB5] =	sst s7  }
0x10: {  	[smem:$0x3FB6] =	sst s8  }
0x11: {  	[smem:$0x3FB7] =	sst s9;
	s0 =	simm.s32 @!p0 $0x0  }
0x12: {  	s1 =	sld [smem:$0x3F9D];
	s0 =	simm.s32 @p0 $0x1  }
0x13: {  	[smem:$0x3FB8] =	sst s0;
	s0 =	simm.s32 @!p1 $0x0  }
0x14: {  	s2 =	sld [smem:$0x3F9C];
	s0 =	simm.s32 @p1 $0x1  }
0x15: {  	[smem:$0x3FB9] =	sst s0;
	s0 =	simm.s32 @!p2 $0x0  }
0x16: {  	s3 =	sld [smem:$0x3FDB];
	s0 =	simm.s32 @p2 $0x1  }
0x17: {  	s4 =	simm.s32 $0x1BF5;
	[smem:$0x3FBB] =	sst s0  }
0x18: {  	s0 =	sld [smem:$0x3F9E];
	_ =	swait.ge [sflag:s4], $0x0  }
0x19: {  	s7 =	sld [smem:$0x3F9F]  }
0x1a: {  	s8 =	sadd.s32 $0xFFFFE003, lr  }
0x1b: {  	s9 =	sadd.s32 $0xFFFFFEF7, lr;
	s5 =	simm.s32 $0xFFFFFFFF;
	p2 =	slt.u32 s8, $0xFFFFF086  }
0x1c: {  	p1 =	slt.u32 s9, $0xF7A;
	s5 =	simm.s32 @!p2 $0x0  }
0x1d: {  	s5 =	simm.s32 @p1 $0x1;
	p0 =	seq.s32 s7, s2  }
0x1e: {  	s7 =	smul.u32 @!p0 $0xF7A, s2;
	p2 =	seq.s32 @!p0 s5, $0x0  }
0x1f: {  	s9 =	smul.u32 $0xF7A, s1;
	s8 =	simm.s32 @!p0 $0x1BF5;
	p2 =	por !p2, p0  }
0x20: {  	[sflag:s8] =	ssyncset.s32 @!p0 $0xFFFFF086;
	s6 =	sadd.s32 @!p0 s3, s7;
	s7 =	simm.s32 @!p0 $0x108  }
0x21: {  	s3 =	sadd.s32 s3, s9;
	s6 =	sadd.s32 @!p0 $0x88, s6;
	s7 =	simm.s32 @p2 $0x1082  }
0x22: {  	[simem:s7], [sflag:s8] =	dma.local @!p0 [hbm:s6], $0xF7A  }
0x23: {  	s9 =	sor.u32 $0xD0000000, s2;
	s6 =	simm.s32 $0x108;
	_ =	swait.ge @!p0 [sflag:s8], $0x0  }
0x24: {  	s3 =	sadd.s32 $0x88, s3;
	s6 =	simm.s32 @!p1 $0x1082;
	[sflag:s4] =	ssyncset.s32 $0xFFFFF086  }
0x25: {  	[simem:s6], [sflag:s4] =	dma.local [hbm:s3], $0xF7A  }
0x26: {  	[smem:$0x3F9F] =	sst s1;
	(tag) =	ssettag s2;
	_ =	strace s9  }
0x27: {  	s1 =	sld [smem:$0x3FAF]  }
0x28: {  	s2 =	sld [smem:$0x3FB0]  }
0x29: {  	s4 =	sld [smem:$0x3FB2]  }
0x2a: {  	p0 =	seq.s32 s5, $0x0;
	s5 =	sld [smem:$0x3FB3]  }
0x2b: {  	s6 =	sld [smem:$0x3FB4]  }
0x2c: {  	s7 =	sld [smem:$0x3FB5]  }
0x2d: {  	s3 =	simm.s32 $0x108;
	s8 =	sld [smem:$0x3FB6]  }
0x2e: {  	s3 =	simm.s32 @!p0 $0x1082;
	s9 =	sld [smem:$0x3FB7]  }
0x2f: {  	lr =	sadd.s32 s0, s3;
	s0 =	sld [smem:$0x3FAE]  }
0x30: {  	s3 =	sld [smem:$0x3FB1]  }
0x31: {  	[smem:$0x3FBA] =	sst s10  }
0x32: {  	s10 =	sld [smem:$0x3FB8];
	_ =	sdelay $0x3  }
0x33: {  	p0 =	seq.s32 s10, $0x1;
	s10 =	sld [smem:$0x3FBA];
	_ =	sdelay $0x3  }
0x34: {  	[smem:$0x3FBA] =	sst s10  }
0x35: {  	s10 =	sld [smem:$0x3FB9];
	_ =	sdelay $0x3  }
0x36: {  	p1 =	seq.s32 s10, $0x1;
	s10 =	sld [smem:$0x3FBA];
	_ =	sdelay $0x3  }
0x37: {  	[smem:$0x3FBA] =	sst s10  }
0x38: {  	s10 =	sld [smem:$0x3FBB]  }
0x39: {  	_ = 	snop;
	(pc) =	sbr.ind lr, $3  }
0x3a: {  	_ = 	snop  }
0x3b: {  	_ = 	snop  }
0x3c: {  	p2 =	seq.s32 s10, $0x1;
	s10 =	sld [smem:$0x3FBA]  }
0x3d: {  	_ =	shalt  }
0x3e: {  	_ =	shalt  }
0x3f: {  	_ =	shalt  }
0x40: {  	_ =	shalt  }
0x41: {  	_ =	shalt  }
0x42: {  	_ =	shalt  }
0x43: {  	_ =	shalt  }
0x44: {  	_ =	shalt  }
0x45: {  	_ =	shalt  }
0x46: {  	_ =	shalt  }
0x47: {  	_ =	shalt  }
0x48: {  	_ =	shalt  }
0x49: {  	_ =	shalt  }
0x4a: {  	_ =	shalt  }
0x4b: {  	_ =	shalt  }
0x4c: {  	_ =	shalt  }
0x4d: {  	_ =	shalt  }
0x4e: {  	_ =	shalt  }
0x4f: {  	_ =	shalt  }
0x50: {  	_ =	shalt  }
0x51: {  	_ =	shalt  }
0x52: {  	_ =	shalt  }
0x53: {  	_ =	shalt  }
0x54: {  	_ =	shalt  }
0x55: {  	_ =	shalt  }
0x56: {  	_ =	shalt  }
0x57: {  	_ =	shalt  }
0x58: {  	_ =	shalt  }
0x59: {  	_ =	shalt  }
0x5a: {  	_ =	shalt  }
0x5b: {  	_ =	shalt  }
0x5c: {  	_ =	shalt  }
0x5d: {  	_ =	shalt  }
0x5e: {  	_ =	shalt  }
0x5f: {  	_ =	shalt  }
0x60: {  	_ =	shalt  }
0x61: {  	_ =	shalt  }
0x62: {  	_ =	shalt  }
0x63: {  	_ =	shalt  }
0x64: {  	_ =	shalt  }
0x65: {  	_ =	shalt  }
0x66: {  	_ =	shalt  }
0x67: {  	_ =	shalt  }
0x68: {  	_ =	shalt  }
0x69: {  	_ =	shalt  }
0x6a: {  	_ =	shalt  }
0x6b: {  	_ =	shalt  }
0x6c: {  	_ =	shalt  }
0x6d: {  	_ =	shalt  }
0x6e: {  	_ =	shalt  }
0x6f: {  	_ =	shalt  }
0x70: {  	_ =	shalt  }
0x71: {  	_ =	shalt  }
0x72: {  	_ =	shalt  }
0x73: {  	_ =	shalt  }
0x74: {  	_ =	shalt  }
0x75: {  	_ =	shalt  }
0x76: {  	_ =	shalt  }
0x77: {  	_ =	shalt  }
0x78: {  	_ =	shalt  }
0x79: {  	_ =	shalt  }
0x7a: {  	_ =	shalt  }
0x7b: {  	_ =	shalt  }
0x7c: {  	_ =	shalt  }
0x7d: {  	_ =	shalt  }
0x7e: {  	_ =	shalt  }
0x7f: {  	_ =	shalt  }
0x80: {  	_ =	shalt  }
0x81: {  	_ =	shalt  }
0x82: {  	_ =	shalt  }
0x83: {  	_ =	shalt  }
0x84: {  	_ =	shalt  }
0x85: {  	_ =	shalt  }
0x86: {  	_ =	shalt  }
0x87: {  	_ =	shalt  }
.Lfunc_end0:
.L_simem_size_0:
called_computation_lowered:
.L_overlay_start_0:
0x88: {  	s2 =	sld [smem:$0x3FD9]  }
0x89: {  	s3 =	sld [smem:$0x3FFE];
	_ =	sdelay $0x1  }
0x8a: {  	s1 =	srdreg.scid  }
0x8b: {  	s0 =	sand.u32 $0x1, s1  }
0x8c: {  	s17 =	sshll.u32 s0, $0xA;
	s2 =	sadd.s32 s3, s2  }
0x8d: {  	s2 =	sadd.s32 s2, s17  }
0x8e: {  	[smem:$0x3FC6] =	sst s2  }
0x8f: {  	_ = 	snop  }
0x90: {  	s2 =	sld [smem:$0x3FD0];
	(tm) =	ssettm $0x1  }
0x91: {  	s18 =	sld [smem:$0x3FFB];
	_ =	sdelay $0x3  }
0x92: {  	_ =	strace s18  }
0x93: {  	s3 =	sld [smem:$0x3FFC];
	_ =	sdelay $0x3  }
0x94: {  	_ =	strace s3  }
0x95: {  	s3 =	sld [smem:$0x3FFD];
	_ =	sdelay $0x3  }
0x96: {  	_ =	strace s3  }
0x97: {  	_ =	strace $0x8FFFFFFF  }
0x98: {  	s19 =	sld [smem:$0x3FDB];
	_ =	sdelay $0x1  }
0x99: {  	s4 =	simm.s32 $_scs_section_size  }
0x9a: {  	s5 =	simm.s32 $_size__tile_overlayer_lowered;
	s6 =	simm.s32 $_tile_overlayer_lowered  }
0x9b: {  	s22 =	simm.s32 $0x1BFF;
	s21 =	sshll.u32 s6, $0x1;
	s3 =	sadd.s32 s4, s19  }
0x9c: {  	s7 =	simm.s32 $0x0;
	s20 =	sshll.u32 s5, $0x1;
	s5 =	sadd.s32 s21, s3  }
0x9d: {  	[timem:s7], [sflag:s22] =	dma.local [hbm:s5], s20  }
0x9e: {  	_ =	swait.ge [sflag:s22], s20  }
0x9f: {  	s4 =	ssub.s32 $0x0, s20;
	[sflag:s22] =	ssyncset.done $0x0  }
0xa0: {  	[sflag:s22] =	ssyncadd.s32 s4;
	_ =	sdelay $0x1  }
0xa1: {  	s23 =	simm.s32 $0x1B8B  }
0xa2: {  	_ =	swait.ge [sflag:s23], $0x1  }
0xa3: {  	[sflag:s23] =	ssyncset.done $0x0  }
0xa4: {  	s25 =	simm.s32 $0x1B8E;
	s24 =	sld [smem:$0x3FFE];
	[sflag:s23] =	ssyncadd.s32 $0xFFFFFFFF  }
0xa5: {  	s26 =	simm.s32 $execute0_lowered;
	[smem:$0x3FD2] =	sst s25  }
0xa6: {  	s5 =	sshll.u32 s26, $0x1;
	_ =	strace $0x80000046;
	[dreg:$0x1] =	wrdreg $0xFFFFFFFF  }
0xa7: {  	s28 =	simm.s32 $_size_execute0_lowered;
	s3 =	sadd.s32 s3, s5;
	[dreg:$0x0] =	wrdreg $0x0  }
0xa8: {  	s5 =	sshll.u32 s28, $0x1;
	[dreg:$0x2] =	wrdreg s3  }
0xa9: {  	[dreg:$0x3] =	wrdreg s5  }
0xaa: {  	[dreg:$0x4] =	wrdreg $0xC0  }
0xab: {  	_ =	task [dreg:s7], $0x5FFFF  }
0xac: {  	[dreg:$0x1] =	wrdreg $0xFFFFFFFF  }
0xad: {  	[dreg:$0x0] =	wrdreg $0x60  }
0xae: {  	[dreg:$0x2] =	wrdreg s2  }
0xaf: {  	[dreg:$0x3] =	wrdreg s24  }
0xb0: {  	[dreg:$0x4] =	wrdreg $0x9  }
0xb1: {  	_ =	task.clear_ibuf [dreg:s7], $0x5FFFF;
	_ =	strace $0x90000046  }
0xb2: {  	s29 =	simm.s32 $0x9;
	_ =	strace $0x80000048  }
0xb3: {  	_ =	swait.ge [sflag:s29], $0x1  }
0xb4: {  	[sflag:s29] =	ssyncadd.s32 $0xFFFFFFFF  }
0xb5: {  	_ =	strace $0x90000048  }
0xb6: {  	_ =	sfence  }
0xb7: {  	s30 =	sld [smem:$0x0];
	_ =	sdelay $0x2  }
0xb8: {  	s31 =	sshll.u32 s1, $0xD;
	s1 =	sshrl.u32 s1, $0x2  }
0xb9: {  	s3 =	sand.u32 $0x4000, s31;
	s1 =	sadd.s32 s1, s30  }
0xba: {  	s0 =	sor.u32 s3, s0;
	s1 =	sshll.u32 s1, $0x11  }
0xbb: {  	s0 =	sor.u32 s1, s0  }
0xbc: {  	s0 =	sadd.s32 $0x8F2B, s0  }
0xbd: {  	[sflag:s0] =	ssyncadd.remote.s32 $0x1  }
0xbe: {  	_ =	sfence.sel $0xFFFF  }
0xbf: {  	[dreg:$0x0] =	wrdreg $0xFFFFFFFF;
	(pc) =	sbr.abs _section_cstart, $3  }
0xc0: {  	[dreg:$0x1] =	wrdreg $0xFFFFFFFF  }
0xc1: {  	_ =	task.clear_ibuf [dreg:s7], $0x2FFFF;
	_ =	strace $0x9FFFFFFF  }
0xc2: {  	(tm) =	ssettm $0x7FFFFFFF  }
0xc3: {  	_ =	shalt  }
tec
execute0_lowered:
.L_overlay_start_1:
0x0: {  	(tag) =	ssettag $0x1  }
0x1: {  	s1 =	srdreg.scid;
	s2 =	stileid.u32  }
0x2: {  	s1 =	sand.u32 $0x1, s1;
	s2 =	sshll.u32 s2, $0x1  }
0x3: {  	s0 =	rddreg [dreg:$0x1];
	s4 =	simm.s32 $0x0;
	s2 =	sor.u32 s1, s2  }
0x4: {  	[smem:$0x7FF] =	sst s4;
	s3 =	sshll.u32 s2, $0x6  }
0x5: {  	_ =	strace $0x80000047;
	s2 =	sshll.u32 s2, $0xC;
	s3 =	sadd.s32 s3, s0  }
0x6: {  	s1 =	ssub.s32 $0x2, s1;
	s0 =	sadd.s32 s2, s0;
	s29 =	sadd.s32 $0xA00, s3  }
0x7: {  	s28 =	sshrl.u32 s1, $0x1;
	s30 =	sadd.s32 $0x1200, s0;
	[dreg:$0x19] =	wrdreg s29  }
0x8: {  	s1 =	ssub.s32 s1, s28;
	s0 =	sadd.s32 $0x1A00, s0;
	[dreg:$0x1a] =	wrdreg s30  }
0x9: {  	s31 =	smax.u32 s1, $0x1;
	[dreg:$0x1b] =	wrdreg s0  }
0xa: {  	s2 =	simm.s32 $0x3;
	s3 =	simm.s32 $0x0;
	[dreg:$0x1c] =	wrdreg s31  }
.LBB2_1:
0xb: {  	[dreg:$0x1d] =	wrdreg s3  }
0xc: {  	s0 =	rddreg [dreg:$0x0]  }
0xd: {  	[tilespmem:s4], [sflag:$0x1] =	stream.linear.gather [hbm4b:s0+s4], $0x10000, $0x38;
	[tilespmem:$0x18200] =	vst v63  }
0xe: {  	s15 =	rddreg [dreg:$0x19];
	s1 =	simm.s32 $0x10000  }
0xf: {  	[tilespmem:s1], [sflag:$0x3] =	stream.linear.gather [hbm4b:s15+s4], $0x200, $0x38;
	[tilespmem:$0x18200] =	vst v63  }
0x10: {  	_ =	swait.ge [sflag:s2], $0x200  }
0x11: {  	[sflag:s2] =	ssyncset.done $0x0  }
0x12: {  	s16 =	simm.s32 $0x1;
	[sflag:s2] =	ssyncadd.s32 $0xFFFFFE00  }
0x13: {  	_ =	swait.ge [sflag:s16], $0x10000  }
0x14: {  	[sflag:s16] =	ssyncset.done $0x0  }
0x15: {  	s17 =	simm.s32 $0x10010;
	[sflag:s16] =	ssyncadd.s32 $0xFFFF0000  }
0x16: {  	v0 =	vld [tilespmem:s17+$0x0];
	_ =	sdelay $0x4  }
0x17: {  	v1 =	vshll.u32 v0, $0x6  }
0x18: {  	v0 =	vld [tilespmem:s17+$0xFFFFFFF0];
	(v2sf) =	vpush v1, $0x0;
	_ =	sdelay $0x4  }
0x19: {  	v0 =	vshll.u32 v0, $0x6  }
0x1a: {  	(v2sf) =	vpush v0, $0x0;
	_ =	sdelay $0x1  }
0x1b: {  	(v2sf) =	vpush v0, $0x1  }
0x1c: {  	(v2sf) =	vpush v0, $0x2  }
0x1d: {  	(v2sf) =	vpush v0, $0x3  }
0x1e: {  	(v2sf) =	vpush v0, $0x4  }
0x1f: {  	(v2sf) =	vpush v0, $0x5  }
0x20: {  	(v2sf) =	vpush v0, $0x6  }
0x21: {  	(v2sf) =	vpush v0, $0x7  }
0x22: {  	s18 =	spop (v2sf);
	(v2sf) =	vpush v0, $0x8  }
0x23: {  	v2 =	vld [tilespmem:s18+$0x0];
	(v2sf) =	vpush v0, $0x9  }
0x24: {  	(v2sf) =	vpush v0, $0xA  }
0x25: {  	(v2sf) =	vpush v0, $0xB  }
0x26: {  	(v2sf) =	vpush v0, $0xC  }
0x27: {  	s31 =	simm.s32 $0x10600;
	(v2sf) =	vpush v0, $0xD  }
0x28: {  	s6 =	spop (v2sf);
	[tilespmem:s31+$0x0] =	vst v2;
	(v2sf) =	vpush v0, $0xE  }
0x29: {  	v2 =	vld [tilespmem:s18+$0x10];
	(v2sf) =	vpush v0, $0xF  }
0x2a: {  	v3 =	vld [tilespmem:s6+$0x0];
	s10 =	spop (v2sf)  }
0x2b: {  	s11 =	spop (v2sf);
	(v2sf) =	vpush v1, $0x1  }
0x2c: {  	s5 =	spop (v2sf)  }
0x2d: {  	s20 =	spop (v2sf)  }
0x2e: {  	s7 =	spop (v2sf);
	[tilespmem:s31+$0x10] =	vst v2  }
0x2f: {  	[tilespmem:s31+$0xFFFFFC00] =	vst v3;
	s16 =	spop (v2sf);
	v0 =	vld [tilespmem:s18+$0x20]  }
0x30: {  	v2 =	vld [tilespmem:s6+$0x10];
	s19 =	spop (v2sf)  }
0x31: {  	s14 =	spop (v2sf)  }
0x32: {  	s3 =	spop (v2sf)  }
0x33: {  	s9 =	spop (v2sf)  }
0x34: {  	[tilespmem:s31+$0x20] =	vst v0;
	s8 =	spop (v2sf)  }
0x35: {  	[tilespmem:s31+$0xFFFFFC10] =	vst v2;
	v0 =	vld [tilespmem:s18+$0x30];
	s4 =	spop (v2sf)  }
0x36: {  	v2 =	vld [tilespmem:s6+$0x20];
	s2 =	spop (v2sf)  }
0x37: {  	s0 =	spop (v2sf)  }
0x38: {  	s12 =	spop (v2sf)  }
0x39: {  	[smem:$0x7FD] =	sst s12  }
0x3a: {  	s21 =	spop (v2sf);
	[tilespmem:s31+$0x30] =	vst v0  }
0x3b: {  	[tilespmem:s31+$0xFFFFFC20] =	vst v2;
	v0 =	vld [tilespmem:s21+$0x0]  }
0x3c: {  	v2 =	vld [tilespmem:s6+$0x30];
	_ =	sdelay $0x3  }
0x3d: {  	[tilespmem:s31+$0x40] =	vst v0  }
0x3e: {  	[tilespmem:s31+$0xFFFFFC30] =	vst v2;
	v0 =	vld [tilespmem:s21+$0x10]  }
0x3f: {  	v2 =	vld [tilespmem:s10+$0x0]  }
0x40: {  	(v2sf) =	vpush v1, $0x2;
	_ =	sdelay $0x2  }
0x41: {  	[tilespmem:s31+$0x50] =	vst v0  }
0x42: {  	[tilespmem:s31+$0xFFFFFC40] =	vst v2;
	v0 =	vld [tilespmem:s21+$0x20]  }
0x43: {  	v2 =	vld [tilespmem:s10+$0x10];
	_ =	sdelay $0x3  }
0x44: {  	[tilespmem:s31+$0x60] =	vst v0  }
0x45: {  	[tilespmem:s31+$0xFFFFFC50] =	vst v2;
	v0 =	vld [tilespmem:s21+$0x30]  }
0x46: {  	v2 =	vld [tilespmem:s10+$0x20];
	_ =	sdelay $0x3  }
0x47: {  	s22 =	spop (v2sf);
	[tilespmem:s31+$0x70] =	vst v0  }
0x48: {  	[tilespmem:s31+$0xFFFFFC60] =	vst v2;
	v0 =	vld [tilespmem:s22+$0x0]  }
0x49: {  	v2 =	vld [tilespmem:s10+$0x30];
	_ =	sdelay $0x3  }
0x4a: {  	[tilespmem:s31+$0x80] =	vst v0  }
0x4b: {  	[tilespmem:s31+$0xFFFFFC70] =	vst v2;
	v0 =	vld [tilespmem:s22+$0x10]  }
0x4c: {  	v2 =	vld [tilespmem:s11+$0x0]  }
0x4d: {  	(v2sf) =	vpush v1, $0x3;
	_ =	sdelay $0x2  }
0x4e: {  	[tilespmem:s31+$0x90] =	vst v0  }
0x4f: {  	[tilespmem:s31+$0xFFFFFC80] =	vst v2;
	v0 =	vld [tilespmem:s22+$0x20]  }
0x50: {  	v2 =	vld [tilespmem:s11+$0x10];
	_ =	sdelay $0x3  }
0x51: {  	[tilespmem:s31+$0xA0] =	vst v0  }
0x52: {  	[tilespmem:s31+$0xFFFFFC90] =	vst v2;
	v0 =	vld [tilespmem:s22+$0x30]  }
0x53: {  	v2 =	vld [tilespmem:s11+$0x20];
	_ =	sdelay $0x3  }
0x54: {  	s23 =	spop (v2sf);
	[tilespmem:s31+$0xB0] =	vst v0  }
0x55: {  	[tilespmem:s31+$0xFFFFFCA0] =	vst v2;
	v0 =	vld [tilespmem:s23+$0x0]  }
0x56: {  	v2 =	vld [tilespmem:s11+$0x30];
	_ =	sdelay $0x3  }
0x57: {  	[tilespmem:s31+$0xC0] =	vst v0  }
0x58: {  	[tilespmem:s31+$0xFFFFFCB0] =	vst v2;
	v0 =	vld [tilespmem:s23+$0x10]  }
0x59: {  	v2 =	vld [tilespmem:s5+$0x0]  }
0x5a: {  	(v2sf) =	vpush v1, $0x4;
	_ =	sdelay $0x2  }
0x5b: {  	[tilespmem:s31+$0xD0] =	vst v0  }
0x5c: {  	[tilespmem:s31+$0xFFFFFCC0] =	vst v2;
	v0 =	vld [tilespmem:s23+$0x20]  }
0x5d: {  	v2 =	vld [tilespmem:s5+$0x10];
	_ =	sdelay $0x3  }
0x5e: {  	[tilespmem:s31+$0xE0] =	vst v0  }
0x5f: {  	[tilespmem:s31+$0xFFFFFCD0] =	vst v2;
	v0 =	vld [tilespmem:s23+$0x30]  }
0x60: {  	v2 =	vld [tilespmem:s5+$0x20];
	_ =	sdelay $0x3  }
0x61: {  	s24 =	spop (v2sf);
	[tilespmem:s31+$0xF0] =	vst v0  }
0x62: {  	[tilespmem:s31+$0xFFFFFCE0] =	vst v2;
	v0 =	vld [tilespmem:s24+$0x0]  }
0x63: {  	v2 =	vld [tilespmem:s5+$0x30];
	_ =	sdelay $0x3  }
0x64: {  	[tilespmem:s31+$0x100] =	vst v0  }
0x65: {  	[tilespmem:s31+$0xFFFFFCF0] =	vst v2;
	v0 =	vld [tilespmem:s24+$0x10]  }
0x66: {  	v2 =	vld [tilespmem:s20+$0x0]  }
0x67: {  	(v2sf) =	vpush v1, $0x5  }
0x68: {  	s25 =	simm.s32 $0x10030  }
0x69: {  	v3 =	vld [tilespmem:s25+$0x0]  }
0x6a: {  	v5 =	vld [tilespmem:s25+$0xFFFFFFF0];
	[tilespmem:s31+$0x110] =	vst v0  }
0x6b: {  	[tilespmem:s31+$0xFFFFFD00] =	vst v2;
	v0 =	vld [tilespmem:s24+$0x20]  }
0x6c: {  	v4 =	vld [tilespmem:s20+$0x10];
	_ =	sdelay $0x2  }
0x6d: {  	v2 =	vshll.u32 v3, $0x6  }
0x6e: {  	(v2sf) =	vpush v2, $0x0;
	[tilespmem:s31+$0x120] =	vst v0  }
0x6f: {  	[tilespmem:s31+$0xFFFFFD10] =	vst v4;
	v4 =	vshll.u32 v5, $0x6;
	v0 =	vld [tilespmem:s24+$0x30]  }
0x70: {  	v3 =	vld [tilespmem:s20+$0x20];
	(v2sf) =	vpush v4, $0x0;
	_ =	sdelay $0x1  }
0x71: {  	(v2sf) =	vpush v4, $0x1  }
0x72: {  	(v2sf) =	vpush v4, $0x2  }
0x73: {  	s26 =	spop (v2sf);
	(v2sf) =	vpush v4, $0x3;
	[tilespmem:s31+$0x130] =	vst v0  }
0x74: {  	(v2sf) =	vpush v4, $0x4;
	[tilespmem:s31+$0xFFFFFD20] =	vst v3;
	v0 =	vld [tilespmem:s26+$0x0]  }
0x75: {  	(v2sf) =	vpush v4, $0x5;
	v3 =	vld [tilespmem:s20+$0x30]  }
0x76: {  	(v2sf) =	vpush v4, $0x6  }
0x77: {  	(v2sf) =	vpush v4, $0x7  }
0x78: {  	(v2sf) =	vpush v4, $0x8  }
0x79: {  	(v2sf) =	vpush v4, $0x9;
	[tilespmem:s31+$0x140] =	vst v0  }
0x7a: {  	(v2sf) =	vpush v4, $0xA;
	[tilespmem:s31+$0xFFFFFD30] =	vst v3;
	v0 =	vld [tilespmem:s26+$0x10]  }
0x7b: {  	(v2sf) =	vpush v4, $0xB;
	v3 =	vld [tilespmem:s7+$0x0]  }
0x7c: {  	s13 =	spop (v2sf);
	(v2sf) =	vpush v1, $0x6  }
0x7d: {  	v5 =	vld [tilespmem:s13+$0x0]  }
0x7e: {  	s23 =	spop (v2sf)  }
0x7f: {  	v6 =	vld [tilespmem:s23+$0x0];
	[tilespmem:s31+$0x150] =	vst v0  }
0x80: {  	(v2sf) =	vpush v4, $0xC;
	s22 =	spop (v2sf);
	[tilespmem:s31+$0xFFFFFD40] =	vst v3;
	v0 =	vld [tilespmem:s26+$0x20]  }
0x81: {  	s17 =	simm.s32 $0x10E00;
	(v2sf) =	vpush v4, $0xD;
	s18 =	spop (v2sf);
	v3 =	vld [tilespmem:s7+$0x10]  }
0x82: {  	[tilespmem:s17+$0x0] =	vst v5;
	(v2sf) =	vpush v4, $0xE;
	s15 =	spop (v2sf)  }
0x83: {  	v5 =	vld [tilespmem:s13+$0x10];
	(v2sf) =	vpush v4, $0xF;
	s21 =	spop (v2sf)  }
0x84: {  	s20 =	spop (v2sf);
	[tilespmem:s17+$0xFFFFFC00] =	vst v6  }
0x85: {  	(v2sf) =	vpush v2, $0x1;
	s12 =	spop (v2sf);
	v4 =	vld [tilespmem:s23+$0x10];
	[tilespmem:s31+$0x160] =	vst v0  }
0x86: {  	s11 =	spop (v2sf);
	[tilespmem:s31+$0xFFFFFD50] =	vst v3;
	v0 =	vld [tilespmem:s26+$0x30]  }
0x87: {  	s10 =	spop (v2sf);
	v3 =	vld [tilespmem:s7+$0x20]  }
0x88: {  	[tilespmem:s17+$0x10] =	vst v5;
	s6 =	spop (v2sf)  }
0x89: {  	v5 =	vld [tilespmem:s13+$0x20];
	s1 =	spop (v2sf)  }
0x8a: {  	s5 =	spop (v2sf);
	[tilespmem:s17+$0xFFFFFC10] =	vst v4  }
0x8b: {  	s24 =	spop (v2sf);
	v4 =	vld [tilespmem:s23+$0x20];
	[tilespmem:s31+$0x170] =	vst v0  }
0x8c: {  	[tilespmem:s31+$0xFFFFFD60] =	vst v3;
	v0 =	vld [tilespmem:s24+$0x0]  }
0x8d: {  	v3 =	vld [tilespmem:s7+$0x30]  }
0x8e: {  	[tilespmem:s17+$0x20] =	vst v5  }
0x8f: {  	v5 =	vld [tilespmem:s13+$0x30];
	s13 =	spop (v2sf)  }
0x90: {  	s7 =	spop (v2sf);
	[tilespmem:s17+$0xFFFFFC20] =	vst v4  }
0x91: {  	s26 =	spop (v2sf);
	v4 =	vld [tilespmem:s23+$0x30];
	[tilespmem:s31+$0x180] =	vst v0  }
0x92: {  	s30 =	spop (v2sf);
	[tilespmem:s31+$0xFFFFFD70] =	vst v3;
	v0 =	vld [tilespmem:s24+$0x10]  }
0x93: {  	v3 =	vld [tilespmem:s16+$0x0];
	[dreg:$0x4] =	wrdreg s30  }
0x94: {  	(v2sf) =	vpush v1, $0x7;
	s25 =	spop (v2sf);
	[tilespmem:s17+$0x30] =	vst v5  }
0x95: {  	v5 =	vld [tilespmem:s25+$0x0]  }
0x96: {  	[tilespmem:s17+$0xFFFFFC30] =	vst v4  }
0x97: {  	v4 =	vld [tilespmem:s22+$0x0];
	[tilespmem:s31+$0x190] =	vst v0  }
0x98: {  	[tilespmem:s31+$0xFFFFFD80] =	vst v3;
	v0 =	vld [tilespmem:s24+$0x20]  }
0x99: {  	v3 =	vld [tilespmem:s16+$0x10]  }
0x9a: {  	[tilespmem:s17+$0x40] =	vst v5  }
0x9b: {  	v5 =	vld [tilespmem:s25+$0x10]  }
0x9c: {  	[tilespmem:s17+$0xFFFFFC40] =	vst v4  }
0x9d: {  	(v2sf) =	vpush v2, $0x2;
	v4 =	vld [tilespmem:s22+$0x10];
	[tilespmem:s31+$0x1A0] =	vst v0  }
0x9e: {  	[tilespmem:s31+$0xFFFFFD90] =	vst v3;
	v0 =	vld [tilespmem:s24+$0x30]  }
0x9f: {  	v3 =	vld [tilespmem:s16+$0x20]  }
0xa0: {  	[tilespmem:s17+$0x50] =	vst v5  }
0xa1: {  	v5 =	vld [tilespmem:s25+$0x20]  }
0xa2: {  	[tilespmem:s17+$0xFFFFFC50] =	vst v4  }
0xa3: {  	s30 =	spop (v2sf);
	v4 =	vld [tilespmem:s22+$0x20];
	[tilespmem:s31+$0x1B0] =	vst v0  }
0xa4: {  	[tilespmem:s31+$0xFFFFFDA0] =	vst v3;
	v0 =	vld [tilespmem:s30+$0x0]  }
0xa5: {  	v3 =	vld [tilespmem:s16+$0x30]  }
0xa6: {  	[tilespmem:s17+$0x60] =	vst v5  }
0xa7: {  	v5 =	vld [tilespmem:s25+$0x30]  }
0xa8: {  	[tilespmem:s17+$0xFFFFFC60] =	vst v4  }
0xa9: {  	v4 =	vld [tilespmem:s22+$0x30];
	[tilespmem:s31+$0x1C0] =	vst v0  }
0xaa: {  	[tilespmem:s31+$0xFFFFFDB0] =	vst v3;
	v0 =	vld [tilespmem:s30+$0x10]  }
0xab: {  	v3 =	vld [tilespmem:s19+$0x0]  }
0xac: {  	(v2sf) =	vpush v1, $0x8;
	s23 =	spop (v2sf);
	[tilespmem:s17+$0x70] =	vst v5  }
0xad: {  	v5 =	vld [tilespmem:s23+$0x0]  }
0xae: {  	[tilespmem:s17+$0xFFFFFC70] =	vst v4  }
0xaf: {  	v4 =	vld [tilespmem:s18+$0x0];
	[tilespmem:s31+$0x1D0] =	vst v0  }
0xb0: {  	[tilespmem:s31+$0xFFFFFDC0] =	vst v3;
	v0 =	vld [tilespmem:s30+$0x20]  }
0xb1: {  	v3 =	vld [tilespmem:s19+$0x10]  }
0xb2: {  	[tilespmem:s17+$0x80] =	vst v5  }
0xb3: {  	v5 =	vld [tilespmem:s23+$0x10]  }
0xb4: {  	[tilespmem:s17+$0xFFFFFC80] =	vst v4  }
0xb5: {  	(v2sf) =	vpush v2, $0x3;
	v4 =	vld [tilespmem:s18+$0x10];
	[tilespmem:s31+$0x1E0] =	vst v0  }
0xb6: {  	[tilespmem:s31+$0xFFFFFDD0] =	vst v3;
	v0 =	vld [tilespmem:s30+$0x30]  }
0xb7: {  	v3 =	vld [tilespmem:s19+$0x20]  }
0xb8: {  	[tilespmem:s17+$0x90] =	vst v5  }
0xb9: {  	v5 =	vld [tilespmem:s23+$0x20]  }
0xba: {  	[tilespmem:s17+$0xFFFFFC90] =	vst v4  }
0xbb: {  	s24 =	spop (v2sf);
	v4 =	vld [tilespmem:s18+$0x20];
	[tilespmem:s31+$0x1F0] =	vst v0  }
0xbc: {  	[tilespmem:s31+$0xFFFFFDE0] =	vst v3;
	v0 =	vld [tilespmem:s24+$0x0]  }
0xbd: {  	v3 =	vld [tilespmem:s19+$0x30]  }
0xbe: {  	[tilespmem:s17+$0xA0] =	vst v5  }
0xbf: {  	v5 =	vld [tilespmem:s23+$0x30]  }
0xc0: {  	[tilespmem:s17+$0xFFFFFCA0] =	vst v4  }
0xc1: {  	v4 =	vld [tilespmem:s18+$0x30];
	[tilespmem:s31+$0x200] =	vst v0  }
0xc2: {  	[tilespmem:s31+$0xFFFFFDF0] =	vst v3;
	v0 =	vld [tilespmem:s24+$0x10]  }
0xc3: {  	v3 =	vld [tilespmem:s14+$0x0]  }
0xc4: {  	(v2sf) =	vpush v1, $0x9;
	s25 =	spop (v2sf);
	[tilespmem:s17+$0xB0] =	vst v5  }
0xc5: {  	v5 =	vld [tilespmem:s25+$0x0]  }
0xc6: {  	[tilespmem:s17+$0xFFFFFCB0] =	vst v4  }
0xc7: {  	v4 =	vld [tilespmem:s15+$0x0];
	[tilespmem:s31+$0x210] =	vst v0  }
0xc8: {  	[tilespmem:s31+$0xFFFFFE00] =	vst v3;
	v0 =	vld [tilespmem:s24+$0x20]  }
0xc9: {  	v3 =	vld [tilespmem:s14+$0x10]  }
0xca: {  	[tilespmem:s17+$0xC0] =	vst v5  }
0xcb: {  	v5 =	vld [tilespmem:s25+$0x10]  }
0xcc: {  	[tilespmem:s17+$0xFFFFFCC0] =	vst v4  }
0xcd: {  	(v2sf) =	vpush v2, $0x4;
	v4 =	vld [tilespmem:s15+$0x10];
	[tilespmem:s31+$0x220] =	vst v0  }
0xce: {  	[tilespmem:s31+$0xFFFFFE10] =	vst v3;
	v0 =	vld [tilespmem:s24+$0x30]  }
0xcf: {  	v3 =	vld [tilespmem:s14+$0x20]  }
0xd0: {  	[tilespmem:s17+$0xD0] =	vst v5  }
0xd1: {  	v5 =	vld [tilespmem:s25+$0x20]  }
0xd2: {  	[tilespmem:s17+$0xFFFFFCD0] =	vst v4  }
0xd3: {  	s30 =	spop (v2sf);
	v4 =	vld [tilespmem:s15+$0x20];
	[tilespmem:s31+$0x230] =	vst v0  }
0xd4: {  	[tilespmem:s31+$0xFFFFFE20] =	vst v3;
	v0 =	vld [tilespmem:s30+$0x0]  }
0xd5: {  	v3 =	vld [tilespmem:s14+$0x30]  }
0xd6: {  	[tilespmem:s17+$0xE0] =	vst v5  }
0xd7: {  	v5 =	vld [tilespmem:s25+$0x30]  }
0xd8: {  	[tilespmem:s17+$0xFFFFFCE0] =	vst v4  }
0xd9: {  	v4 =	vld [tilespmem:s15+$0x30];
	[tilespmem:s31+$0x240] =	vst v0  }
0xda: {  	[tilespmem:s31+$0xFFFFFE30] =	vst v3;
	v0 =	vld [tilespmem:s30+$0x10]  }
0xdb: {  	v3 =	vld [tilespmem:s3+$0x0]  }
0xdc: {  	(v2sf) =	vpush v1, $0xA;
	s16 =	spop (v2sf);
	[tilespmem:s17+$0xF0] =	vst v5  }
0xdd: {  	v5 =	vld [tilespmem:s16+$0x0]  }
0xde: {  	[tilespmem:s17+$0xFFFFFCF0] =	vst v4  }
0xdf: {  	v4 =	vld [tilespmem:s21+$0x0];
	[tilespmem:s31+$0x250] =	vst v0  }
0xe0: {  	[tilespmem:s31+$0xFFFFFE40] =	vst v3;
	v0 =	vld [tilespmem:s30+$0x20]  }
0xe1: {  	v3 =	vld [tilespmem:s3+$0x10]  }
0xe2: {  	[tilespmem:s17+$0x100] =	vst v5  }
0xe3: {  	s19 =	simm.s32 $0x10050;
	v5 =	vld [tilespmem:s16+$0x10]  }
0xe4: {  	v6 =	vld [tilespmem:s19+$0x0];
	[tilespmem:s17+$0xFFFFFD00] =	vst v4  }
0xe5: {  	(v2sf) =	vpush v2, $0x5;
	v4 =	vld [tilespmem:s21+$0x10];
	[tilespmem:s31+$0x260] =	vst v0  }
0xe6: {  	[tilespmem:s31+$0xFFFFFE50] =	vst v3;
	v0 =	vld [tilespmem:s30+$0x30]  }
0xe7: {  	v3 =	vld [tilespmem:s3+$0x20]  }
0xe8: {  	v7 =	vld [tilespmem:s19+$0xFFFFFFF0];
	[tilespmem:s17+$0x110] =	vst v5  }
0xe9: {  	v5 =	vld [tilespmem:s16+$0x20]  }
0xea: {  	[tilespmem:s17+$0xFFFFFD10] =	vst v4  }
0xeb: {  	s22 =	spop (v2sf);
	v4 =	vld [tilespmem:s21+$0x20];
	[tilespmem:s31+$0x270] =	vst v0;
	v0 =	vshll.u32 v6, $0x6  }
0xec: {  	[tilespmem:s31+$0xFFFFFE60] =	vst v3;
	v8 =	vld [tilespmem:s22+$0x0];
	(v2sf) =	vpush v0, $0x0  }
0xed: {  	v6 =	vld [tilespmem:s3+$0x30]  }
0xee: {  	v3 =	vshll.u32 v7, $0x6;
	[tilespmem:s17+$0x120] =	vst v5  }
0xef: {  	(v2sf) =	vpush v3, $0x0;
	v5 =	vld [tilespmem:s16+$0x30]  }
0xf0: {  	(v2sf) =	vpush v3, $0x1;
	[tilespmem:s17+$0xFFFFFD20] =	vst v4  }
0xf1: {  	(v2sf) =	vpush v3, $0x2;
	v4 =	vld [tilespmem:s21+$0x30];
	[tilespmem:s31+$0x280] =	vst v8  }
0xf2: {  	(v2sf) =	vpush v1, $0xB;
	[tilespmem:s31+$0xFFFFFE70] =	vst v6;
	v7 =	vld [tilespmem:s22+$0x10]  }
0xf3: {  	(v2sf) =	vpush v3, $0x3;
	v6 =	vld [tilespmem:s9+$0x0]  }
0xf4: {  	s23 =	spop (v2sf);
	(v2sf) =	vpush v3, $0x4;
	[tilespmem:s17+$0x130] =	vst v5  }
0xf5: {  	(v2sf) =	vpush v3, $0x5;
	v5 =	vld [tilespmem:s23+$0x0]  }
0xf6: {  	(v2sf) =	vpush v3, $0x6;
	[tilespmem:s17+$0xFFFFFD30] =	vst v4  }
0xf7: {  	(v2sf) =	vpush v3, $0x7;
	v4 =	vld [tilespmem:s20+$0x0];
	[tilespmem:s31+$0x290] =	vst v7  }
0xf8: {  	(v2sf) =	vpush v3, $0x8;
	[tilespmem:s31+$0xFFFFFE80] =	vst v6;
	v7 =	vld [tilespmem:s22+$0x20]  }
0xf9: {  	(v2sf) =	vpush v3, $0x9;
	v6 =	vld [tilespmem:s9+$0x10]  }
0xfa: {  	(v2sf) =	vpush v3, $0xA;
	[tilespmem:s17+$0x140] =	vst v5  }
0xfb: {  	v5 =	vld [tilespmem:s23+$0x10];
	s21 =	spop (v2sf)  }
0xfc: {  	(v2sf) =	vpush v3, $0xB;
	[tilespmem:s17+$0xFFFFFD40] =	vst v4;
	v4 =	vld [tilespmem:s21+$0x0]  }
0xfd: {  	v8 =	vld [tilespmem:s20+$0x10];
	[tilespmem:s31+$0x2A0] =	vst v7  }
0xfe: {  	[tilespmem:s31+$0xFFFFFE90] =	vst v6;
	v7 =	vld [tilespmem:s22+$0x30];
	s22 =	spop (v2sf)  }
0xff: {  	(v2sf) =	vpush v2, $0x6;
	v6 =	vld [tilespmem:s9+$0x20];
	s18 =	spop (v2sf)  }
0x100: {  	s19 =	simm.s32 $0x11600;
	v9 =	vld [tilespmem:s22+$0x0];
	[tilespmem:s17+$0x150] =	vst v5;
	(v2sf) =	vpush v3, $0xC;
	s15 =	spop (v2sf)  }
0x101: {  	v5 =	vld [tilespmem:s23+$0x20];
	(v2sf) =	vpush v3, $0xD;
	s30 =	spop (v2sf);
	[tilespmem:s19+$0x0] =	vst v4  }
0x102: {  	(v2sf) =	vpush v3, $0xE;
	[tilespmem:s17+$0xFFFFFD50] =	vst v8;
	s16 =	spop (v2sf);
	v4 =	vld [tilespmem:s21+$0x10]  }
0x103: {  	(v2sf) =	vpush v3, $0xF;
	v3 =	vld [tilespmem:s20+$0x20];
	[tilespmem:s31+$0x2B0] =	vst v7;
	s28 =	spop (v2sf)  }
0x104: {  	[tilespmem:s31+$0xFFFFFEA0] =	vst v6;
	v7 =	vld [tilespmem:s30+$0x0];
	s29 =	spop (v2sf)  }
0x105: {  	[tilespmem:s19+$0xFFFFFC00] =	vst v9;
	s3 =	spop (v2sf)  }
0x106: {  	v8 =	vld [tilespmem:s22+$0x10];
	[tilespmem:s17+$0x160] =	vst v5;
	s14 =	spop (v2sf)  }
0x107: {  	v6 =	vld [tilespmem:s9+$0x30];
	s9 =	spop (v2sf);
	[tilespmem:s19+$0x10] =	vst v4  }
0x108: {  	v5 =	vld [tilespmem:s23+$0x30];
	[tilespmem:s17+$0xFFFFFD60] =	vst v3;
	s25 =	spop (v2sf)  }
0x109: {  	v3 =	vld [tilespmem:s21+$0x20];
	[tilespmem:s31+$0x2C0] =	vst v7;
	s24 =	spop (v2sf)  }
0x10a: {  	v7 =	vld [tilespmem:s30+$0x10];
	[dreg:$0xd] =	wrdreg s24  }
0x10b: {  	(v2sf) =	vpush v0, $0x1;
	s23 =	spop (v2sf);
	[tilespmem:s19+$0xFFFFFC10] =	vst v8  }
0x10c: {  	v4 =	vld [tilespmem:s20+$0x30];
	[dreg:$0xc] =	wrdreg s23  }
0x10d: {  	v8 =	vld [tilespmem:s22+$0x20];
	[tilespmem:s17+$0x170] =	vst v5  }
0x10e: {  	s20 =	spop (v2sf);
	[tilespmem:s31+$0xFFFFFEB0] =	vst v6  }
0x10f: {  	[tilespmem:s19+$0x20] =	vst v3;
	v5 =	vld [tilespmem:s20+$0x0]  }
0x110: {  	v6 =	vld [tilespmem:s8+$0x0];
	[tilespmem:s31+$0x2D0] =	vst v7  }
0x111: {  	v3 =	vld [tilespmem:s21+$0x30];
	s21 =	sld [smem:$0x7FD];
	[tilespmem:s17+$0xFFFFFD70] =	vst v4  }
0x112: {  	s24 =	spop (v2sf);
	v7 =	vld [tilespmem:s30+$0x20];
	[tilespmem:s19+$0xFFFFFC20] =	vst v8  }
0x113: {  	v4 =	vld [tilespmem:s12+$0x0];
	[dreg:$0xb] =	wrdreg s24  }
0x114: {  	s24 =	spop (v2sf);
	[tilespmem:s17+$0x180] =	vst v5  }
0x115: {  	(v2sf) =	vpush v1, $0xC;
	v8 =	vld [tilespmem:s22+$0x30];
	[dreg:$0xa] =	wrdreg s24  }
0x116: {  	s23 =	spop (v2sf);
	[tilespmem:s31+$0xFFFFFEC0] =	vst v6  }
0x117: {  	v5 =	vld [tilespmem:s20+$0x10];
	[dreg:$0x9] =	wrdreg s23  }
0x118: {  	s24 =	spop (v2sf);
	[tilespmem:s31+$0x2E0] =	vst v7  }
0x119: {  	v6 =	vld [tilespmem:s8+$0x10];
	[dreg:$0x5] =	wrdreg s24  }
0x11a: {  	(v2sf) =	vpush v2, $0x7;
	s23 =	spop (v2sf);
	[tilespmem:s19+$0x30] =	vst v3  }
0x11b: {  	[tilespmem:s19+$0xFFFFFC30] =	vst v8;
	v3 =	vld [tilespmem:s23+$0x0]  }
0x11c: {  	[tilespmem:s17+$0xFFFFFD80] =	vst v4;
	v8 =	vld [tilespmem:s18+$0x0]  }
0x11d: {  	v4 =	vld [tilespmem:s12+$0x10];
	[tilespmem:s17+$0x190] =	vst v5  }
0x11e: {  	v5 =	vld [tilespmem:s20+$0x20]  }
0x11f: {  	v7 =	vld [tilespmem:s30+$0x30];
	[tilespmem:s31+$0xFFFFFED0] =	vst v6  }
0x120: {  	v6 =	vld [tilespmem:s8+$0x20];
	[tilespmem:s19+$0x40] =	vst v3  }
0x121: {  	[tilespmem:s19+$0xFFFFFC40] =	vst v8;
	v3 =	vld [tilespmem:s23+$0x10]  }
0x122: {  	[tilespmem:s17+$0xFFFFFD90] =	vst v4;
	v8 =	vld [tilespmem:s18+$0x10]  }
0x123: {  	(v2sf) =	vpush v0, $0x2;
	[tilespmem:s17+$0x1A0] =	vst v5;
	v4 =	vld [tilespmem:s12+$0x20]  }
0x124: {  	[tilespmem:s31+$0x2F0] =	vst v7;
	s24 =	spop (v2sf);
	v5 =	vld [tilespmem:s20+$0x30]  }
0x125: {  	v7 =	vld [tilespmem:s24+$0x0];
	[tilespmem:s31+$0xFFFFFEE0] =	vst v6  }
0x126: {  	v6 =	vld [tilespmem:s8+$0x30];
	[tilespmem:s19+$0x50] =	vst v3  }
0x127: {  	[tilespmem:s19+$0xFFFFFC50] =	vst v8;
	v3 =	vld [tilespmem:s23+$0x20]  }
0x128: {  	[tilespmem:s17+$0xFFFFFDA0] =	vst v4;
	v8 =	vld [tilespmem:s18+$0x20]  }
0x129: {  	s22 =	spop (v2sf);
	[tilespmem:s17+$0x1B0] =	vst v5;
	v4 =	vld [tilespmem:s12+$0x30]  }
0x12a: {  	[tilespmem:s31+$0x300] =	vst v7;
	v5 =	vld [tilespmem:s22+$0x0]  }
0x12b: {  	v7 =	vld [tilespmem:s24+$0x10];
	[tilespmem:s31+$0xFFFFFEF0] =	vst v6  }
0x12c: {  	v6 =	vld [tilespmem:s4+$0x0];
	[tilespmem:s19+$0x60] =	vst v3  }
0x12d: {  	(v2sf) =	vpush v1, $0xD;
	[tilespmem:s19+$0xFFFFFC60] =	vst v8;
	v3 =	vld [tilespmem:s23+$0x30]  }
0x12e: {  	[tilespmem:s17+$0xFFFFFDB0] =	vst v4;
	v8 =	vld [tilespmem:s18+$0x30]  }
0x12f: {  	[tilespmem:s17+$0x1C0] =	vst v5;
	v4 =	vld [tilespmem:s11+$0x0]  }
0x130: {  	[tilespmem:s31+$0x310] =	vst v7;
	v5 =	vld [tilespmem:s22+$0x10]  }
0x131: {  	v7 =	vld [tilespmem:s24+$0x20];
	[tilespmem:s31+$0xFFFFFF00] =	vst v6  }
0x132: {  	(v2sf) =	vpush v2, $0x8;
	s23 =	spop (v2sf);
	v6 =	vld [tilespmem:s4+$0x10];
	[tilespmem:s19+$0x70] =	vst v3  }
0x133: {  	[tilespmem:s19+$0xFFFFFC70] =	vst v8;
	v3 =	vld [tilespmem:s23+$0x0]  }
0x134: {  	[tilespmem:s17+$0xFFFFFDC0] =	vst v4;
	v8 =	vld [tilespmem:s15+$0x0]  }
0x135: {  	[tilespmem:s17+$0x1D0] =	vst v5;
	v4 =	vld [tilespmem:s11+$0x10]  }
0x136: {  	[tilespmem:s31+$0x320] =	vst v7;
	v5 =	vld [tilespmem:s22+$0x20]  }
0x137: {  	v7 =	vld [tilespmem:s24+$0x30];
	[tilespmem:s31+$0xFFFFFF10] =	vst v6  }
0x138: {  	v6 =	vld [tilespmem:s4+$0x20];
	[tilespmem:s19+$0x80] =	vst v3  }
0x139: {  	[tilespmem:s19+$0xFFFFFC80] =	vst v8;
	v3 =	vld [tilespmem:s23+$0x10]  }
0x13a: {  	[tilespmem:s17+$0xFFFFFDD0] =	vst v4;
	v8 =	vld [tilespmem:s15+$0x10]  }
0x13b: {  	(v2sf) =	vpush v0, $0x3;
	[tilespmem:s17+$0x1E0] =	vst v5;
	v4 =	vld [tilespmem:s11+$0x20]  }
0x13c: {  	s24 =	spop (v2sf);
	[tilespmem:s31+$0x330] =	vst v7;
	v5 =	vld [tilespmem:s22+$0x30]  }
0x13d: {  	v7 =	vld [tilespmem:s24+$0x0];
	[tilespmem:s31+$0xFFFFFF20] =	vst v6  }
0x13e: {  	v6 =	vld [tilespmem:s4+$0x30];
	[tilespmem:s19+$0x90] =	vst v3  }
0x13f: {  	[tilespmem:s19+$0xFFFFFC90] =	vst v8;
	v3 =	vld [tilespmem:s23+$0x20]  }
0x140: {  	[tilespmem:s17+$0xFFFFFDE0] =	vst v4;
	v8 =	vld [tilespmem:s15+$0x20]  }
0x141: {  	s30 =	spop (v2sf);
	[tilespmem:s17+$0x1F0] =	vst v5;
	v4 =	vld [tilespmem:s11+$0x30]  }
0x142: {  	[tilespmem:s31+$0x340] =	vst v7;
	v5 =	vld [tilespmem:s30+$0x0]  }
0x143: {  	v7 =	vld [tilespmem:s24+$0x10];
	[tilespmem:s31+$0xFFFFFF30] =	vst v6  }
0x144: {  	v6 =	vld [tilespmem:s2+$0x0];
	[tilespmem:s19+$0xA0] =	vst v3  }
0x145: {  	(v2sf) =	vpush v1, $0xE;
	[tilespmem:s19+$0xFFFFFCA0] =	vst v8;
	v3 =	vld [tilespmem:s23+$0x30]  }
0x146: {  	[tilespmem:s17+$0xFFFFFDF0] =	vst v4;
	v8 =	vld [tilespmem:s15+$0x30]  }
0x147: {  	[tilespmem:s17+$0x200] =	vst v5;
	v4 =	vld [tilespmem:s10+$0x0]  }
0x148: {  	[tilespmem:s31+$0x350] =	vst v7;
	v5 =	vld [tilespmem:s30+$0x10]  }
0x149: {  	v7 =	vld [tilespmem:s24+$0x20];
	[tilespmem:s31+$0xFFFFFF40] =	vst v6  }
0x14a: {  	(v2sf) =	vpush v2, $0x9;
	s15 =	spop (v2sf);
	v6 =	vld [tilespmem:s2+$0x10];
	[tilespmem:s19+$0xB0] =	vst v3  }
0x14b: {  	[tilespmem:s19+$0xFFFFFCB0] =	vst v8;
	v3 =	vld [tilespmem:s15+$0x0]  }
0x14c: {  	[tilespmem:s17+$0xFFFFFE00] =	vst v4;
	v8 =	vld [tilespmem:s16+$0x0]  }
0x14d: {  	[tilespmem:s17+$0x210] =	vst v5;
	v4 =	vld [tilespmem:s10+$0x10]  }
0x14e: {  	[tilespmem:s31+$0x360] =	vst v7;
	v5 =	vld [tilespmem:s30+$0x20]  }
0x14f: {  	v7 =	vld [tilespmem:s24+$0x30];
	[tilespmem:s31+$0xFFFFFF50] =	vst v6  }
0x150: {  	v6 =	vld [tilespmem:s2+$0x20];
	[tilespmem:s19+$0xC0] =	vst v3  }
0x151: {  	[tilespmem:s19+$0xFFFFFCC0] =	vst v8;
	v3 =	vld [tilespmem:s15+$0x10]  }
0x152: {  	[tilespmem:s17+$0xFFFFFE10] =	vst v4;
	v8 =	vld [tilespmem:s16+$0x10]  }
0x153: {  	[tilespmem:s17+$0x220] =	vst v5;
	v4 =	vld [tilespmem:s10+$0x20]  }
0x154: {  	(v2sf) =	vpush v0, $0x4;
	s18 =	spop (v2sf);
	[tilespmem:s31+$0x370] =	vst v7;
	v5 =	vld [tilespmem:s30+$0x30]  }
0x155: {  	v7 =	vld [tilespmem:s18+$0x0];
	[tilespmem:s31+$0xFFFFFF60] =	vst v6  }
0x156: {  	v6 =	vld [tilespmem:s2+$0x30];
	[tilespmem:s19+$0xD0] =	vst v3  }
0x157: {  	[tilespmem:s19+$0xFFFFFCD0] =	vst v8;
	v3 =	vld [tilespmem:s15+$0x20]  }
0x158: {  	[tilespmem:s17+$0xFFFFFE20] =	vst v4;
	v8 =	vld [tilespmem:s16+$0x20]  }
0x159: {  	s20 =	spop (v2sf);
	[tilespmem:s17+$0x230] =	vst v5;
	v4 =	vld [tilespmem:s10+$0x30]  }
0x15a: {  	[tilespmem:s31+$0x380] =	vst v7;
	v5 =	vld [tilespmem:s20+$0x0]  }
0x15b: {  	v7 =	vld [tilespmem:s18+$0x10];
	[tilespmem:s31+$0xFFFFFF70] =	vst v6  }
0x15c: {  	v6 =	vld [tilespmem:s0+$0x0];
	[tilespmem:s19+$0xE0] =	vst v3  }
0x15d: {  	[tilespmem:s19+$0xFFFFFCE0] =	vst v8;
	v3 =	vld [tilespmem:s15+$0x30]  }
0x15e: {  	[tilespmem:s17+$0xFFFFFE30] =	vst v4;
	v8 =	vld [tilespmem:s16+$0x30]  }
0x15f: {  	(v2sf) =	vpush v1, $0xF;
	[tilespmem:s17+$0x240] =	vst v5;
	v4 =	vld [tilespmem:s6+$0x0]  }
0x160: {  	[tilespmem:s31+$0x390] =	vst v7;
	v5 =	vld [tilespmem:s20+$0x10]  }
0x161: {  	v1 =	vld [tilespmem:s18+$0x20];
	[tilespmem:s31+$0xFFFFFF80] =	vst v6  }
0x162: {  	s23 =	simm.s32 $0x10070;
	v6 =	vld [tilespmem:s0+$0x10];
	[tilespmem:s19+$0xF0] =	vst v3  }
0x163: {  	(v2sf) =	vpush v2, $0xA;
	s22 =	spop (v2sf);
	[tilespmem:s19+$0xFFFFFCF0] =	vst v8;
	v8 =	vld [tilespmem:s23+$0x0]  }
0x164: {  	v3 =	vld [tilespmem:s22+$0x0]  }
0x165: {  	[tilespmem:s17+$0xFFFFFE40] =	vst v4;
	v7 =	vld [tilespmem:s28+$0x0]  }
0x166: {  	[tilespmem:s17+$0x250] =	vst v5;
	v4 =	vld [tilespmem:s6+$0x10]  }
0x167: {  	[tilespmem:s31+$0x3A0] =	vst v1;
	v1 =	vld [tilespmem:s20+$0x20]  }
0x168: {  	v5 =	vld [tilespmem:s18+$0x30];
	[tilespmem:s31+$0xFFFFFF90] =	vst v6  }
0x169: {  	v6 =	vld [tilespmem:s0+$0x20];
	[tilespmem:s19+$0x100] =	vst v3  }
0x16a: {  	[tilespmem:s19+$0xFFFFFD00] =	vst v7;
	v3 =	vld [tilespmem:s22+$0x10]  }
0x16b: {  	[tilespmem:s17+$0xFFFFFE50] =	vst v4;
	v4 =	vld [tilespmem:s23+$0xFFFFFFF0]  }
0x16c: {  	v7 =	vld [tilespmem:s28+$0x10];
	[tilespmem:s17+$0x260] =	vst v1  }
0x16d: {  	v1 =	vld [tilespmem:s20+$0x30]  }
0x16e: {  	(v2sf) =	vpush v0, $0x5;
	s24 =	spop (v2sf);
	[tilespmem:s31+$0x3B0] =	vst v5;
	v5 =	vld [tilespmem:s6+$0x20]  }
0x16f: {  	v62 =	vld [tilespmem:s24+$0x0];
	[tilespmem:s19+$0x110] =	vst v3  }
0x170: {  	[tilespmem:s31+$0xFFFFFFA0] =	vst v6;
	v3 =	vld [tilespmem:s22+$0x20]  }
0x171: {  	v6 =	vld [tilespmem:s0+$0x30];
	[tilespmem:s19+$0xFFFFFD10] =	vst v7  }
0x172: {  	s30 =	spop (v2sf);
	[tilespmem:s17+$0x270] =	vst v1  }
0x173: {  	[tilespmem:s17+$0xFFFFFE60] =	vst v5;
	v7 =	vld [tilespmem:s30+$0x0]  }
0x174: {  	v10 =	vld [tilespmem:s28+$0x20];
	v1 =	vshll.u32 v8, $0x6;
	[tilespmem:s31+$0x3C0] =	vst v62  }
0x175: {  	v5 =	vld [tilespmem:s6+$0x30];
	(v2sf) =	vpush v1, $0x0;
	[tilespmem:s19+$0x120] =	vst v3;
	v3 =	vshll.u32 v4, $0x6  }
0x176: {  	v8 =	vld [tilespmem:s24+$0x10];
	[tilespmem:s31+$0xFFFFFFB0] =	vst v6;
	(v2sf) =	vpush v3, $0x0  }
0x177: {  	v6 =	vld [tilespmem:s21+$0x0];
	(v2sf) =	vpush v3, $0x1  }
0x178: {  	v4 =	vld [tilespmem:s22+$0x30];
	[tilespmem:s17+$0x280] =	vst v7;
	(v2sf) =	vpush v3, $0x2  }
0x179: {  	[tilespmem:s19+$0xFFFFFD20] =	vst v10;
	v7 =	vld [tilespmem:s30+$0x10];
	(v2sf) =	vpush v2, $0xB  }
0x17a: {  	[tilespmem:s17+$0xFFFFFE70] =	vst v5;
	v63 =	vld [tilespmem:s28+$0x30];
	(v2sf) =	vpush v3, $0x3  }
0x17b: {  	[tilespmem:s31+$0x3D0] =	vst v8;
	v5 =	vld [tilespmem:s1+$0x0];
	(v2sf) =	vpush v3, $0x4  }
0x17c: {  	v8 =	vld [tilespmem:s24+$0x20];
	[tilespmem:s31+$0xFFFFFFC0] =	vst v6;
	(v2sf) =	vpush v3, $0x5  }
0x17d: {  	s0 =	spop (v2sf);
	v6 =	vld [tilespmem:s21+$0x10];
	[tilespmem:s19+$0x130] =	vst v4;
	(v2sf) =	vpush v3, $0x6  }
0x17e: {  	v4 =	vld [tilespmem:s0+$0x0];
	[tilespmem:s17+$0x290] =	vst v7;
	(v2sf) =	vpush v3, $0x7  }
0x17f: {  	[tilespmem:s19+$0xFFFFFD30] =	vst v63;
	v7 =	vld [tilespmem:s30+$0x20];
	(v2sf) =	vpush v3, $0x8  }
0x180: {  	[tilespmem:s17+$0xFFFFFE80] =	vst v5;
	v9 =	vld [tilespmem:s29+$0x0];
	(v2sf) =	vpush v3, $0x9  }
0x181: {  	[tilespmem:s31+$0x3E0] =	vst v8;
	v5 =	vld [tilespmem:s1+$0x10];
	(v2sf) =	vpush v3, $0xA  }
0x182: {  	v8 =	vld [tilespmem:s24+$0x30];
	[tilespmem:s31+$0xFFFFFFD0] =	vst v6  }
0x183: {  	v6 =	vld [tilespmem:s21+$0x20];
	[tilespmem:s19+$0x140] =	vst v4  }
0x184: {  	s2 =	spop (v2sf);
	v4 =	vld [tilespmem:s0+$0x10];
	[tilespmem:s17+$0x2A0] =	vst v7  }
0x185: {  	[tilespmem:s19+$0xFFFFFD40] =	vst v9;
	v7 =	vld [tilespmem:s30+$0x30];
	s20 =	spop (v2sf)  }
0x186: {  	[tilespmem:s17+$0xFFFFFE90] =	vst v5;
	(v2sf) =	vpush v3, $0xB;
	v9 =	vld [tilespmem:s29+$0x10];
	s18 =	spop (v2sf)  }
0x187: {  	[tilespmem:s31+$0x3F0] =	vst v8;
	v5 =	vld [tilespmem:s1+$0x20];
	(v2sf) =	vpush v0, $0x6;
	s15 =	spop (v2sf)  }
0x188: {  	v8 =	vld [tilespmem:s2+$0x0];
	[tilespmem:s31+$0xFFFFFFE0] =	vst v6;
	s22 =	spop (v2sf)  }
0x189: {  	v6 =	vld [tilespmem:s20+$0x0];
	[tilespmem:s19+$0x150] =	vst v4;
	s8 =	spop (v2sf)  }
0x18a: {  	v4 =	vld [tilespmem:s0+$0x20];
	[tilespmem:s17+$0x2B0] =	vst v7;
	s10 =	spop (v2sf)  }
0x18b: {  	[tilespmem:s19+$0xFFFFFD50] =	vst v9;
	v7 =	vld [tilespmem:s22+$0x0];
	s4 =	spop (v2sf)  }
0x18c: {  	s28 =	simm.s32 $0x11E00;
	[tilespmem:s17+$0xFFFFFEA0] =	vst v5;
	s12 =	spop (v2sf)  }
0x18d: {  	(v2sf) =	vpush v3, $0xC;
	[tilespmem:s28+$0x0] =	vst v8;
	v9 =	vld [tilespmem:s29+$0x20];
	s11 =	spop (v2sf)  }
0x18e: {  	(v2sf) =	vpush v3, $0xD;
	v5 =	vld [tilespmem:s1+$0x30];
	[tilespmem:s28+$0xFFFFFC00] =	vst v6;
	s16 =	spop (v2sf)  }
0x18f: {  	(v2sf) =	vpush v3, $0xE;
	v6 =	vld [tilespmem:s2+$0x10];
	[tilespmem:s19+$0x160] =	vst v4;
	s23 =	spop (v2sf)  }
0x190: {  	(v2sf) =	vpush v3, $0xF;
	v3 =	vld [tilespmem:s20+$0x10];
	[tilespmem:s17+$0x2C0] =	vst v7;
	s24 =	spop (v2sf)  }
0x191: {  	v4 =	vld [tilespmem:s0+$0x30];
	[dreg:$0x10] =	wrdreg s24  }
0x192: {  	[tilespmem:s19+$0xFFFFFD60] =	vst v9  }
0x193: {  	v7 =	vld [tilespmem:s22+$0x10];
	[tilespmem:s17+$0xFFFFFEB0] =	vst v5  }
0x194: {  	[tilespmem:s28+$0x10] =	vst v6;
	v8 =	vld [tilespmem:s29+$0x30]  }
0x195: {  	(v2sf) =	vpush v1, $0x1;
	s6 =	spop (v2sf);
	[tilespmem:s28+$0xFFFFFC10] =	vst v3;
	v5 =	vld [tilespmem:s5+$0x0]  }
0x196: {  	(v2sf) =	vpush v2, $0xC;
	s30 =	spop (v2sf);
	[tilespmem:s19+$0x170] =	vst v4;
	v3 =	vld [tilespmem:s2+$0x20]  }
0x197: {  	v4 =	vld [tilespmem:s30+$0x0]  }
0x198: {  	v6 =	vld [tilespmem:s20+$0x20];
	[tilespmem:s17+$0x2D0] =	vst v7  }
0x199: {  	[tilespmem:s19+$0xFFFFFD70] =	vst v8  }
0x19a: {  	v7 =	vld [tilespmem:s22+$0x20];
	[tilespmem:s17+$0xFFFFFEC0] =	vst v5  }
0x19b: {  	[tilespmem:s28+$0x20] =	vst v3;
	v8 =	vld [tilespmem:s3+$0x0]  }
0x19c: {  	[tilespmem:s19+$0x180] =	vst v4;
	v3 =	vld [tilespmem:s5+$0x10]  }
0x19d: {  	[tilespmem:s28+$0xFFFFFC20] =	vst v6;
	v4 =	vld [tilespmem:s30+$0x10]  }
0x19e: {  	v6 =	vld [tilespmem:s20+$0x30]  }
0x19f: {  	(v2sf) =	vpush v0, $0x7;
	v5 =	vld [tilespmem:s2+$0x30];
	[tilespmem:s17+$0x2E0] =	vst v7  }
0x1a0: {  	s29 =	spop (v2sf);
	v7 =	vld [tilespmem:s22+$0x30];
	[tilespmem:s19+$0xFFFFFD80] =	vst v8  }
0x1a1: {  	s22 =	spop (v2sf);
	[tilespmem:s17+$0xFFFFFED0] =	vst v3;
	v8 =	vld [tilespmem:s3+$0x10]  }
0x1a2: {  	[tilespmem:s19+$0x190] =	vst v4;
	s20 =	spop (v2sf);
	v3 =	vld [tilespmem:s5+$0x20]  }
0x1a3: {  	[tilespmem:s28+$0xFFFFFC30] =	vst v6;
	v4 =	vld [tilespmem:s30+$0x20];
	s24 =	spop (v2sf)  }
0x1a4: {  	[tilespmem:s28+$0x30] =	vst v5;
	v6 =	vld [tilespmem:s18+$0x0];
	s0 =	spop (v2sf)  }
0x1a5: {  	v5 =	vld [tilespmem:s0+$0x0];
	s2 =	spop (v2sf);
	[tilespmem:s17+$0x2F0] =	vst v7  }
0x1a6: {  	[tilespmem:s19+$0xFFFFFD90] =	vst v8;
	v7 =	vld [tilespmem:s2+$0x0]  }
0x1a7: {  	[tilespmem:s17+$0xFFFFFEE0] =	vst v3;
	v8 =	vld [tilespmem:s3+$0x20]  }
0x1a8: {  	[tilespmem:s19+$0x1A0] =	vst v4;
	v3 =	vld [tilespmem:s5+$0x30]  }
0x1a9: {  	[tilespmem:s28+$0xFFFFFC40] =	vst v6;
	v4 =	vld [tilespmem:s30+$0x30]  }
0x1aa: {  	v6 =	vld [tilespmem:s18+$0x10];
	[tilespmem:s28+$0x40] =	vst v5  }
0x1ab: {  	v5 =	vld [tilespmem:s0+$0x10];
	[tilespmem:s17+$0x300] =	vst v7  }
0x1ac: {  	[tilespmem:s19+$0xFFFFFDA0] =	vst v8;
	v7 =	vld [tilespmem:s2+$0x10]  }
0x1ad: {  	(v2sf) =	vpush v1, $0x2;
	[tilespmem:s17+$0xFFFFFEF0] =	vst v3;
	v8 =	vld [tilespmem:s3+$0x30]  }
0x1ae: {  	(v2sf) =	vpush v2, $0xD;
	s30 =	spop (v2sf);
	[tilespmem:s19+$0x1B0] =	vst v4;
	v3 =	vld [tilespmem:s13+$0x0]  }
0x1af: {  	[tilespmem:s28+$0xFFFFFC50] =	vst v6;
	v4 =	vld [tilespmem:s30+$0x0]  }
0x1b0: {  	v6 =	vld [tilespmem:s18+$0x20];
	[tilespmem:s28+$0x50] =	vst v5  }
0x1b1: {  	v5 =	vld [tilespmem:s0+$0x20];
	[tilespmem:s17+$0x310] =	vst v7  }
0x1b2: {  	[tilespmem:s19+$0xFFFFFDB0] =	vst v8;
	v7 =	vld [tilespmem:s2+$0x20]  }
0x1b3: {  	[tilespmem:s17+$0xFFFFFF00] =	vst v3;
	v8 =	vld [tilespmem:s14+$0x0]  }
0x1b4: {  	[tilespmem:s19+$0x1C0] =	vst v4;
	v3 =	vld [tilespmem:s13+$0x10]  }
0x1b5: {  	[tilespmem:s28+$0xFFFFFC60] =	vst v6;
	v4 =	vld [tilespmem:s30+$0x10]  }
0x1b6: {  	v6 =	vld [tilespmem:s18+$0x30];
	[tilespmem:s28+$0x60] =	vst v5  }
0x1b7: {  	(v2sf) =	vpush v0, $0x8;
	v5 =	vld [tilespmem:s0+$0x30];
	[tilespmem:s17+$0x320] =	vst v7  }
0x1b8: {  	v7 =	vld [tilespmem:s2+$0x30];
	[tilespmem:s19+$0xFFFFFDC0] =	vst v8  }
0x1b9: {  	[tilespmem:s17+$0xFFFFFF10] =	vst v3;
	v8 =	vld [tilespmem:s14+$0x10]  }
0x1ba: {  	[tilespmem:s19+$0x1D0] =	vst v4;
	v3 =	vld [tilespmem:s13+$0x20]  }
0x1bb: {  	[tilespmem:s28+$0xFFFFFC70] =	vst v6;
	v4 =	vld [tilespmem:s30+$0x20]  }
0x1bc: {  	s3 =	spop (v2sf);
	v6 =	vld [tilespmem:s15+$0x0];
	[tilespmem:s28+$0x70] =	vst v5  }
0x1bd: {  	s5 =	spop (v2sf);
	v5 =	vld [tilespmem:s3+$0x0];
	[tilespmem:s17+$0x330] =	vst v7  }
0x1be: {  	[tilespmem:s19+$0xFFFFFDD0] =	vst v8;
	v7 =	vld [tilespmem:s5+$0x0]  }
0x1bf: {  	[tilespmem:s17+$0xFFFFFF20] =	vst v3;
	v8 =	vld [tilespmem:s14+$0x20]  }
0x1c0: {  	[tilespmem:s19+$0x1E0] =	vst v4;
	v3 =	vld [tilespmem:s13+$0x30]  }
0x1c1: {  	[tilespmem:s28+$0xFFFFFC80] =	vst v6;
	v4 =	vld [tilespmem:s30+$0x30]  }
0x1c2: {  	v6 =	vld [tilespmem:s15+$0x10];
	[tilespmem:s28+$0x80] =	vst v5  }
0x1c3: {  	v5 =	vld [tilespmem:s3+$0x10];
	[tilespmem:s17+$0x340] =	vst v7  }
0x1c4: {  	[tilespmem:s19+$0xFFFFFDE0] =	vst v8;
	v7 =	vld [tilespmem:s5+$0x10]  }
0x1c5: {  	(v2sf) =	vpush v1, $0x3;
	[tilespmem:s17+$0xFFFFFF30] =	vst v3;
	v8 =	vld [tilespmem:s14+$0x30]  }
0x1c6: {  	(v2sf) =	vpush v2, $0xE;
	[tilespmem:s19+$0x1F0] =	vst v4;
	s14 =	spop (v2sf);
	v3 =	vld [tilespmem:s7+$0x0]  }
0x1c7: {  	[tilespmem:s28+$0xFFFFFC90] =	vst v6;
	v4 =	vld [tilespmem:s14+$0x0]  }
0x1c8: {  	v6 =	vld [tilespmem:s15+$0x20];
	[tilespmem:s28+$0x90] =	vst v5  }
0x1c9: {  	v5 =	vld [tilespmem:s3+$0x20];
	[tilespmem:s17+$0x350] =	vst v7  }
0x1ca: {  	[tilespmem:s19+$0xFFFFFDF0] =	vst v8;
	v7 =	vld [tilespmem:s5+$0x20]  }
0x1cb: {  	[tilespmem:s17+$0xFFFFFF40] =	vst v3;
	v8 =	vld [tilespmem:s9+$0x0]  }
0x1cc: {  	[tilespmem:s19+$0x200] =	vst v4;
	v3 =	vld [tilespmem:s7+$0x10]  }
0x1cd: {  	[tilespmem:s28+$0xFFFFFCA0] =	vst v6;
	v4 =	vld [tilespmem:s14+$0x10]  }
0x1ce: {  	v6 =	vld [tilespmem:s15+$0x30];
	[tilespmem:s28+$0xA0] =	vst v5  }
0x1cf: {  	(v2sf) =	vpush v0, $0x9;
	v5 =	vld [tilespmem:s3+$0x30];
	[tilespmem:s17+$0x360] =	vst v7  }
0x1d0: {  	v7 =	vld [tilespmem:s5+$0x30];
	[tilespmem:s19+$0xFFFFFE00] =	vst v8  }
0x1d1: {  	[tilespmem:s17+$0xFFFFFF50] =	vst v3;
	v8 =	vld [tilespmem:s9+$0x10]  }
0x1d2: {  	[tilespmem:s19+$0x210] =	vst v4;
	v3 =	vld [tilespmem:s7+$0x20]  }
0x1d3: {  	[tilespmem:s28+$0xFFFFFCB0] =	vst v6;
	v4 =	vld [tilespmem:s14+$0x20]  }
0x1d4: {  	s15 =	spop (v2sf);
	v6 =	vld [tilespmem:s8+$0x0];
	[tilespmem:s28+$0xB0] =	vst v5  }
0x1d5: {  	s18 =	spop (v2sf);
	v5 =	vld [tilespmem:s15+$0x0];
	[tilespmem:s17+$0x370] =	vst v7  }
0x1d6: {  	[tilespmem:s19+$0xFFFFFE10] =	vst v8;
	v7 =	vld [tilespmem:s18+$0x0]  }
0x1d7: {  	[tilespmem:s17+$0xFFFFFF60] =	vst v3;
	v8 =	vld [tilespmem:s9+$0x20]  }
0x1d8: {  	[tilespmem:s19+$0x220] =	vst v4;
	v3 =	vld [tilespmem:s7+$0x30]  }
0x1d9: {  	[tilespmem:s28+$0xFFFFFCC0] =	vst v6;
	v4 =	vld [tilespmem:s14+$0x30]  }
0x1da: {  	v6 =	vld [tilespmem:s8+$0x10];
	[tilespmem:s28+$0xC0] =	vst v5  }
0x1db: {  	v5 =	vld [tilespmem:s15+$0x10];
	[tilespmem:s17+$0x380] =	vst v7  }
0x1dc: {  	[tilespmem:s19+$0xFFFFFE20] =	vst v8;
	v7 =	vld [tilespmem:s18+$0x10]  }
0x1dd: {  	(v2sf) =	vpush v1, $0x4;
	[tilespmem:s17+$0xFFFFFF70] =	vst v3;
	v8 =	vld [tilespmem:s9+$0x30]  }
0x1de: {  	(v2sf) =	vpush v2, $0xF;
	s30 =	spop (v2sf);
	[tilespmem:s19+$0x230] =	vst v4;
	v3 =	vld [tilespmem:s26+$0x0]  }
0x1df: {  	[tilespmem:s28+$0xFFFFFCD0] =	vst v6;
	v2 =	vld [tilespmem:s30+$0x0]  }
0x1e0: {  	[tilespmem:s28+$0xD0] =	vst v5;
	v5 =	vld [tilespmem:s8+$0x20]  }
0x1e1: {  	v4 =	vld [tilespmem:s15+$0x20];
	[tilespmem:s17+$0x390] =	vst v7  }
0x1e2: {  	[tilespmem:s19+$0xFFFFFE30] =	vst v8;
	v6 =	vld [tilespmem:s18+$0x20]  }
0x1e3: {  	[tilespmem:s17+$0xFFFFFF80] =	vst v3;
	v7 =	vld [tilespmem:s25+$0x0]  }
0x1e4: {  	[tilespmem:s19+$0x240] =	vst v2;
	v3 =	vld [tilespmem:s26+$0x10]  }
0x1e5: {  	v2 =	vld [tilespmem:s30+$0x10];
	[tilespmem:s28+$0xFFFFFCE0] =	vst v5  }
0x1e6: {  	[tilespmem:s28+$0xE0] =	vst v4;
	v5 =	vld [tilespmem:s8+$0x30]  }
0x1e7: {  	v4 =	vld [tilespmem:s15+$0x30];
	[tilespmem:s17+$0x3A0] =	vst v6  }
0x1e8: {  	v6 =	vld [tilespmem:s18+$0x30];
	[tilespmem:s19+$0xFFFFFE40] =	vst v7  }
0x1e9: {  	[tilespmem:s17+$0xFFFFFF90] =	vst v3;
	v7 =	vld [tilespmem:s25+$0x10]  }
0x1ea: {  	[tilespmem:s19+$0x250] =	vst v2;
	v3 =	vld [tilespmem:s26+$0x20]  }
0x1eb: {  	v2 =	vld [tilespmem:s30+$0x20];
	[tilespmem:s28+$0xFFFFFCF0] =	vst v5  }
0x1ec: {  	s13 =	spop (v2sf);
	[tilespmem:s28+$0xF0] =	vst v4;
	v8 =	vld [tilespmem:s10+$0x0]  }
0x1ed: {  	s7 =	spop (v2sf);
	v5 =	vld [tilespmem:s13+$0x0];
	[tilespmem:s17+$0x3B0] =	vst v6  }
0x1ee: {  	[tilespmem:s19+$0xFFFFFE50] =	vst v7;
	v7 =	vld [tilespmem:s7+$0x0]  }
0x1ef: {  	[tilespmem:s17+$0xFFFFFFA0] =	vst v3;
	v9 =	vld [tilespmem:s25+$0x20]  }
0x1f0: {  	[tilespmem:s19+$0x260] =	vst v2;
	v2 =	vld [tilespmem:s26+$0x30]  }
0x1f1: {  	v4 =	vld [tilespmem:s30+$0x30];
	[tilespmem:s28+$0xFFFFFD00] =	vst v8  }
0x1f2: {  	[tilespmem:s28+$0x100] =	vst v5;
	v5 =	vld [tilespmem:s10+$0x10]  }
0x1f3: {  	(v2sf) =	vpush v0, $0xA;
	v6 =	vld [tilespmem:s13+$0x10];
	[tilespmem:s17+$0x3C0] =	vst v7  }
0x1f4: {  	s3 =	simm.s32 $0x6;
	s5 =	simm.s32 $0x10090;
	(v2sf) =	vpush v1, $0x5;
	[tilespmem:s19+$0xFFFFFE60] =	vst v9;
	v3 =	vld [tilespmem:s7+$0x10]  }
.LBB2_2:
0x1f5: {  	_ =	sdelay $0x9  }
0x1f6: {  	v7 =	vld [tilespmem:s5+$0x0];
	[tilespmem:s28+$0x110] =	vst v6  }
0x1f7: {  	[tilespmem:s28+$0xFFFFFD10] =	vst v5;
	v5 =	vld [tilespmem:s13+$0x20]  }
0x1f8: {  	v6 =	vld [tilespmem:s5+$0xFFFFFFF0];
	[tilespmem:s17+$0xFFFFFFB0] =	vst v2  }
0x1f9: {  	[tilespmem:s19+$0x270] =	vst v4;
	v8 =	vld [tilespmem:s10+$0x20];
	s9 =	spop (v2sf)  }
0x1fa: {  	v4 =	vld [tilespmem:s9+$0x0];
	[tilespmem:s17+$0x3D0] =	vst v3  }
0x1fb: {  	v3 =	vld [tilespmem:s7+$0x20]  }
0x1fc: {  	[tilespmem:s28+$0x120] =	vst v5;
	v5 =	vld [tilespmem:s25+$0x30]  }
0x1fd: {  	v2 =	vshll.u32 v7, $0x6  }
0x1fe: {  	s0 =	rddreg [dreg:$0x4];
	v6 =	vshll.u32 v6, $0x6;
	(v2sf) =	vpush v2, $0x0;
	v7 =	vld [tilespmem:s13+$0x30]  }
0x1ff: {  	(v2sf) =	vpush v6, $0x0;
	[tilespmem:s19+$0x280] =	vst v4;
	v4 =	vld [tilespmem:s0+$0x0]  }
0x200: {  	(v2sf) =	vpush v6, $0x1;
	[tilespmem:s28+$0xFFFFFD20] =	vst v8;
	v8 =	vld [tilespmem:s9+$0x10]  }
0x201: {  	s2 =	rddreg [dreg:$0xd];
	(v2sf) =	vpush v6, $0x2;
	v9 =	vld [tilespmem:s10+$0x30];
	[tilespmem:s19+$0xFFFFFE70] =	vst v5  }
0x202: {  	(v2sf) =	vpush v0, $0xB;
	[tilespmem:s17+$0x3E0] =	vst v3;
	v5 =	vld [tilespmem:s2+$0x0]  }
0x203: {  	s8 =	smov.u32 s23;
	s23 =	spop (v2sf);
	(v2sf) =	vpush v6, $0x3;
	v3 =	vld [tilespmem:s7+$0x30];
	[tilespmem:s28+$0x130] =	vst v7  }
0x204: {  	(v2sf) =	vpush v6, $0x4;
	v7 =	vld [tilespmem:s23+$0x0];
	[tilespmem:s17+$0xFFFFFFC0] =	vst v4  }
0x205: {  	(v2sf) =	vpush v6, $0x5;
	[tilespmem:s19+$0x290] =	vst v8;
	v4 =	vld [tilespmem:s0+$0x10]  }
0x206: {  	(v2sf) =	vpush v6, $0x6;
	[tilespmem:s28+$0xFFFFFD30] =	vst v9;
	v8 =	vld [tilespmem:s9+$0x20]  }
0x207: {  	(v2sf) =	vpush v6, $0x7;
	v9 =	vld [tilespmem:s4+$0x0];
	[tilespmem:s19+$0xFFFFFE80] =	vst v5  }
0x208: {  	(v2sf) =	vpush v6, $0x8;
	[tilespmem:s17+$0x3F0] =	vst v3;
	v3 =	vld [tilespmem:s21+$0x30]  }
0x209: {  	[dreg:$0x14] =	wrdreg s22;
	(v2sf) =	vpush v6, $0x9;
	[tilespmem:s28+$0x140] =	vst v7;
	v5 =	vld [tilespmem:s2+$0x10]  }
0x20a: {  	s1 =	rddreg [dreg:$0x5];
	s22 =	smov.u32 s0;
	(v2sf) =	vpush v6, $0xA;
	v7 =	vld [tilespmem:s23+$0x10];
	[tilespmem:s17+$0xFFFFFFD0] =	vst v4  }
0x20b: {  	s30 =	smov.u32 s1;
	(v2sf) =	vpush v6, $0xB;
	[tilespmem:s19+$0x2A0] =	vst v8;
	v4 =	vld [tilespmem:s22+$0x20]  }
0x20c: {  	[dreg:$0x4] =	wrdreg s30;
	(v2sf) =	vpush v1, $0x6;
	[tilespmem:s28+$0xFFFFFD40] =	vst v9;
	v8 =	vld [tilespmem:s9+$0x30]  }
0x20d: {  	s21 =	smov.u32 s17;
	(v2sf) =	vpush v6, $0xC;
	s30 =	spop (v2sf);
	s17 =	smov.u32 s19;
	v9 =	vld [tilespmem:s4+$0x10];
	[tilespmem:s31+$0xFFFFFFF0] =	vst v3  }
0x20e: {  	v3 =	vld [tilespmem:s30+$0x0];
	s31 =	spop (v2sf);
	(v2sf) =	vpush v6, $0xD;
	[tilespmem:s17+$0xFFFFFE90] =	vst v5  }
0x20f: {  	[dreg:$0x12] =	wrdreg s20;
	v5 =	vld [tilespmem:s31+$0x0];
	s20 =	spop (v2sf);
	(v2sf) =	vpush v6, $0xE;
	[tilespmem:s28+$0x150] =	vst v7  }
0x210: {  	s14 =	spop (v2sf);
	(v2sf) =	vpush v6, $0xF;
	v6 =	vld [tilespmem:s23+$0x20];
	[tilespmem:s21+$0xFFFFFFE0] =	vst v4  }
0x211: {  	s7 =	smov.u32 s24;
	s19 =	smov.u32 s28;
	s0 =	spop (v2sf);
	v4 =	vld [tilespmem:s2+$0x20];
	[tilespmem:s17+$0x2B0] =	vst v8  }
0x212: {  	[dreg:$0x5] =	wrdreg s7;
	s28 =	sadd.s32 $0x800, s28;
	s7 =	spop (v2sf);
	[tilespmem:s19+$0xFFFFFD50] =	vst v9;
	v7 =	vld [tilespmem:s0+$0x0]  }
0x213: {  	s10 =	spop (v2sf);
	[tilespmem:s28+$0x0] =	vst v3;
	v3 =	vld [tilespmem:s4+$0x20]  }
0x214: {  	[tilespmem:s28+$0xFFFFFC00] =	vst v5;
	s9 =	spop (v2sf);
	v5 =	vld [tilespmem:s30+$0x10]  }
0x215: {  	s26 =	smov.u32 s29;
	v8 =	vld [tilespmem:s31+$0x10];
	s29 =	spop (v2sf);
	[tilespmem:s19+$0x160] =	vst v6  }
0x216: {  	s18 =	rddreg [dreg:$0x10];
	s15 =	spop (v2sf);
	(v2sf) =	vpush v2, $0x1;
	v6 =	vld [tilespmem:s23+$0x30];
	[tilespmem:s17+$0xFFFFFEA0] =	vst v4  }
0x217: {  	s23 =	smov.u32 s18;
	s13 =	spop (v2sf);
	v4 =	vld [tilespmem:s2+$0x30];
	[tilespmem:s17+$0x2C0] =	vst v7  }
0x218: {  	[dreg:$0xd] =	wrdreg s23;
	s23 =	spop (v2sf);
	[tilespmem:s19+$0xFFFFFD60] =	vst v3;
	v3 =	vld [tilespmem:s0+$0x10]  }
0x219: {  	s24 =	spop (v2sf);
	[tilespmem:s28+$0x10] =	vst v5;
	v5 =	vld [tilespmem:s4+$0x30]  }
0x21a: {  	[tilespmem:s28+$0xFFFFFC10] =	vst v8;
	s2 =	spop (v2sf);
	(v2sf) =	vpush v0, $0xC;
	v7 =	vld [tilespmem:s30+$0x20]  }
0x21b: {  	v8 =	vld [tilespmem:s31+$0x20];
	[tilespmem:s19+$0x170] =	vst v6;
	s1 =	spop (v2sf)  }
0x21c: {  	s25 =	smov.u32 s6;
	s6 =	rddreg [dreg:$0xc];
	v6 =	vld [tilespmem:s1+$0x0];
	[tilespmem:s17+$0xFFFFFEB0] =	vst v4  }
0x21d: {  	v4 =	vld [tilespmem:s6+$0x0];
	[tilespmem:s17+$0x2D0] =	vst v3  }
0x21e: {  	[tilespmem:s19+$0xFFFFFD70] =	vst v5;
	v3 =	vld [tilespmem:s0+$0x20]  }
0x21f: {  	[tilespmem:s28+$0x20] =	vst v7;
	v5 =	vld [tilespmem:s12+$0x0]  }
0x220: {  	[tilespmem:s28+$0xFFFFFC20] =	vst v8;
	v7 =	vld [tilespmem:s30+$0x30]  }
0x221: {  	s18 =	spop (v2sf);
	v8 =	vld [tilespmem:s31+$0x30];
	[tilespmem:s19+$0x180] =	vst v6  }
0x222: {  	s4 =	smov.u32 s9;
	s9 =	spop (v2sf);
	v6 =	vld [tilespmem:s1+$0x10];
	[tilespmem:s17+$0xFFFFFEC0] =	vst v4  }
0x223: {  	[dreg:$0x10] =	wrdreg s24;
	s24 =	spop (v2sf);
	v4 =	vld [tilespmem:s6+$0x10];
	[tilespmem:s17+$0x2E0] =	vst v3  }
0x224: {  	[dreg:$0x16] =	wrdreg s24;
	s24 =	spop (v2sf);
	(v2sf) =	vpush v1, $0x7;
	[tilespmem:s19+$0xFFFFFD80] =	vst v5;
	v3 =	vld [tilespmem:s0+$0x30]  }
0x225: {  	[tilespmem:s28+$0x30] =	vst v7;
	s0 =	spop (v2sf);
	v5 =	vld [tilespmem:s12+$0x10]  }
0x226: {  	[tilespmem:s28+$0xFFFFFC30] =	vst v8;
	v7 =	vld [tilespmem:s0+$0x0]  }
0x227: {  	v8 =	vld [tilespmem:s20+$0x0];
	[tilespmem:s19+$0x190] =	vst v6  }
0x228: {  	v6 =	vld [tilespmem:s1+$0x20];
	[tilespmem:s17+$0xFFFFFED0] =	vst v4  }
0x229: {  	s30 =	spop (v2sf);
	v4 =	vld [tilespmem:s6+$0x20];
	[tilespmem:s17+$0x2F0] =	vst v3  }
0x22a: {  	[tilespmem:s19+$0xFFFFFD90] =	vst v5;
	v3 =	vld [tilespmem:s30+$0x0]  }
0x22b: {  	[tilespmem:s28+$0x40] =	vst v7;
	v5 =	vld [tilespmem:s12+$0x20]  }
0x22c: {  	[tilespmem:s28+$0xFFFFFC40] =	vst v8;
	v7 =	vld [tilespmem:s0+$0x10]  }
0x22d: {  	v8 =	vld [tilespmem:s20+$0x10];
	[tilespmem:s19+$0x1A0] =	vst v6  }
0x22e: {  	(v2sf) =	vpush v2, $0x2;
	v6 =	vld [tilespmem:s1+$0x30];
	[tilespmem:s17+$0xFFFFFEE0] =	vst v4  }
0x22f: {  	v4 =	vld [tilespmem:s6+$0x30];
	[tilespmem:s17+$0x300] =	vst v3  }
0x230: {  	[tilespmem:s19+$0xFFFFFDA0] =	vst v5;
	v3 =	vld [tilespmem:s30+$0x10]  }
0x231: {  	[tilespmem:s28+$0x50] =	vst v7;
	v5 =	vld [tilespmem:s12+$0x30]  }
0x232: {  	(v2sf) =	vpush v0, $0xD;
	[tilespmem:s28+$0xFFFFFC50] =	vst v8;
	v7 =	vld [tilespmem:s0+$0x20]  }
0x233: {  	s31 =	smov.u32 s21;
	s21 =	smov.u32 s22;
	s22 =	spop (v2sf);
	v8 =	vld [tilespmem:s20+$0x20];
	[tilespmem:s19+$0x1B0] =	vst v6  }
0x234: {  	s6 =	smov.u32 s25;
	s25 =	smov.u32 s8;
	s8 =	rddreg [dreg:$0xb];
	v6 =	vld [tilespmem:s22+$0x0];
	[tilespmem:s17+$0xFFFFFEF0] =	vst v4  }
0x235: {  	v4 =	vld [tilespmem:s8+$0x0];
	[tilespmem:s17+$0x310] =	vst v3  }
0x236: {  	[tilespmem:s19+$0xFFFFFDB0] =	vst v5;
	v3 =	vld [tilespmem:s30+$0x20]  }
0x237: {  	[tilespmem:s28+$0x60] =	vst v7;
	v5 =	vld [tilespmem:s11+$0x0]  }
0x238: {  	[tilespmem:s28+$0xFFFFFC60] =	vst v8;
	v7 =	vld [tilespmem:s0+$0x30]  }
0x239: {  	v8 =	vld [tilespmem:s20+$0x30];
	[tilespmem:s19+$0x1C0] =	vst v6  }
0x23a: {  	v6 =	vld [tilespmem:s22+$0x10];
	[tilespmem:s17+$0xFFFFFF00] =	vst v4  }
0x23b: {  	v4 =	vld [tilespmem:s8+$0x10];
	[tilespmem:s17+$0x320] =	vst v3  }
0x23c: {  	(v2sf) =	vpush v1, $0x8;
	[tilespmem:s19+$0xFFFFFDC0] =	vst v5;
	v3 =	vld [tilespmem:s30+$0x30]  }
0x23d: {  	s1 =	spop (v2sf);
	[tilespmem:s28+$0x70] =	vst v7;
	v5 =	vld [tilespmem:s11+$0x10]  }
0x23e: {  	[tilespmem:s28+$0xFFFFFC70] =	vst v8;
	v7 =	vld [tilespmem:s1+$0x0]  }
0x23f: {  	v8 =	vld [tilespmem:s14+$0x0];
	[tilespmem:s19+$0x1D0] =	vst v6  }
0x240: {  	v6 =	vld [tilespmem:s22+$0x20];
	[tilespmem:s17+$0xFFFFFF10] =	vst v4  }
0x241: {  	s30 =	spop (v2sf);
	v4 =	vld [tilespmem:s8+$0x20];
	[tilespmem:s17+$0x330] =	vst v3  }
0x242: {  	[tilespmem:s19+$0xFFFFFDD0] =	vst v5;
	v3 =	vld [tilespmem:s30+$0x0]  }
0x243: {  	[tilespmem:s28+$0x80] =	vst v7;
	v5 =	vld [tilespmem:s11+$0x20]  }
0x244: {  	[tilespmem:s28+$0xFFFFFC80] =	vst v8;
	v7 =	vld [tilespmem:s1+$0x10]  }
0x245: {  	v8 =	vld [tilespmem:s14+$0x10];
	[tilespmem:s19+$0x1E0] =	vst v6  }
0x246: {  	(v2sf) =	vpush v2, $0x3;
	v6 =	vld [tilespmem:s22+$0x30];
	[tilespmem:s17+$0xFFFFFF20] =	vst v4  }
0x247: {  	v4 =	vld [tilespmem:s8+$0x30];
	[tilespmem:s17+$0x340] =	vst v3  }
0x248: {  	[tilespmem:s19+$0xFFFFFDE0] =	vst v5;
	v3 =	vld [tilespmem:s30+$0x10]  }
0x249: {  	[tilespmem:s28+$0x90] =	vst v7;
	v5 =	vld [tilespmem:s11+$0x30]  }
0x24a: {  	(v2sf) =	vpush v0, $0xE;
	[tilespmem:s28+$0xFFFFFC90] =	vst v8;
	v7 =	vld [tilespmem:s1+$0x20]  }
0x24b: {  	s20 =	spop (v2sf);
	v8 =	vld [tilespmem:s14+$0x20];
	[tilespmem:s19+$0x1F0] =	vst v6  }
0x24c: {  	s22 =	rddreg [dreg:$0xa];
	v6 =	vld [tilespmem:s20+$0x0];
	[tilespmem:s17+$0xFFFFFF30] =	vst v4  }
0x24d: {  	v4 =	vld [tilespmem:s22+$0x0];
	[tilespmem:s17+$0x350] =	vst v3  }
0x24e: {  	[tilespmem:s19+$0xFFFFFDF0] =	vst v5;
	v3 =	vld [tilespmem:s30+$0x20]  }
0x24f: {  	[tilespmem:s28+$0xA0] =	vst v7;
	v5 =	vld [tilespmem:s16+$0x0]  }
0x250: {  	[tilespmem:s28+$0xFFFFFCA0] =	vst v8;
	v7 =	vld [tilespmem:s1+$0x30]  }
0x251: {  	v8 =	vld [tilespmem:s14+$0x30];
	[tilespmem:s19+$0x200] =	vst v6  }
0x252: {  	v6 =	vld [tilespmem:s20+$0x10];
	[tilespmem:s17+$0xFFFFFF40] =	vst v4  }
0x253: {  	v4 =	vld [tilespmem:s22+$0x10];
	[tilespmem:s17+$0x360] =	vst v3  }
0x254: {  	(v2sf) =	vpush v1, $0x9;
	[tilespmem:s19+$0xFFFFFE00] =	vst v5;
	v3 =	vld [tilespmem:s30+$0x30]  }
0x255: {  	s8 =	smov.u32 s26;
	s26 =	spop (v2sf);
	[tilespmem:s28+$0xB0] =	vst v7;
	v5 =	vld [tilespmem:s16+$0x10]  }
0x256: {  	[tilespmem:s28+$0xFFFFFCB0] =	vst v8;
	v7 =	vld [tilespmem:s26+$0x0]  }
0x257: {  	v8 =	vld [tilespmem:s7+$0x0];
	[tilespmem:s19+$0x210] =	vst v6  }
0x258: {  	v6 =	vld [tilespmem:s20+$0x20];
	[tilespmem:s17+$0xFFFFFF50] =	vst v4  }
0x259: {  	s30 =	spop (v2sf);
	v4 =	vld [tilespmem:s22+$0x20];
	[tilespmem:s17+$0x370] =	vst v3  }
0x25a: {  	[tilespmem:s19+$0xFFFFFE10] =	vst v5;
	v3 =	vld [tilespmem:s30+$0x0]  }
0x25b: {  	[tilespmem:s28+$0xC0] =	vst v7;
	v5 =	vld [tilespmem:s16+$0x20]  }
0x25c: {  	[tilespmem:s28+$0xFFFFFCC0] =	vst v8;
	v7 =	vld [tilespmem:s26+$0x10]  }
0x25d: {  	v8 =	vld [tilespmem:s7+$0x10];
	[tilespmem:s19+$0x220] =	vst v6  }
0x25e: {  	(v2sf) =	vpush v2, $0x4;
	v6 =	vld [tilespmem:s20+$0x30];
	[tilespmem:s17+$0xFFFFFF60] =	vst v4  }
0x25f: {  	v4 =	vld [tilespmem:s22+$0x30];
	[tilespmem:s17+$0x380] =	vst v3  }
0x260: {  	[tilespmem:s19+$0xFFFFFE20] =	vst v5;
	v3 =	vld [tilespmem:s30+$0x10]  }
0x261: {  	[tilespmem:s28+$0xD0] =	vst v7;
	v5 =	vld [tilespmem:s16+$0x30]  }
0x262: {  	(v2sf) =	vpush v0, $0xF;
	[tilespmem:s28+$0xFFFFFCD0] =	vst v8;
	v7 =	vld [tilespmem:s26+$0x20]  }
0x263: {  	s11 =	smov.u32 s15;
	v0 =	vmov v1;
	v1 =	vmov v2;
	s15 =	spop (v2sf);
	v2 =	vld [tilespmem:s7+$0x20];
	[tilespmem:s19+$0x230] =	vst v6  }
0x264: {  	s12 =	smov.u32 s29;
	s29 =	smov.u32 s18;
	s18 =	rddreg [dreg:$0x9];
	v6 =	vld [tilespmem:s15+$0x0];
	[tilespmem:s17+$0xFFFFFF70] =	vst v4  }
0x265: {  	v4 =	vld [tilespmem:s18+$0x0];
	[tilespmem:s17+$0x390] =	vst v3  }
0x266: {  	[tilespmem:s19+$0xFFFFFE30] =	vst v5;
	v3 =	vld [tilespmem:s30+$0x20]  }
0x267: {  	[tilespmem:s28+$0xE0] =	vst v7;
	v5 =	vld [tilespmem:s25+$0x0]  }
0x268: {  	[tilespmem:s28+$0xFFFFFCE0] =	vst v2;
	v2 =	vld [tilespmem:s26+$0x30]  }
0x269: {  	v7 =	vld [tilespmem:s7+$0x30];
	[tilespmem:s19+$0x240] =	vst v6  }
0x26a: {  	v6 =	vld [tilespmem:s15+$0x10];
	[tilespmem:s17+$0xFFFFFF80] =	vst v4  }
0x26b: {  	v4 =	vld [tilespmem:s18+$0x10];
	[tilespmem:s17+$0x3A0] =	vst v3  }
0x26c: {  	[tilespmem:s19+$0xFFFFFE40] =	vst v5;
	v3 =	vld [tilespmem:s30+$0x30]  }
0x26d: {  	s16 =	smov.u32 s13;
	s13 =	spop (v2sf);
	[tilespmem:s28+$0xF0] =	vst v2;
	v2 =	vld [tilespmem:s25+$0x10]  }
0x26e: {  	[tilespmem:s28+$0xFFFFFCF0] =	vst v7;
	v5 =	vld [tilespmem:s13+$0x0]  }
0x26f: {  	v7 =	vld [tilespmem:s10+$0x0];
	[tilespmem:s19+$0x250] =	vst v6  }
0x270: {  	v8 =	vld [tilespmem:s15+$0x20];
	[tilespmem:s17+$0xFFFFFF90] =	vst v4  }
0x271: {  	s7 =	spop (v2sf);
	v9 =	vld [tilespmem:s18+$0x20];
	[tilespmem:s17+$0x3B0] =	vst v3  }
0x272: {  	s3 =	sadd.s32 $0x2, s3;
	[dreg:$0xc] =	wrdreg s6;
	[tilespmem:s19+$0xFFFFFE50] =	vst v2;
	v3 =	vld [tilespmem:s7+$0x0]  }
0x273: {  	p0 =	slt.u32 s3, $0xE;
	s1 =	rddreg [dreg:$0x14];
	[tilespmem:s28+$0x100] =	vst v5;
	v10 =	vld [tilespmem:s25+$0x20]  }
.Ltmp0:
0x274: {  	[dreg:$0xb] =	wrdreg s8;
	s14 =	smov.u32 s1;
	[tilespmem:s28+$0xFFFFFD00] =	vst v7;
	v6 =	vld [tilespmem:s13+$0x10];
	(pc) =	sbr.rel @p0 .LBB2_2-.Ltmp0, $4  }
0x275: {  	[dreg:$0xa] =	wrdreg s14;
	v5 =	vld [tilespmem:s10+$0x10];
	[tilespmem:s19+$0x260] =	vst v8  }
0x276: {  	s5 =	sadd.s32 $0x20, s5;
	s20 =	rddreg [dreg:$0x12];
	v4 =	vld [tilespmem:s15+$0x30];
	[tilespmem:s17+$0xFFFFFFA0] =	vst v9  }
0x277: {  	s6 =	smov.u32 s2;
	(v2sf) =	vpush v0, $0xA;
	s26 =	smov.u32 s20;
	s30 =	rddreg [dreg:$0x16];
	v2 =	vld [tilespmem:s18+$0x30];
	[tilespmem:s17+$0x3C0] =	vst v3  }
0x278: {  	s22 =	smov.u32 s9;
	(v2sf) =	vpush v1, $0x5;
	[dreg:$0x9] =	wrdreg s26;
	s20 =	smov.u32 s30;
	[tilespmem:s19+$0xFFFFFE60] =	vst v10;
	v3 =	vld [tilespmem:s7+$0x10]  }
0x279: {  	_ =	sdelay $0x1  }
0x27a: {  	[tilespmem:s28+$0x110] =	vst v6  }
0x27b: {  	v6 =	vld [tilespmem:s13+$0x20];
	_ =	sdelay $0x2  }
0x27c: {  	[tilespmem:s28+$0xFFFFFD10] =	vst v5  }
0x27d: {  	v5 =	vld [tilespmem:s10+$0x20]  }
0x27e: {  	[tilespmem:s28+$0x120] =	vst v6  }
0x27f: {  	v6 =	vld [tilespmem:s13+$0x30];
	_ =	sdelay $0x2  }
0x280: {  	[tilespmem:s28+$0xFFFFFD20] =	vst v5  }
0x281: {  	v5 =	vld [tilespmem:s10+$0x30];
	s5 =	spop (v2sf)  }
0x282: {  	[tilespmem:s28+$0x130] =	vst v6;
	s0 =	spop (v2sf)  }
0x283: {  	v6 =	vld [tilespmem:s0+$0x0];
	_ =	sdelay $0x2  }
0x284: {  	[tilespmem:s28+$0xFFFFFD30] =	vst v5  }
0x285: {  	v5 =	vld [tilespmem:s4+$0x0]  }
0x286: {  	[tilespmem:s28+$0x140] =	vst v6  }
0x287: {  	v6 =	vld [tilespmem:s0+$0x10]  }
0x288: {  	(v2sf) =	vpush v0, $0xB  }
0x289: {  	(v2sf) =	vpush v1, $0x6  }
0x28a: {  	[tilespmem:s28+$0xFFFFFD40] =	vst v5  }
0x28b: {  	v5 =	vld [tilespmem:s4+$0x10]  }
0x28c: {  	[tilespmem:s28+$0x150] =	vst v6  }
0x28d: {  	v6 =	vld [tilespmem:s0+$0x20];
	_ =	sdelay $0x2  }
0x28e: {  	[tilespmem:s28+$0xFFFFFD50] =	vst v5  }
0x28f: {  	v5 =	vld [tilespmem:s4+$0x20]  }
0x290: {  	[tilespmem:s28+$0x160] =	vst v6  }
0x291: {  	v6 =	vld [tilespmem:s0+$0x30];
	_ =	sdelay $0x2  }
0x292: {  	[tilespmem:s28+$0xFFFFFD60] =	vst v5  }
0x293: {  	s3 =	spop (v2sf);
	v5 =	vld [tilespmem:s4+$0x30]  }
0x294: {  	s15 =	spop (v2sf);
	[tilespmem:s28+$0x170] =	vst v6  }
0x295: {  	v6 =	vld [tilespmem:s15+$0x0];
	_ =	sdelay $0x2  }
0x296: {  	[tilespmem:s28+$0xFFFFFD70] =	vst v5  }
0x297: {  	v5 =	vld [tilespmem:s12+$0x0]  }
0x298: {  	[tilespmem:s28+$0x180] =	vst v6  }
0x299: {  	v6 =	vld [tilespmem:s15+$0x10]  }
0x29a: {  	(v2sf) =	vpush v0, $0xC  }
0x29b: {  	(v2sf) =	vpush v1, $0x7  }
0x29c: {  	[tilespmem:s28+$0xFFFFFD80] =	vst v5  }
0x29d: {  	v5 =	vld [tilespmem:s12+$0x10]  }
0x29e: {  	[tilespmem:s28+$0x190] =	vst v6  }
0x29f: {  	v6 =	vld [tilespmem:s15+$0x20];
	_ =	sdelay $0x2  }
0x2a0: {  	[tilespmem:s28+$0xFFFFFD90] =	vst v5  }
0x2a1: {  	v5 =	vld [tilespmem:s12+$0x20]  }
0x2a2: {  	[tilespmem:s28+$0x1A0] =	vst v6  }
0x2a3: {  	v6 =	vld [tilespmem:s15+$0x30];
	_ =	sdelay $0x2  }
0x2a4: {  	[tilespmem:s28+$0xFFFFFDA0] =	vst v5  }
0x2a5: {  	s9 =	spop (v2sf);
	v5 =	vld [tilespmem:s12+$0x30]  }
0x2a6: {  	s18 =	spop (v2sf);
	[tilespmem:s28+$0x1B0] =	vst v6  }
0x2a7: {  	v6 =	vld [tilespmem:s18+$0x0];
	_ =	sdelay $0x2  }
0x2a8: {  	[tilespmem:s28+$0xFFFFFDB0] =	vst v5  }
0x2a9: {  	v5 =	vld [tilespmem:s11+$0x0]  }
0x2aa: {  	[tilespmem:s28+$0x1C0] =	vst v6  }
0x2ab: {  	v6 =	vld [tilespmem:s18+$0x10]  }
0x2ac: {  	(v2sf) =	vpush v0, $0xD  }
0x2ad: {  	(v2sf) =	vpush v1, $0x8  }
0x2ae: {  	v7 =	vld [tilespmem:s25+$0x30];
	[tilespmem:s28+$0xFFFFFDC0] =	vst v5  }
0x2af: {  	[tilespmem:s19+$0x270] =	vst v4;
	v4 =	vld [tilespmem:s11+$0x10]  }
0x2b0: {  	v5 =	vld [tilespmem:s5+$0x0];
	[tilespmem:s28+$0x1D0] =	vst v6  }
0x2b1: {  	v6 =	vld [tilespmem:s18+$0x20];
	_ =	sdelay $0x1  }
0x2b2: {  	[tilespmem:s19+$0xFFFFFE70] =	vst v7  }
0x2b3: {  	[tilespmem:s28+$0xFFFFFDD0] =	vst v4  }
0x2b4: {  	[tilespmem:s19+$0x280] =	vst v5;
	v4 =	vld [tilespmem:s11+$0x20]  }
0x2b5: {  	v5 =	vld [tilespmem:s5+$0x10];
	[tilespmem:s28+$0x1E0] =	vst v6  }
0x2b6: {  	v6 =	vld [tilespmem:s18+$0x30];
	s1 =	rddreg [dreg:$0xd]  }
0x2b7: {  	v7 =	vld [tilespmem:s1+$0x0];
	_ =	sdelay $0x1  }
0x2b8: {  	[tilespmem:s28+$0xFFFFFDE0] =	vst v4  }
0x2b9: {  	s25 =	spop (v2sf);
	[tilespmem:s19+$0x290] =	vst v5;
	v4 =	vld [tilespmem:s11+$0x30]  }
0x2ba: {  	s26 =	spop (v2sf);
	v5 =	vld [tilespmem:s5+$0x20];
	[tilespmem:s28+$0x1F0] =	vst v6  }
0x2bb: {  	v6 =	vld [tilespmem:s26+$0x0];
	[tilespmem:s19+$0xFFFFFE80] =	vst v7  }
0x2bc: {  	v7 =	vld [tilespmem:s1+$0x10];
	_ =	sdelay $0x1  }
0x2bd: {  	[tilespmem:s28+$0xFFFFFDF0] =	vst v4  }
0x2be: {  	[tilespmem:s19+$0x2A0] =	vst v5;
	v4 =	vld [tilespmem:s16+$0x0]  }
0x2bf: {  	v5 =	vld [tilespmem:s5+$0x30];
	[tilespmem:s28+$0x200] =	vst v6  }
0x2c0: {  	v6 =	vld [tilespmem:s26+$0x10];
	[tilespmem:s19+$0xFFFFFE90] =	vst v7  }
0x2c1: {  	(v2sf) =	vpush v0, $0xE;
	v7 =	vld [tilespmem:s1+$0x20]  }
0x2c2: {  	(v2sf) =	vpush v1, $0x9  }
0x2c3: {  	[tilespmem:s28+$0xFFFFFE00] =	vst v4  }
0x2c4: {  	[tilespmem:s19+$0x2B0] =	vst v5;
	v4 =	vld [tilespmem:s16+$0x10]  }
0x2c5: {  	v5 =	vld [tilespmem:s3+$0x0];
	[tilespmem:s28+$0x210] =	vst v6  }
0x2c6: {  	v6 =	vld [tilespmem:s26+$0x20];
	[tilespmem:s19+$0xFFFFFEA0] =	vst v7  }
0x2c7: {  	v7 =	vld [tilespmem:s1+$0x30];
	_ =	sdelay $0x1  }
0x2c8: {  	[tilespmem:s28+$0xFFFFFE10] =	vst v4  }
0x2c9: {  	[tilespmem:s19+$0x2C0] =	vst v5;
	v4 =	vld [tilespmem:s16+$0x20]  }
0x2ca: {  	v5 =	vld [tilespmem:s3+$0x10];
	[tilespmem:s28+$0x220] =	vst v6  }
0x2cb: {  	v6 =	vld [tilespmem:s26+$0x30];
	[tilespmem:s19+$0xFFFFFEB0] =	vst v7  }
0x2cc: {  	s8 =	rddreg [dreg:$0xc]  }
0x2cd: {  	v7 =	vld [tilespmem:s8+$0x0]  }
0x2ce: {  	[tilespmem:s28+$0xFFFFFE20] =	vst v4  }
0x2cf: {  	s30 =	spop (v2sf);
	[tilespmem:s19+$0x2D0] =	vst v5;
	v4 =	vld [tilespmem:s16+$0x30]  }
0x2d0: {  	s10 =	spop (v2sf);
	v5 =	vld [tilespmem:s3+$0x20];
	[tilespmem:s28+$0x230] =	vst v6  }
0x2d1: {  	v6 =	vld [tilespmem:s10+$0x0]  }
0x2d2: {  	[tilespmem:s19+$0xFFFFFEC0] =	vst v7  }
0x2d3: {  	v7 =	vld [tilespmem:s8+$0x10]  }
0x2d4: {  	[tilespmem:s28+$0xFFFFFE30] =	vst v4  }
0x2d5: {  	(v2sf) =	vpush v0, $0xF;
	[tilespmem:s19+$0x2E0] =	vst v5;
	v0 =	vld [tilespmem:s23+$0x0]  }
0x2d6: {  	v4 =	vld [tilespmem:s3+$0x30];
	[tilespmem:s28+$0x240] =	vst v6  }
0x2d7: {  	v6 =	vld [tilespmem:s10+$0x10]  }
0x2d8: {  	[tilespmem:s19+$0xFFFFFED0] =	vst v7  }
0x2d9: {  	(v2sf) =	vpush v1, $0xA;
	v5 =	vld [tilespmem:s8+$0x20]  }
0x2da: {  	[tilespmem:s28+$0xFFFFFE40] =	vst v0  }
0x2db: {  	[tilespmem:s19+$0x2F0] =	vst v4;
	v0 =	vld [tilespmem:s23+$0x10]  }
0x2dc: {  	v4 =	vld [tilespmem:s9+$0x0];
	[tilespmem:s28+$0x250] =	vst v6  }
0x2dd: {  	v6 =	vld [tilespmem:s10+$0x20]  }
0x2de: {  	[tilespmem:s19+$0xFFFFFEE0] =	vst v5  }
0x2df: {  	v5 =	vld [tilespmem:s8+$0x30]  }
0x2e0: {  	[tilespmem:s28+$0xFFFFFE50] =	vst v0  }
0x2e1: {  	[tilespmem:s19+$0x300] =	vst v4;
	v0 =	vld [tilespmem:s23+$0x20]  }
0x2e2: {  	v4 =	vld [tilespmem:s9+$0x10];
	[tilespmem:s28+$0x260] =	vst v6  }
0x2e3: {  	v6 =	vld [tilespmem:s10+$0x30]  }
0x2e4: {  	[tilespmem:s19+$0xFFFFFEF0] =	vst v5  }
0x2e5: {  	s12 =	rddreg [dreg:$0xb]  }
0x2e6: {  	[tilespmem:s28+$0xFFFFFE60] =	vst v0;
	v5 =	vld [tilespmem:s12+$0x0]  }
0x2e7: {  	s11 =	spop (v2sf);
	[tilespmem:s19+$0x310] =	vst v4;
	v0 =	vld [tilespmem:s23+$0x30]  }
0x2e8: {  	s13 =	spop (v2sf);
	v4 =	vld [tilespmem:s9+$0x20];
	[tilespmem:s28+$0x270] =	vst v6  }
0x2e9: {  	v6 =	vld [tilespmem:s13+$0x0];
	_ =	sdelay $0x1  }
0x2ea: {  	[tilespmem:s19+$0xFFFFFF00] =	vst v5  }
0x2eb: {  	[tilespmem:s28+$0xFFFFFE70] =	vst v0  }
0x2ec: {  	[tilespmem:s19+$0x320] =	vst v4;
	v5 =	vld [tilespmem:s12+$0x10]  }
0x2ed: {  	[tilespmem:s28+$0x280] =	vst v6  }
0x2ee: {  	s2 =	rddreg [dreg:$0x10]  }
0x2ef: {  	v0 =	vld [tilespmem:s2+$0x0]  }
0x2f0: {  	v4 =	vld [tilespmem:s9+$0x30]  }
0x2f1: {  	v6 =	vld [tilespmem:s13+$0x10];
	[tilespmem:s19+$0xFFFFFF10] =	vst v5  }
0x2f2: {  	v5 =	vld [tilespmem:s12+$0x20];
	_ =	sdelay $0x1  }
0x2f3: {  	(v2sf) =	vpush v1, $0xB;
	[tilespmem:s28+$0xFFFFFE80] =	vst v0  }
0x2f4: {  	[tilespmem:s19+$0x330] =	vst v4;
	v0 =	vld [tilespmem:s2+$0x10]  }
0x2f5: {  	v4 =	vld [tilespmem:s25+$0x0];
	[tilespmem:s28+$0x290] =	vst v6  }
0x2f6: {  	v6 =	vld [tilespmem:s13+$0x20];
	[tilespmem:s19+$0xFFFFFF20] =	vst v5  }
0x2f7: {  	v5 =	vld [tilespmem:s12+$0x30];
	_ =	sdelay $0x1  }
0x2f8: {  	[tilespmem:s28+$0xFFFFFE90] =	vst v0  }
0x2f9: {  	[tilespmem:s19+$0x340] =	vst v4;
	v0 =	vld [tilespmem:s2+$0x20]  }
0x2fa: {  	[tilespmem:s28+$0x2A0] =	vst v6  }
0x2fb: {  	v4 =	vld [tilespmem:s25+$0x10];
	[tilespmem:s19+$0xFFFFFF30] =	vst v5  }
0x2fc: {  	v6 =	vld [tilespmem:s13+$0x30];
	s14 =	rddreg [dreg:$0xa]  }
0x2fd: {  	v5 =	vld [tilespmem:s14+$0x0]  }
0x2fe: {  	[tilespmem:s28+$0xFFFFFEA0] =	vst v0  }
0x2ff: {  	v0 =	vld [tilespmem:s2+$0x30]  }
0x300: {  	[tilespmem:s19+$0x350] =	vst v4  }
0x301: {  	s15 =	spop (v2sf);
	v4 =	vld [tilespmem:s25+$0x20];
	[tilespmem:s28+$0x2B0] =	vst v6  }
0x302: {  	v6 =	vld [tilespmem:s15+$0x0];
	[tilespmem:s19+$0xFFFFFF40] =	vst v5  }
0x303: {  	v5 =	vld [tilespmem:s14+$0x10]  }
0x304: {  	[tilespmem:s28+$0xFFFFFEB0] =	vst v0  }
0x305: {  	v0 =	vld [tilespmem:s6+$0x0]  }
0x306: {  	[tilespmem:s19+$0x360] =	vst v4  }
0x307: {  	v4 =	vld [tilespmem:s25+$0x30];
	[tilespmem:s28+$0x2C0] =	vst v6  }
0x308: {  	v6 =	vld [tilespmem:s15+$0x10];
	[tilespmem:s19+$0xFFFFFF50] =	vst v5  }
0x309: {  	v5 =	vld [tilespmem:s14+$0x20]  }
0x30a: {  	(v2sf) =	vpush v1, $0xC;
	[tilespmem:s28+$0xFFFFFEC0] =	vst v0  }
0x30b: {  	v0 =	vld [tilespmem:s6+$0x10]  }
0x30c: {  	[tilespmem:s19+$0x370] =	vst v4  }
0x30d: {  	v4 =	vld [tilespmem:s30+$0x0];
	[tilespmem:s28+$0x2D0] =	vst v6  }
0x30e: {  	v6 =	vld [tilespmem:s15+$0x20];
	[tilespmem:s19+$0xFFFFFF60] =	vst v5  }
0x30f: {  	v5 =	vld [tilespmem:s14+$0x30]  }
0x310: {  	[tilespmem:s28+$0xFFFFFED0] =	vst v0  }
0x311: {  	v0 =	vld [tilespmem:s6+$0x20]  }
0x312: {  	[tilespmem:s19+$0x380] =	vst v4  }
0x313: {  	v4 =	vld [tilespmem:s30+$0x10];
	[tilespmem:s28+$0x2E0] =	vst v6  }
0x314: {  	v6 =	vld [tilespmem:s15+$0x30];
	[tilespmem:s19+$0xFFFFFF70] =	vst v5  }
0x315: {  	s16 =	rddreg [dreg:$0x9]  }
0x316: {  	v5 =	vld [tilespmem:s16+$0x0];
	[tilespmem:s28+$0xFFFFFEE0] =	vst v0  }
0x317: {  	v0 =	vld [tilespmem:s6+$0x30]  }
0x318: {  	[tilespmem:s19+$0x390] =	vst v4  }
0x319: {  	s18 =	spop (v2sf);
	[tilespmem:s28+$0x2F0] =	vst v6;
	v4 =	vld [tilespmem:s30+$0x20]  }
0x31a: {  	v6 =	vld [tilespmem:s18+$0x0]  }
0x31b: {  	[tilespmem:s19+$0xFFFFFF80] =	vst v5  }
0x31c: {  	v5 =	vld [tilespmem:s16+$0x10];
	[tilespmem:s28+$0xFFFFFEF0] =	vst v0  }
0x31d: {  	v0 =	vld [tilespmem:s29+$0x0]  }
0x31e: {  	[tilespmem:s19+$0x3A0] =	vst v4  }
0x31f: {  	[tilespmem:s28+$0x300] =	vst v6;
	v4 =	vld [tilespmem:s30+$0x30]  }
0x320: {  	v6 =	vld [tilespmem:s18+$0x10]  }
0x321: {  	[tilespmem:s19+$0xFFFFFF90] =	vst v5  }
0x322: {  	v5 =	vld [tilespmem:s16+$0x20];
	[tilespmem:s28+$0xFFFFFF00] =	vst v0  }
0x323: {  	[tilespmem:s17+$0xFFFFFFB0] =	vst v2;
	v0 =	vld [tilespmem:s29+$0x10]  }
0x324: {  	(v2sf) =	vpush v1, $0xD;
	[tilespmem:s19+$0x3B0] =	vst v4  }
0x325: {  	[tilespmem:s28+$0x310] =	vst v6;
	v2 =	vld [tilespmem:s11+$0x0]  }
0x326: {  	v6 =	vld [tilespmem:s18+$0x20];
	s23 =	rddreg [dreg:$0x4]  }
0x327: {  	v4 =	vld [tilespmem:s23+$0x0];
	[tilespmem:s19+$0xFFFFFFA0] =	vst v5  }
0x328: {  	v5 =	vld [tilespmem:s16+$0x30];
	[tilespmem:s28+$0xFFFFFF10] =	vst v0  }
0x329: {  	[tilespmem:s17+$0x3D0] =	vst v3;
	v0 =	vld [tilespmem:s29+$0x20]  }
0x32a: {  	[tilespmem:s19+$0x3C0] =	vst v2  }
0x32b: {  	[tilespmem:s28+$0x320] =	vst v6  }
0x32c: {  	[tilespmem:s17+$0xFFFFFFC0] =	vst v4  }
0x32d: {  	[tilespmem:s19+$0xFFFFFFB0] =	vst v5  }
0x32e: {  	v3 =	vld [tilespmem:s18+$0x30];
	s25 =	rddreg [dreg:$0x5];
	[tilespmem:s28+$0xFFFFFF20] =	vst v0  }
0x32f: {  	v0 =	vld [tilespmem:s29+$0x30];
	_ =	sdelay $0x3  }
0x330: {  	s26 =	spop (v2sf);
	v2 =	vld [tilespmem:s11+$0x10];
	[tilespmem:s28+$0x330] =	vst v3  }
0x331: {  	v3 =	vld [tilespmem:s26+$0x0];
	[tilespmem:s28+$0xFFFFFF30] =	vst v0  }
0x332: {  	v0 =	vld [tilespmem:s22+$0x0];
	_ =	sdelay $0x2  }
0x333: {  	[tilespmem:s19+$0x3D0] =	vst v2  }
0x334: {  	v2 =	vld [tilespmem:s11+$0x20];
	[tilespmem:s28+$0x340] =	vst v3  }
0x335: {  	v3 =	vld [tilespmem:s26+$0x10];
	[tilespmem:s28+$0xFFFFFF40] =	vst v0  }
0x336: {  	v0 =	vld [tilespmem:s22+$0x10]  }
0x337: {  	(v2sf) =	vpush v1, $0xE;
	v6 =	vld [tilespmem:s7+$0x20]  }
0x338: {  	v4 =	vld [tilespmem:s23+$0x10]  }
0x339: {  	v5 =	vld [tilespmem:s25+$0x0];
	[tilespmem:s19+$0x3E0] =	vst v2  }
0x33a: {  	v2 =	vld [tilespmem:s11+$0x30];
	[tilespmem:s28+$0x350] =	vst v3  }
0x33b: {  	v3 =	vld [tilespmem:s26+$0x20];
	[tilespmem:s28+$0xFFFFFF50] =	vst v0  }
0x33c: {  	[tilespmem:s17+$0x3E0] =	vst v6;
	v0 =	vld [tilespmem:s22+$0x20]  }
0x33d: {  	[tilespmem:s17+$0xFFFFFFD0] =	vst v4  }
0x33e: {  	v6 =	vld [tilespmem:s7+$0x30];
	[tilespmem:s19+$0xFFFFFFC0] =	vst v5  }
0x33f: {  	v4 =	vld [tilespmem:s23+$0x20];
	[tilespmem:s19+$0x3F0] =	vst v2  }
0x340: {  	v5 =	vld [tilespmem:s25+$0x10];
	[tilespmem:s28+$0x360] =	vst v3  }
0x341: {  	v2 =	vld [tilespmem:s26+$0x30];
	[tilespmem:s28+$0xFFFFFF60] =	vst v0  }
0x342: {  	v0 =	vld [tilespmem:s22+$0x30]  }
0x343: {  	[tilespmem:s17+$0x3F0] =	vst v6  }
0x344: {  	v6 =	vld [tilespmem:s21+$0x30];
	[tilespmem:s17+$0xFFFFFFE0] =	vst v4  }
0x345: {  	v4 =	vld [tilespmem:s23+$0x30];
	[tilespmem:s19+$0xFFFFFFD0] =	vst v5  }
0x346: {  	s30 =	spop (v2sf);
	v5 =	vld [tilespmem:s25+$0x20];
	[tilespmem:s28+$0x370] =	vst v2  }
0x347: {  	v2 =	vld [tilespmem:s30+$0x0];
	[tilespmem:s28+$0xFFFFFF70] =	vst v0  }
0x348: {  	v0 =	vld [tilespmem:s20+$0x0]  }
0x349: {  	[tilespmem:s31+$0xFFFFFFF0] =	vst v6  }
0x34a: {  	[tilespmem:s17+$0xFFFFFFF0] =	vst v4  }
0x34b: {  	[tilespmem:s19+$0xFFFFFFE0] =	vst v5  }
0x34c: {  	[tilespmem:s28+$0x380] =	vst v2  }
0x34d: {  	v2 =	vld [tilespmem:s30+$0x10];
	[tilespmem:s28+$0xFFFFFF80] =	vst v0  }
0x34e: {  	v0 =	vld [tilespmem:s20+$0x10]  }
0x34f: {  	(v2sf) =	vpush v1, $0xF;
	_ =	sdelay $0x2  }
0x350: {  	[tilespmem:s28+$0x390] =	vst v2  }
0x351: {  	v1 =	vld [tilespmem:s30+$0x20];
	[tilespmem:s28+$0xFFFFFF90] =	vst v0  }
0x352: {  	v0 =	vld [tilespmem:s20+$0x20];
	_ =	sdelay $0x3  }
0x353: {  	[tilespmem:s28+$0x3A0] =	vst v1  }
0x354: {  	v1 =	vld [tilespmem:s30+$0x30];
	[tilespmem:s28+$0xFFFFFFA0] =	vst v0  }
0x355: {  	v0 =	vld [tilespmem:s20+$0x30];
	_ =	sdelay $0x3  }
0x356: {  	[tilespmem:s28+$0x3B0] =	vst v1;
	s1 =	spop (v2sf)  }
0x357: {  	v1 =	vld [tilespmem:s1+$0x0];
	[tilespmem:s28+$0xFFFFFFB0] =	vst v0  }
0x358: {  	v0 =	vld [tilespmem:s24+$0x0];
	_ =	sdelay $0x3  }
0x359: {  	[tilespmem:s28+$0x3C0] =	vst v1  }
0x35a: {  	v1 =	vld [tilespmem:s1+$0x10];
	[tilespmem:s28+$0xFFFFFFC0] =	vst v0  }
0x35b: {  	v0 =	vld [tilespmem:s24+$0x10];
	_ =	sdelay $0x3  }
0x35c: {  	[tilespmem:s28+$0x3D0] =	vst v1  }
0x35d: {  	v1 =	vld [tilespmem:s1+$0x20];
	[tilespmem:s28+$0xFFFFFFD0] =	vst v0  }
0x35e: {  	v0 =	vld [tilespmem:s24+$0x20];
	_ =	sdelay $0x3  }
0x35f: {  	v2 =	vld [tilespmem:s25+$0x30];
	[tilespmem:s28+$0x3E0] =	vst v1  }
0x360: {  	v1 =	vld [tilespmem:s1+$0x30];
	[tilespmem:s28+$0xFFFFFFE0] =	vst v0  }
0x361: {  	v0 =	vld [tilespmem:s24+$0x30];
	_ =	sdelay $0x2  }
0x362: {  	[tilespmem:s19+$0xFFFFFFF0] =	vst v2  }
0x363: {  	[tilespmem:s28+$0x3F0] =	vst v1  }
0x364: {  	s5 =	simm.s32 $0x10200;
	[tilespmem:s28+$0xFFFFFFF0] =	vst v0  }
0x365: {  	s3 =	simm.s32 $0x0;
	s6 =	simm.s32 $0x10110;
	s4 =	rddreg [dreg:$0x1a]  }
0x366: {  	[hbm4b:s4+s3] =	stream.linear.scatter [tilespmem:s5], [sflag:$0x2], $0x4000, $0x38;
	[tilespmem:$0x18200] =	vst v63  }
0x367: {  	v0 =	vld [tilespmem:s6+$0x0];
	_ =	sdelay $0x4  }
0x368: {  	v1 =	vshll.u32 v0, $0x6;
	v0 =	vld [tilespmem:s6+$0xFFFFFFF0]  }
0x369: {  	(v2sf) =	vpush v1, $0x0;
	_ =	sdelay $0x3  }
0x36a: {  	v0 =	vshll.u32 v0, $0x6  }
0x36b: {  	(v2sf) =	vpush v0, $0x0;
	_ =	sdelay $0x3  }
0x36c: {  	(v2sf) =	vpush v0, $0x1  }
0x36d: {  	(v2sf) =	vpush v0, $0x2  }
0x36e: {  	(v2sf) =	vpush v0, $0x3  }
0x36f: {  	(v2sf) =	vpush v0, $0x4  }
0x370: {  	(v2sf) =	vpush v0, $0x5  }
0x371: {  	(v2sf) =	vpush v0, $0x6  }
0x372: {  	(v2sf) =	vpush v0, $0x7;
	s7 =	spop (v2sf)  }
0x373: {  	(v2sf) =	vpush v0, $0x8;
	v2 =	vld [tilespmem:s7+$0x0]  }
0x374: {  	(v2sf) =	vpush v0, $0x9  }
0x375: {  	(v2sf) =	vpush v0, $0xA  }
0x376: {  	(v2sf) =	vpush v0, $0xB  }
0x377: {  	s31 =	simm.s32 $0x149F0;
	(v2sf) =	vpush v0, $0xC;
	s10 =	spop (v2sf)  }
0x378: {  	(v2sf) =	vpush v0, $0xD;
	[tilespmem:s31+$0xFFFFFC10] =	vst v2;
	v3 =	vld [tilespmem:s10+$0x0]  }
0x379: {  	(v2sf) =	vpush v0, $0xE;
	v2 =	vld [tilespmem:s7+$0x10]  }
0x37a: {  	(v2sf) =	vpush v0, $0xF  }
0x37b: {  	s11 =	spop (v2sf);
	(v2sf) =	vpush v1, $0x1  }
0x37c: {  	s13 =	spop (v2sf)  }
0x37d: {  	s15 =	spop (v2sf);
	[tilespmem:s31+$0xFFFFF810] =	vst v3  }
0x37e: {  	s17 =	spop (v2sf);
	[tilespmem:s31+$0xFFFFFC20] =	vst v2;
	v2 =	vld [tilespmem:s10+$0x10]  }
0x37f: {  	s6 =	spop (v2sf);
	v0 =	vld [tilespmem:s7+$0x20]  }
0x380: {  	s16 =	spop (v2sf)  }
0x381: {  	s19 =	spop (v2sf)  }
0x382: {  	s14 =	spop (v2sf)  }
0x383: {  	s3 =	spop (v2sf);
	[tilespmem:s31+$0xFFFFF820] =	vst v2  }
0x384: {  	s9 =	spop (v2sf);
	[tilespmem:s31+$0xFFFFFC30] =	vst v0;
	v2 =	vld [tilespmem:s10+$0x20]  }
0x385: {  	s8 =	spop (v2sf);
	v0 =	vld [tilespmem:s7+$0x30]  }
0x386: {  	s4 =	spop (v2sf)  }
0x387: {  	s2 =	spop (v2sf)  }
0x388: {  	s0 =	spop (v2sf)  }
0x389: {  	s26 =	spop (v2sf);
	[tilespmem:s31+$0xFFFFF830] =	vst v2  }
0x38a: {  	s18 =	spop (v2sf);
	[tilespmem:s31+$0xFFFFFC40] =	vst v0;
	v2 =	vld [tilespmem:s10+$0x30]  }
0x38b: {  	v0 =	vld [tilespmem:s18+$0x0];
	_ =	sdelay $0x3  }
0x38c: {  	[tilespmem:s31+$0xFFFFF840] =	vst v2  }
0x38d: {  	[tilespmem:s31+$0xFFFFFC50] =	vst v0;
	v2 =	vld [tilespmem:s11+$0x0]  }
0x38e: {  	v0 =	vld [tilespmem:s18+$0x10];
	_ =	sdelay $0x1  }
0x38f: {  	(v2sf) =	vpush v1, $0x2;
	_ =	sdelay $0x1  }
0x390: {  	[tilespmem:s31+$0xFFFFF850] =	vst v2  }
0x391: {  	[tilespmem:s31+$0xFFFFFC60] =	vst v0;
	v2 =	vld [tilespmem:s11+$0x10]  }
0x392: {  	v0 =	vld [tilespmem:s18+$0x20];
	_ =	sdelay $0x3  }
0x393: {  	[tilespmem:s31+$0xFFFFF860] =	vst v2  }
0x394: {  	[tilespmem:s31+$0xFFFFFC70] =	vst v0;
	v2 =	vld [tilespmem:s11+$0x20]  }
0x395: {  	v0 =	vld [tilespmem:s18+$0x30];
	_ =	sdelay $0x3  }
0x396: {  	[tilespmem:s31+$0xFFFFF870] =	vst v2  }
0x397: {  	s20 =	spop (v2sf);
	[tilespmem:s31+$0xFFFFFC80] =	vst v0;
	v2 =	vld [tilespmem:s11+$0x30]  }
0x398: {  	v0 =	vld [tilespmem:s20+$0x0];
	_ =	sdelay $0x3  }
0x399: {  	[tilespmem:s31+$0xFFFFF880] =	vst v2  }
0x39a: {  	[tilespmem:s31+$0xFFFFFC90] =	vst v0;
	v2 =	vld [tilespmem:s13+$0x0]  }
0x39b: {  	v0 =	vld [tilespmem:s20+$0x10];
	_ =	sdelay $0x1  }
0x39c: {  	(v2sf) =	vpush v1, $0x3;
	_ =	sdelay $0x1  }
0x39d: {  	[tilespmem:s31+$0xFFFFF890] =	vst v2  }
0x39e: {  	[tilespmem:s31+$0xFFFFFCA0] =	vst v0;
	v2 =	vld [tilespmem:s13+$0x10]  }
0x39f: {  	v0 =	vld [tilespmem:s20+$0x20];
	_ =	sdelay $0x3  }
0x3a0: {  	[tilespmem:s31+$0xFFFFF8A0] =	vst v2  }
0x3a1: {  	[tilespmem:s31+$0xFFFFFCB0] =	vst v0;
	v2 =	vld [tilespmem:s13+$0x20]  }
0x3a2: {  	v0 =	vld [tilespmem:s20+$0x30];
	_ =	sdelay $0x3  }
0x3a3: {  	[tilespmem:s31+$0xFFFFF8B0] =	vst v2  }
0x3a4: {  	s21 =	spop (v2sf);
	[tilespmem:s31+$0xFFFFFCC0] =	vst v0;
	v2 =	vld [tilespmem:s13+$0x30]  }
0x3a5: {  	v0 =	vld [tilespmem:s21+$0x0];
	_ =	sdelay $0x3  }
0x3a6: {  	[tilespmem:s31+$0xFFFFF8C0] =	vst v2  }
0x3a7: {  	[tilespmem:s31+$0xFFFFFCD0] =	vst v0;
	v2 =	vld [tilespmem:s15+$0x0]  }
0x3a8: {  	v0 =	vld [tilespmem:s21+$0x10];
	_ =	sdelay $0x1  }
0x3a9: {  	(v2sf) =	vpush v1, $0x4;
	_ =	sdelay $0x1  }
0x3aa: {  	[tilespmem:s31+$0xFFFFF8D0] =	vst v2  }
0x3ab: {  	[tilespmem:s31+$0xFFFFFCE0] =	vst v0;
	v2 =	vld [tilespmem:s15+$0x10]  }
0x3ac: {  	v0 =	vld [tilespmem:s21+$0x20];
	_ =	sdelay $0x3  }
0x3ad: {  	[tilespmem:s31+$0xFFFFF8E0] =	vst v2  }
0x3ae: {  	[tilespmem:s31+$0xFFFFFCF0] =	vst v0;
	v2 =	vld [tilespmem:s15+$0x20]  }
0x3af: {  	v0 =	vld [tilespmem:s21+$0x30];
	_ =	sdelay $0x3  }
0x3b0: {  	[tilespmem:s31+$0xFFFFF8F0] =	vst v2  }
0x3b1: {  	s22 =	spop (v2sf);
	[tilespmem:s31+$0xFFFFFD00] =	vst v0;
	v2 =	vld [tilespmem:s15+$0x30]  }
0x3b2: {  	v0 =	vld [tilespmem:s22+$0x0];
	_ =	sdelay $0x3  }
0x3b3: {  	[tilespmem:s31+$0xFFFFF900] =	vst v2  }
0x3b4: {  	[tilespmem:s31+$0xFFFFFD10] =	vst v0;
	v2 =	vld [tilespmem:s17+$0x0]  }
0x3b5: {  	v0 =	vld [tilespmem:s22+$0x10];
	_ =	sdelay $0x1  }
0x3b6: {  	s23 =	simm.s32 $0x10130;
	(v2sf) =	vpush v1, $0x5  }
0x3b7: {  	v5 =	vld [tilespmem:s23+$0xFFFFFFF0]  }
0x3b8: {  	v3 =	vld [tilespmem:s23+$0x0];
	[tilespmem:s31+$0xFFFFF910] =	vst v2  }
0x3b9: {  	[tilespmem:s31+$0xFFFFFD20] =	vst v0;
	v4 =	vld [tilespmem:s17+$0x10]  }
0x3ba: {  	v0 =	vld [tilespmem:s22+$0x20];
	_ =	sdelay $0x3  }
0x3bb: {  	v2 =	vshll.u32 v3, $0x6;
	[tilespmem:s31+$0xFFFFF920] =	vst v4  }
0x3bc: {  	(v2sf) =	vpush v2, $0x0;
	v4 =	vshll.u32 v5, $0x6;
	[tilespmem:s31+$0xFFFFFD30] =	vst v0  }
0x3bd: {  	(v2sf) =	vpush v4, $0x0;
	v0 =	vld [tilespmem:s22+$0x30]  }
0x3be: {  	v3 =	vld [tilespmem:s17+$0x20];
	(v2sf) =	vpush v4, $0x1  }
0x3bf: {  	(v2sf) =	vpush v4, $0x2  }
0x3c0: {  	(v2sf) =	vpush v4, $0x3  }
0x3c1: {  	(v2sf) =	vpush v4, $0x4  }
0x3c2: {  	s24 =	spop (v2sf);
	(v2sf) =	vpush v4, $0x5;
	[tilespmem:s31+$0xFFFFFD40] =	vst v0  }
0x3c3: {  	[tilespmem:s31+$0xFFFFF930] =	vst v3;
	(v2sf) =	vpush v4, $0x6;
	v0 =	vld [tilespmem:s24+$0x0]  }
0x3c4: {  	v3 =	vld [tilespmem:s17+$0x30];
	(v2sf) =	vpush v4, $0x7  }
0x3c5: {  	(v2sf) =	vpush v4, $0x8  }
0x3c6: {  	(v2sf) =	vpush v4, $0x9  }
0x3c7: {  	(v2sf) =	vpush v4, $0xA  }
0x3c8: {  	(v2sf) =	vpush v4, $0xB;
	[tilespmem:s31+$0xFFFFFD50] =	vst v0  }
0x3c9: {  	[tilespmem:s31+$0xFFFFF940] =	vst v3;
	v0 =	vld [tilespmem:s24+$0x10]  }
0x3ca: {  	v3 =	vld [tilespmem:s6+$0x0]  }
0x3cb: {  	s25 =	spop (v2sf);
	(v2sf) =	vpush v1, $0x6  }
0x3cc: {  	v5 =	vld [tilespmem:s25+$0x0];
	s23 =	spop (v2sf)  }
0x3cd: {  	s22 =	spop (v2sf)  }
0x3ce: {  	v6 =	vld [tilespmem:s23+$0x0];
	s18 =	spop (v2sf);
	[tilespmem:s31+$0xFFFFFD60] =	vst v0  }
0x3cf: {  	[tilespmem:s31+$0xFFFFF950] =	vst v3;
	s15 =	spop (v2sf);
	v0 =	vld [tilespmem:s24+$0x20]  }
0x3d0: {  	s17 =	simm.s32 $0x151F0;
	(v2sf) =	vpush v4, $0xC;
	v3 =	vld [tilespmem:s6+$0x10];
	s21 =	spop (v2sf)  }
0x3d1: {  	[tilespmem:s17+$0xFFFFFC10] =	vst v5;
	(v2sf) =	vpush v4, $0xD;
	s20 =	spop (v2sf)  }
0x3d2: {  	v5 =	vld [tilespmem:s25+$0x10];
	(v2sf) =	vpush v4, $0xE;
	s13 =	spop (v2sf)  }
0x3d3: {  	[tilespmem:s17+$0xFFFFF810] =	vst v6;
	s12 =	spop (v2sf)  }
0x3d4: {  	(v2sf) =	vpush v4, $0xF;
	v4 =	vld [tilespmem:s23+$0x10];
	s11 =	spop (v2sf);
	[tilespmem:s31+$0xFFFFFD70] =	vst v0  }
0x3d5: {  	[tilespmem:s31+$0xFFFFF960] =	vst v3;
	s7 =	spop (v2sf);
	v0 =	vld [tilespmem:s24+$0x30]  }
0x3d6: {  	(v2sf) =	vpush v2, $0x1;
	v3 =	vld [tilespmem:s6+$0x20];
	s1 =	spop (v2sf)  }
0x3d7: {  	[tilespmem:s17+$0xFFFFFC20] =	vst v5;
	s30 =	spop (v2sf)  }
0x3d8: {  	v5 =	vld [tilespmem:s25+$0x20];
	[dreg:$0x1f] =	wrdreg s30  }
0x3d9: {  	[tilespmem:s17+$0xFFFFF820] =	vst v4  }
0x3da: {  	s24 =	spop (v2sf);
	v4 =	vld [tilespmem:s23+$0x20];
	[tilespmem:s31+$0xFFFFFD80] =	vst v0  }
0x3db: {  	[tilespmem:s31+$0xFFFFF970] =	vst v3;
	v0 =	vld [tilespmem:s24+$0x0]  }
0x3dc: {  	v3 =	vld [tilespmem:s6+$0x30];
	_ =	sdelay $0x1  }
0x3dd: {  	[tilespmem:s17+$0xFFFFFC30] =	vst v5  }
0x3de: {  	s10 =	spop (v2sf);
	[tilespmem:s17+$0xFFFFF830] =	vst v4  }
0x3df: {  	v5 =	vld [tilespmem:s25+$0x30];
	s6 =	spop (v2sf);
	[tilespmem:s31+$0xFFFFFD90] =	vst v0  }
0x3e0: {  	s5 =	spop (v2sf);
	[tilespmem:s31+$0xFFFFF980] =	vst v3;
	v0 =	vld [tilespmem:s24+$0x10]  }
0x3e1: {  	v3 =	vld [tilespmem:s16+$0x0];
	[dreg:$0x1e] =	wrdreg s5  }
0x3e2: {  	(v2sf) =	vpush v1, $0x7;
	s30 =	spop (v2sf);
	v4 =	vld [tilespmem:s23+$0x30]  }
0x3e3: {  	[dreg:$0x3] =	wrdreg s30  }
0x3e4: {  	s5 =	spop (v2sf);
	[tilespmem:s17+$0xFFFFFC40] =	vst v5  }
0x3e5: {  	v5 =	vld [tilespmem:s5+$0x0];
	[tilespmem:s31+$0xFFFFFDA0] =	vst v0  }
0x3e6: {  	v0 =	vld [tilespmem:s24+$0x20]  }
0x3e7: {  	[tilespmem:s17+$0xFFFFF840] =	vst v4  }
0x3e8: {  	v4 =	vld [tilespmem:s22+$0x0]  }
0x3e9: {  	[tilespmem:s31+$0xFFFFF990] =	vst v3  }
0x3ea: {  	v3 =	vld [tilespmem:s16+$0x10];
	[tilespmem:s17+$0xFFFFFC50] =	vst v5  }
0x3eb: {  	v5 =	vld [tilespmem:s5+$0x10];
	[tilespmem:s31+$0xFFFFFDB0] =	vst v0  }
0x3ec: {  	v0 =	vld [tilespmem:s24+$0x30]  }
0x3ed: {  	(v2sf) =	vpush v2, $0x2;
	[tilespmem:s17+$0xFFFFF850] =	vst v4  }
0x3ee: {  	v4 =	vld [tilespmem:s22+$0x10]  }
0x3ef: {  	[tilespmem:s31+$0xFFFFF9A0] =	vst v3  }
0x3f0: {  	v3 =	vld [tilespmem:s16+$0x20];
	[tilespmem:s17+$0xFFFFFC60] =	vst v5  }
0x3f1: {  	s25 =	spop (v2sf);
	v5 =	vld [tilespmem:s5+$0x20];
	[tilespmem:s31+$0xFFFFFDC0] =	vst v0  }
0x3f2: {  	v0 =	vld [tilespmem:s25+$0x0]  }
0x3f3: {  	[tilespmem:s17+$0xFFFFF860] =	vst v4  }
0x3f4: {  	v4 =	vld [tilespmem:s22+$0x20]  }
0x3f5: {  	[tilespmem:s31+$0xFFFFF9B0] =	vst v3  }
0x3f6: {  	v3 =	vld [tilespmem:s16+$0x30];
	[tilespmem:s17+$0xFFFFFC70] =	vst v5  }
0x3f7: {  	v5 =	vld [tilespmem:s5+$0x30];
	[tilespmem:s31+$0xFFFFFDD0] =	vst v0  }
0x3f8: {  	v0 =	vld [tilespmem:s25+$0x10]  }
0x3f9: {  	[tilespmem:s17+$0xFFFFF870] =	vst v4  }
0x3fa: {  	(v2sf) =	vpush v1, $0x8;
	v4 =	vld [tilespmem:s22+$0x30]  }
0x3fb: {  	[tilespmem:s31+$0xFFFFF9C0] =	vst v3  }
0x3fc: {  	s30 =	spop (v2sf);
	v3 =	vld [tilespmem:s19+$0x0];
	[tilespmem:s17+$0xFFFFFC80] =	vst v5  }
0x3fd: {  	v5 =	vld [tilespmem:s30+$0x0];
	[tilespmem:s31+$0xFFFFFDE0] =	vst v0  }
0x3fe: {  	v0 =	vld [tilespmem:s25+$0x20]  }
0x3ff: {  	[tilespmem:s17+$0xFFFFF880] =	vst v4  }
0x400: {  	v4 =	vld [tilespmem:s18+$0x0]  }
0x401: {  	[tilespmem:s31+$0xFFFFF9D0] =	vst v3  }
0x402: {  	v3 =	vld [tilespmem:s19+$0x10];
	[tilespmem:s17+$0xFFFFFC90] =	vst v5  }
0x403: {  	v5 =	vld [tilespmem:s30+$0x10];
	[tilespmem:s31+$0xFFFFFDF0] =	vst v0  }
0x404: {  	v0 =	vld [tilespmem:s25+$0x30]  }
0x405: {  	(v2sf) =	vpush v2, $0x3;
	[tilespmem:s17+$0xFFFFF890] =	vst v4  }
0x406: {  	v4 =	vld [tilespmem:s18+$0x10]  }
0x407: {  	[tilespmem:s31+$0xFFFFF9E0] =	vst v3  }
0x408: {  	v3 =	vld [tilespmem:s19+$0x20];
	[tilespmem:s17+$0xFFFFFCA0] =	vst v5  }
0x409: {  	s5 =	spop (v2sf);
	v5 =	vld [tilespmem:s30+$0x20];
	[tilespmem:s31+$0xFFFFFE00] =	vst v0  }
0x40a: {  	v0 =	vld [tilespmem:s5+$0x0]  }
0x40b: {  	[tilespmem:s17+$0xFFFFF8A0] =	vst v4  }
0x40c: {  	v4 =	vld [tilespmem:s18+$0x20]  }
0x40d: {  	[tilespmem:s31+$0xFFFFF9F0] =	vst v3  }
0x40e: {  	v3 =	vld [tilespmem:s19+$0x30];
	[tilespmem:s17+$0xFFFFFCB0] =	vst v5  }
0x40f: {  	v5 =	vld [tilespmem:s30+$0x30];
	[tilespmem:s31+$0xFFFFFE10] =	vst v0  }
0x410: {  	v0 =	vld [tilespmem:s5+$0x10]  }
0x411: {  	[tilespmem:s17+$0xFFFFF8B0] =	vst v4  }
0x412: {  	(v2sf) =	vpush v1, $0x9;
	v4 =	vld [tilespmem:s18+$0x30]  }
0x413: {  	[tilespmem:s31+$0xFFFFFA00] =	vst v3  }
0x414: {  	s19 =	spop (v2sf);
	v3 =	vld [tilespmem:s14+$0x0];
	[tilespmem:s17+$0xFFFFFCC0] =	vst v5  }
0x415: {  	v5 =	vld [tilespmem:s19+$0x0];
	[tilespmem:s31+$0xFFFFFE20] =	vst v0  }
0x416: {  	v0 =	vld [tilespmem:s5+$0x20]  }
0x417: {  	[tilespmem:s17+$0xFFFFF8C0] =	vst v4  }
0x418: {  	v4 =	vld [tilespmem:s15+$0x0]  }
0x419: {  	[tilespmem:s31+$0xFFFFFA10] =	vst v3  }
0x41a: {  	v3 =	vld [tilespmem:s14+$0x10];
	[tilespmem:s17+$0xFFFFFCD0] =	vst v5  }
0x41b: {  	v5 =	vld [tilespmem:s19+$0x10];
	[tilespmem:s31+$0xFFFFFE30] =	vst v0  }
0x41c: {  	v0 =	vld [tilespmem:s5+$0x30]  }
0x41d: {  	(v2sf) =	vpush v2, $0x4;
	[tilespmem:s17+$0xFFFFF8D0] =	vst v4  }
0x41e: {  	v4 =	vld [tilespmem:s15+$0x10]  }
0x41f: {  	[tilespmem:s31+$0xFFFFFA20] =	vst v3  }
0x420: {  	v3 =	vld [tilespmem:s14+$0x20];
	[tilespmem:s17+$0xFFFFFCE0] =	vst v5  }
0x421: {  	s23 =	spop (v2sf);
	v5 =	vld [tilespmem:s19+$0x20];
	[tilespmem:s31+$0xFFFFFE40] =	vst v0  }
0x422: {  	v0 =	vld [tilespmem:s23+$0x0]  }
0x423: {  	[tilespmem:s17+$0xFFFFF8E0] =	vst v4  }
0x424: {  	v4 =	vld [tilespmem:s15+$0x20]  }
0x425: {  	[tilespmem:s31+$0xFFFFFA30] =	vst v3  }
0x426: {  	v3 =	vld [tilespmem:s14+$0x30];
	[tilespmem:s17+$0xFFFFFCF0] =	vst v5  }
0x427: {  	v5 =	vld [tilespmem:s19+$0x30];
	[tilespmem:s31+$0xFFFFFE50] =	vst v0  }
0x428: {  	v0 =	vld [tilespmem:s23+$0x10]  }
0x429: {  	[tilespmem:s17+$0xFFFFF8F0] =	vst v4  }
0x42a: {  	(v2sf) =	vpush v1, $0xA;
	v4 =	vld [tilespmem:s15+$0x30]  }
0x42b: {  	[tilespmem:s31+$0xFFFFFA40] =	vst v3  }
0x42c: {  	s24 =	spop (v2sf);
	v3 =	vld [tilespmem:s3+$0x0];
	[tilespmem:s17+$0xFFFFFD00] =	vst v5  }
0x42d: {  	v5 =	vld [tilespmem:s24+$0x0];
	[tilespmem:s31+$0xFFFFFE60] =	vst v0  }
0x42e: {  	v0 =	vld [tilespmem:s23+$0x20]  }
0x42f: {  	[tilespmem:s17+$0xFFFFF900] =	vst v4  }
0x430: {  	v4 =	vld [tilespmem:s21+$0x0]  }
0x431: {  	[tilespmem:s31+$0xFFFFFA50] =	vst v3  }
0x432: {  	v3 =	vld [tilespmem:s3+$0x10];
	[tilespmem:s17+$0xFFFFFD10] =	vst v5  }
0x433: {  	v5 =	vld [tilespmem:s24+$0x10];
	[tilespmem:s31+$0xFFFFFE70] =	vst v0  }
0x434: {  	s25 =	simm.s32 $0x10150;
	v0 =	vld [tilespmem:s23+$0x30]  }
0x435: {  	(v2sf) =	vpush v2, $0x5;
	v6 =	vld [tilespmem:s25+$0x0];
	[tilespmem:s17+$0xFFFFF910] =	vst v4  }
0x436: {  	v4 =	vld [tilespmem:s21+$0x10]  }
0x437: {  	v7 =	vld [tilespmem:s25+$0xFFFFFFF0];
	[tilespmem:s31+$0xFFFFFA60] =	vst v3  }
0x438: {  	v3 =	vld [tilespmem:s3+$0x20];
	[tilespmem:s17+$0xFFFFFD20] =	vst v5  }
0x439: {  	s30 =	spop (v2sf);
	v5 =	vld [tilespmem:s24+$0x20];
	[tilespmem:s31+$0xFFFFFE80] =	vst v0  }
0x43a: {  	v8 =	vld [tilespmem:s30+$0x0]  }
0x43b: {  	[tilespmem:s17+$0xFFFFF920] =	vst v4  }
0x43c: {  	v0 =	vshll.u32 v6, $0x6;
	v4 =	vld [tilespmem:s21+$0x20]  }
0x43d: {  	[tilespmem:s31+$0xFFFFFA70] =	vst v3;
	v3 =	vshll.u32 v7, $0x6;
	(v2sf) =	vpush v0, $0x0  }
0x43e: {  	v6 =	vld [tilespmem:s3+$0x30];
	(v2sf) =	vpush v3, $0x0;
	[tilespmem:s17+$0xFFFFFD30] =	vst v5  }
0x43f: {  	v5 =	vld [tilespmem:s24+$0x30];
	[tilespmem:s31+$0xFFFFFE90] =	vst v8  }
0x440: {  	(v2sf) =	vpush v3, $0x1;
	v7 =	vld [tilespmem:s30+$0x10]  }
0x441: {  	(v2sf) =	vpush v3, $0x2;
	[tilespmem:s17+$0xFFFFF930] =	vst v4  }
0x442: {  	(v2sf) =	vpush v1, $0xB;
	v4 =	vld [tilespmem:s21+$0x30]  }
0x443: {  	[tilespmem:s31+$0xFFFFFA80] =	vst v6;
	(v2sf) =	vpush v3, $0x3  }
0x444: {  	s5 =	spop (v2sf);
	v6 =	vld [tilespmem:s9+$0x0];
	(v2sf) =	vpush v3, $0x4;
	[tilespmem:s17+$0xFFFFFD40] =	vst v5  }
0x445: {  	(v2sf) =	vpush v3, $0x5;
	v5 =	vld [tilespmem:s5+$0x0];
	[tilespmem:s31+$0xFFFFFEA0] =	vst v7  }
0x446: {  	(v2sf) =	vpush v3, $0x6;
	v7 =	vld [tilespmem:s30+$0x20]  }
0x447: {  	(v2sf) =	vpush v3, $0x7;
	[tilespmem:s17+$0xFFFFF940] =	vst v4  }
0x448: {  	(v2sf) =	vpush v3, $0x8;
	v4 =	vld [tilespmem:s20+$0x0]  }
0x449: {  	[tilespmem:s31+$0xFFFFFA90] =	vst v6;
	(v2sf) =	vpush v3, $0x9  }
0x44a: {  	v6 =	vld [tilespmem:s9+$0x10];
	(v2sf) =	vpush v3, $0xA;
	[tilespmem:s17+$0xFFFFFD50] =	vst v5  }
0x44b: {  	(v2sf) =	vpush v3, $0xB;
	v5 =	vld [tilespmem:s5+$0x10];
	[tilespmem:s31+$0xFFFFFEB0] =	vst v7  }
0x44c: {  	s21 =	spop (v2sf);
	v7 =	vld [tilespmem:s30+$0x30]  }
0x44d: {  	s22 =	spop (v2sf);
	[tilespmem:s17+$0xFFFFF950] =	vst v4;
	v4 =	vld [tilespmem:s21+$0x0]  }
0x44e: {  	(v2sf) =	vpush v2, $0x6;
	v9 =	vld [tilespmem:s22+$0x0]  }
0x44f: {  	[tilespmem:s31+$0xFFFFFAA0] =	vst v6;
	s18 =	spop (v2sf);
	v8 =	vld [tilespmem:s20+$0x10]  }
0x450: {  	v6 =	vld [tilespmem:s9+$0x20];
	s15 =	spop (v2sf);
	[tilespmem:s17+$0xFFFFFD60] =	vst v5  }
0x451: {  	s19 =	simm.s32 $0x159F0;
	s30 =	spop (v2sf);
	v5 =	vld [tilespmem:s5+$0x20];
	[tilespmem:s31+$0xFFFFFEC0] =	vst v7  }
0x452: {  	(v2sf) =	vpush v3, $0xC;
	s16 =	spop (v2sf);
	[tilespmem:s19+$0xFFFFFC10] =	vst v4;
	v7 =	vld [tilespmem:s30+$0x0]  }
0x453: {  	(v2sf) =	vpush v3, $0xD;
	s28 =	spop (v2sf);
	[tilespmem:s19+$0xFFFFF810] =	vst v9;
	v4 =	vld [tilespmem:s21+$0x10]  }
0x454: {  	(v2sf) =	vpush v3, $0xE;
	s29 =	spop (v2sf);
	[tilespmem:s17+$0xFFFFF960] =	vst v8;
	v8 =	vld [tilespmem:s22+$0x10]  }
0x455: {  	(v2sf) =	vpush v3, $0xF;
	[tilespmem:s31+$0xFFFFFAB0] =	vst v6;
	s3 =	spop (v2sf);
	v3 =	vld [tilespmem:s20+$0x20]  }
0x456: {  	s14 =	spop (v2sf);
	[tilespmem:s17+$0xFFFFFD70] =	vst v5  }
0x457: {  	v5 =	vld [tilespmem:s5+$0x30];
	s5 =	spop (v2sf);
	[tilespmem:s31+$0xFFFFFED0] =	vst v7  }
0x458: {  	v6 =	vld [tilespmem:s9+$0x30];
	s24 =	spop (v2sf);
	[tilespmem:s19+$0xFFFFFC20] =	vst v4  }
0x459: {  	s25 =	spop (v2sf);
	[tilespmem:s19+$0xFFFFF820] =	vst v8;
	v7 =	vld [tilespmem:s30+$0x10]  }
0x45a: {  	(v2sf) =	vpush v0, $0x1;
	[tilespmem:s17+$0xFFFFF970] =	vst v3;
	v3 =	vld [tilespmem:s21+$0x20];
	s23 =	spop (v2sf)  }
0x45b: {  	v4 =	vld [tilespmem:s20+$0x30];
	[dreg:$0xf] =	wrdreg s23  }
0x45c: {  	v8 =	vld [tilespmem:s22+$0x20];
	[tilespmem:s17+$0xFFFFFD80] =	vst v5  }
0x45d: {  	s20 =	spop (v2sf);
	[tilespmem:s31+$0xFFFFFAC0] =	vst v6  }
0x45e: {  	v5 =	vld [tilespmem:s20+$0x0];
	[tilespmem:s31+$0xFFFFFEE0] =	vst v7  }
0x45f: {  	v6 =	vld [tilespmem:s8+$0x0];
	[tilespmem:s19+$0xFFFFFC30] =	vst v3  }
0x460: {  	v7 =	vld [tilespmem:s30+$0x20];
	[tilespmem:s17+$0xFFFFF980] =	vst v4  }
0x461: {  	s9 =	spop (v2sf);
	v3 =	vld [tilespmem:s21+$0x30];
	[tilespmem:s19+$0xFFFFF830] =	vst v8  }
0x462: {  	v4 =	vld [tilespmem:s13+$0x0];
	[dreg:$0xe] =	wrdreg s9  }
0x463: {  	s9 =	spop (v2sf);
	[tilespmem:s17+$0xFFFFFD90] =	vst v5  }
0x464: {  	(v2sf) =	vpush v1, $0xC;
	v8 =	vld [tilespmem:s22+$0x30];
	[dreg:$0x8] =	wrdreg s9  }
0x465: {  	s23 =	spop (v2sf);
	[tilespmem:s31+$0xFFFFFAD0] =	vst v6  }
0x466: {  	v5 =	vld [tilespmem:s20+$0x10];
	[dreg:$0x7] =	wrdreg s23  }
0x467: {  	s9 =	spop (v2sf);
	[tilespmem:s31+$0xFFFFFEF0] =	vst v7  }
0x468: {  	(v2sf) =	vpush v2, $0x7;
	v6 =	vld [tilespmem:s8+$0x10];
	[dreg:$0x6] =	wrdreg s9  }
0x469: {  	s23 =	spop (v2sf);
	[tilespmem:s19+$0xFFFFFC40] =	vst v3  }
0x46a: {  	[tilespmem:s19+$0xFFFFF840] =	vst v8;
	v3 =	vld [tilespmem:s23+$0x0]  }
0x46b: {  	v8 =	vld [tilespmem:s18+$0x0];
	[tilespmem:s17+$0xFFFFFDA0] =	vst v5  }
0x46c: {  	[tilespmem:s17+$0xFFFFF990] =	vst v4;
	v5 =	vld [tilespmem:s20+$0x20]  }
0x46d: {  	v4 =	vld [tilespmem:s13+$0x10]  }
0x46e: {  	v7 =	vld [tilespmem:s30+$0x30];
	[tilespmem:s31+$0xFFFFFAE0] =	vst v6  }
0x46f: {  	v6 =	vld [tilespmem:s8+$0x20];
	[tilespmem:s19+$0xFFFFFC50] =	vst v3  }
0x470: {  	v3 =	vld [tilespmem:s23+$0x10];
	[tilespmem:s19+$0xFFFFF850] =	vst v8  }
0x471: {  	[tilespmem:s17+$0xFFFFFDB0] =	vst v5;
	v8 =	vld [tilespmem:s18+$0x10]  }
0x472: {  	[tilespmem:s17+$0xFFFFF9A0] =	vst v4;
	(v2sf) =	vpush v0, $0x2;
	v5 =	vld [tilespmem:s20+$0x30]  }
0x473: {  	[tilespmem:s31+$0xFFFFFF00] =	vst v7;
	s9 =	spop (v2sf);
	v4 =	vld [tilespmem:s13+$0x20]  }
0x474: {  	v7 =	vld [tilespmem:s9+$0x0];
	[tilespmem:s31+$0xFFFFFAF0] =	vst v6  }
0x475: {  	v6 =	vld [tilespmem:s8+$0x30];
	[tilespmem:s19+$0xFFFFFC60] =	vst v3  }
0x476: {  	v3 =	vld [tilespmem:s23+$0x20];
	[tilespmem:s19+$0xFFFFF860] =	vst v8  }
0x477: {  	s22 =	spop (v2sf);
	[tilespmem:s17+$0xFFFFFDC0] =	vst v5;
	v8 =	vld [tilespmem:s18+$0x20]  }
0x478: {  	[tilespmem:s17+$0xFFFFF9B0] =	vst v4;
	v5 =	vld [tilespmem:s22+$0x0]  }
0x479: {  	[tilespmem:s31+$0xFFFFFF10] =	vst v7;
	v4 =	vld [tilespmem:s13+$0x30]  }
0x47a: {  	v7 =	vld [tilespmem:s9+$0x10];
	[tilespmem:s31+$0xFFFFFB00] =	vst v6  }
0x47b: {  	v6 =	vld [tilespmem:s4+$0x0];
	[tilespmem:s19+$0xFFFFFC70] =	vst v3  }
0x47c: {  	(v2sf) =	vpush v1, $0xD;
	v3 =	vld [tilespmem:s23+$0x30];
	[tilespmem:s19+$0xFFFFF870] =	vst v8  }
0x47d: {  	[tilespmem:s17+$0xFFFFFDD0] =	vst v5;
	v8 =	vld [tilespmem:s18+$0x30]  }
0x47e: {  	[tilespmem:s17+$0xFFFFF9C0] =	vst v4;
	v5 =	vld [tilespmem:s22+$0x10]  }
0x47f: {  	[tilespmem:s31+$0xFFFFFF20] =	vst v7;
	v4 =	vld [tilespmem:s12+$0x0]  }
0x480: {  	(v2sf) =	vpush v2, $0x8;
	v7 =	vld [tilespmem:s9+$0x20];
	[tilespmem:s31+$0xFFFFFB10] =	vst v6  }
0x481: {  	v6 =	vld [tilespmem:s4+$0x10];
	s23 =	spop (v2sf);
	[tilespmem:s19+$0xFFFFFC80] =	vst v3  }
0x482: {  	v3 =	vld [tilespmem:s23+$0x0];
	[tilespmem:s19+$0xFFFFF880] =	vst v8  }
0x483: {  	[tilespmem:s17+$0xFFFFFDE0] =	vst v5;
	v8 =	vld [tilespmem:s15+$0x0]  }
0x484: {  	[tilespmem:s17+$0xFFFFF9D0] =	vst v4;
	v5 =	vld [tilespmem:s22+$0x20]  }
0x485: {  	[tilespmem:s31+$0xFFFFFF30] =	vst v7;
	v4 =	vld [tilespmem:s12+$0x10]  }
0x486: {  	v7 =	vld [tilespmem:s9+$0x30];
	[tilespmem:s31+$0xFFFFFB20] =	vst v6  }
0x487: {  	v6 =	vld [tilespmem:s4+$0x20];
	[tilespmem:s19+$0xFFFFFC90] =	vst v3  }
0x488: {  	v3 =	vld [tilespmem:s23+$0x10];
	[tilespmem:s19+$0xFFFFF890] =	vst v8  }
0x489: {  	[tilespmem:s17+$0xFFFFFDF0] =	vst v5;
	v8 =	vld [tilespmem:s15+$0x10]  }
0x48a: {  	(v2sf) =	vpush v0, $0x3;
	[tilespmem:s17+$0xFFFFF9E0] =	vst v4;
	v5 =	vld [tilespmem:s22+$0x30]  }
0x48b: {  	s30 =	spop (v2sf);
	[tilespmem:s31+$0xFFFFFF40] =	vst v7;
	v4 =	vld [tilespmem:s12+$0x20]  }
0x48c: {  	v7 =	vld [tilespmem:s30+$0x0];
	[tilespmem:s31+$0xFFFFFB30] =	vst v6  }
0x48d: {  	v6 =	vld [tilespmem:s4+$0x30];
	[tilespmem:s19+$0xFFFFFCA0] =	vst v3  }
0x48e: {  	v3 =	vld [tilespmem:s23+$0x20];
	[tilespmem:s19+$0xFFFFF8A0] =	vst v8  }
0x48f: {  	s9 =	spop (v2sf);
	[tilespmem:s17+$0xFFFFFE00] =	vst v5;
	v8 =	vld [tilespmem:s15+$0x20]  }
0x490: {  	[tilespmem:s17+$0xFFFFF9F0] =	vst v4;
	v5 =	vld [tilespmem:s9+$0x0]  }
0x491: {  	[tilespmem:s31+$0xFFFFFF50] =	vst v7;
	v4 =	vld [tilespmem:s12+$0x30]  }
0x492: {  	v7 =	vld [tilespmem:s30+$0x10];
	[tilespmem:s31+$0xFFFFFB40] =	vst v6  }
0x493: {  	v6 =	vld [tilespmem:s2+$0x0];
	[tilespmem:s19+$0xFFFFFCB0] =	vst v3  }
0x494: {  	(v2sf) =	vpush v1, $0xE;
	v3 =	vld [tilespmem:s23+$0x30];
	[tilespmem:s19+$0xFFFFF8B0] =	vst v8  }
0x495: {  	[tilespmem:s17+$0xFFFFFE10] =	vst v5;
	v8 =	vld [tilespmem:s15+$0x30]  }
0x496: {  	[tilespmem:s17+$0xFFFFFA00] =	vst v4;
	v5 =	vld [tilespmem:s9+$0x10]  }
0x497: {  	[tilespmem:s31+$0xFFFFFF60] =	vst v7;
	v4 =	vld [tilespmem:s11+$0x0]  }
0x498: {  	(v2sf) =	vpush v2, $0x9;
	v7 =	vld [tilespmem:s30+$0x20];
	[tilespmem:s31+$0xFFFFFB50] =	vst v6  }
0x499: {  	s18 =	spop (v2sf);
	v6 =	vld [tilespmem:s2+$0x10];
	[tilespmem:s19+$0xFFFFFCC0] =	vst v3  }
0x49a: {  	v3 =	vld [tilespmem:s18+$0x0];
	[tilespmem:s19+$0xFFFFF8C0] =	vst v8  }
0x49b: {  	[tilespmem:s17+$0xFFFFFE20] =	vst v5;
	v8 =	vld [tilespmem:s16+$0x0]  }
0x49c: {  	[tilespmem:s17+$0xFFFFFA10] =	vst v4;
	v5 =	vld [tilespmem:s9+$0x20]  }
0x49d: {  	[tilespmem:s31+$0xFFFFFF70] =	vst v7;
	v4 =	vld [tilespmem:s11+$0x10]  }
0x49e: {  	v7 =	vld [tilespmem:s30+$0x30];
	[tilespmem:s31+$0xFFFFFB60] =	vst v6  }
0x49f: {  	v6 =	vld [tilespmem:s2+$0x20];
	[tilespmem:s19+$0xFFFFFCD0] =	vst v3  }
0x4a0: {  	v3 =	vld [tilespmem:s18+$0x10];
	[tilespmem:s19+$0xFFFFF8D0] =	vst v8  }
0x4a1: {  	[tilespmem:s17+$0xFFFFFE30] =	vst v5;
	v8 =	vld [tilespmem:s16+$0x10]  }
0x4a2: {  	(v2sf) =	vpush v0, $0x4;
	[tilespmem:s17+$0xFFFFFA20] =	vst v4;
	v5 =	vld [tilespmem:s9+$0x30]  }
0x4a3: {  	s20 =	spop (v2sf);
	[tilespmem:s31+$0xFFFFFF80] =	vst v7;
	v4 =	vld [tilespmem:s11+$0x20]  }
0x4a4: {  	v7 =	vld [tilespmem:s20+$0x0];
	[tilespmem:s31+$0xFFFFFB70] =	vst v6  }
0x4a5: {  	v6 =	vld [tilespmem:s2+$0x30];
	[tilespmem:s19+$0xFFFFFCE0] =	vst v3  }
0x4a6: {  	v3 =	vld [tilespmem:s18+$0x20];
	[tilespmem:s19+$0xFFFFF8E0] =	vst v8  }
0x4a7: {  	s22 =	spop (v2sf);
	[tilespmem:s17+$0xFFFFFE40] =	vst v5;
	v8 =	vld [tilespmem:s16+$0x20]  }
0x4a8: {  	[tilespmem:s17+$0xFFFFFA30] =	vst v4;
	v5 =	vld [tilespmem:s22+$0x0]  }
0x4a9: {  	[tilespmem:s31+$0xFFFFFF90] =	vst v7;
	v4 =	vld [tilespmem:s11+$0x30]  }
0x4aa: {  	v7 =	vld [tilespmem:s20+$0x10];
	[tilespmem:s31+$0xFFFFFB80] =	vst v6  }
0x4ab: {  	v6 =	vld [tilespmem:s0+$0x0];
	[tilespmem:s19+$0xFFFFFCF0] =	vst v3  }
0x4ac: {  	v3 =	vld [tilespmem:s18+$0x30];
	[tilespmem:s19+$0xFFFFF8F0] =	vst v8  }
0x4ad: {  	[tilespmem:s17+$0xFFFFFE50] =	vst v5;
	v8 =	vld [tilespmem:s16+$0x30]  }
0x4ae: {  	[tilespmem:s17+$0xFFFFFA40] =	vst v4;
	v5 =	vld [tilespmem:s22+$0x10]  }
0x4af: {  	[tilespmem:s31+$0xFFFFFFA0] =	vst v7;
	v4 =	vld [tilespmem:s7+$0x0]  }
0x4b0: {  	(v2sf) =	vpush v1, $0xF;
	v1 =	vld [tilespmem:s20+$0x20];
	[tilespmem:s31+$0xFFFFFB90] =	vst v6  }
0x4b1: {  	s23 =	spop (v2sf);
	[tilespmem:s19+$0xFFFFFD00] =	vst v3  }
0x4b2: {  	(v2sf) =	vpush v2, $0xA;
	v3 =	vld [tilespmem:s23+$0x0];
	[tilespmem:s19+$0xFFFFF900] =	vst v8  }
0x4b3: {  	s30 =	simm.s32 $0x10170;
	v6 =	vld [tilespmem:s0+$0x10];
	[tilespmem:s17+$0xFFFFFE60] =	vst v5  }
0x4b4: {  	[tilespmem:s17+$0xFFFFFA50] =	vst v4;
	v8 =	vld [tilespmem:s30+$0x0]  }
0x4b5: {  	[tilespmem:s31+$0xFFFFFFB0] =	vst v1;
	v1 =	vld [tilespmem:s22+$0x20]  }
0x4b6: {  	v4 =	vld [tilespmem:s7+$0x10]  }
0x4b7: {  	v7 =	vld [tilespmem:s28+$0x0];
	[tilespmem:s19+$0xFFFFFD10] =	vst v3  }
0x4b8: {  	v3 =	vld [tilespmem:s23+$0x10]  }
0x4b9: {  	v5 =	vld [tilespmem:s20+$0x30];
	[tilespmem:s31+$0xFFFFFBA0] =	vst v6  }
0x4ba: {  	(v2sf) =	vpush v0, $0x5;
	v6 =	vld [tilespmem:s0+$0x20];
	[tilespmem:s17+$0xFFFFFE70] =	vst v1  }
0x4bb: {  	[tilespmem:s17+$0xFFFFFA60] =	vst v4;
	v4 =	vld [tilespmem:s30+$0xFFFFFFF0]  }
0x4bc: {  	[tilespmem:s19+$0xFFFFF910] =	vst v7;
	v1 =	vld [tilespmem:s22+$0x30]  }
0x4bd: {  	v7 =	vld [tilespmem:s28+$0x10];
	[tilespmem:s19+$0xFFFFFD20] =	vst v3  }
0x4be: {  	v3 =	vld [tilespmem:s23+$0x20]  }
0x4bf: {  	s4 =	spop (v2sf);
	[tilespmem:s31+$0xFFFFFFC0] =	vst v5;
	v5 =	vld [tilespmem:s7+$0x20]  }
0x4c0: {  	v62 =	vld [tilespmem:s4+$0x0];
	[tilespmem:s31+$0xFFFFFBB0] =	vst v6  }
0x4c1: {  	s9 =	spop (v2sf);
	v6 =	vld [tilespmem:s0+$0x30];
	[tilespmem:s17+$0xFFFFFE80] =	vst v1  }
0x4c2: {  	[tilespmem:s19+$0xFFFFF920] =	vst v7;
	v7 =	vld [tilespmem:s9+$0x0]  }
0x4c3: {  	v1 =	vshll.u32 v8, $0x6;
	v10 =	vld [tilespmem:s28+$0x20];
	[tilespmem:s19+$0xFFFFFD30] =	vst v3  }
0x4c4: {  	[tilespmem:s17+$0xFFFFFA70] =	vst v5;
	(v2sf) =	vpush v1, $0x0;
	v3 =	vshll.u32 v4, $0x6;
	v4 =	vld [tilespmem:s23+$0x30]  }
0x4c5: {  	[tilespmem:s31+$0xFFFFFFD0] =	vst v62;
	v5 =	vld [tilespmem:s7+$0x30];
	(v2sf) =	vpush v3, $0x0  }
0x4c6: {  	v8 =	vld [tilespmem:s4+$0x10];
	[tilespmem:s31+$0xFFFFFBC0] =	vst v6;
	(v2sf) =	vpush v3, $0x1  }
0x4c7: {  	v6 =	vld [tilespmem:s26+$0x0];
	[tilespmem:s17+$0xFFFFFE90] =	vst v7;
	(v2sf) =	vpush v3, $0x2  }
0x4c8: {  	[tilespmem:s19+$0xFFFFF930] =	vst v10;
	v7 =	vld [tilespmem:s9+$0x10];
	(v2sf) =	vpush v2, $0xB  }
0x4c9: {  	s11 =	spop (v2sf);
	v63 =	vld [tilespmem:s28+$0x30];
	(v2sf) =	vpush v3, $0x3;
	[tilespmem:s19+$0xFFFFFD40] =	vst v4  }
0x4ca: {  	[tilespmem:s17+$0xFFFFFA80] =	vst v5;
	(v2sf) =	vpush v3, $0x4;
	v4 =	vld [tilespmem:s11+$0x0]  }
0x4cb: {  	[tilespmem:s31+$0xFFFFFFE0] =	vst v8;
	v5 =	vld [tilespmem:s1+$0x0];
	(v2sf) =	vpush v3, $0x5  }
0x4cc: {  	v8 =	vld [tilespmem:s4+$0x20];
	[tilespmem:s31+$0xFFFFFBD0] =	vst v6;
	(v2sf) =	vpush v3, $0x6  }
0x4cd: {  	v6 =	vld [tilespmem:s26+$0x10];
	[tilespmem:s17+$0xFFFFFEA0] =	vst v7;
	(v2sf) =	vpush v3, $0x7  }
0x4ce: {  	[tilespmem:s19+$0xFFFFF940] =	vst v63;
	v7 =	vld [tilespmem:s9+$0x20];
	(v2sf) =	vpush v3, $0x8  }
0x4cf: {  	v9 =	vld [tilespmem:s29+$0x0];
	(v2sf) =	vpush v3, $0x9;
	[tilespmem:s19+$0xFFFFFD50] =	vst v4  }
0x4d0: {  	[tilespmem:s17+$0xFFFFFA90] =	vst v5;
	(v2sf) =	vpush v3, $0xA;
	v4 =	vld [tilespmem:s11+$0x10]  }
0x4d1: {  	[tilespmem:s31+$0xFFFFFFF0] =	vst v8;
	v5 =	vld [tilespmem:s1+$0x10]  }
0x4d2: {  	v8 =	vld [tilespmem:s4+$0x30];
	[tilespmem:s31+$0xFFFFFBE0] =	vst v6  }
0x4d3: {  	v6 =	vld [tilespmem:s26+$0x20];
	s0 =	spop (v2sf);
	[tilespmem:s17+$0xFFFFFEB0] =	vst v7  }
0x4d4: {  	(v2sf) =	vpush v3, $0xB;
	[tilespmem:s19+$0xFFFFF950] =	vst v9;
	v7 =	vld [tilespmem:s9+$0x30];
	s2 =	spop (v2sf)  }
0x4d5: {  	(v2sf) =	vpush v0, $0x6;
	v9 =	vld [tilespmem:s29+$0x10];
	s18 =	spop (v2sf);
	[tilespmem:s19+$0xFFFFFD60] =	vst v4  }
0x4d6: {  	[tilespmem:s17+$0xFFFFFAA0] =	vst v5;
	s15 =	spop (v2sf);
	v4 =	vld [tilespmem:s11+$0x20]  }
0x4d7: {  	[tilespmem:s31+$0x0] =	vst v8;
	v5 =	vld [tilespmem:s1+$0x20];
	s20 =	spop (v2sf)  }
0x4d8: {  	v8 =	vld [tilespmem:s0+$0x0];
	[tilespmem:s31+$0xFFFFFBF0] =	vst v6;
	s16 =	spop (v2sf)  }
0x4d9: {  	v6 =	vld [tilespmem:s2+$0x0];
	[tilespmem:s17+$0xFFFFFEC0] =	vst v7;
	s13 =	spop (v2sf)  }
0x4da: {  	[tilespmem:s19+$0xFFFFF960] =	vst v9;
	v7 =	vld [tilespmem:s20+$0x0];
	s4 =	spop (v2sf)  }
0x4db: {  	v9 =	vld [tilespmem:s29+$0x20];
	s12 =	spop (v2sf);
	[tilespmem:s19+$0xFFFFFD70] =	vst v4  }
0x4dc: {  	s28 =	simm.s32 $0x161F0;
	[tilespmem:s17+$0xFFFFFAB0] =	vst v5;
	v4 =	vld [tilespmem:s11+$0x30];
	s11 =	spop (v2sf)  }
0x4dd: {  	(v2sf) =	vpush v3, $0xC;
	[tilespmem:s28+$0xFFFFFC10] =	vst v8;
	s9 =	spop (v2sf)  }
0x4de: {  	(v2sf) =	vpush v3, $0xD;
	v5 =	vld [tilespmem:s1+$0x30];
	[tilespmem:s28+$0xFFFFF810] =	vst v6;
	s8 =	spop (v2sf)  }
0x4df: {  	(v2sf) =	vpush v3, $0xE;
	v6 =	vld [tilespmem:s0+$0x10];
	[tilespmem:s17+$0xFFFFFED0] =	vst v7;
	s22 =	spop (v2sf)  }
0x4e0: {  	(v2sf) =	vpush v3, $0xF;
	v3 =	vld [tilespmem:s2+$0x10];
	[dreg:$0x11] =	wrdreg s22  }
0x4e1: {  	[tilespmem:s19+$0xFFFFF970] =	vst v9  }
0x4e2: {  	[tilespmem:s19+$0xFFFFFD80] =	vst v4  }
0x4e3: {  	s21 =	smov.u32 s26;
	(v2sf) =	vpush v1, $0x1;
	s26 =	spop (v2sf);
	v7 =	vld [tilespmem:s20+$0x10];
	[tilespmem:s17+$0xFFFFFAC0] =	vst v5  }
0x4e4: {  	s1 =	spop (v2sf);
	[tilespmem:s28+$0xFFFFFC20] =	vst v6;
	v8 =	vld [tilespmem:s29+$0x30]  }
0x4e5: {  	(v2sf) =	vpush v2, $0xC;
	v4 =	vld [tilespmem:s1+$0x0];
	s23 =	rddreg [dreg:$0x1f]  }
0x4e6: {  	v5 =	vld [tilespmem:s23+$0x0]  }
0x4e7: {  	[tilespmem:s28+$0xFFFFF820] =	vst v3;
	v3 =	vld [tilespmem:s0+$0x20]  }
0x4e8: {  	v6 =	vld [tilespmem:s2+$0x20];
	[tilespmem:s17+$0xFFFFFEE0] =	vst v7  }
0x4e9: {  	[tilespmem:s19+$0xFFFFF980] =	vst v8;
	v7 =	vld [tilespmem:s20+$0x20]  }
0x4ea: {  	[tilespmem:s19+$0xFFFFFD90] =	vst v4;
	v8 =	vld [tilespmem:s3+$0x0]  }
0x4eb: {  	v4 =	vld [tilespmem:s1+$0x10];
	[tilespmem:s17+$0xFFFFFAD0] =	vst v5  }
0x4ec: {  	[tilespmem:s28+$0xFFFFFC30] =	vst v3;
	v3 =	vld [tilespmem:s23+$0x10]  }
0x4ed: {  	(v2sf) =	vpush v0, $0x7;
	v5 =	vld [tilespmem:s0+$0x30];
	[tilespmem:s28+$0xFFFFF830] =	vst v6  }
0x4ee: {  	s7 =	spop (v2sf);
	v6 =	vld [tilespmem:s2+$0x30];
	[tilespmem:s17+$0xFFFFFEF0] =	vst v7  }
0x4ef: {  	s22 =	spop (v2sf);
	v7 =	vld [tilespmem:s20+$0x30];
	[tilespmem:s19+$0xFFFFF990] =	vst v8  }
0x4f0: {  	[tilespmem:s19+$0xFFFFFDA0] =	vst v4;
	s20 =	spop (v2sf);
	v8 =	vld [tilespmem:s3+$0x10]  }
0x4f1: {  	s30 =	smov.u32 s23;
	v4 =	vld [tilespmem:s1+$0x20];
	[tilespmem:s17+$0xFFFFFAE0] =	vst v3;
	s29 =	spop (v2sf)  }
0x4f2: {  	[tilespmem:s28+$0xFFFFFC40] =	vst v5;
	v3 =	vld [tilespmem:s30+$0x20];
	s0 =	spop (v2sf)  }
0x4f3: {  	[tilespmem:s28+$0xFFFFF840] =	vst v6;
	v5 =	vld [tilespmem:s0+$0x0]  }
0x4f4: {  	v6 =	vld [tilespmem:s18+$0x0];
	s2 =	spop (v2sf);
	[tilespmem:s17+$0xFFFFFF00] =	vst v7  }
0x4f5: {  	[tilespmem:s19+$0xFFFFF9A0] =	vst v8;
	v7 =	vld [tilespmem:s2+$0x0]  }
0x4f6: {  	[tilespmem:s19+$0xFFFFFDB0] =	vst v4;
	v8 =	vld [tilespmem:s3+$0x20]  }
0x4f7: {  	v4 =	vld [tilespmem:s1+$0x30];
	[tilespmem:s17+$0xFFFFFAF0] =	vst v3  }
0x4f8: {  	v3 =	vld [tilespmem:s30+$0x30];
	[tilespmem:s28+$0xFFFFFC50] =	vst v5  }
0x4f9: {  	[tilespmem:s28+$0xFFFFF850] =	vst v6;
	v5 =	vld [tilespmem:s0+$0x10]  }
0x4fa: {  	v6 =	vld [tilespmem:s18+$0x10];
	[tilespmem:s17+$0xFFFFFF10] =	vst v7  }
0x4fb: {  	(v2sf) =	vpush v1, $0x2;
	[tilespmem:s19+$0xFFFFF9B0] =	vst v8;
	v7 =	vld [tilespmem:s2+$0x10]  }
0x4fc: {  	s30 =	spop (v2sf);
	[tilespmem:s19+$0xFFFFFDC0] =	vst v4;
	v8 =	vld [tilespmem:s3+$0x30]  }
0x4fd: {  	(v2sf) =	vpush v2, $0xD;
	v4 =	vld [tilespmem:s30+$0x0];
	[tilespmem:s17+$0xFFFFFB00] =	vst v3  }
0x4fe: {  	[tilespmem:s28+$0xFFFFFC60] =	vst v5;
	v3 =	vld [tilespmem:s10+$0x0]  }
0x4ff: {  	[tilespmem:s28+$0xFFFFF860] =	vst v6;
	v5 =	vld [tilespmem:s0+$0x20]  }
0x500: {  	v6 =	vld [tilespmem:s18+$0x20];
	[tilespmem:s17+$0xFFFFFF20] =	vst v7  }
0x501: {  	[tilespmem:s19+$0xFFFFF9C0] =	vst v8;
	v7 =	vld [tilespmem:s2+$0x20]  }
0x502: {  	[tilespmem:s19+$0xFFFFFDD0] =	vst v4;
	v8 =	vld [tilespmem:s14+$0x0]  }
0x503: {  	v4 =	vld [tilespmem:s30+$0x10];
	[tilespmem:s17+$0xFFFFFB10] =	vst v3  }
0x504: {  	[tilespmem:s28+$0xFFFFFC70] =	vst v5;
	v3 =	vld [tilespmem:s10+$0x10]  }
0x505: {  	(v2sf) =	vpush v0, $0x8;
	[tilespmem:s28+$0xFFFFF870] =	vst v6;
	v5 =	vld [tilespmem:s0+$0x30]  }
0x506: {  	v6 =	vld [tilespmem:s18+$0x30];
	[tilespmem:s17+$0xFFFFFF30] =	vst v7  }
0x507: {  	v7 =	vld [tilespmem:s2+$0x30];
	[tilespmem:s19+$0xFFFFF9D0] =	vst v8  }
0x508: {  	[tilespmem:s19+$0xFFFFFDE0] =	vst v4;
	v8 =	vld [tilespmem:s14+$0x10]  }
0x509: {  	v4 =	vld [tilespmem:s30+$0x20];
	[tilespmem:s17+$0xFFFFFB20] =	vst v3  }
0x50a: {  	s2 =	spop (v2sf);
	[tilespmem:s28+$0xFFFFFC80] =	vst v5;
	v3 =	vld [tilespmem:s10+$0x20]  }
0x50b: {  	[tilespmem:s28+$0xFFFFF880] =	vst v6;
	v5 =	vld [tilespmem:s2+$0x0]  }
0x50c: {  	s3 =	spop (v2sf);
	v6 =	vld [tilespmem:s15+$0x0];
	[tilespmem:s17+$0xFFFFFF40] =	vst v7  }
0x50d: {  	[tilespmem:s19+$0xFFFFF9E0] =	vst v8;
	v7 =	vld [tilespmem:s3+$0x0]  }
0x50e: {  	[tilespmem:s19+$0xFFFFFDF0] =	vst v4;
	v8 =	vld [tilespmem:s14+$0x20]  }
0x50f: {  	v4 =	vld [tilespmem:s30+$0x30];
	[tilespmem:s17+$0xFFFFFB30] =	vst v3  }
0x510: {  	v3 =	vld [tilespmem:s10+$0x30];
	[tilespmem:s28+$0xFFFFFC90] =	vst v5  }
0x511: {  	[tilespmem:s28+$0xFFFFF890] =	vst v6;
	v5 =	vld [tilespmem:s2+$0x10]  }
0x512: {  	v6 =	vld [tilespmem:s15+$0x10];
	[tilespmem:s17+$0xFFFFFF50] =	vst v7  }
0x513: {  	(v2sf) =	vpush v1, $0x3;
	[tilespmem:s19+$0xFFFFF9F0] =	vst v8;
	v7 =	vld [tilespmem:s3+$0x10]  }
0x514: {  	[tilespmem:s19+$0xFFFFFE00] =	vst v4;
	v8 =	vld [tilespmem:s14+$0x30];
	s14 =	spop (v2sf)  }
0x515: {  	(v2sf) =	vpush v2, $0xE;
	[tilespmem:s17+$0xFFFFFB40] =	vst v3;
	v4 =	vld [tilespmem:s14+$0x0]  }
0x516: {  	[tilespmem:s28+$0xFFFFFCA0] =	vst v5;
	v3 =	vld [tilespmem:s6+$0x0]  }
0x517: {  	[tilespmem:s28+$0xFFFFF8A0] =	vst v6;
	v5 =	vld [tilespmem:s2+$0x20]  }
0x518: {  	v6 =	vld [tilespmem:s15+$0x20];
	[tilespmem:s17+$0xFFFFFF60] =	vst v7  }
0x519: {  	[tilespmem:s19+$0xFFFFFA00] =	vst v8;
	v7 =	vld [tilespmem:s3+$0x20]  }
0x51a: {  	v8 =	vld [tilespmem:s5+$0x0];
	[tilespmem:s19+$0xFFFFFE10] =	vst v4  }
0x51b: {  	[tilespmem:s17+$0xFFFFFB50] =	vst v3;
	v4 =	vld [tilespmem:s14+$0x10]  }
0x51c: {  	[tilespmem:s28+$0xFFFFFCB0] =	vst v5;
	v3 =	vld [tilespmem:s6+$0x10]  }
0x51d: {  	[tilespmem:s28+$0xFFFFF8B0] =	vst v6;
	v5 =	vld [tilespmem:s2+$0x30]  }
0x51e: {  	(v2sf) =	vpush v0, $0x9;
	v6 =	vld [tilespmem:s15+$0x30];
	[tilespmem:s17+$0xFFFFFF70] =	vst v7  }
0x51f: {  	v7 =	vld [tilespmem:s3+$0x30];
	[tilespmem:s19+$0xFFFFFA10] =	vst v8  }
0x520: {  	v8 =	vld [tilespmem:s5+$0x10];
	[tilespmem:s19+$0xFFFFFE20] =	vst v4  }
0x521: {  	[tilespmem:s17+$0xFFFFFB60] =	vst v3;
	v4 =	vld [tilespmem:s14+$0x20]  }
0x522: {  	s15 =	spop (v2sf);
	[tilespmem:s28+$0xFFFFFCC0] =	vst v5;
	v3 =	vld [tilespmem:s6+$0x20]  }
0x523: {  	[tilespmem:s28+$0xFFFFF8C0] =	vst v6;
	v5 =	vld [tilespmem:s15+$0x0]  }
0x524: {  	s18 =	spop (v2sf);
	v6 =	vld [tilespmem:s16+$0x0];
	[tilespmem:s17+$0xFFFFFF80] =	vst v7  }
0x525: {  	[tilespmem:s19+$0xFFFFFA20] =	vst v8;
	v7 =	vld [tilespmem:s18+$0x0]  }
0x526: {  	v8 =	vld [tilespmem:s5+$0x20];
	[tilespmem:s19+$0xFFFFFE30] =	vst v4  }
0x527: {  	[tilespmem:s17+$0xFFFFFB70] =	vst v3;
	v4 =	vld [tilespmem:s14+$0x30]  }
0x528: {  	v3 =	vld [tilespmem:s6+$0x30];
	[tilespmem:s28+$0xFFFFFCD0] =	vst v5  }
0x529: {  	[tilespmem:s28+$0xFFFFF8D0] =	vst v6;
	v5 =	vld [tilespmem:s15+$0x10]  }
0x52a: {  	[tilespmem:s17+$0xFFFFFF90] =	vst v7  }
0x52b: {  	v6 =	vld [tilespmem:s16+$0x10];
	[tilespmem:s19+$0xFFFFFA30] =	vst v8  }
0x52c: {  	(v2sf) =	vpush v1, $0x4;
	v7 =	vld [tilespmem:s18+$0x10];
	[tilespmem:s19+$0xFFFFFE40] =	vst v4  }
0x52d: {  	s23 =	spop (v2sf);
	v8 =	vld [tilespmem:s5+$0x30];
	[tilespmem:s17+$0xFFFFFB80] =	vst v3  }
0x52e: {  	(v2sf) =	vpush v2, $0xF;
	v2 =	vld [tilespmem:s23+$0x0];
	[tilespmem:s28+$0xFFFFFCE0] =	vst v5  }
0x52f: {  	s30 =	rddreg [dreg:$0x1e];
	v4 =	vld [tilespmem:s15+$0x20]  }
0x530: {  	[tilespmem:s28+$0xFFFFF8E0] =	vst v6;
	v3 =	vld [tilespmem:s30+$0x0]  }
0x531: {  	v5 =	vld [tilespmem:s16+$0x20];
	[tilespmem:s17+$0xFFFFFFA0] =	vst v7  }
0x532: {  	[tilespmem:s19+$0xFFFFFA40] =	vst v8;
	v6 =	vld [tilespmem:s18+$0x20]  }
0x533: {  	v7 =	vld [tilespmem:s24+$0x0];
	[tilespmem:s19+$0xFFFFFE50] =	vst v2  }
0x534: {  	v2 =	vld [tilespmem:s23+$0x10];
	[tilespmem:s28+$0xFFFFFCF0] =	vst v4  }
0x535: {  	[tilespmem:s17+$0xFFFFFB90] =	vst v3;
	v4 =	vld [tilespmem:s15+$0x30]  }
0x536: {  	[tilespmem:s28+$0xFFFFF8F0] =	vst v5;
	v3 =	vld [tilespmem:s30+$0x10]  }
0x537: {  	v5 =	vld [tilespmem:s16+$0x30];
	[tilespmem:s17+$0xFFFFFFB0] =	vst v6  }
0x538: {  	[tilespmem:s19+$0xFFFFFA50] =	vst v7  }
0x539: {  	v6 =	vld [tilespmem:s18+$0x30];
	[tilespmem:s19+$0xFFFFFE60] =	vst v2  }
0x53a: {  	v7 =	vld [tilespmem:s24+$0x10];
	[tilespmem:s28+$0xFFFFFD00] =	vst v4  }
0x53b: {  	s10 =	spop (v2sf);
	v2 =	vld [tilespmem:s23+$0x20];
	[tilespmem:s17+$0xFFFFFBA0] =	vst v3  }
0x53c: {  	[tilespmem:s28+$0xFFFFF900] =	vst v5;
	v5 =	vld [tilespmem:s10+$0x0]  }
0x53d: {  	v3 =	vld [tilespmem:s30+$0x20]  }
0x53e: {  	s6 =	spop (v2sf);
	v8 =	vld [tilespmem:s13+$0x0];
	[tilespmem:s17+$0xFFFFFFC0] =	vst v6  }
0x53f: {  	[tilespmem:s19+$0xFFFFFA60] =	vst v7;
	v7 =	vld [tilespmem:s6+$0x0]  }
0x540: {  	v9 =	vld [tilespmem:s24+$0x20];
	[tilespmem:s19+$0xFFFFFE70] =	vst v2  }
0x541: {  	v4 =	vld [tilespmem:s23+$0x30];
	[tilespmem:s28+$0xFFFFFD10] =	vst v5  }
0x542: {  	[tilespmem:s17+$0xFFFFFBB0] =	vst v3;
	v5 =	vld [tilespmem:s10+$0x10]  }
0x543: {  	[tilespmem:s28+$0xFFFFF910] =	vst v8;
	v3 =	vld [tilespmem:s30+$0x30]  }
0x544: {  	(v2sf) =	vpush v0, $0xA;
	v6 =	vld [tilespmem:s13+$0x10];
	[tilespmem:s17+$0xFFFFFFD0] =	vst v7  }
0x545: {  	s3 =	simm.s32 $0x16;
	(v2sf) =	vpush v1, $0x5;
	s5 =	simm.s32 $0x10190;
	[tilespmem:s19+$0xFFFFFA70] =	vst v9;
	v2 =	vld [tilespmem:s6+$0x10]  }
.LBB2_4:
0x546: {  	_ =	sdelay $0xa  }
0x547: {  	v7 =	vld [tilespmem:s5+$0x0];
	[tilespmem:s28+$0xFFFFFD20] =	vst v5  }
0x548: {  	[tilespmem:s28+$0xFFFFF920] =	vst v6;
	v5 =	vld [tilespmem:s10+$0x20]  }
0x549: {  	[tilespmem:s19+$0xFFFFFE80] =	vst v4;
	v6 =	vld [tilespmem:s5+$0xFFFFFFF0];
	s0 =	spop (v2sf)  }
0x54a: {  	[tilespmem:s17+$0xFFFFFBC0] =	vst v3;
	v4 =	vld [tilespmem:s0+$0x0]  }
0x54b: {  	v3 =	vld [tilespmem:s13+$0x20];
	[tilespmem:s17+$0xFFFFFFE0] =	vst v2  }
0x54c: {  	v8 =	vld [tilespmem:s6+$0x20]  }
0x54d: {  	[tilespmem:s28+$0xFFFFFD30] =	vst v5;
	v5 =	vld [tilespmem:s24+$0x30]  }
0x54e: {  	s1 =	smov.u32 s8;
	s8 =	rddreg [dreg:$0x3];
	v2 =	vshll.u32 v7, $0x6;
	v7 =	vld [tilespmem:s10+$0x30]  }
0x54f: {  	v6 =	vshll.u32 v6, $0x6;
	(v2sf) =	vpush v2, $0x0;
	[tilespmem:s19+$0xFFFFFE90] =	vst v4;
	v4 =	vld [tilespmem:s8+$0x0]  }
0x550: {  	(v2sf) =	vpush v6, $0x0;
	[tilespmem:s28+$0xFFFFF930] =	vst v3;
	v3 =	vld [tilespmem:s0+$0x10]  }
0x551: {  	(v2sf) =	vpush v6, $0x1;
	v9 =	vld [tilespmem:s13+$0x30];
	[tilespmem:s17+$0xFFFFFFF0] =	vst v8  }
0x552: {  	(v2sf) =	vpush v6, $0x2;
	[tilespmem:s19+$0xFFFFFA80] =	vst v5;
	v5 =	vld [tilespmem:s6+$0x30]  }
0x553: {  	(v2sf) =	vpush v0, $0xB;
	[tilespmem:s28+$0xFFFFFD40] =	vst v7;
	v7 =	vld [tilespmem:s25+$0x0]  }
0x554: {  	s10 =	spop (v2sf);
	(v2sf) =	vpush v6, $0x3  }
0x555: {  	(v2sf) =	vpush v6, $0x4;
	v8 =	vld [tilespmem:s10+$0x0];
	[tilespmem:s17+$0xFFFFFBD0] =	vst v4  }
0x556: {  	(v2sf) =	vpush v6, $0x5;
	[tilespmem:s19+$0xFFFFFEA0] =	vst v3;
	v3 =	vld [tilespmem:s8+$0x10]  }
0x557: {  	(v2sf) =	vpush v6, $0x6;
	[tilespmem:s28+$0xFFFFF940] =	vst v9;
	v4 =	vld [tilespmem:s0+$0x20]  }
0x558: {  	(v2sf) =	vpush v6, $0x7;
	v9 =	vld [tilespmem:s4+$0x0];
	[tilespmem:s19+$0xFFFFFA90] =	vst v7  }
0x559: {  	(v2sf) =	vpush v6, $0x8;
	[tilespmem:s17+$0x0] =	vst v5;
	v5 =	vld [tilespmem:s21+$0x30]  }
0x55a: {  	(v2sf) =	vpush v6, $0x9;
	[tilespmem:s28+$0xFFFFFD50] =	vst v8;
	v7 =	vld [tilespmem:s25+$0x10]  }
0x55b: {  	[dreg:$0x15] =	wrdreg s22;
	s22 =	smov.u32 s8;
	(v2sf) =	vpush v6, $0xA;
	v8 =	vld [tilespmem:s10+$0x10];
	[tilespmem:s17+$0xFFFFFBE0] =	vst v3  }
0x55c: {  	(v2sf) =	vpush v6, $0xB;
	[tilespmem:s19+$0xFFFFFEB0] =	vst v4;
	v3 =	vld [tilespmem:s22+$0x20]  }
0x55d: {  	s2 =	rddreg [dreg:$0x6];
	(v2sf) =	vpush v1, $0x6;
	[tilespmem:s28+$0xFFFFF950] =	vst v9;
	v4 =	vld [tilespmem:s0+$0x30]  }
0x55e: {  	s21 =	smov.u32 s17;
	(v2sf) =	vpush v6, $0xC;
	s17 =	smov.u32 s19;
	s0 =	spop (v2sf);
	v9 =	vld [tilespmem:s4+$0x10];
	[tilespmem:s31+$0xFFFFFC00] =	vst v5  }
0x55f: {  	s14 =	smov.u32 s2;
	[tilespmem:s17+$0xFFFFFAA0] =	vst v7;
	v5 =	vld [tilespmem:s0+$0x0];
	s2 =	spop (v2sf);
	(v2sf) =	vpush v6, $0xD  }
0x560: {  	[dreg:$0x13] =	wrdreg s20;
	[tilespmem:s28+$0xFFFFFD60] =	vst v8;
	v7 =	vld [tilespmem:s2+$0x0];
	s20 =	spop (v2sf);
	(v2sf) =	vpush v6, $0xE  }
0x561: {  	[dreg:$0x3] =	wrdreg s14;
	s14 =	spop (v2sf);
	(v2sf) =	vpush v6, $0xF;
	v6 =	vld [tilespmem:s10+$0x20];
	[tilespmem:s21+$0xFFFFFBF0] =	vst v3  }
0x562: {  	s19 =	smov.u32 s28;
	s30 =	spop (v2sf);
	v3 =	vld [tilespmem:s25+$0x20];
	[tilespmem:s17+$0xFFFFFEC0] =	vst v4  }
0x563: {  	s28 =	sadd.s32 $0x800, s28;
	s6 =	spop (v2sf);
	[tilespmem:s19+$0xFFFFF960] =	vst v9;
	v4 =	vld [tilespmem:s30+$0x0]  }
0x564: {  	[tilespmem:s28+$0xFFFFFC10] =	vst v5;
	s13 =	spop (v2sf);
	v5 =	vld [tilespmem:s4+$0x20]  }
0x565: {  	[tilespmem:s28+$0xFFFFF810] =	vst v7;
	v7 =	vld [tilespmem:s0+$0x10];
	s16 =	spop (v2sf)  }
0x566: {  	s15 =	smov.u32 s29;
	v8 =	vld [tilespmem:s2+$0x10];
	s29 =	spop (v2sf);
	[tilespmem:s19+$0xFFFFFD70] =	vst v6  }
0x567: {  	[dreg:$0x6] =	wrdreg s15;
	s15 =	spop (v2sf);
	(v2sf) =	vpush v2, $0x1;
	v6 =	vld [tilespmem:s10+$0x30];
	[tilespmem:s17+$0xFFFFFAB0] =	vst v3  }
0x568: {  	s10 =	spop (v2sf);
	v3 =	vld [tilespmem:s25+$0x30];
	[tilespmem:s17+$0xFFFFFED0] =	vst v4  }
0x569: {  	s8 =	spop (v2sf);
	[tilespmem:s19+$0xFFFFF970] =	vst v5;
	v4 =	vld [tilespmem:s30+$0x10]  }
0x56a: {  	s18 =	rddreg [dreg:$0x11];
	[tilespmem:s28+$0xFFFFFC20] =	vst v7;
	s25 =	spop (v2sf);
	v5 =	vld [tilespmem:s4+$0x30]  }
0x56b: {  	[dreg:$0x18] =	wrdreg s1;
	[tilespmem:s28+$0xFFFFF820] =	vst v8;
	v7 =	vld [tilespmem:s0+$0x20];
	s1 =	spop (v2sf);
	(v2sf) =	vpush v0, $0xC  }
0x56c: {  	[dreg:$0x11] =	wrdreg s25;
	v8 =	vld [tilespmem:s2+$0x20];
	[tilespmem:s19+$0xFFFFFD80] =	vst v6;
	s31 =	spop (v2sf)  }
0x56d: {  	s25 =	rddreg [dreg:$0xf];
	v6 =	vld [tilespmem:s31+$0x0];
	[tilespmem:s17+$0xFFFFFAC0] =	vst v3  }
0x56e: {  	v3 =	vld [tilespmem:s25+$0x0];
	[tilespmem:s17+$0xFFFFFEE0] =	vst v4  }
0x56f: {  	[tilespmem:s19+$0xFFFFF980] =	vst v5;
	v4 =	vld [tilespmem:s30+$0x20]  }
0x570: {  	[tilespmem:s28+$0xFFFFFC30] =	vst v7;
	v5 =	vld [tilespmem:s12+$0x0]  }
0x571: {  	[tilespmem:s28+$0xFFFFF830] =	vst v8;
	v7 =	vld [tilespmem:s0+$0x30]  }
0x572: {  	s23 =	smov.u32 s26;
	s26 =	smov.u32 s18;
	s18 =	spop (v2sf);
	v8 =	vld [tilespmem:s2+$0x30];
	[tilespmem:s19+$0xFFFFFD90] =	vst v6  }
0x573: {  	s4 =	smov.u32 s16;
	s16 =	spop (v2sf);
	v6 =	vld [tilespmem:s31+$0x10];
	[tilespmem:s17+$0xFFFFFAD0] =	vst v3  }
0x574: {  	s24 =	smov.u32 s7;
	s7 =	spop (v2sf);
	v3 =	vld [tilespmem:s25+$0x10];
	[tilespmem:s17+$0xFFFFFEF0] =	vst v4  }
0x575: {  	[dreg:$0x17] =	wrdreg s7;
	s7 =	spop (v2sf);
	(v2sf) =	vpush v1, $0x7;
	[tilespmem:s19+$0xFFFFF990] =	vst v5;
	v4 =	vld [tilespmem:s30+$0x30]  }
0x576: {  	[tilespmem:s28+$0xFFFFFC40] =	vst v7;
	s0 =	spop (v2sf);
	v5 =	vld [tilespmem:s12+$0x10]  }
0x577: {  	[tilespmem:s28+$0xFFFFF840] =	vst v8;
	v7 =	vld [tilespmem:s0+$0x0]  }
0x578: {  	v8 =	vld [tilespmem:s20+$0x0];
	[tilespmem:s19+$0xFFFFFDA0] =	vst v6  }
0x579: {  	v6 =	vld [tilespmem:s31+$0x20];
	[tilespmem:s17+$0xFFFFFAE0] =	vst v3  }
0x57a: {  	s2 =	spop (v2sf);
	v3 =	vld [tilespmem:s25+$0x20];
	[tilespmem:s17+$0xFFFFFF00] =	vst v4  }
0x57b: {  	[tilespmem:s19+$0xFFFFF9A0] =	vst v5;
	v4 =	vld [tilespmem:s2+$0x0]  }
0x57c: {  	[tilespmem:s28+$0xFFFFFC50] =	vst v7;
	v5 =	vld [tilespmem:s12+$0x20]  }
0x57d: {  	[tilespmem:s28+$0xFFFFF850] =	vst v8;
	v7 =	vld [tilespmem:s0+$0x10]  }
0x57e: {  	v8 =	vld [tilespmem:s20+$0x10];
	[tilespmem:s19+$0xFFFFFDB0] =	vst v6  }
0x57f: {  	(v2sf) =	vpush v2, $0x2;
	v6 =	vld [tilespmem:s31+$0x30];
	[tilespmem:s17+$0xFFFFFAF0] =	vst v3  }
0x580: {  	v3 =	vld [tilespmem:s25+$0x30];
	[tilespmem:s17+$0xFFFFFF10] =	vst v4  }
0x581: {  	[tilespmem:s19+$0xFFFFF9B0] =	vst v5;
	v4 =	vld [tilespmem:s2+$0x10]  }
0x582: {  	[tilespmem:s28+$0xFFFFFC60] =	vst v7;
	v5 =	vld [tilespmem:s12+$0x30]  }
0x583: {  	(v2sf) =	vpush v0, $0xD;
	[tilespmem:s28+$0xFFFFF860] =	vst v8;
	v7 =	vld [tilespmem:s0+$0x20]  }
0x584: {  	s12 =	smov.u32 s29;
	s29 =	spop (v2sf);
	v8 =	vld [tilespmem:s20+$0x20];
	[tilespmem:s19+$0xFFFFFDC0] =	vst v6  }
0x585: {  	s25 =	smov.u32 s26;
	s26 =	smov.u32 s1;
	s1 =	rddreg [dreg:$0xe];
	v6 =	vld [tilespmem:s29+$0x0];
	[tilespmem:s17+$0xFFFFFB00] =	vst v3  }
0x586: {  	v3 =	vld [tilespmem:s1+$0x0];
	[tilespmem:s17+$0xFFFFFF20] =	vst v4  }
0x587: {  	[tilespmem:s19+$0xFFFFF9C0] =	vst v5;
	v4 =	vld [tilespmem:s2+$0x20]  }
0x588: {  	[tilespmem:s28+$0xFFFFFC70] =	vst v7;
	v5 =	vld [tilespmem:s11+$0x0]  }
0x589: {  	[tilespmem:s28+$0xFFFFF870] =	vst v8;
	v7 =	vld [tilespmem:s0+$0x30]  }
0x58a: {  	v8 =	vld [tilespmem:s20+$0x30];
	[tilespmem:s19+$0xFFFFFDD0] =	vst v6  }
0x58b: {  	v6 =	vld [tilespmem:s29+$0x10];
	[tilespmem:s17+$0xFFFFFB10] =	vst v3  }
0x58c: {  	v3 =	vld [tilespmem:s1+$0x10];
	[tilespmem:s17+$0xFFFFFF30] =	vst v4  }
0x58d: {  	(v2sf) =	vpush v1, $0x8;
	[tilespmem:s19+$0xFFFFF9D0] =	vst v5;
	v4 =	vld [tilespmem:s2+$0x30]  }
0x58e: {  	s30 =	smov.u32 s23;
	s23 =	spop (v2sf);
	[tilespmem:s28+$0xFFFFFC80] =	vst v7;
	v5 =	vld [tilespmem:s11+$0x10]  }
0x58f: {  	[tilespmem:s28+$0xFFFFF880] =	vst v8;
	v7 =	vld [tilespmem:s23+$0x0]  }
0x590: {  	v8 =	vld [tilespmem:s14+$0x0];
	[tilespmem:s19+$0xFFFFFDE0] =	vst v6  }
0x591: {  	v6 =	vld [tilespmem:s29+$0x20];
	[tilespmem:s17+$0xFFFFFB20] =	vst v3  }
0x592: {  	[dreg:$0xf] =	wrdreg s30;
	s30 =	spop (v2sf);
	v3 =	vld [tilespmem:s1+$0x20];
	[tilespmem:s17+$0xFFFFFF40] =	vst v4  }
0x593: {  	[tilespmem:s19+$0xFFFFF9E0] =	vst v5;
	v4 =	vld [tilespmem:s30+$0x0]  }
0x594: {  	[tilespmem:s28+$0xFFFFFC90] =	vst v7;
	v5 =	vld [tilespmem:s11+$0x20]  }
0x595: {  	[tilespmem:s28+$0xFFFFF890] =	vst v8;
	v7 =	vld [tilespmem:s23+$0x10]  }
0x596: {  	v8 =	vld [tilespmem:s14+$0x10];
	[tilespmem:s19+$0xFFFFFDF0] =	vst v6  }
0x597: {  	(v2sf) =	vpush v2, $0x3;
	v6 =	vld [tilespmem:s29+$0x30];
	[tilespmem:s17+$0xFFFFFB30] =	vst v3  }
0x598: {  	v3 =	vld [tilespmem:s1+$0x30];
	[tilespmem:s17+$0xFFFFFF50] =	vst v4  }
0x599: {  	[tilespmem:s19+$0xFFFFF9F0] =	vst v5;
	v4 =	vld [tilespmem:s30+$0x10]  }
0x59a: {  	[tilespmem:s28+$0xFFFFFCA0] =	vst v7;
	v5 =	vld [tilespmem:s11+$0x30]  }
0x59b: {  	(v2sf) =	vpush v0, $0xE;
	[tilespmem:s28+$0xFFFFF8A0] =	vst v8;
	v7 =	vld [tilespmem:s23+$0x20]  }
0x59c: {  	s20 =	spop (v2sf);
	v8 =	vld [tilespmem:s14+$0x20];
	[tilespmem:s19+$0xFFFFFE00] =	vst v6  }
0x59d: {  	s31 =	smov.u32 s21;
	s21 =	smov.u32 s22;
	s22 =	rddreg [dreg:$0x8];
	v6 =	vld [tilespmem:s20+$0x0];
	[tilespmem:s17+$0xFFFFFB40] =	vst v3  }
0x59e: {  	v3 =	vld [tilespmem:s22+$0x0];
	[tilespmem:s17+$0xFFFFFF60] =	vst v4  }
0x59f: {  	[tilespmem:s19+$0xFFFFFA00] =	vst v5;
	v4 =	vld [tilespmem:s30+$0x20]  }
0x5a0: {  	[tilespmem:s28+$0xFFFFFCB0] =	vst v7;
	v5 =	vld [tilespmem:s9+$0x0]  }
0x5a1: {  	[tilespmem:s28+$0xFFFFF8B0] =	vst v8;
	v7 =	vld [tilespmem:s23+$0x30]  }
0x5a2: {  	v8 =	vld [tilespmem:s14+$0x30];
	[tilespmem:s19+$0xFFFFFE10] =	vst v6  }
0x5a3: {  	v6 =	vld [tilespmem:s20+$0x10];
	[tilespmem:s17+$0xFFFFFB50] =	vst v3  }
0x5a4: {  	v3 =	vld [tilespmem:s22+$0x10];
	[tilespmem:s17+$0xFFFFFF70] =	vst v4  }
0x5a5: {  	(v2sf) =	vpush v1, $0x9;
	[tilespmem:s19+$0xFFFFFA10] =	vst v5;
	v4 =	vld [tilespmem:s30+$0x30]  }
0x5a6: {  	s23 =	spop (v2sf);
	[tilespmem:s28+$0xFFFFFCC0] =	vst v7;
	v5 =	vld [tilespmem:s9+$0x10]  }
0x5a7: {  	[tilespmem:s28+$0xFFFFF8C0] =	vst v8;
	v7 =	vld [tilespmem:s23+$0x0]  }
0x5a8: {  	v8 =	vld [tilespmem:s6+$0x0];
	[tilespmem:s19+$0xFFFFFE20] =	vst v6  }
0x5a9: {  	v6 =	vld [tilespmem:s20+$0x20];
	[tilespmem:s17+$0xFFFFFB60] =	vst v3  }
0x5aa: {  	s30 =	spop (v2sf);
	v3 =	vld [tilespmem:s22+$0x20];
	[tilespmem:s17+$0xFFFFFF80] =	vst v4  }
0x5ab: {  	[tilespmem:s19+$0xFFFFFA20] =	vst v5;
	v4 =	vld [tilespmem:s30+$0x0]  }
0x5ac: {  	[tilespmem:s28+$0xFFFFFCD0] =	vst v7;
	v5 =	vld [tilespmem:s9+$0x20]  }
0x5ad: {  	[tilespmem:s28+$0xFFFFF8D0] =	vst v8;
	v7 =	vld [tilespmem:s23+$0x10]  }
0x5ae: {  	v8 =	vld [tilespmem:s6+$0x10];
	[tilespmem:s19+$0xFFFFFE30] =	vst v6  }
0x5af: {  	(v2sf) =	vpush v2, $0x4;
	v6 =	vld [tilespmem:s20+$0x30];
	[tilespmem:s17+$0xFFFFFB70] =	vst v3  }
0x5b0: {  	v3 =	vld [tilespmem:s22+$0x30];
	[tilespmem:s17+$0xFFFFFF90] =	vst v4  }
0x5b1: {  	[tilespmem:s19+$0xFFFFFA30] =	vst v5;
	v4 =	vld [tilespmem:s30+$0x10]  }
0x5b2: {  	[tilespmem:s28+$0xFFFFFCE0] =	vst v7;
	v5 =	vld [tilespmem:s9+$0x30]  }
0x5b3: {  	s29 =	smov.u32 s7;
	s7 =	smov.u32 s24;
	(v2sf) =	vpush v0, $0xF;
	[tilespmem:s28+$0xFFFFF8E0] =	vst v8;
	v7 =	vld [tilespmem:s23+$0x20]  }
0x5b4: {  	[dreg:$0xe] =	wrdreg s7;
	v0 =	vmov v1;
	v1 =	vmov v2;
	s22 =	smov.u32 s16;
	s16 =	spop (v2sf);
	v2 =	vld [tilespmem:s6+$0x20];
	[tilespmem:s19+$0xFFFFFE40] =	vst v6  }
0x5b5: {  	s7 =	smov.u32 s18;
	s18 =	rddreg [dreg:$0x7];
	v6 =	vld [tilespmem:s16+$0x0];
	[tilespmem:s17+$0xFFFFFB80] =	vst v3  }
0x5b6: {  	v3 =	vld [tilespmem:s18+$0x0];
	[tilespmem:s17+$0xFFFFFFA0] =	vst v4  }
0x5b7: {  	s24 =	rddreg [dreg:$0x18];
	[tilespmem:s19+$0xFFFFFA40] =	vst v5;
	v4 =	vld [tilespmem:s30+$0x20]  }
0x5b8: {  	[tilespmem:s28+$0xFFFFFCF0] =	vst v7;
	v5 =	vld [tilespmem:s24+$0x0]  }
0x5b9: {  	[tilespmem:s28+$0xFFFFF8F0] =	vst v2;
	v2 =	vld [tilespmem:s23+$0x30]  }
0x5ba: {  	v7 =	vld [tilespmem:s6+$0x30];
	[tilespmem:s19+$0xFFFFFE50] =	vst v6  }
0x5bb: {  	v6 =	vld [tilespmem:s16+$0x10];
	[tilespmem:s17+$0xFFFFFB90] =	vst v3  }
0x5bc: {  	v3 =	vld [tilespmem:s18+$0x10];
	[tilespmem:s17+$0xFFFFFFB0] =	vst v4  }
0x5bd: {  	[tilespmem:s19+$0xFFFFFA50] =	vst v5;
	v4 =	vld [tilespmem:s30+$0x30]  }
0x5be: {  	s9 =	smov.u32 s10;
	s10 =	spop (v2sf);
	[tilespmem:s28+$0xFFFFFD00] =	vst v2;
	v2 =	vld [tilespmem:s24+$0x10]  }
0x5bf: {  	[tilespmem:s28+$0xFFFFF900] =	vst v7;
	v5 =	vld [tilespmem:s10+$0x0]  }
0x5c0: {  	v7 =	vld [tilespmem:s13+$0x0];
	[tilespmem:s19+$0xFFFFFE60] =	vst v6  }
0x5c1: {  	v8 =	vld [tilespmem:s16+$0x20];
	[tilespmem:s17+$0xFFFFFBA0] =	vst v3  }
0x5c2: {  	s6 =	spop (v2sf);
	v3 =	vld [tilespmem:s18+$0x20];
	[tilespmem:s17+$0xFFFFFFC0] =	vst v4  }
0x5c3: {  	s3 =	sadd.s32 $0x2, s3;
	[tilespmem:s19+$0xFFFFFA60] =	vst v2;
	v2 =	vld [tilespmem:s6+$0x0]  }
0x5c4: {  	p0 =	slt.u32 s3, $0x1E;
	s2 =	rddreg [dreg:$0x15];
	[tilespmem:s28+$0xFFFFFD10] =	vst v5;
	v9 =	vld [tilespmem:s24+$0x20]  }
.Ltmp1:
0x5c5: {  	s11 =	smov.u32 s15;
	s15 =	smov.u32 s2;
	[tilespmem:s28+$0xFFFFF910] =	vst v7;
	v5 =	vld [tilespmem:s10+$0x10];
	(pc) =	sbr.rel @p0 .LBB2_4-.Ltmp1, $4  }
0x5c6: {  	[dreg:$0x8] =	wrdreg s15;
	v6 =	vld [tilespmem:s13+$0x10];
	[tilespmem:s19+$0xFFFFFE70] =	vst v8  }
0x5c7: {  	s20 =	rddreg [dreg:$0x13];
	v4 =	vld [tilespmem:s16+$0x30];
	[tilespmem:s17+$0xFFFFFBB0] =	vst v3  }
0x5c8: {  	(v2sf) =	vpush v0, $0xA;
	s23 =	smov.u32 s20;
	s30 =	rddreg [dreg:$0x17];
	v3 =	vld [tilespmem:s18+$0x30];
	[tilespmem:s17+$0xFFFFFFD0] =	vst v2  }
0x5c9: {  	s5 =	sadd.s32 $0x20, s5;
	(v2sf) =	vpush v1, $0x5;
	[dreg:$0x7] =	wrdreg s23;
	s20 =	smov.u32 s30;
	[tilespmem:s19+$0xFFFFFA70] =	vst v9;
	v2 =	vld [tilespmem:s6+$0x10]  }
0x5ca: {  	_ = 	snop  }
0x5cb: {  	[tilespmem:s28+$0xFFFFF920] =	vst v6  }
0x5cc: {  	[tilespmem:s28+$0xFFFFFD20] =	vst v5;
	v6 =	vld [tilespmem:s13+$0x20]  }
0x5cd: {  	v5 =	vld [tilespmem:s10+$0x20];
	_ =	sdelay $0x3  }
0x5ce: {  	[tilespmem:s28+$0xFFFFF930] =	vst v6  }
0x5cf: {  	[tilespmem:s28+$0xFFFFFD30] =	vst v5;
	v6 =	vld [tilespmem:s13+$0x30]  }
0x5d0: {  	v5 =	vld [tilespmem:s10+$0x30];
	_ =	sdelay $0x3  }
0x5d1: {  	s14 =	spop (v2sf);
	[tilespmem:s28+$0xFFFFF940] =	vst v6  }
0x5d2: {  	[tilespmem:s28+$0xFFFFFD40] =	vst v5;
	s0 =	spop (v2sf);
	v6 =	vld [tilespmem:s4+$0x0]  }
0x5d3: {  	v5 =	vld [tilespmem:s0+$0x0];
	_ =	sdelay $0x3  }
0x5d4: {  	[tilespmem:s28+$0xFFFFF950] =	vst v6  }
0x5d5: {  	[tilespmem:s28+$0xFFFFFD50] =	vst v5;
	v6 =	vld [tilespmem:s4+$0x10]  }
0x5d6: {  	v5 =	vld [tilespmem:s0+$0x10]  }
0x5d7: {  	(v2sf) =	vpush v0, $0xB  }
0x5d8: {  	(v2sf) =	vpush v1, $0x6;
	_ =	sdelay $0x1  }
0x5d9: {  	[tilespmem:s28+$0xFFFFF960] =	vst v6  }
0x5da: {  	[tilespmem:s28+$0xFFFFFD60] =	vst v5;
	v6 =	vld [tilespmem:s4+$0x20]  }
0x5db: {  	v5 =	vld [tilespmem:s0+$0x20];
	_ =	sdelay $0x3  }
0x5dc: {  	[tilespmem:s28+$0xFFFFF970] =	vst v6  }
0x5dd: {  	[tilespmem:s28+$0xFFFFFD70] =	vst v5;
	v6 =	vld [tilespmem:s4+$0x30]  }
0x5de: {  	v5 =	vld [tilespmem:s0+$0x30];
	_ =	sdelay $0x3  }
0x5df: {  	s15 =	spop (v2sf);
	[tilespmem:s28+$0xFFFFF980] =	vst v6  }
0x5e0: {  	s16 =	spop (v2sf);
	[tilespmem:s28+$0xFFFFFD80] =	vst v5;
	v6 =	vld [tilespmem:s12+$0x0]  }
0x5e1: {  	v5 =	vld [tilespmem:s16+$0x0];
	_ =	sdelay $0x3  }
0x5e2: {  	[tilespmem:s28+$0xFFFFF990] =	vst v6  }
0x5e3: {  	[tilespmem:s28+$0xFFFFFD90] =	vst v5;
	v6 =	vld [tilespmem:s12+$0x10]  }
0x5e4: {  	v5 =	vld [tilespmem:s16+$0x10]  }
0x5e5: {  	(v2sf) =	vpush v0, $0xC  }
0x5e6: {  	(v2sf) =	vpush v1, $0x7;
	_ =	sdelay $0x1  }
0x5e7: {  	[tilespmem:s28+$0xFFFFF9A0] =	vst v6  }
0x5e8: {  	[tilespmem:s28+$0xFFFFFDA0] =	vst v5;
	v6 =	vld [tilespmem:s12+$0x20]  }
0x5e9: {  	v5 =	vld [tilespmem:s16+$0x20];
	_ =	sdelay $0x3  }
0x5ea: {  	[tilespmem:s28+$0xFFFFF9B0] =	vst v6  }
0x5eb: {  	[tilespmem:s28+$0xFFFFFDB0] =	vst v5;
	v6 =	vld [tilespmem:s12+$0x30]  }
0x5ec: {  	v5 =	vld [tilespmem:s16+$0x30];
	_ =	sdelay $0x3  }
0x5ed: {  	s2 =	spop (v2sf);
	[tilespmem:s28+$0xFFFFF9C0] =	vst v6  }
0x5ee: {  	s18 =	spop (v2sf);
	[tilespmem:s28+$0xFFFFFDC0] =	vst v5;
	v6 =	vld [tilespmem:s11+$0x0]  }
0x5ef: {  	v5 =	vld [tilespmem:s18+$0x0];
	_ =	sdelay $0x3  }
0x5f0: {  	[tilespmem:s28+$0xFFFFF9D0] =	vst v6  }
0x5f1: {  	[tilespmem:s28+$0xFFFFFDD0] =	vst v5;
	v6 =	vld [tilespmem:s11+$0x10]  }
0x5f2: {  	v5 =	vld [tilespmem:s18+$0x10]  }
0x5f3: {  	(v2sf) =	vpush v0, $0xD  }
0x5f4: {  	(v2sf) =	vpush v1, $0x8;
	_ =	sdelay $0x1  }
0x5f5: {  	[tilespmem:s28+$0xFFFFF9E0] =	vst v6  }
0x5f6: {  	[tilespmem:s28+$0xFFFFFDE0] =	vst v5;
	v6 =	vld [tilespmem:s11+$0x20]  }
0x5f7: {  	v5 =	vld [tilespmem:s18+$0x20];
	_ =	sdelay $0x3  }
0x5f8: {  	[tilespmem:s28+$0xFFFFF9F0] =	vst v6  }
0x5f9: {  	[tilespmem:s28+$0xFFFFFDF0] =	vst v5;
	v6 =	vld [tilespmem:s11+$0x30]  }
0x5fa: {  	v5 =	vld [tilespmem:s18+$0x30];
	_ =	sdelay $0x3  }
0x5fb: {  	s5 =	spop (v2sf);
	[tilespmem:s28+$0xFFFFFA00] =	vst v6  }
0x5fc: {  	s23 =	spop (v2sf);
	[tilespmem:s28+$0xFFFFFE00] =	vst v5;
	v6 =	vld [tilespmem:s9+$0x0]  }
0x5fd: {  	v5 =	vld [tilespmem:s23+$0x0];
	_ =	sdelay $0x3  }
0x5fe: {  	[tilespmem:s28+$0xFFFFFA10] =	vst v6  }
0x5ff: {  	[tilespmem:s28+$0xFFFFFE10] =	vst v5;
	v6 =	vld [tilespmem:s9+$0x10]  }
0x600: {  	v5 =	vld [tilespmem:s23+$0x10]  }
0x601: {  	(v2sf) =	vpush v0, $0xE  }
0x602: {  	(v2sf) =	vpush v1, $0x9;
	_ =	sdelay $0x1  }
0x603: {  	[tilespmem:s28+$0xFFFFFA20] =	vst v6  }
0x604: {  	[tilespmem:s28+$0xFFFFFE20] =	vst v5;
	v6 =	vld [tilespmem:s9+$0x20]  }
0x605: {  	v5 =	vld [tilespmem:s23+$0x20];
	_ =	sdelay $0x3  }
0x606: {  	[tilespmem:s28+$0xFFFFFA30] =	vst v6  }
0x607: {  	[tilespmem:s28+$0xFFFFFE30] =	vst v5;
	v6 =	vld [tilespmem:s9+$0x30]  }
0x608: {  	v5 =	vld [tilespmem:s23+$0x30];
	_ =	sdelay $0x3  }
0x609: {  	s30 =	spop (v2sf);
	[tilespmem:s28+$0xFFFFFA40] =	vst v6  }
0x60a: {  	s3 =	spop (v2sf);
	[tilespmem:s28+$0xFFFFFE40] =	vst v5;
	v6 =	vld [tilespmem:s8+$0x0]  }
0x60b: {  	v5 =	vld [tilespmem:s3+$0x0];
	_ =	sdelay $0x3  }
0x60c: {  	[tilespmem:s28+$0xFFFFFA50] =	vst v6  }
0x60d: {  	[tilespmem:s28+$0xFFFFFE50] =	vst v5;
	v57 =	vld [tilespmem:s8+$0x10]  }
0x60e: {  	v5 =	vld [tilespmem:s3+$0x10]  }
0x60f: {  	(v2sf) =	vpush v0, $0xF  }
0x610: {  	(v2sf) =	vpush v1, $0xA;
	_ =	sdelay $0x1  }
0x611: {  	[tilespmem:s28+$0xFFFFFA60] =	vst v57  }
0x612: {  	[tilespmem:s28+$0xFFFFFE60] =	vst v5;
	v0 =	vld [tilespmem:s8+$0x20]  }
0x613: {  	v5 =	vld [tilespmem:s3+$0x20];
	_ =	sdelay $0x2  }
0x614: {  	v58 =	vld [tilespmem:s24+$0x30]  }
0x615: {  	[tilespmem:s28+$0xFFFFFA70] =	vst v0  }
0x616: {  	[tilespmem:s28+$0xFFFFFE70] =	vst v5;
	v0 =	vld [tilespmem:s8+$0x30]  }
0x617: {  	v5 =	vld [tilespmem:s3+$0x30]  }
0x618: {  	[tilespmem:s19+$0xFFFFFE80] =	vst v4  }
0x619: {  	[tilespmem:s19+$0xFFFFFA80] =	vst v58;
	v4 =	vld [tilespmem:s14+$0x0]  }
0x61a: {  	v6 =	vld [tilespmem:s25+$0x0]  }
0x61b: {  	s3 =	spop (v2sf);
	[tilespmem:s28+$0xFFFFFA80] =	vst v0  }
0x61c: {  	s9 =	spop (v2sf);
	[tilespmem:s28+$0xFFFFFE80] =	vst v5  }
0x61d: {  	v5 =	vld [tilespmem:s9+$0x0];
	s1 =	rddreg [dreg:$0x11]  }
0x61e: {  	[tilespmem:s19+$0xFFFFFE90] =	vst v4;
	v0 =	vld [tilespmem:s1+$0x0]  }
0x61f: {  	[tilespmem:s19+$0xFFFFFA90] =	vst v6;
	v4 =	vld [tilespmem:s14+$0x10]  }
0x620: {  	v6 =	vld [tilespmem:s25+$0x10];
	_ =	sdelay $0x1  }
0x621: {  	[tilespmem:s28+$0xFFFFFE90] =	vst v5  }
0x622: {  	v5 =	vld [tilespmem:s9+$0x10];
	[tilespmem:s28+$0xFFFFFA90] =	vst v0  }
0x623: {  	[tilespmem:s19+$0xFFFFFEA0] =	vst v4;
	v0 =	vld [tilespmem:s1+$0x10]  }
0x624: {  	[tilespmem:s19+$0xFFFFFAA0] =	vst v6;
	v4 =	vld [tilespmem:s14+$0x20]  }
0x625: {  	(v2sf) =	vpush v1, $0xB;
	v6 =	vld [tilespmem:s25+$0x20];
	_ =	sdelay $0x1  }
0x626: {  	[tilespmem:s28+$0xFFFFFEA0] =	vst v5  }
0x627: {  	v5 =	vld [tilespmem:s9+$0x20];
	[tilespmem:s28+$0xFFFFFAA0] =	vst v0  }
0x628: {  	[tilespmem:s19+$0xFFFFFEB0] =	vst v4;
	v0 =	vld [tilespmem:s1+$0x20]  }
0x629: {  	[tilespmem:s19+$0xFFFFFAB0] =	vst v6;
	v4 =	vld [tilespmem:s14+$0x30]  }
0x62a: {  	v6 =	vld [tilespmem:s25+$0x30];
	_ =	sdelay $0x1  }
0x62b: {  	[tilespmem:s28+$0xFFFFFEB0] =	vst v5  }
0x62c: {  	[tilespmem:s28+$0xFFFFFAB0] =	vst v0  }
0x62d: {  	v5 =	vld [tilespmem:s9+$0x30];
	[tilespmem:s19+$0xFFFFFEC0] =	vst v4  }
0x62e: {  	[tilespmem:s19+$0xFFFFFAC0] =	vst v6;
	v0 =	vld [tilespmem:s1+$0x30]  }
0x62f: {  	v4 =	vld [tilespmem:s15+$0x0];
	s11 =	rddreg [dreg:$0xf]  }
0x630: {  	v6 =	vld [tilespmem:s11+$0x0];
	_ =	sdelay $0x1  }
0x631: {  	s12 =	spop (v2sf);
	[tilespmem:s28+$0xFFFFFEC0] =	vst v5  }
0x632: {  	v5 =	vld [tilespmem:s12+$0x0];
	[tilespmem:s28+$0xFFFFFAC0] =	vst v0  }
0x633: {  	[tilespmem:s19+$0xFFFFFED0] =	vst v4;
	v0 =	vld [tilespmem:s26+$0x0]  }
0x634: {  	v4 =	vld [tilespmem:s15+$0x10];
	[tilespmem:s19+$0xFFFFFAD0] =	vst v6  }
0x635: {  	v6 =	vld [tilespmem:s11+$0x10];
	_ =	sdelay $0x1  }
0x636: {  	[tilespmem:s28+$0xFFFFFED0] =	vst v5  }
0x637: {  	v5 =	vld [tilespmem:s12+$0x10];
	[tilespmem:s28+$0xFFFFFAD0] =	vst v0  }
0x638: {  	[tilespmem:s19+$0xFFFFFEE0] =	vst v4;
	v0 =	vld [tilespmem:s26+$0x10]  }
0x639: {  	v4 =	vld [tilespmem:s15+$0x20];
	[tilespmem:s19+$0xFFFFFAE0] =	vst v6  }
0x63a: {  	(v2sf) =	vpush v1, $0xC;
	v6 =	vld [tilespmem:s11+$0x20];
	_ =	sdelay $0x1  }
0x63b: {  	[tilespmem:s28+$0xFFFFFEE0] =	vst v5  }
0x63c: {  	v5 =	vld [tilespmem:s12+$0x20];
	[tilespmem:s28+$0xFFFFFAE0] =	vst v0  }
0x63d: {  	[tilespmem:s19+$0xFFFFFEF0] =	vst v4;
	v0 =	vld [tilespmem:s26+$0x20]  }
0x63e: {  	v4 =	vld [tilespmem:s15+$0x30];
	[tilespmem:s19+$0xFFFFFAF0] =	vst v6  }
0x63f: {  	v6 =	vld [tilespmem:s11+$0x30];
	_ =	sdelay $0x1  }
0x640: {  	[tilespmem:s28+$0xFFFFFEF0] =	vst v5  }
0x641: {  	[tilespmem:s28+$0xFFFFFAF0] =	vst v0  }
0x642: {  	v5 =	vld [tilespmem:s12+$0x30];
	[tilespmem:s19+$0xFFFFFF00] =	vst v4  }
0x643: {  	v0 =	vld [tilespmem:s26+$0x30];
	[tilespmem:s19+$0xFFFFFB00] =	vst v6  }
0x644: {  	v4 =	vld [tilespmem:s2+$0x0];
	s13 =	rddreg [dreg:$0xe]  }
0x645: {  	v6 =	vld [tilespmem:s13+$0x0];
	_ =	sdelay $0x1  }
0x646: {  	s14 =	spop (v2sf);
	[tilespmem:s28+$0xFFFFFF00] =	vst v5  }
0x647: {  	v5 =	vld [tilespmem:s14+$0x0];
	[tilespmem:s28+$0xFFFFFB00] =	vst v0  }
0x648: {  	[tilespmem:s19+$0xFFFFFF10] =	vst v4;
	v0 =	vld [tilespmem:s7+$0x0]  }
0x649: {  	v4 =	vld [tilespmem:s2+$0x10];
	[tilespmem:s19+$0xFFFFFB10] =	vst v6  }
0x64a: {  	v6 =	vld [tilespmem:s13+$0x10];
	_ =	sdelay $0x1  }
0x64b: {  	[tilespmem:s28+$0xFFFFFF10] =	vst v5  }
0x64c: {  	v5 =	vld [tilespmem:s14+$0x10];
	[tilespmem:s28+$0xFFFFFB10] =	vst v0  }
0x64d: {  	[tilespmem:s19+$0xFFFFFF20] =	vst v4;
	v0 =	vld [tilespmem:s7+$0x10]  }
0x64e: {  	v4 =	vld [tilespmem:s2+$0x20];
	[tilespmem:s19+$0xFFFFFB20] =	vst v6  }
0x64f: {  	(v2sf) =	vpush v1, $0xD;
	v6 =	vld [tilespmem:s13+$0x20];
	_ =	sdelay $0x1  }
0x650: {  	[tilespmem:s28+$0xFFFFFF20] =	vst v5  }
0x651: {  	v5 =	vld [tilespmem:s14+$0x20];
	[tilespmem:s28+$0xFFFFFB20] =	vst v0  }
0x652: {  	[tilespmem:s19+$0xFFFFFF30] =	vst v4;
	v0 =	vld [tilespmem:s7+$0x20]  }
0x653: {  	v4 =	vld [tilespmem:s2+$0x30];
	[tilespmem:s19+$0xFFFFFB30] =	vst v6  }
0x654: {  	v6 =	vld [tilespmem:s13+$0x30];
	_ =	sdelay $0x1  }
0x655: {  	[tilespmem:s28+$0xFFFFFF30] =	vst v5  }
0x656: {  	[tilespmem:s28+$0xFFFFFB30] =	vst v0  }
0x657: {  	v5 =	vld [tilespmem:s14+$0x30];
	[tilespmem:s19+$0xFFFFFF40] =	vst v4  }
0x658: {  	v0 =	vld [tilespmem:s7+$0x30];
	[tilespmem:s19+$0xFFFFFB40] =	vst v6  }
0x659: {  	v4 =	vld [tilespmem:s5+$0x0];
	s15 =	rddreg [dreg:$0x8]  }
0x65a: {  	v6 =	vld [tilespmem:s15+$0x0];
	_ =	sdelay $0x1  }
0x65b: {  	s16 =	spop (v2sf);
	[tilespmem:s28+$0xFFFFFF40] =	vst v5  }
0x65c: {  	v5 =	vld [tilespmem:s16+$0x0];
	[tilespmem:s28+$0xFFFFFB40] =	vst v0  }
0x65d: {  	[tilespmem:s19+$0xFFFFFF50] =	vst v4;
	v0 =	vld [tilespmem:s22+$0x0]  }
0x65e: {  	v4 =	vld [tilespmem:s5+$0x10];
	[tilespmem:s19+$0xFFFFFB50] =	vst v6  }
0x65f: {  	v6 =	vld [tilespmem:s15+$0x10];
	_ =	sdelay $0x1  }
0x660: {  	[tilespmem:s28+$0xFFFFFF50] =	vst v5  }
0x661: {  	v5 =	vld [tilespmem:s16+$0x10];
	[tilespmem:s28+$0xFFFFFB50] =	vst v0  }
0x662: {  	[tilespmem:s19+$0xFFFFFF60] =	vst v4;
	v0 =	vld [tilespmem:s22+$0x10]  }
0x663: {  	(v2sf) =	vpush v1, $0xE;
	v4 =	vld [tilespmem:s5+$0x20];
	[tilespmem:s19+$0xFFFFFB60] =	vst v6  }
0x664: {  	v6 =	vld [tilespmem:s15+$0x20];
	_ =	sdelay $0x1  }
0x665: {  	[tilespmem:s28+$0xFFFFFF60] =	vst v5  }
0x666: {  	v5 =	vld [tilespmem:s16+$0x20];
	[tilespmem:s28+$0xFFFFFB60] =	vst v0  }
0x667: {  	[tilespmem:s19+$0xFFFFFF70] =	vst v4;
	v0 =	vld [tilespmem:s22+$0x20]  }
0x668: {  	v4 =	vld [tilespmem:s5+$0x30];
	[tilespmem:s19+$0xFFFFFB70] =	vst v6  }
0x669: {  	v6 =	vld [tilespmem:s15+$0x30];
	_ =	sdelay $0x1  }
0x66a: {  	[tilespmem:s28+$0xFFFFFF70] =	vst v5  }
0x66b: {  	v5 =	vld [tilespmem:s16+$0x30];
	[tilespmem:s28+$0xFFFFFB70] =	vst v0  }
0x66c: {  	[tilespmem:s19+$0xFFFFFF80] =	vst v4;
	v0 =	vld [tilespmem:s22+$0x30]  }
0x66d: {  	[tilespmem:s19+$0xFFFFFB80] =	vst v6  }
0x66e: {  	v4 =	vld [tilespmem:s30+$0x0];
	s18 =	rddreg [dreg:$0x7]  }
0x66f: {  	v6 =	vld [tilespmem:s18+$0x0]  }
0x670: {  	s22 =	spop (v2sf);
	[tilespmem:s28+$0xFFFFFF80] =	vst v5  }
0x671: {  	v5 =	vld [tilespmem:s22+$0x0];
	[tilespmem:s28+$0xFFFFFB80] =	vst v0  }
0x672: {  	v0 =	vld [tilespmem:s20+$0x0]  }
0x673: {  	[tilespmem:s19+$0xFFFFFF90] =	vst v4  }
0x674: {  	v4 =	vld [tilespmem:s30+$0x10];
	[tilespmem:s19+$0xFFFFFB90] =	vst v6  }
0x675: {  	v6 =	vld [tilespmem:s18+$0x10]  }
0x676: {  	[tilespmem:s28+$0xFFFFFF90] =	vst v5  }
0x677: {  	v5 =	vld [tilespmem:s22+$0x10];
	[tilespmem:s28+$0xFFFFFB90] =	vst v0  }
0x678: {  	v0 =	vld [tilespmem:s20+$0x10]  }
0x679: {  	(v2sf) =	vpush v1, $0xF;
	[tilespmem:s19+$0xFFFFFFA0] =	vst v4  }
0x67a: {  	v59 =	vld [tilespmem:s30+$0x20];
	[tilespmem:s19+$0xFFFFFBA0] =	vst v6  }
0x67b: {  	v60 =	vld [tilespmem:s18+$0x20]  }
0x67c: {  	[tilespmem:s28+$0xFFFFFFA0] =	vst v5  }
0x67d: {  	v5 =	vld [tilespmem:s22+$0x20];
	[tilespmem:s28+$0xFFFFFBA0] =	vst v0  }
0x67e: {  	v0 =	vld [tilespmem:s20+$0x20]  }
0x67f: {  	[tilespmem:s19+$0xFFFFFFB0] =	vst v59  }
0x680: {  	v1 =	vld [tilespmem:s30+$0x30];
	[tilespmem:s19+$0xFFFFFBB0] =	vst v60  }
0x681: {  	v4 =	vld [tilespmem:s18+$0x30]  }
0x682: {  	[tilespmem:s28+$0xFFFFFFB0] =	vst v5  }
0x683: {  	v5 =	vld [tilespmem:s22+$0x30];
	[tilespmem:s28+$0xFFFFFBB0] =	vst v0  }
0x684: {  	[tilespmem:s17+$0xFFFFFBC0] =	vst v3;
	v0 =	vld [tilespmem:s20+$0x30]  }
0x685: {  	v61 =	vld [tilespmem:s21+$0x30];
	s23 =	rddreg [dreg:$0x3];
	[tilespmem:s19+$0xFFFFFFC0] =	vst v1  }
0x686: {  	v62 =	vld [tilespmem:s23+$0x0];
	[tilespmem:s19+$0xFFFFFBC0] =	vst v4  }
0x687: {  	v1 =	vld [tilespmem:s3+$0x0];
	s24 =	rddreg [dreg:$0x6]  }
0x688: {  	s25 =	spop (v2sf);
	[tilespmem:s28+$0xFFFFFFC0] =	vst v5;
	v4 =	vld [tilespmem:s24+$0x0]  }
0x689: {  	v5 =	vld [tilespmem:s25+$0x0];
	[tilespmem:s28+$0xFFFFFBC0] =	vst v0  }
0x68a: {  	[tilespmem:s31+$0xFFFFFC00] =	vst v61;
	v0 =	vld [tilespmem:s29+$0x0]  }
0x68b: {  	[tilespmem:s17+$0xFFFFFBD0] =	vst v62  }
0x68c: {  	[tilespmem:s19+$0xFFFFFFD0] =	vst v1;
	v63 =	vld [tilespmem:s23+$0x10]  }
0x68d: {  	v1 =	vld [tilespmem:s3+$0x10];
	[tilespmem:s19+$0xFFFFFBD0] =	vst v4  }
0x68e: {  	[tilespmem:s28+$0xFFFFFFD0] =	vst v5;
	v4 =	vld [tilespmem:s24+$0x10]  }
0x68f: {  	v5 =	vld [tilespmem:s25+$0x10];
	[tilespmem:s28+$0xFFFFFBD0] =	vst v0  }
0x690: {  	[tilespmem:s17+$0xFFFFFFE0] =	vst v2;
	v0 =	vld [tilespmem:s29+$0x10]  }
0x691: {  	v2 =	vld [tilespmem:s6+$0x20];
	[tilespmem:s17+$0xFFFFFBE0] =	vst v63  }
0x692: {  	[tilespmem:s19+$0xFFFFFFE0] =	vst v1;
	v3 =	vld [tilespmem:s23+$0x20]  }
0x693: {  	v1 =	vld [tilespmem:s3+$0x20];
	[tilespmem:s19+$0xFFFFFBE0] =	vst v4  }
0x694: {  	[tilespmem:s28+$0xFFFFFFE0] =	vst v5;
	v4 =	vld [tilespmem:s24+$0x20]  }
0x695: {  	v5 =	vld [tilespmem:s25+$0x20];
	[tilespmem:s28+$0xFFFFFBE0] =	vst v0  }
0x696: {  	[tilespmem:s17+$0xFFFFFFF0] =	vst v2;
	v0 =	vld [tilespmem:s29+$0x20]  }
0x697: {  	v2 =	vld [tilespmem:s6+$0x30];
	[tilespmem:s17+$0xFFFFFBF0] =	vst v3  }
0x698: {  	[tilespmem:s19+$0xFFFFFFF0] =	vst v1;
	v3 =	vld [tilespmem:s23+$0x30]  }
0x699: {  	v1 =	vld [tilespmem:s3+$0x30];
	[tilespmem:s19+$0xFFFFFBF0] =	vst v4  }
0x69a: {  	[tilespmem:s28+$0xFFFFFFF0] =	vst v5;
	v4 =	vld [tilespmem:s24+$0x30]  }
0x69b: {  	v5 =	vld [tilespmem:s25+$0x30];
	[tilespmem:s28+$0xFFFFFBF0] =	vst v0  }
0x69c: {  	[tilespmem:s17+$0x0] =	vst v2;
	v0 =	vld [tilespmem:s29+$0x30]  }
0x69d: {  	[tilespmem:s17+$0xFFFFFC00] =	vst v3  }
0x69e: {  	[tilespmem:s19+$0x0] =	vst v1  }
0x69f: {  	[tilespmem:s19+$0xFFFFFC00] =	vst v4  }
0x6a0: {  	[tilespmem:s28+$0x0] =	vst v5  }
0x6a1: {  	s4 =	simm.s32 $0x0;
	[tilespmem:s28+$0xFFFFFC00] =	vst v0  }
0x6a2: {  	s2 =	simm.s32 $0x3;
	s28 =	simm.s32 $0x14200;
	s26 =	rddreg [dreg:$0x1b]  }
0x6a3: {  	[hbm4b:s26+s4] =	stream.linear.scatter [tilespmem:s28], [sflag:$0x3], $0x4000, $0x38;
	[tilespmem:$0x18200] =	vst v63  }
0x6a4: {  	_ =	swait.ge [sflag:s2], $0x4000  }
0x6a5: {  	[sflag:s2] =	ssyncset.done $0x0  }
0x6a6: {  	s29 =	simm.s32 $0x2;
	[sflag:s2] =	ssyncadd.s32 $0xFFFFC000  }
0x6a7: {  	_ =	swait.ge [sflag:s29], $0x4000  }
0x6a8: {  	s30 =	rddreg [dreg:$0x1d]  }
0x6a9: {  	s31 =	rddreg [dreg:$0x1c];
	s3 =	sadd.s32 $0x1, s30  }
0x6aa: {  	p0 =	sne.s32 s3, s31  }
.Ltmp2:
0x6ab: {  	_ = 	snop;
	(pc) =	sbr.rel @p0 .LBB2_1-.Ltmp2, $3  }
0x6ac: {  	_ =	sdelay $0x1  }
0x6ad: {  	[sflag:s29] =	ssyncset.done $0x0  }
0x6ae: {  	[sflag:s29] =	ssyncadd.s32 $0xFFFFC000  }
0x6af: {  	_ =	sfence.sel $0x180000  }
0x6b0: {  	[bflag:$0x0] =	sbarrier.arrive $0xFFFF  }
0x6b1: {  	_ =	strace $0x90000047  }
0x6b2: {  	s0 =	stileid.u32;
	[bflag:$0x2] =	sbarrier.arrive $0xFFFF  }
0x6b3: {  	p0 =	sne.s32 s0, $0x0;
	s0 =	rddreg [dreg:$0x2]  }
0x6b4: {  	s0 =	sadd.s32 @!p0 $0x100000, s0  }
0x6b5: {  	[sflag:s0] =	ssyncadd.tile.s32 @!p0 $0x1;
	_ =	shalt  }
.Lfunc_end2:
_tile_overlayer_lowered:
.L_overlay_start_2:
0x6b6: {  	(tag) =	ssettag $0x2  }
0x6b7: {  	s0 =	rddreg [dreg:$0x0];
	s2 =	stileid.u32  }
0x6b8: {  	s1 =	rddreg [dreg:$0x1];
	p0 =	sne.s32 s2, $0x0  }
0x6b9: {  	s3 =	rddreg [dreg:$0x2];
	[bflag:$0x3] =	sbarrier.arrive $0xFFFF;
	s2 =	simm.s32 @!p0 $0x1C03  }
0x6ba: {  	[timem:s3], [sflag:s2] =	dma.local @!p0 [hbm:s0], s1  }
0x6bb: {  	s0 =	simm.s32 @!p0 $0x3  }
0x6bc: {  	_ =	swait.ge @!p0 [sflag:s0], s1  }
0x6bd: {  	s1 =	ssub.s32 @!p0 $0x0, s1;
	[sflag:s0] =	ssyncset.done @!p0 $0x0  }
0x6be: {  	[sflag:s0] =	ssyncadd.s32 @!p0 s1  }
0x6bf: {  	[bflag:$0x3] =	sbarrier.arrive $0xFFFF  }
0x6c0: {  	_ =	shalt  }

</sc_bundles>
